<compile_context>
chip_gen: v7x
topology: tpu7x:2x2x1
jax: 0.10.2.dev20260603
libtpu: 0.0.44.dev20260713+nightly
codegen_flags: <defaults>
</compile_context>

<pallas_src>
import jax
import jax.numpy as jnp
from jax import lax
from jax.experimental import pallas as pl
from jax.experimental.pallas import tpu as pltpu, tpu_sc as plsc

D = 768
NC, NS, L = 2, 16, 16
NW = NC * NS
CH = 32


def _emb_body(batch, seq_len, idx_hbm, table_hbm, pe_hbm, out_hbm,
              idx_v, rows_v, pe_v, gsems, ssems):
    s_per_w = seq_len // NW
    nh = s_per_w // CH
    nchunk = nh * batch
    wid = lax.axis_index("s") * NC + lax.axis_index("c")

    pltpu.sync_copy(idx_hbm.at[wid], idx_v)

    def fetch(c, slot):
        return pltpu.make_async_copy(table_hbm.at[idx_v.at[c]],
                                     rows_v.at[slot], gsems[slot])

    def store(c, bb, h, slot):
        return pltpu.make_async_copy(
            rows_v.at[slot],
            out_hbm.at[pl.ds(wid * s_per_w + (bb * seq_len + h * CH), CH)],
            ssems[slot])

    for c in range(min(batch - 1, nchunk)):
        fetch(c, c % batch).start()

    def group(h, carry):
        pltpu.sync_copy(pe_hbm.at[pl.ds(wid * s_per_w + h * CH, CH)], pe_v)
        for bb in range(batch):
            c = h * batch + bb
            fetch(c, bb).wait()

            @plsc.parallel_loop(0, CH, unroll=2)
            def add_row(r):
                for j in range(D // L):
                    sl = pl.ds(j * L, L)
                    plsc.addupdate(rows_v.at[bb, r, sl], pe_v[r, sl])

            store(c, bb, h, bb).start()
            nslot = (bb + batch - 1) % batch

            @pl.when((c >= 1) & (c + batch - 1 < nchunk))
            def _drain():
                store(c - 1, 0, 0, nslot).wait()

            @pl.when(c + batch - 1 < nchunk)
            def _next():
                fetch(c + batch - 1, nslot).start()
        return carry

    lax.fori_loop(0, nh, group, 0)
    for bb in range(batch):
        store(0, 0, 0, bb).wait()


def kernel(x, token_table, pe):
    B, S = x.shape
    s_per_w = S // NW
    nh = s_per_w // CH
    xt = (x.reshape(B, NW, nh, CH).transpose(1, 2, 0, 3)
           .reshape(NW, nh * B, CH).astype(jnp.int32))
    pe_s = pe[:S]
    mesh = plsc.VectorSubcoreMesh(core_axis_name="c", subcore_axis_name="s",
                                  num_cores=NC, num_subcores=NS)

    def body(*refs):
        _emb_body(B, S, *refs)

    out = pl.kernel(
        body,
        out_type=jax.ShapeDtypeStruct((B * S, D), jnp.float32),
        mesh=mesh,
        scratch_types=[
            pltpu.VMEM((nh * B, CH), jnp.int32),
            pltpu.VMEM((B, CH, D), jnp.float32),
            pltpu.VMEM((CH, D), jnp.float32),
            [pltpu.SemaphoreType.DMA] * B,
            [pltpu.SemaphoreType.DMA] * B,
        ],
    )(xt, token_table, pe_s)
    return out.reshape(B, S, D)

# --- scband reference (transcript-rebuilt; emitter-appended) ---
"""Pipeline reference for scband-transformer-embedding-34789235097967 (READ-ONLY COPY).

The authoritative reference and input builder live on the scoring server;
editing this copy changes nothing except your own understanding.
"""

import jax, jax.numpy as jnp
import numpy as np

VOCAB = 100000
D_MODEL = 768
MAX_LEN = 2048
B = 4
S = 2048


def _make_positional_encoding(max_len, d_model):
    pos = np.arange(max_len, dtype=np.float32)[:, None]
    i = np.arange(0, d_model, 2, dtype=np.float32)
    div = np.exp(-np.log(10000.0) * i / float(d_model))
    pe = np.zeros((max_len, d_model), dtype=np.float32)
    pe[:, 0::2] = np.sin(pos * div)
    pe[:, 1::2] = np.cos(pos * div)
    return jnp.asarray(pe)


def setup_inputs(seed: int = 0) -> dict:
    key = jax.random.key(seed)
    k_idx, k_tab = jax.random.split(key)
    x = jax.random.randint(k_idx, (B, S), 0, VOCAB, dtype=jnp.int64)
    token_table = jax.random.normal(k_tab, (VOCAB, D_MODEL), dtype=jnp.float32) * 0.02
    pe = _make_positional_encoding(MAX_LEN, D_MODEL)
    return {"x": x, "token_table": token_table, "pe": pe}


def reference(x, token_table, pe):
    # TokenEmbedding: gather rows of learned table (SparseCore-friendly gather)
    token_embeds = jnp.take(token_table, x, axis=0)  # [B, S, D]
    # PositionalEncoding: sinusoidal buffer sliced to seq length
    seq_len = x.shape[1]
    positional_embeds = pe[:seq_len][None, :, :]  # [1, S, D]
    # Dropout is identity in eval/reference mode (deterministic)
    out = token_embeds + positional_embeds
    return out

if __name__ == "__main__":
    import jax
    _d = setup_inputs()
    print(jax.jit(kernel)(*tuple(_d.values())))

</pallas_src>

<mosaic_0001>
#map = affine_map<(d0, d1) -> (0, 0, 0)>
#map1 = affine_map<(d0, d1) -> (0, 0)>
module attributes {stable_mosaic.version = 14 : i64} {
  func.func @body(%arg0: i32, %arg1: i32, %arg2: memref<32x8x32xi32, #tpu.memory_space<hbm>>, %arg3: memref<100000x768xf32, #tpu.memory_space<hbm>>, %arg4: memref<2048x768xf32, #tpu.memory_space<hbm>>, %arg5: memref<8192x768xf32, #tpu.memory_space<hbm>>, %arg6: memref<8x32xi32, #tpu.memory_space<vmem>>, %arg7: memref<4x32x768xf32, #tpu.memory_space<vmem>>, %arg8: memref<32x768xf32, #tpu.memory_space<vmem>>, %arg9: memref<!tpu.dma_semaphore, #tpu.memory_space<semaphore_mem>>, %arg10: memref<!tpu.dma_semaphore, #tpu.memory_space<semaphore_mem>>, %arg11: memref<!tpu.dma_semaphore, #tpu.memory_space<semaphore_mem>>, %arg12: memref<!tpu.dma_semaphore, #tpu.memory_space<semaphore_mem>>, %arg13: memref<!tpu.dma_semaphore, #tpu.memory_space<semaphore_mem>>, %arg14: memref<!tpu.dma_semaphore, #tpu.memory_space<semaphore_mem>>, %arg15: memref<!tpu.dma_semaphore, #tpu.memory_space<semaphore_mem>>, %arg16: memref<!tpu.dma_semaphore, #tpu.memory_space<semaphore_mem>>) attributes {dimension_semantics = [#tpu.dimension_semantics<core_parallel>, #tpu.dimension_semantics<subcore_parallel>], iteration_bounds = array<i64: 2, 16>, scalar_prefetch = 0 : i64, scratch_operands = 11 : i64, tpu.core_type = #tpu.core_type<sc_vector_subcore>, window_params = [{transform_indices = #map}, {transform_indices = #map1}, {transform_indices = #map1}, {transform_indices = #map1}]} {
    %mul3A = arith.constant 2 : i32
    %mul3A_0 = arith.muli %arg1, %mul3A : i32
    %add3A = arith.addi %mul3A_0, %arg0 : i32
    "tpu.region"() ({
      %run_scoped3A = tpu.sem_alloc : memref<!tpu.dma_semaphore, #tpu.memory_space<semaphore_mem>>
      %dma_start3A_108 = arith.constant 0 : i32
      %dma_start3A_109 = arith.constant 0 : i32
      %dma_start3A_110 = tpu.memref_slice %arg2[%add3A, %dma_start3A_108, %dma_start3A_109] : memref<32x8x32xi32, #tpu.memory_space<hbm>> -> memref<1x8x32xi32, #tpu.memory_space<hbm>>
      %dma_start3A_111 = tpu.memref_squeeze %dma_start3A_110 : memref<1x8x32xi32, #tpu.memory_space<hbm>> -> memref<8x32xi32, #tpu.memory_space<hbm>>
      %dma_start3A_112 = arith.constant 0 : i32
      %dma_start3A_113 = arith.constant 0 : i32
      %dma_start3A_114 = tpu.memref_slice %arg2[%add3A, %dma_start3A_112, %dma_start3A_113] : memref<32x8x32xi32, #tpu.memory_space<hbm>> -> memref<1x8x32xi32, #tpu.memory_space<hbm>>
      %dma_start3A_115 = tpu.memref_squeeze %dma_start3A_114 : memref<1x8x32xi32, #tpu.memory_space<hbm>> -> memref<8x32xi32, #tpu.memory_space<hbm>>
      tpu.enqueue_dma source(%dma_start3A_115 : memref<8x32xi32, #tpu.memory_space<hbm>>) target(%arg6 : memref<8x32xi32, #tpu.memory_space<vmem>>) target_semaphore(%run_scoped3A : memref<!tpu.dma_semaphore, #tpu.memory_space<semaphore_mem>>)
      %dma_wait3A_116 = arith.constant 0 : i32
      %dma_wait3A_117 = arith.constant 0 : i32
      %dma_wait3A_118 = tpu.memref_slice %arg2[%add3A, %dma_wait3A_116, %dma_wait3A_117] : memref<32x8x32xi32, #tpu.memory_space<hbm>> -> memref<1x8x32xi32, #tpu.memory_space<hbm>>
      %dma_wait3A_119 = tpu.memref_squeeze %dma_wait3A_118 : memref<1x8x32xi32, #tpu.memory_space<hbm>> -> memref<8x32xi32, #tpu.memory_space<hbm>>
      %dma_wait3A_120 = arith.constant 0 : i32
      %dma_wait3A_121 = arith.constant 0 : i32
      %dma_wait3A_122 = tpu.memref_slice %arg2[%add3A, %dma_wait3A_120, %dma_wait3A_121] : memref<32x8x32xi32, #tpu.memory_space<hbm>> -> memref<1x8x32xi32, #tpu.memory_space<hbm>>
      %dma_wait3A_123 = tpu.memref_squeeze %dma_wait3A_122 : memref<1x8x32xi32, #tpu.memory_space<hbm>> -> memref<8x32xi32, #tpu.memory_space<hbm>>
      tpu.wait_dma2 semaphore(%run_scoped3A : memref<!tpu.dma_semaphore, #tpu.memory_space<semaphore_mem>>) src(%dma_wait3A_123 : memref<8x32xi32, #tpu.memory_space<hbm>>) dst(%arg6 : memref<8x32xi32, #tpu.memory_space<vmem>>)
      tpu.yield
    }) : () -> ()
    %dma_start3A = arith.constant 0 : i32
    %dma_start3A_1 = arith.constant 0 : i32
    %dma_start3A_2 = arith.constant 0 : i32
    %dma_start3A_3 = arith.constant 0 : i32
    %dma_start3A_4 = tpu.memref_slice %arg7[%dma_start3A_1, %dma_start3A_2, %dma_start3A_3] : memref<4x32x768xf32, #tpu.memory_space<vmem>> -> memref<1x32x768xf32, #tpu.memory_space<vmem>>
    %dma_start3A_5 = tpu.memref_squeeze %dma_start3A_4 : memref<1x32x768xf32, #tpu.memory_space<vmem>> -> memref<32x768xf32, #tpu.memory_space<vmem>>
    %dma_start3A_6 = arith.constant 0 : i32
    %dma_start3A_7 = tpu.memref_slice %arg6[%dma_start3A, %dma_start3A_6] : memref<8x32xi32, #tpu.memory_space<vmem>> -> memref<1x32xi32, #tpu.memory_space<vmem>>
    %dma_start3A_8 = tpu.memref_squeeze %dma_start3A_7 : memref<1x32xi32, #tpu.memory_space<vmem>> -> memref<32xi32, #tpu.memory_space<vmem>>
    %dma_start3A_9 = arith.constant 0 : i32
    %dma_start3A_10 = arith.constant 0 : i32
    %dma_start3A_11 = tpu.memref_slice %arg3[%dma_start3A_9, %dma_start3A_10] : memref<100000x768xf32, #tpu.memory_space<hbm>> -> memref<100000x768xf32, #tpu.memory_space<hbm>>
    tpu.enqueue_indirect_dma source(%dma_start3A_11 : memref<100000x768xf32, #tpu.memory_space<hbm>>) target(%dma_start3A_5 : memref<32x768xf32, #tpu.memory_space<vmem>>) offsets(%dma_start3A_8 : memref<32xi32, #tpu.memory_space<vmem>>) semaphore(%arg9 : memref<!tpu.dma_semaphore, #tpu.memory_space<semaphore_mem>>)
    %dma_start3A_12 = arith.constant 1 : i32
    %dma_start3A_13 = arith.constant 1 : i32
    %dma_start3A_14 = arith.constant 0 : i32
    %dma_start3A_15 = arith.constant 0 : i32
    %dma_start3A_16 = tpu.memref_slice %arg7[%dma_start3A_13, %dma_start3A_14, %dma_start3A_15] : memref<4x32x768xf32, #tpu.memory_space<vmem>> -> memref<1x32x768xf32, #tpu.memory_space<vmem>>
    %dma_start3A_17 = tpu.memref_squeeze %dma_start3A_16 : memref<1x32x768xf32, #tpu.memory_space<vmem>> -> memref<32x768xf32, #tpu.memory_space<vmem>>
    %dma_start3A_18 = arith.constant 0 : i32
    %dma_start3A_19 = tpu.memref_slice %arg6[%dma_start3A_12, %dma_start3A_18] : memref<8x32xi32, #tpu.memory_space<vmem>> -> memref<1x32xi32, #tpu.memory_space<vmem>>
    %dma_start3A_20 = tpu.memref_squeeze %dma_start3A_19 : memref<1x32xi32, #tpu.memory_space<vmem>> -> memref<32xi32, #tpu.memory_space<vmem>>
    %dma_start3A_21 = arith.constant 0 : i32
    %dma_start3A_22 = arith.constant 0 : i32
    %dma_start3A_23 = tpu.memref_slice %arg3[%dma_start3A_21, %dma_start3A_22] : memref<100000x768xf32, #tpu.memory_space<hbm>> -> memref<100000x768xf32, #tpu.memory_space<hbm>>
    tpu.enqueue_indirect_dma source(%dma_start3A_23 : memref<100000x768xf32, #tpu.memory_space<hbm>>) target(%dma_start3A_17 : memref<32x768xf32, #tpu.memory_space<vmem>>) offsets(%dma_start3A_20 : memref<32xi32, #tpu.memory_space<vmem>>) semaphore(%arg10 : memref<!tpu.dma_semaphore, #tpu.memory_space<semaphore_mem>>)
    %dma_start3A_24 = arith.constant 2 : i32
    %dma_start3A_25 = arith.constant 2 : i32
    %dma_start3A_26 = arith.constant 0 : i32
    %dma_start3A_27 = arith.constant 0 : i32
    %dma_start3A_28 = tpu.memref_slice %arg7[%dma_start3A_25, %dma_start3A_26, %dma_start3A_27] : memref<4x32x768xf32, #tpu.memory_space<vmem>> -> memref<1x32x768xf32, #tpu.memory_space<vmem>>
    %dma_start3A_29 = tpu.memref_squeeze %dma_start3A_28 : memref<1x32x768xf32, #tpu.memory_space<vmem>> -> memref<32x768xf32, #tpu.memory_space<vmem>>
    %dma_start3A_30 = arith.constant 0 : i32
    %dma_start3A_31 = tpu.memref_slice %arg6[%dma_start3A_24, %dma_start3A_30] : memref<8x32xi32, #tpu.memory_space<vmem>> -> memref<1x32xi32, #tpu.memory_space<vmem>>
    %dma_start3A_32 = tpu.memref_squeeze %dma_start3A_31 : memref<1x32xi32, #tpu.memory_space<vmem>> -> memref<32xi32, #tpu.memory_space<vmem>>
    %dma_start3A_33 = arith.constant 0 : i32
    %dma_start3A_34 = arith.constant 0 : i32
    %dma_start3A_35 = tpu.memref_slice %arg3[%dma_start3A_33, %dma_start3A_34] : memref<100000x768xf32, #tpu.memory_space<hbm>> -> memref<100000x768xf32, #tpu.memory_space<hbm>>
    tpu.enqueue_indirect_dma source(%dma_start3A_35 : memref<100000x768xf32, #tpu.memory_space<hbm>>) target(%dma_start3A_29 : memref<32x768xf32, #tpu.memory_space<vmem>>) offsets(%dma_start3A_32 : memref<32xi32, #tpu.memory_space<vmem>>) semaphore(%arg11 : memref<!tpu.dma_semaphore, #tpu.memory_space<semaphore_mem>>)
    %scan3A = arith.constant 0 : i32
    %scan3A_36 = arith.constant 0 : i32
    %scan3A_37 = arith.constant 2 : i32
    %scan3A_38 = arith.addi %scan3A_36, %scan3A_37 : i32
    %scan3A_39 = arith.constant 1 : i32
    scf.for %scan3A_108 = %scan3A_36 to %scan3A_38 step %scan3A_39  : i32 {
      %mul3A_109 = arith.constant 64 : i32
      %mul3A_110 = arith.muli %add3A, %mul3A_109 : i32
      %mul3A_111 = arith.constant 32 : i32
      %mul3A_112 = arith.muli %scan3A_108, %mul3A_111 : i32
      %add3A_113 = arith.addi %mul3A_110, %mul3A_112 : i32
      "tpu.region"() ({
        %run_scoped3A = tpu.sem_alloc : memref<!tpu.dma_semaphore, #tpu.memory_space<semaphore_mem>>
        %dma_start3A_343 = arith.constant 0 : i32
        %dma_start3A_344 = tpu.memref_slice %arg4[%add3A_113, %dma_start3A_343] : memref<2048x768xf32, #tpu.memory_space<hbm>> -> memref<32x768xf32, #tpu.memory_space<hbm>>
        %dma_start3A_345 = arith.constant 0 : i32
        %dma_start3A_346 = tpu.memref_slice %arg4[%add3A_113, %dma_start3A_345] : memref<2048x768xf32, #tpu.memory_space<hbm>> -> memref<32x768xf32, #tpu.memory_space<hbm>>
        tpu.enqueue_dma source(%dma_start3A_346 : memref<32x768xf32, #tpu.memory_space<hbm>>) target(%arg8 : memref<32x768xf32, #tpu.memory_space<vmem>>) target_semaphore(%run_scoped3A : memref<!tpu.dma_semaphore, #tpu.memory_space<semaphore_mem>>)
        %dma_wait3A_347 = arith.constant 0 : i32
        %dma_wait3A_348 = tpu.memref_slice %arg4[%add3A_113, %dma_wait3A_347] : memref<2048x768xf32, #tpu.memory_space<hbm>> -> memref<32x768xf32, #tpu.memory_space<hbm>>
        %dma_wait3A_349 = arith.constant 0 : i32
        %dma_wait3A_350 = tpu.memref_slice %arg4[%add3A_113, %dma_wait3A_349] : memref<2048x768xf32, #tpu.memory_space<hbm>> -> memref<32x768xf32, #tpu.memory_space<hbm>>
        tpu.wait_dma2 semaphore(%run_scoped3A : memref<!tpu.dma_semaphore, #tpu.memory_space<semaphore_mem>>) src(%dma_wait3A_350 : memref<32x768xf32, #tpu.memory_space<hbm>>) dst(%arg8 : memref<32x768xf32, #tpu.memory_space<vmem>>)
        tpu.yield
      }) : () -> ()
      %mul3A_114 = arith.constant 4 : i32
      %mul3A_115 = arith.muli %scan3A_108, %mul3A_114 : i32
      %add3A_116 = arith.constant 0 : i32
      %add3A_117 = arith.addi %mul3A_115, %add3A_116 : i32
      %dma_wait3A_118 = arith.constant 0 : i32
      %dma_wait3A_119 = arith.constant 0 : i32
      %dma_wait3A_120 = arith.constant 0 : i32
      %dma_wait3A_121 = tpu.memref_slice %arg7[%dma_wait3A_118, %dma_wait3A_119, %dma_wait3A_120] : memref<4x32x768xf32, #tpu.memory_space<vmem>> -> memref<1x32x768xf32, #tpu.memory_space<vmem>>
      %dma_wait3A_122 = tpu.memref_squeeze %dma_wait3A_121 : memref<1x32x768xf32, #tpu.memory_space<vmem>> -> memref<32x768xf32, #tpu.memory_space<vmem>>
      %dma_wait3A_123 = arith.constant 0 : i32
      %dma_wait3A_124 = tpu.memref_slice %arg6[%add3A_117, %dma_wait3A_123] : memref<8x32xi32, #tpu.memory_space<vmem>> -> memref<1x32xi32, #tpu.memory_space<vmem>>
      %dma_wait3A_125 = tpu.memref_squeeze %dma_wait3A_124 : memref<1x32xi32, #tpu.memory_space<vmem>> -> memref<32xi32, #tpu.memory_space<vmem>>
      %dma_wait3A_126 = arith.constant 0 : i32
      %dma_wait3A_127 = arith.constant 0 : i32
      %dma_wait3A_128 = tpu.memref_slice %arg3[%dma_wait3A_126, %dma_wait3A_127] : memref<100000x768xf32, #tpu.memory_space<hbm>> -> memref<100000x768xf32, #tpu.memory_space<hbm>>
      tpu.wait_indirect_dma semaphore(%arg9 : memref<!tpu.dma_semaphore, #tpu.memory_space<semaphore_mem>>) src(%dma_wait3A_128 : memref<100000x768xf32, #tpu.memory_space<hbm>>) dst(%dma_wait3A_122 : memref<32x768xf32, #tpu.memory_space<vmem>>)
      %parallel_loop3A = arith.constant 0 : i32
      %parallel_loop3A_129 = arith.constant 32 : i32
      %parallel_loop3A_130 = arith.constant 1 : i32
      scf.for %parallel_loop3A_343 = %parallel_loop3A to %parallel_loop3A_129 step %parallel_loop3A_130  : i32 {
        %parallel_loop3A_344 = arith.index_cast %parallel_loop3A_343 : i32 to index
        %parallel_loop3A_345 = arith.constant 0 : index
        %parallel_loop3A_346 = tpu.vector_load %arg8[%parallel_loop3A_344, %parallel_loop3A_345] {strides = array<i32>} : memref<32x768xf32, #tpu.memory_space<vmem>>, vector<1x16xf32>,
        %parallel_loop3A_347 = vector.shape_cast %parallel_loop3A_346 : vector<1x16xf32> to vector<16xf32>
        %parallel_loop3A_348 = arith.constant 0 : i32
        %parallel_loop3A_349 = arith.index_cast %parallel_loop3A_348 : i32 to index
        %parallel_loop3A_350 = arith.index_cast %parallel_loop3A_343 : i32 to index
        %parallel_loop3A_351 = arith.constant 0 : index
        %parallel_loop3A_352 = tpu.vector_load %arg7[%parallel_loop3A_349, %parallel_loop3A_350, %parallel_loop3A_351] {strides = array<i32>} : memref<4x32x768xf32, #tpu.memory_space<vmem>>, vector<1x1x16xf32>,
        %parallel_loop3A_353 = vector.shape_cast %parallel_loop3A_352 : vector<1x1x16xf32> to vector<16xf32>
        %parallel_loop3A_354 = vector.shape_cast %parallel_loop3A_347 : vector<16xf32> to vector<1x1x16xf32>
        tpu.vector_store %arg7[%parallel_loop3A_349, %parallel_loop3A_350, %parallel_loop3A_351], %parallel_loop3A_354 {add = true, strides = array<i32>} : memref<4x32x768xf32, #tpu.memory_space<vmem>>, vector<1x1x16xf32>,
        %parallel_loop3A_355 = arith.index_cast %parallel_loop3A_343 : i32 to index
        %parallel_loop3A_356 = arith.constant 16 : index
        %parallel_loop3A_357 = tpu.vector_load %arg8[%parallel_loop3A_355, %parallel_loop3A_356] {strides = array<i32>} : memref<32x768xf32, #tpu.memory_space<vmem>>, vector<1x16xf32>,
        %parallel_loop3A_358 = vector.shape_cast %parallel_loop3A_357 : vector<1x16xf32> to vector<16xf32>
        %parallel_loop3A_359 = arith.constant 0 : i32
        %parallel_loop3A_360 = arith.index_cast %parallel_loop3A_359 : i32 to index
        %parallel_loop3A_361 = arith.index_cast %parallel_loop3A_343 : i32 to index
        %parallel_loop3A_362 = arith.constant 16 : index
        %parallel_loop3A_363 = tpu.vector_load %arg7[%parallel_loop3A_360, %parallel_loop3A_361, %parallel_loop3A_362] {strides = array<i32>} : memref<4x32x768xf32, #tpu.memory_space<vmem>>, vector<1x1x16xf32>,
        %parallel_loop3A_364 = vector.shape_cast %parallel_loop3A_363 : vector<1x1x16xf32> to vector<16xf32>
        %parallel_loop3A_365 = vector.shape_cast %parallel_loop3A_358 : vector<16xf32> to vector<1x1x16xf32>
        tpu.vector_store %arg7[%parallel_loop3A_360, %parallel_loop3A_361, %parallel_loop3A_362], %parallel_loop3A_365 {add = true, strides = array<i32>} : memref<4x32x768xf32, #tpu.memory_space<vmem>>, vector<1x1x16xf32>,
        %parallel_loop3A_366 = arith.index_cast %parallel_loop3A_343 : i32 to index
        %parallel_loop3A_367 = arith.constant 32 : index
        %parallel_loop3A_368 = tpu.vector_load %arg8[%parallel_loop3A_366, %parallel_loop3A_367] {strides = array<i32>} : memref<32x768xf32, #tpu.memory_space<vmem>>, vector<1x16xf32>,
        %parallel_loop3A_369 = vector.shape_cast %parallel_loop3A_368 : vector<1x16xf32> to vector<16xf32>
        %parallel_loop3A_370 = arith.constant 0 : i32
        %parallel_loop3A_371 = arith.index_cast %parallel_loop3A_370 : i32 to index
        %parallel_loop3A_372 = arith.index_cast %parallel_loop3A_343 : i32 to index
        %parallel_loop3A_373 = arith.constant 32 : index
        %parallel_loop3A_374 = tpu.vector_load %arg7[%parallel_loop3A_371, %parallel_loop3A_372, %parallel_loop3A_373] {strides = array<i32>} : memref<4x32x768xf32, #tpu.memory_space<vmem>>, vector<1x1x16xf32>,
        %parallel_loop3A_375 = vector.shape_cast %parallel_loop3A_374 : vector<1x1x16xf32> to vector<16xf32>
        %parallel_loop3A_376 = vector.shape_cast %parallel_loop3A_369 : vector<16xf32> to vector<1x1x16xf32>
        tpu.vector_store %arg7[%parallel_loop3A_371, %parallel_loop3A_372, %parallel_loop3A_373], %parallel_loop3A_376 {add = true, strides = array<i32>} : memref<4x32x768xf32, #tpu.memory_space<vmem>>, vector<1x1x16xf32>,
        %parallel_loop3A_377 = arith.index_cast %parallel_loop3A_343 : i32 to index
        %parallel_loop3A_378 = arith.constant 48 : index
        %parallel_loop3A_379 = tpu.vector_load %arg8[%parallel_loop3A_377, %parallel_loop3A_378] {strides = array<i32>} : memref<32x768xf32, #tpu.memory_space<vmem>>, vector<1x16xf32>,
        %parallel_loop3A_380 = vector.shape_cast %parallel_loop3A_379 : vector<1x16xf32> to vector<16xf32>
        %parallel_loop3A_381 = arith.constant 0 : i32
        %parallel_loop3A_382 = arith.index_cast %parallel_loop3A_381 : i32 to index
        %parallel_loop3A_383 = arith.index_cast %parallel_loop3A_343 : i32 to index
        %parallel_loop3A_384 = arith.constant 48 : index
        %parallel_loop3A_385 = tpu.vector_load %arg7[%parallel_loop3A_382, %parallel_loop3A_383, %parallel_loop3A_384] {strides = array<i32>} : memref<4x32x768xf32, #tpu.memory_space<vmem>>, vector<1x1x16xf32>,
        %parallel_loop3A_386 = vector.shape_cast %parallel_loop3A_385 : vector<1x1x16xf32> to vector<16xf32>
        %parallel_loop3A_387 = vector.shape_cast %parallel_loop3A_380 : vector<16xf32> to vector<1x1x16xf32>
        tpu.vector_store %arg7[%parallel_loop3A_382, %parallel_loop3A_383, %parallel_loop3A_384], %parallel_loop3A_387 {add = true, strides = array<i32>} : memref<4x32x768xf32, #tpu.memory_space<vmem>>, vector<1x1x16xf32>,
        %parallel_loop3A_388 = arith.index_cast %parallel_loop3A_343 : i32 to index
        %parallel_loop3A_389 = arith.constant 64 : index
        %parallel_loop3A_390 = tpu.vector_load %arg8[%parallel_loop3A_388, %parallel_loop3A_389] {strides = array<i32>} : memref<32x768xf32, #tpu.memory_space<vmem>>, vector<1x16xf32>,
        %parallel_loop3A_391 = vector.shape_cast %parallel_loop3A_390 : vector<1x16xf32> to vector<16xf32>
        %parallel_loop3A_392 = arith.constant 0 : i32
        %parallel_loop3A_393 = arith.index_cast %parallel_loop3A_392 : i32 to index
        %parallel_loop3A_394 = arith.index_cast %parallel_loop3A_343 : i32 to index
        %parallel_loop3A_395 = arith.constant 64 : index
        %parallel_loop3A_396 = tpu.vector_load %arg7[%parallel_loop3A_393, %parallel_loop3A_394, %parallel_loop3A_395] {strides = array<i32>} : memref<4x32x768xf32, #tpu.memory_space<vmem>>, vector<1x1x16xf32>,
        %parallel_loop3A_397 = vector.shape_cast %parallel_loop3A_396 : vector<1x1x16xf32> to vector<16xf32>
        %parallel_loop3A_398 = vector.shape_cast %parallel_loop3A_391 : vector<16xf32> to vector<1x1x16xf32>
        tpu.vector_store %arg7[%parallel_loop3A_393, %parallel_loop3A_394, %parallel_loop3A_395], %parallel_loop3A_398 {add = true, strides = array<i32>} : memref<4x32x768xf32, #tpu.memory_space<vmem>>, vector<1x1x16xf32>,
        %parallel_loop3A_399 = arith.index_cast %parallel_loop3A_343 : i32 to index
        %parallel_loop3A_400 = arith.constant 80 : index
        %parallel_loop3A_401 = tpu.vector_load %arg8[%parallel_loop3A_399, %parallel_loop3A_400] {strides = array<i32>} : memref<32x768xf32, #tpu.memory_space<vmem>>, vector<1x16xf32>,
        %parallel_loop3A_402 = vector.shape_cast %parallel_loop3A_401 : vector<1x16xf32> to vector<16xf32>
        %parallel_loop3A_403 = arith.constant 0 : i32
        %parallel_loop3A_404 = arith.index_cast %parallel_loop3A_403 : i32 to index
        %parallel_loop3A_405 = arith.index_cast %parallel_loop3A_343 : i32 to index
        %parallel_loop3A_406 = arith.constant 80 : index
        %parallel_loop3A_407 = tpu.vector_load %arg7[%parallel_loop3A_404, %parallel_loop3A_405, %parallel_loop3A_406] {strides = array<i32>} : memref<4x32x768xf32, #tpu.memory_space<vmem>>, vector<1x1x16xf32>,
        %parallel_loop3A_408 = vector.shape_cast %parallel_loop3A_407 : vector<1x1x16xf32> to vector<16xf32>
        %parallel_loop3A_409 = vector.shape_cast %parallel_loop3A_402 : vector<16xf32> to vector<1x1x16xf32>
        tpu.vector_store %arg7[%parallel_loop3A_404, %parallel_loop3A_405, %parallel_loop3A_406], %parallel_loop3A_409 {add = true, strides = array<i32>} : memref<4x32x768xf32, #tpu.memory_space<vmem>>, vector<1x1x16xf32>,
        %parallel_loop3A_410 = arith.index_cast %parallel_loop3A_343 : i32 to index
        %parallel_loop3A_411 = arith.constant 96 : index
        %parallel_loop3A_412 = tpu.vector_load %arg8[%parallel_loop3A_410, %parallel_loop3A_411] {strides = array<i32>} : memref<32x768xf32, #tpu.memory_space<vmem>>, vector<1x16xf32>,
        %parallel_loop3A_413 = vector.shape_cast %parallel_loop3A_412 : vector<1x16xf32> to vector<16xf32>
        %parallel_loop3A_414 = arith.constant 0 : i32
        %parallel_loop3A_415 = arith.index_cast %parallel_loop3A_414 : i32 to index
        %parallel_loop3A_416 = arith.index_cast %parallel_loop3A_343 : i32 to index
        %parallel_loop3A_417 = arith.constant 96 : index
        %parallel_loop3A_418 = tpu.vector_load %arg7[%parallel_loop3A_415, %parallel_loop3A_416, %parallel_loop3A_417] {strides = array<i32>} : memref<4x32x768xf32, #tpu.memory_space<vmem>>, vector<1x1x16xf32>,
        %parallel_loop3A_419 = vector.shape_cast %parallel_loop3A_418 : vector<1x1x16xf32> to vector<16xf32>
        %parallel_loop3A_420 = vector.shape_cast %parallel_loop3A_413 : vector<16xf32> to vector<1x1x16xf32>
        tpu.vector_store %arg7[%parallel_loop3A_415, %parallel_loop3A_416, %parallel_loop3A_417], %parallel_loop3A_420 {add = true, strides = array<i32>} : memref<4x32x768xf32, #tpu.memory_space<vmem>>, vector<1x1x16xf32>,
        %parallel_loop3A_421 = arith.index_cast %parallel_loop3A_343 : i32 to index
        %parallel_loop3A_422 = arith.constant 112 : index
        %parallel_loop3A_423 = tpu.vector_load %arg8[%parallel_loop3A_421, %parallel_loop3A_422] {strides = array<i32>} : memref<32x768xf32, #tpu.memory_space<vmem>>, vector<1x16xf32>,
        %parallel_loop3A_424 = vector.shape_cast %parallel_loop3A_423 : vector<1x16xf32> to vector<16xf32>
        %parallel_loop3A_425 = arith.constant 0 : i32
        %parallel_loop3A_426 = arith.index_cast %parallel_loop3A_425 : i32 to index
        %parallel_loop3A_427 = arith.index_cast %parallel_loop3A_343 : i32 to index
        %parallel_loop3A_428 = arith.constant 112 : index
        %parallel_loop3A_429 = tpu.vector_load %arg7[%parallel_loop3A_426, %parallel_loop3A_427, %parallel_loop3A_428] {strides = array<i32>} : memref<4x32x768xf32, #tpu.memory_space<vmem>>, vector<1x1x16xf32>,
        %parallel_loop3A_430 = vector.shape_cast %parallel_loop3A_429 : vector<1x1x16xf32> to vector<16xf32>
        %parallel_loop3A_431 = vector.shape_cast %parallel_loop3A_424 : vector<16xf32> to vector<1x1x16xf32>
        tpu.vector_store %arg7[%parallel_loop3A_426, %parallel_loop3A_427, %parallel_loop3A_428], %parallel_loop3A_431 {add = true, strides = array<i32>} : memref<4x32x768xf32, #tpu.memory_space<vmem>>, vector<1x1x16xf32>,
        %parallel_loop3A_432 = arith.index_cast %parallel_loop3A_343 : i32 to index
        %parallel_loop3A_433 = arith.constant 128 : index
        %parallel_loop3A_434 = tpu.vector_load %arg8[%parallel_loop3A_432, %parallel_loop3A_433] {strides = array<i32>} : memref<32x768xf32, #tpu.memory_space<vmem>>, vector<1x16xf32>,
        %parallel_loop3A_435 = vector.shape_cast %parallel_loop3A_434 : vector<1x16xf32> to vector<16xf32>
        %parallel_loop3A_436 = arith.constant 0 : i32
        %parallel_loop3A_437 = arith.index_cast %parallel_loop3A_436 : i32 to index
        %parallel_loop3A_438 = arith.index_cast %parallel_loop3A_343 : i32 to index
        %parallel_loop3A_439 = arith.constant 128 : index
        %parallel_loop3A_440 = tpu.vector_load %arg7[%parallel_loop3A_437, %parallel_loop3A_438, %parallel_loop3A_439] {strides = array<i32>} : memref<4x32x768xf32, #tpu.memory_space<vmem>>, vector<1x1x16xf32>,
        %parallel_loop3A_441 = vector.shape_cast %parallel_loop3A_440 : vector<1x1x16xf32> to vector<16xf32>
        %parallel_loop3A_442 = vector.shape_cast %parallel_loop3A_435 : vector<16xf32> to vector<1x1x16xf32>
        tpu.vector_store %arg7[%parallel_loop3A_437, %parallel_loop3A_438, %parallel_loop3A_439], %parallel_loop3A_442 {add = true, strides = array<i32>} : memref<4x32x768xf32, #tpu.memory_space<vmem>>, vector<1x1x16xf32>,
        %parallel_loop3A_443 = arith.index_cast %parallel_loop3A_343 : i32 to index
        %parallel_loop3A_444 = arith.constant 144 : index
        %parallel_loop3A_445 = tpu.vector_load %arg8[%parallel_loop3A_443, %parallel_loop3A_444] {strides = array<i32>} : memref<32x768xf32, #tpu.memory_space<vmem>>, vector<1x16xf32>,
        %parallel_loop3A_446 = vector.shape_cast %parallel_loop3A_445 : vector<1x16xf32> to vector<16xf32>
        %parallel_loop3A_447 = arith.constant 0 : i32
        %parallel_loop3A_448 = arith.index_cast %parallel_loop3A_447 : i32 to index
        %parallel_loop3A_449 = arith.index_cast %parallel_loop3A_343 : i32 to index
        %parallel_loop3A_450 = arith.constant 144 : index
        %parallel_loop3A_451 = tpu.vector_load %arg7[%parallel_loop3A_448, %parallel_loop3A_449, %parallel_loop3A_450] {strides = array<i32>} : memref<4x32x768xf32, #tpu.memory_space<vmem>>, vector<1x1x16xf32>,
        %parallel_loop3A_452 = vector.shape_cast %parallel_loop3A_451 : vector<1x1x16xf32> to vector<16xf32>
        %parallel_loop3A_453 = vector.shape_cast %parallel_loop3A_446 : vector<16xf32> to vector<1x1x16xf32>
        tpu.vector_store %arg7[%parallel_loop3A_448, %parallel_loop3A_449, %parallel_loop3A_450], %parallel_loop3A_453 {add = true, strides = array<i32>} : memref<4x32x768xf32, #tpu.memory_space<vmem>>, vector<1x1x16xf32>,
        %parallel_loop3A_454 = arith.index_cast %parallel_loop3A_343 : i32 to index
        %parallel_loop3A_455 = arith.constant 160 : index
        %parallel_loop3A_456 = tpu.vector_load %arg8[%parallel_loop3A_454, %parallel_loop3A_455] {strides = array<i32>} : memref<32x768xf32, #tpu.memory_space<vmem>>, vector<1x16xf32>,
        %parallel_loop3A_457 = vector.shape_cast %parallel_loop3A_456 : vector<1x16xf32> to vector<16xf32>
        %parallel_loop3A_458 = arith.constant 0 : i32
        %parallel_loop3A_459 = arith.index_cast %parallel_loop3A_458 : i32 to index
        %parallel_loop3A_460 = arith.index_cast %parallel_loop3A_343 : i32 to index
        %parallel_loop3A_461 = arith.constant 160 : index
        %parallel_loop3A_462 = tpu.vector_load %arg7[%parallel_loop3A_459, %parallel_loop3A_460, %parallel_loop3A_461] {strides = array<i32>} : memref<4x32x768xf32, #tpu.memory_space<vmem>>, vector<1x1x16xf32>,
        %parallel_loop3A_463 = vector.shape_cast %parallel_loop3A_462 : vector<1x1x16xf32> to vector<16xf32>
        %parallel_loop3A_464 = vector.shape_cast %parallel_loop3A_457 : vector<16xf32> to vector<1x1x16xf32>
        tpu.vector_store %arg7[%parallel_loop3A_459, %parallel_loop3A_460, %parallel_loop3A_461], %parallel_loop3A_464 {add = true, strides = array<i32>} : memref<4x32x768xf32, #tpu.memory_space<vmem>>, vector<1x1x16xf32>,
        %parallel_loop3A_465 = arith.index_cast %parallel_loop3A_343 : i32 to index
        %parallel_loop3A_466 = arith.constant 176 : index
        %parallel_loop3A_467 = tpu.vector_load %arg8[%parallel_loop3A_465, %parallel_loop3A_466] {strides = array<i32>} : memref<32x768xf32, #tpu.memory_space<vmem>>, vector<1x16xf32>,
        %parallel_loop3A_468 = vector.shape_cast %parallel_loop3A_467 : vector<1x16xf32> to vector<16xf32>
        %parallel_loop3A_469 = arith.constant 0 : i32
        %parallel_loop3A_470 = arith.index_cast %parallel_loop3A_469 : i32 to index
        %parallel_loop3A_471 = arith.index_cast %parallel_loop3A_343 : i32 to index
        %parallel_loop3A_472 = arith.constant 176 : index
        %parallel_loop3A_473 = tpu.vector_load %arg7[%parallel_loop3A_470, %parallel_loop3A_471, %parallel_loop3A_472] {strides = array<i32>} : memref<4x32x768xf32, #tpu.memory_space<vmem>>, vector<1x1x16xf32>,
        %parallel_loop3A_474 = vector.shape_cast %parallel_loop3A_473 : vector<1x1x16xf32> to vector<16xf32>
        %parallel_loop3A_475 = vector.shape_cast %parallel_loop3A_468 : vector<16xf32> to vector<1x1x16xf32>
        tpu.vector_store %arg7[%parallel_loop3A_470, %parallel_loop3A_471, %parallel_loop3A_472], %parallel_loop3A_475 {add = true, strides = array<i32>} : memref<4x32x768xf32, #tpu.memory_space<vmem>>, vector<1x1x16xf32>,
        %parallel_loop3A_476 = arith.index_cast %parallel_loop3A_343 : i32 to index
        %parallel_loop3A_477 = arith.constant 192 : index
        %parallel_loop3A_478 = tpu.vector_load %arg8[%parallel_loop3A_476, %parallel_loop3A_477] {strides = array<i32>} : memref<32x768xf32, #tpu.memory_space<vmem>>, vector<1x16xf32>,
        %parallel_loop3A_479 = vector.shape_cast %parallel_loop3A_478 : vector<1x16xf32> to vector<16xf32>
        %parallel_loop3A_480 = arith.constant 0 : i32
        %parallel_loop3A_481 = arith.index_cast %parallel_loop3A_480 : i32 to index
        %parallel_loop3A_482 = arith.index_cast %parallel_loop3A_343 : i32 to index
        %parallel_loop3A_483 = arith.constant 192 : index
        %parallel_loop3A_484 = tpu.vector_load %arg7[%parallel_loop3A_481, %parallel_loop3A_482, %parallel_loop3A_483] {strides = array<i32>} : memref<4x32x768xf32, #tpu.memory_space<vmem>>, vector<1x1x16xf32>,
        %parallel_loop3A_485 = vector.shape_cast %parallel_loop3A_484 : vector<1x1x16xf32> to vector<16xf32>
        %parallel_loop3A_486 = vector.shape_cast %parallel_loop3A_479 : vector<16xf32> to vector<1x1x16xf32>
        tpu.vector_store %arg7[%parallel_loop3A_481, %parallel_loop3A_482, %parallel_loop3A_483], %parallel_loop3A_486 {add = true, strides = array<i32>} : memref<4x32x768xf32, #tpu.memory_space<vmem>>, vector<1x1x16xf32>,
        %parallel_loop3A_487 = arith.index_cast %parallel_loop3A_343 : i32 to index
        %parallel_loop3A_488 = arith.constant 208 : index
        %parallel_loop3A_489 = tpu.vector_load %arg8[%parallel_loop3A_487, %parallel_loop3A_488] {strides = array<i32>} : memref<32x768xf32, #tpu.memory_space<vmem>>, vector<1x16xf32>,
        %parallel_loop3A_490 = vector.shape_cast %parallel_loop3A_489 : vector<1x16xf32> to vector<16xf32>
        %parallel_loop3A_491 = arith.constant 0 : i32
        %parallel_loop3A_492 = arith.index_cast %parallel_loop3A_491 : i32 to index
        %parallel_loop3A_493 = arith.index_cast %parallel_loop3A_343 : i32 to index
        %parallel_loop3A_494 = arith.constant 208 : index
        %parallel_loop3A_495 = tpu.vector_load %arg7[%parallel_loop3A_492, %parallel_loop3A_493, %parallel_loop3A_494] {strides = array<i32>} : memref<4x32x768xf32, #tpu.memory_space<vmem>>, vector<1x1x16xf32>,
        %parallel_loop3A_496 = vector.shape_cast %parallel_loop3A_495 : vector<1x1x16xf32> to vector<16xf32>
        %parallel_loop3A_497 = vector.shape_cast %parallel_loop3A_490 : vector<16xf32> to vector<1x1x16xf32>
        tpu.vector_store %arg7[%parallel_loop3A_492, %parallel_loop3A_493, %parallel_loop3A_494], %parallel_loop3A_497 {add = true, strides = array<i32>} : memref<4x32x768xf32, #tpu.memory_space<vmem>>, vector<1x1x16xf32>,
        %parallel_loop3A_498 = arith.index_cast %parallel_loop3A_343 : i32 to index
        %parallel_loop3A_499 = arith.constant 224 : index
        %parallel_loop3A_500 = tpu.vector_load %arg8[%parallel_loop3A_498, %parallel_loop3A_499] {strides = array<i32>} : memref<32x768xf32, #tpu.memory_space<vmem>>, vector<1x16xf32>,
        %parallel_loop3A_501 = vector.shape_cast %parallel_loop3A_500 : vector<1x16xf32> to vector<16xf32>
        %parallel_loop3A_502 = arith.constant 0 : i32
        %parallel_loop3A_503 = arith.index_cast %parallel_loop3A_502 : i32 to index
        %parallel_loop3A_504 = arith.index_cast %parallel_loop3A_343 : i32 to index
        %parallel_loop3A_505 = arith.constant 224 : index
        %parallel_loop3A_506 = tpu.vector_load %arg7[%parallel_loop3A_503, %parallel_loop3A_504, %parallel_loop3A_505] {strides = array<i32>} : memref<4x32x768xf32, #tpu.memory_space<vmem>>, vector<1x1x16xf32>,
        %parallel_loop3A_507 = vector.shape_cast %parallel_loop3A_506 : vector<1x1x16xf32> to vector<16xf32>
        %parallel_loop3A_508 = vector.shape_cast %parallel_loop3A_501 : vector<16xf32> to vector<1x1x16xf32>
        tpu.vector_store %arg7[%parallel_loop3A_503, %parallel_loop3A_504, %parallel_loop3A_505], %parallel_loop3A_508 {add = true, strides = array<i32>} : memref<4x32x768xf32, #tpu.memory_space<vmem>>, vector<1x1x16xf32>,
        %parallel_loop3A_509 = arith.index_cast %parallel_loop3A_343 : i32 to index
        %parallel_loop3A_510 = arith.constant 240 : index
        %parallel_loop3A_511 = tpu.vector_load %arg8[%parallel_loop3A_509, %parallel_loop3A_510] {strides = array<i32>} : memref<32x768xf32, #tpu.memory_space<vmem>>, vector<1x16xf32>,
        %parallel_loop3A_512 = vector.shape_cast %parallel_loop3A_511 : vector<1x16xf32> to vector<16xf32>
        %parallel_loop3A_513 = arith.constant 0 : i32
        %parallel_loop3A_514 = arith.index_cast %parallel_loop3A_513 : i32 to index
        %parallel_loop3A_515 = arith.index_cast %parallel_loop3A_343 : i32 to index
        %parallel_loop3A_516 = arith.constant 240 : index
        %parallel_loop3A_517 = tpu.vector_load %arg7[%parallel_loop3A_514, %parallel_loop3A_515, %parallel_loop3A_516] {strides = array<i32>} : memref<4x32x768xf32, #tpu.memory_space<vmem>>, vector<1x1x16xf32>,
        %parallel_loop3A_518 = vector.shape_cast %parallel_loop3A_517 : vector<1x1x16xf32> to vector<16xf32>
        %parallel_loop3A_519 = vector.shape_cast %parallel_loop3A_512 : vector<16xf32> to vector<1x1x16xf32>
        tpu.vector_store %arg7[%parallel_loop3A_514, %parallel_loop3A_515, %parallel_loop3A_516], %parallel_loop3A_519 {add = true, strides = array<i32>} : memref<4x32x768xf32, #tpu.memory_space<vmem>>, vector<1x1x16xf32>,
        %parallel_loop3A_520 = arith.index_cast %parallel_loop3A_343 : i32 to index
        %parallel_loop3A_521 = arith.constant 256 : index
        %parallel_loop3A_522 = tpu.vector_load %arg8[%parallel_loop3A_520, %parallel_loop3A_521] {strides = array<i32>} : memref<32x768xf32, #tpu.memory_space<vmem>>, vector<1x16xf32>,
        %parallel_loop3A_523 = vector.shape_cast %parallel_loop3A_522 : vector<1x16xf32> to vector<16xf32>
        %parallel_loop3A_524 = arith.constant 0 : i32
        %parallel_loop3A_525 = arith.index_cast %parallel_loop3A_524 : i32 to index
        %parallel_loop3A_526 = arith.index_cast %parallel_loop3A_343 : i32 to index
        %parallel_loop3A_527 = arith.constant 256 : index
        %parallel_loop3A_528 = tpu.vector_load %arg7[%parallel_loop3A_525, %parallel_loop3A_526, %parallel_loop3A_527] {strides = array<i32>} : memref<4x32x768xf32, #tpu.memory_space<vmem>>, vector<1x1x16xf32>,
        %parallel_loop3A_529 = vector.shape_cast %parallel_loop3A_528 : vector<1x1x16xf32> to vector<16xf32>
        %parallel_loop3A_530 = vector.shape_cast %parallel_loop3A_523 : vector<16xf32> to vector<1x1x16xf32>
        tpu.vector_store %arg7[%parallel_loop3A_525, %parallel_loop3A_526, %parallel_loop3A_527], %parallel_loop3A_530 {add = true, strides = array<i32>} : memref<4x32x768xf32, #tpu.memory_space<vmem>>, vector<1x1x16xf32>,
        %parallel_loop3A_531 = arith.index_cast %parallel_loop3A_343 : i32 to index
        %parallel_loop3A_532 = arith.constant 272 : index
        %parallel_loop3A_533 = tpu.vector_load %arg8[%parallel_loop3A_531, %parallel_loop3A_532] {strides = array<i32>} : memref<32x768xf32, #tpu.memory_space<vmem>>, vector<1x16xf32>,
        %parallel_loop3A_534 = vector.shape_cast %parallel_loop3A_533 : vector<1x16xf32> to vector<16xf32>
        %parallel_loop3A_535 = arith.constant 0 : i32
        %parallel_loop3A_536 = arith.index_cast %parallel_loop3A_535 : i32 to index
        %parallel_loop3A_537 = arith.index_cast %parallel_loop3A_343 : i32 to index
        %parallel_loop3A_538 = arith.constant 272 : index
        %parallel_loop3A_539 = tpu.vector_load %arg7[%parallel_loop3A_536, %parallel_loop3A_537, %parallel_loop3A_538] {strides = array<i32>} : memref<4x32x768xf32, #tpu.memory_space<vmem>>, vector<1x1x16xf32>,
        %parallel_loop3A_540 = vector.shape_cast %parallel_loop3A_539 : vector<1x1x16xf32> to vector<16xf32>
        %parallel_loop3A_541 = vector.shape_cast %parallel_loop3A_534 : vector<16xf32> to vector<1x1x16xf32>
        tpu.vector_store %arg7[%parallel_loop3A_536, %parallel_loop3A_537, %parallel_loop3A_538], %parallel_loop3A_541 {add = true, strides = array<i32>} : memref<4x32x768xf32, #tpu.memory_space<vmem>>, vector<1x1x16xf32>,
        %parallel_loop3A_542 = arith.index_cast %parallel_loop3A_343 : i32 to index
        %parallel_loop3A_543 = arith.constant 288 : index
        %parallel_loop3A_544 = tpu.vector_load %arg8[%parallel_loop3A_542, %parallel_loop3A_543] {strides = array<i32>} : memref<32x768xf32, #tpu.memory_space<vmem>>, vector<1x16xf32>,
        %parallel_loop3A_545 = vector.shape_cast %parallel_loop3A_544 : vector<1x16xf32> to vector<16xf32>
        %parallel_loop3A_546 = arith.constant 0 : i32
        %parallel_loop3A_547 = arith.index_cast %parallel_loop3A_546 : i32 to index
        %parallel_loop3A_548 = arith.index_cast %parallel_loop3A_343 : i32 to index
        %parallel_loop3A_549 = arith.constant 288 : index
        %parallel_loop3A_550 = tpu.vector_load %arg7[%parallel_loop3A_547, %parallel_loop3A_548, %parallel_loop3A_549] {strides = array<i32>} : memref<4x32x768xf32, #tpu.memory_space<vmem>>, vector<1x1x16xf32>,
        %parallel_loop3A_551 = vector.shape_cast %parallel_loop3A_550 : vector<1x1x16xf32> to vector<16xf32>
        %parallel_loop3A_552 = vector.shape_cast %parallel_loop3A_545 : vector<16xf32> to vector<1x1x16xf32>
        tpu.vector_store %arg7[%parallel_loop3A_547, %parallel_loop3A_548, %parallel_loop3A_549], %parallel_loop3A_552 {add = true, strides = array<i32>} : memref<4x32x768xf32, #tpu.memory_space<vmem>>, vector<1x1x16xf32>,
        %parallel_loop3A_553 = arith.index_cast %parallel_loop3A_343 : i32 to index
        %parallel_loop3A_554 = arith.constant 304 : index
        %parallel_loop3A_555 = tpu.vector_load %arg8[%parallel_loop3A_553, %parallel_loop3A_554] {strides = array<i32>} : memref<32x768xf32, #tpu.memory_space<vmem>>, vector<1x16xf32>,
        %parallel_loop3A_556 = vector.shape_cast %parallel_loop3A_555 : vector<1x16xf32> to vector<16xf32>
        %parallel_loop3A_557 = arith.constant 0 : i32
        %parallel_loop3A_558 = arith.index_cast %parallel_loop3A_557 : i32 to index
        %parallel_loop3A_559 = arith.index_cast %parallel_loop3A_343 : i32 to index
        %parallel_loop3A_560 = arith.constant 304 : index
        %parallel_loop3A_561 = tpu.vector_load %arg7[%parallel_loop3A_558, %parallel_loop3A_559, %parallel_loop3A_560] {strides = array<i32>} : memref<4x32x768xf32, #tpu.memory_space<vmem>>, vector<1x1x16xf32>,
        %parallel_loop3A_562 = vector.shape_cast %parallel_loop3A_561 : vector<1x1x16xf32> to vector<16xf32>
        %parallel_loop3A_563 = vector.shape_cast %parallel_loop3A_556 : vector<16xf32> to vector<1x1x16xf32>
        tpu.vector_store %arg7[%parallel_loop3A_558, %parallel_loop3A_559, %parallel_loop3A_560], %parallel_loop3A_563 {add = true, strides = array<i32>} : memref<4x32x768xf32, #tpu.memory_space<vmem>>, vector<1x1x16xf32>,
        %parallel_loop3A_564 = arith.index_cast %parallel_loop3A_343 : i32 to index
        %parallel_loop3A_565 = arith.constant 320 : index
        %parallel_loop3A_566 = tpu.vector_load %arg8[%parallel_loop3A_564, %parallel_loop3A_565] {strides = array<i32>} : memref<32x768xf32, #tpu.memory_space<vmem>>, vector<1x16xf32>,
        %parallel_loop3A_567 = vector.shape_cast %parallel_loop3A_566 : vector<1x16xf32> to vector<16xf32>
        %parallel_loop3A_568 = arith.constant 0 : i32
        %parallel_loop3A_569 = arith.index_cast %parallel_loop3A_568 : i32 to index
        %parallel_loop3A_570 = arith.index_cast %parallel_loop3A_343 : i32 to index
        %parallel_loop3A_571 = arith.constant 320 : index
        %parallel_loop3A_572 = tpu.vector_load %arg7[%parallel_loop3A_569, %parallel_loop3A_570, %parallel_loop3A_571] {strides = array<i32>} : memref<4x32x768xf32, #tpu.memory_space<vmem>>, vector<1x1x16xf32>,
        %parallel_loop3A_573 = vector.shape_cast %parallel_loop3A_572 : vector<1x1x16xf32> to vector<16xf32>
        %parallel_loop3A_574 = vector.shape_cast %parallel_loop3A_567 : vector<16xf32> to vector<1x1x16xf32>
        tpu.vector_store %arg7[%parallel_loop3A_569, %parallel_loop3A_570, %parallel_loop3A_571], %parallel_loop3A_574 {add = true, strides = array<i32>} : memref<4x32x768xf32, #tpu.memory_space<vmem>>, vector<1x1x16xf32>,
        %parallel_loop3A_575 = arith.index_cast %parallel_loop3A_343 : i32 to index
        %parallel_loop3A_576 = arith.constant 336 : index
        %parallel_loop3A_577 = tpu.vector_load %arg8[%parallel_loop3A_575, %parallel_loop3A_576] {strides = array<i32>} : memref<32x768xf32, #tpu.memory_space<vmem>>, vector<1x16xf32>,
        %parallel_loop3A_578 = vector.shape_cast %parallel_loop3A_577 : vector<1x16xf32> to vector<16xf32>
        %parallel_loop3A_579 = arith.constant 0 : i32
        %parallel_loop3A_580 = arith.index_cast %parallel_loop3A_579 : i32 to index
        %parallel_loop3A_581 = arith.index_cast %parallel_loop3A_343 : i32 to index
        %parallel_loop3A_582 = arith.constant 336 : index
        %parallel_loop3A_583 = tpu.vector_load %arg7[%parallel_loop3A_580, %parallel_loop3A_581, %parallel_loop3A_582] {strides = array<i32>} : memref<4x32x768xf32, #tpu.memory_space<vmem>>, vector<1x1x16xf32>,
        %parallel_loop3A_584 = vector.shape_cast %parallel_loop3A_583 : vector<1x1x16xf32> to vector<16xf32>
        %parallel_loop3A_585 = vector.shape_cast %parallel_loop3A_578 : vector<16xf32> to vector<1x1x16xf32>
        tpu.vector_store %arg7[%parallel_loop3A_580, %parallel_loop3A_581, %parallel_loop3A_582], %parallel_loop3A_585 {add = true, strides = array<i32>} : memref<4x32x768xf32, #tpu.memory_space<vmem>>, vector<1x1x16xf32>,
        %parallel_loop3A_586 = arith.index_cast %parallel_loop3A_343 : i32 to index
        %parallel_loop3A_587 = arith.constant 352 : index
        %parallel_loop3A_588 = tpu.vector_load %arg8[%parallel_loop3A_586, %parallel_loop3A_587] {strides = array<i32>} : memref<32x768xf32, #tpu.memory_space<vmem>>, vector<1x16xf32>,
        %parallel_loop3A_589 = vector.shape_cast %parallel_loop3A_588 : vector<1x16xf32> to vector<16xf32>
        %parallel_loop3A_590 = arith.constant 0 : i32
        %parallel_loop3A_591 = arith.index_cast %parallel_loop3A_590 : i32 to index
        %parallel_loop3A_592 = arith.index_cast %parallel_loop3A_343 : i32 to index
        %parallel_loop3A_593 = arith.constant 352 : index
        %parallel_loop3A_594 = tpu.vector_load %arg7[%parallel_loop3A_591, %parallel_loop3A_592, %parallel_loop3A_593] {strides = array<i32>} : memref<4x32x768xf32, #tpu.memory_space<vmem>>, vector<1x1x16xf32>,
        %parallel_loop3A_595 = vector.shape_cast %parallel_loop3A_594 : vector<1x1x16xf32> to vector<16xf32>
        %parallel_loop3A_596 = vector.shape_cast %parallel_loop3A_589 : vector<16xf32> to vector<1x1x16xf32>
        tpu.vector_store %arg7[%parallel_loop3A_591, %parallel_loop3A_592, %parallel_loop3A_593], %parallel_loop3A_596 {add = true, strides = array<i32>} : memref<4x32x768xf32, #tpu.memory_space<vmem>>, vector<1x1x16xf32>,
        %parallel_loop3A_597 = arith.index_cast %parallel_loop3A_343 : i32 to index
        %parallel_loop3A_598 = arith.constant 368 : index
        %parallel_loop3A_599 = tpu.vector_load %arg8[%parallel_loop3A_597, %parallel_loop3A_598] {strides = array<i32>} : memref<32x768xf32, #tpu.memory_space<vmem>>, vector<1x16xf32>,
        %parallel_loop3A_600 = vector.shape_cast %parallel_loop3A_599 : vector<1x16xf32> to vector<16xf32>
        %parallel_loop3A_601 = arith.constant 0 : i32
        %parallel_loop3A_602 = arith.index_cast %parallel_loop3A_601 : i32 to index
        %parallel_loop3A_603 = arith.index_cast %parallel_loop3A_343 : i32 to index
        %parallel_loop3A_604 = arith.constant 368 : index
        %parallel_loop3A_605 = tpu.vector_load %arg7[%parallel_loop3A_602, %parallel_loop3A_603, %parallel_loop3A_604] {strides = array<i32>} : memref<4x32x768xf32, #tpu.memory_space<vmem>>, vector<1x1x16xf32>,
        %parallel_loop3A_606 = vector.shape_cast %parallel_loop3A_605 : vector<1x1x16xf32> to vector<16xf32>
        %parallel_loop3A_607 = vector.shape_cast %parallel_loop3A_600 : vector<16xf32> to vector<1x1x16xf32>
        tpu.vector_store %arg7[%parallel_loop3A_602, %parallel_loop3A_603, %parallel_loop3A_604], %parallel_loop3A_607 {add = true, strides = array<i32>} : memref<4x32x768xf32, #tpu.memory_space<vmem>>, vector<1x1x16xf32>,
        %parallel_loop3A_608 = arith.index_cast %parallel_loop3A_343 : i32 to index
        %parallel_loop3A_609 = arith.constant 384 : index
        %parallel_loop3A_610 = tpu.vector_load %arg8[%parallel_loop3A_608, %parallel_loop3A_609] {strides = array<i32>} : memref<32x768xf32, #tpu.memory_space<vmem>>, vector<1x16xf32>,
        %parallel_loop3A_611 = vector.shape_cast %parallel_loop3A_610 : vector<1x16xf32> to vector<16xf32>
        %parallel_loop3A_612 = arith.constant 0 : i32
        %parallel_loop3A_613 = arith.index_cast %parallel_loop3A_612 : i32 to index
        %parallel_loop3A_614 = arith.index_cast %parallel_loop3A_343 : i32 to index
        %parallel_loop3A_615 = arith.constant 384 : index
        %parallel_loop3A_616 = tpu.vector_load %arg7[%parallel_loop3A_613, %parallel_loop3A_614, %parallel_loop3A_615] {strides = array<i32>} : memref<4x32x768xf32, #tpu.memory_space<vmem>>, vector<1x1x16xf32>,
        %parallel_loop3A_617 = vector.shape_cast %parallel_loop3A_616 : vector<1x1x16xf32> to vector<16xf32>
        %parallel_loop3A_618 = vector.shape_cast %parallel_loop3A_611 : vector<16xf32> to vector<1x1x16xf32>
        tpu.vector_store %arg7[%parallel_loop3A_613, %parallel_loop3A_614, %parallel_loop3A_615], %parallel_loop3A_618 {add = true, strides = array<i32>} : memref<4x32x768xf32, #tpu.memory_space<vmem>>, vector<1x1x16xf32>,
        %parallel_loop3A_619 = arith.index_cast %parallel_loop3A_343 : i32 to index
        %parallel_loop3A_620 = arith.constant 400 : index
        %parallel_loop3A_621 = tpu.vector_load %arg8[%parallel_loop3A_619, %parallel_loop3A_620] {strides = array<i32>} : memref<32x768xf32, #tpu.memory_space<vmem>>, vector<1x16xf32>,
        %parallel_loop3A_622 = vector.shape_cast %parallel_loop3A_621 : vector<1x16xf32> to vector<16xf32>
        %parallel_loop3A_623 = arith.constant 0 : i32
        %parallel_loop3A_624 = arith.index_cast %parallel_loop3A_623 : i32 to index
        %parallel_loop3A_625 = arith.index_cast %parallel_loop3A_343 : i32 to index
        %parallel_loop3A_626 = arith.constant 400 : index
        %parallel_loop3A_627 = tpu.vector_load %arg7[%parallel_loop3A_624, %parallel_loop3A_625, %parallel_loop3A_626] {strides = array<i32>} : memref<4x32x768xf32, #tpu.memory_space<vmem>>, vector<1x1x16xf32>,
        %parallel_loop3A_628 = vector.shape_cast %parallel_loop3A_627 : vector<1x1x16xf32> to vector<16xf32>
        %parallel_loop3A_629 = vector.shape_cast %parallel_loop3A_622 : vector<16xf32> to vector<1x1x16xf32>
        tpu.vector_store %arg7[%parallel_loop3A_624, %parallel_loop3A_625, %parallel_loop3A_626], %parallel_loop3A_629 {add = true, strides = array<i32>} : memref<4x32x768xf32, #tpu.memory_space<vmem>>, vector<1x1x16xf32>,
        %parallel_loop3A_630 = arith.index_cast %parallel_loop3A_343 : i32 to index
        %parallel_loop3A_631 = arith.constant 416 : index
        %parallel_loop3A_632 = tpu.vector_load %arg8[%parallel_loop3A_630, %parallel_loop3A_631] {strides = array<i32>} : memref<32x768xf32, #tpu.memory_space<vmem>>, vector<1x16xf32>,
        %parallel_loop3A_633 = vector.shape_cast %parallel_loop3A_632 : vector<1x16xf32> to vector<16xf32>
        %parallel_loop3A_634 = arith.constant 0 : i32
        %parallel_loop3A_635 = arith.index_cast %parallel_loop3A_634 : i32 to index
        %parallel_loop3A_636 = arith.index_cast %parallel_loop3A_343 : i32 to index
        %parallel_loop3A_637 = arith.constant 416 : index
        %parallel_loop3A_638 = tpu.vector_load %arg7[%parallel_loop3A_635, %parallel_loop3A_636, %parallel_loop3A_637] {strides = array<i32>} : memref<4x32x768xf32, #tpu.memory_space<vmem>>, vector<1x1x16xf32>,
        %parallel_loop3A_639 = vector.shape_cast %parallel_loop3A_638 : vector<1x1x16xf32> to vector<16xf32>
        %parallel_loop3A_640 = vector.shape_cast %parallel_loop3A_633 : vector<16xf32> to vector<1x1x16xf32>
        tpu.vector_store %arg7[%parallel_loop3A_635, %parallel_loop3A_636, %parallel_loop3A_637], %parallel_loop3A_640 {add = true, strides = array<i32>} : memref<4x32x768xf32, #tpu.memory_space<vmem>>, vector<1x1x16xf32>,
        %parallel_loop3A_641 = arith.index_cast %parallel_loop3A_343 : i32 to index
        %parallel_loop3A_642 = arith.constant 432 : index
        %parallel_loop3A_643 = tpu.vector_load %arg8[%parallel_loop3A_641, %parallel_loop3A_642] {strides = array<i32>} : memref<32x768xf32, #tpu.memory_space<vmem>>, vector<1x16xf32>,
        %parallel_loop3A_644 = vector.shape_cast %parallel_loop3A_643 : vector<1x16xf32> to vector<16xf32>
        %parallel_loop3A_645 = arith.constant 0 : i32
        %parallel_loop3A_646 = arith.index_cast %parallel_loop3A_645 : i32 to index
        %parallel_loop3A_647 = arith.index_cast %parallel_loop3A_343 : i32 to index
        %parallel_loop3A_648 = arith.constant 432 : index
        %parallel_loop3A_649 = tpu.vector_load %arg7[%parallel_loop3A_646, %parallel_loop3A_647, %parallel_loop3A_648] {strides = array<i32>} : memref<4x32x768xf32, #tpu.memory_space<vmem>>, vector<1x1x16xf32>,
        %parallel_loop3A_650 = vector.shape_cast %parallel_loop3A_649 : vector<1x1x16xf32> to vector<16xf32>
        %parallel_loop3A_651 = vector.shape_cast %parallel_loop3A_644 : vector<16xf32> to vector<1x1x16xf32>
        tpu.vector_store %arg7[%parallel_loop3A_646, %parallel_loop3A_647, %parallel_loop3A_648], %parallel_loop3A_651 {add = true, strides = array<i32>} : memref<4x32x768xf32, #tpu.memory_space<vmem>>, vector<1x1x16xf32>,
        %parallel_loop3A_652 = arith.index_cast %parallel_loop3A_343 : i32 to index
        %parallel_loop3A_653 = arith.constant 448 : index
        %parallel_loop3A_654 = tpu.vector_load %arg8[%parallel_loop3A_652, %parallel_loop3A_653] {strides = array<i32>} : memref<32x768xf32, #tpu.memory_space<vmem>>, vector<1x16xf32>,
        %parallel_loop3A_655 = vector.shape_cast %parallel_loop3A_654 : vector<1x16xf32> to vector<16xf32>
        %parallel_loop3A_656 = arith.constant 0 : i32
        %parallel_loop3A_657 = arith.index_cast %parallel_loop3A_656 : i32 to index
        %parallel_loop3A_658 = arith.index_cast %parallel_loop3A_343 : i32 to index
        %parallel_loop3A_659 = arith.constant 448 : index
        %parallel_loop3A_660 = tpu.vector_load %arg7[%parallel_loop3A_657, %parallel_loop3A_658, %parallel_loop3A_659] {strides = array<i32>} : memref<4x32x768xf32, #tpu.memory_space<vmem>>, vector<1x1x16xf32>,
        %parallel_loop3A_661 = vector.shape_cast %parallel_loop3A_660 : vector<1x1x16xf32> to vector<16xf32>
        %parallel_loop3A_662 = vector.shape_cast %parallel_loop3A_655 : vector<16xf32> to vector<1x1x16xf32>
        tpu.vector_store %arg7[%parallel_loop3A_657, %parallel_loop3A_658, %parallel_loop3A_659], %parallel_loop3A_662 {add = true, strides = array<i32>} : memref<4x32x768xf32, #tpu.memory_space<vmem>>, vector<1x1x16xf32>,
        %parallel_loop3A_663 = arith.index_cast %parallel_loop3A_343 : i32 to index
        %parallel_loop3A_664 = arith.constant 464 : index
        %parallel_loop3A_665 = tpu.vector_load %arg8[%parallel_loop3A_663, %parallel_loop3A_664] {strides = array<i32>} : memref<32x768xf32, #tpu.memory_space<vmem>>, vector<1x16xf32>,
        %parallel_loop3A_666 = vector.shape_cast %parallel_loop3A_665 : vector<1x16xf32> to vector<16xf32>
        %parallel_loop3A_667 = arith.constant 0 : i32
        %parallel_loop3A_668 = arith.index_cast %parallel_loop3A_667 : i32 to index
        %parallel_loop3A_669 = arith.index_cast %parallel_loop3A_343 : i32 to index
        %parallel_loop3A_670 = arith.constant 464 : index
        %parallel_loop3A_671 = tpu.vector_load %arg7[%parallel_loop3A_668, %parallel_loop3A_669, %parallel_loop3A_670] {strides = array<i32>} : memref<4x32x768xf32, #tpu.memory_space<vmem>>, vector<1x1x16xf32>,
        %parallel_loop3A_672 = vector.shape_cast %parallel_loop3A_671 : vector<1x1x16xf32> to vector<16xf32>
        %parallel_loop3A_673 = vector.shape_cast %parallel_loop3A_666 : vector<16xf32> to vector<1x1x16xf32>
        tpu.vector_store %arg7[%parallel_loop3A_668, %parallel_loop3A_669, %parallel_loop3A_670], %parallel_loop3A_673 {add = true, strides = array<i32>} : memref<4x32x768xf32, #tpu.memory_space<vmem>>, vector<1x1x16xf32>,
        %parallel_loop3A_674 = arith.index_cast %parallel_loop3A_343 : i32 to index
        %parallel_loop3A_675 = arith.constant 480 : index
        %parallel_loop3A_676 = tpu.vector_load %arg8[%parallel_loop3A_674, %parallel_loop3A_675] {strides = array<i32>} : memref<32x768xf32, #tpu.memory_space<vmem>>, vector<1x16xf32>,
        %parallel_loop3A_677 = vector.shape_cast %parallel_loop3A_676 : vector<1x16xf32> to vector<16xf32>
        %parallel_loop3A_678 = arith.constant 0 : i32
        %parallel_loop3A_679 = arith.index_cast %parallel_loop3A_678 : i32 to index
        %parallel_loop3A_680 = arith.index_cast %parallel_loop3A_343 : i32 to index
        %parallel_loop3A_681 = arith.constant 480 : index
        %parallel_loop3A_682 = tpu.vector_load %arg7[%parallel_loop3A_679, %parallel_loop3A_680, %parallel_loop3A_681] {strides = array<i32>} : memref<4x32x768xf32, #tpu.memory_space<vmem>>, vector<1x1x16xf32>,
        %parallel_loop3A_683 = vector.shape_cast %parallel_loop3A_682 : vector<1x1x16xf32> to vector<16xf32>
        %parallel_loop3A_684 = vector.shape_cast %parallel_loop3A_677 : vector<16xf32> to vector<1x1x16xf32>
        tpu.vector_store %arg7[%parallel_loop3A_679, %parallel_loop3A_680, %parallel_loop3A_681], %parallel_loop3A_684 {add = true, strides = array<i32>} : memref<4x32x768xf32, #tpu.memory_space<vmem>>, vector<1x1x16xf32>,
        %parallel_loop3A_685 = arith.index_cast %parallel_loop3A_343 : i32 to index
        %parallel_loop3A_686 = arith.constant 496 : index
        %parallel_loop3A_687 = tpu.vector_load %arg8[%parallel_loop3A_685, %parallel_loop3A_686] {strides = array<i32>} : memref<32x768xf32, #tpu.memory_space<vmem>>, vector<1x16xf32>,
        %parallel_loop3A_688 = vector.shape_cast %parallel_loop3A_687 : vector<1x16xf32> to vector<16xf32>
        %parallel_loop3A_689 = arith.constant 0 : i32
        %parallel_loop3A_690 = arith.index_cast %parallel_loop3A_689 : i32 to index
        %parallel_loop3A_691 = arith.index_cast %parallel_loop3A_343 : i32 to index
        %parallel_loop3A_692 = arith.constant 496 : index
        %parallel_loop3A_693 = tpu.vector_load %arg7[%parallel_loop3A_690, %parallel_loop3A_691, %parallel_loop3A_692] {strides = array<i32>} : memref<4x32x768xf32, #tpu.memory_space<vmem>>, vector<1x1x16xf32>,
        %parallel_loop3A_694 = vector.shape_cast %parallel_loop3A_693 : vector<1x1x16xf32> to vector<16xf32>
        %parallel_loop3A_695 = vector.shape_cast %parallel_loop3A_688 : vector<16xf32> to vector<1x1x16xf32>
        tpu.vector_store %arg7[%parallel_loop3A_690, %parallel_loop3A_691, %parallel_loop3A_692], %parallel_loop3A_695 {add = true, strides = array<i32>} : memref<4x32x768xf32, #tpu.memory_space<vmem>>, vector<1x1x16xf32>,
        %parallel_loop3A_696 = arith.index_cast %parallel_loop3A_343 : i32 to index
        %parallel_loop3A_697 = arith.constant 512 : index
        %parallel_loop3A_698 = tpu.vector_load %arg8[%parallel_loop3A_696, %parallel_loop3A_697] {strides = array<i32>} : memref<32x768xf32, #tpu.memory_space<vmem>>, vector<1x16xf32>,
        %parallel_loop3A_699 = vector.shape_cast %parallel_loop3A_698 : vector<1x16xf32> to vector<16xf32>
        %parallel_loop3A_700 = arith.constant 0 : i32
        %parallel_loop3A_701 = arith.index_cast %parallel_loop3A_700 : i32 to index
        %parallel_loop3A_702 = arith.index_cast %parallel_loop3A_343 : i32 to index
        %parallel_loop3A_703 = arith.constant 512 : index
        %parallel_loop3A_704 = tpu.vector_load %arg7[%parallel_loop3A_701, %parallel_loop3A_702, %parallel_loop3A_703] {strides = array<i32>} : memref<4x32x768xf32, #tpu.memory_space<vmem>>, vector<1x1x16xf32>,
        %parallel_loop3A_705 = vector.shape_cast %parallel_loop3A_704 : vector<1x1x16xf32> to vector<16xf32>
        %parallel_loop3A_706 = vector.shape_cast %parallel_loop3A_699 : vector<16xf32> to vector<1x1x16xf32>
        tpu.vector_store %arg7[%parallel_loop3A_701, %parallel_loop3A_702, %parallel_loop3A_703], %parallel_loop3A_706 {add = true, strides = array<i32>} : memref<4x32x768xf32, #tpu.memory_space<vmem>>, vector<1x1x16xf32>,
        %parallel_loop3A_707 = arith.index_cast %parallel_loop3A_343 : i32 to index
        %parallel_loop3A_708 = arith.constant 528 : index
        %parallel_loop3A_709 = tpu.vector_load %arg8[%parallel_loop3A_707, %parallel_loop3A_708] {strides = array<i32>} : memref<32x768xf32, #tpu.memory_space<vmem>>, vector<1x16xf32>,
        %parallel_loop3A_710 = vector.shape_cast %parallel_loop3A_709 : vector<1x16xf32> to vector<16xf32>
        %parallel_loop3A_711 = arith.constant 0 : i32
        %parallel_loop3A_712 = arith.index_cast %parallel_loop3A_711 : i32 to index
        %parallel_loop3A_713 = arith.index_cast %parallel_loop3A_343 : i32 to index
        %parallel_loop3A_714 = arith.constant 528 : index
        %parallel_loop3A_715 = tpu.vector_load %arg7[%parallel_loop3A_712, %parallel_loop3A_713, %parallel_loop3A_714] {strides = array<i32>} : memref<4x32x768xf32, #tpu.memory_space<vmem>>, vector<1x1x16xf32>,
        %parallel_loop3A_716 = vector.shape_cast %parallel_loop3A_715 : vector<1x1x16xf32> to vector<16xf32>
        %parallel_loop3A_717 = vector.shape_cast %parallel_loop3A_710 : vector<16xf32> to vector<1x1x16xf32>
        tpu.vector_store %arg7[%parallel_loop3A_712, %parallel_loop3A_713, %parallel_loop3A_714], %parallel_loop3A_717 {add = true, strides = array<i32>} : memref<4x32x768xf32, #tpu.memory_space<vmem>>, vector<1x1x16xf32>,
        %parallel_loop3A_718 = arith.index_cast %parallel_loop3A_343 : i32 to index
        %parallel_loop3A_719 = arith.constant 544 : index
        %parallel_loop3A_720 = tpu.vector_load %arg8[%parallel_loop3A_718, %parallel_loop3A_719] {strides = array<i32>} : memref<32x768xf32, #tpu.memory_space<vmem>>, vector<1x16xf32>,
        %parallel_loop3A_721 = vector.shape_cast %parallel_loop3A_720 : vector<1x16xf32> to vector<16xf32>
        %parallel_loop3A_722 = arith.constant 0 : i32
        %parallel_loop3A_723 = arith.index_cast %parallel_loop3A_722 : i32 to index
        %parallel_loop3A_724 = arith.index_cast %parallel_loop3A_343 : i32 to index
        %parallel_loop3A_725 = arith.constant 544 : index
        %parallel_loop3A_726 = tpu.vector_load %arg7[%parallel_loop3A_723, %parallel_loop3A_724, %parallel_loop3A_725] {strides = array<i32>} : memref<4x32x768xf32, #tpu.memory_space<vmem>>, vector<1x1x16xf32>,
        %parallel_loop3A_727 = vector.shape_cast %parallel_loop3A_726 : vector<1x1x16xf32> to vector<16xf32>
        %parallel_loop3A_728 = vector.shape_cast %parallel_loop3A_721 : vector<16xf32> to vector<1x1x16xf32>
        tpu.vector_store %arg7[%parallel_loop3A_723, %parallel_loop3A_724, %parallel_loop3A_725], %parallel_loop3A_728 {add = true, strides = array<i32>} : memref<4x32x768xf32, #tpu.memory_space<vmem>>, vector<1x1x16xf32>,
        %parallel_loop3A_729 = arith.index_cast %parallel_loop3A_343 : i32 to index
        %parallel_loop3A_730 = arith.constant 560 : index
        %parallel_loop3A_731 = tpu.vector_load %arg8[%parallel_loop3A_729, %parallel_loop3A_730] {strides = array<i32>} : memref<32x768xf32, #tpu.memory_space<vmem>>, vector<1x16xf32>,
        %parallel_loop3A_732 = vector.shape_cast %parallel_loop3A_731 : vector<1x16xf32> to vector<16xf32>
        %parallel_loop3A_733 = arith.constant 0 : i32
        %parallel_loop3A_734 = arith.index_cast %parallel_loop3A_733 : i32 to index
        %parallel_loop3A_735 = arith.index_cast %parallel_loop3A_343 : i32 to index
        %parallel_loop3A_736 = arith.constant 560 : index
        %parallel_loop3A_737 = tpu.vector_load %arg7[%parallel_loop3A_734, %parallel_loop3A_735, %parallel_loop3A_736] {strides = array<i32>} : memref<4x32x768xf32, #tpu.memory_space<vmem>>, vector<1x1x16xf32>,
        %parallel_loop3A_738 = vector.shape_cast %parallel_loop3A_737 : vector<1x1x16xf32> to vector<16xf32>
        %parallel_loop3A_739 = vector.shape_cast %parallel_loop3A_732 : vector<16xf32> to vector<1x1x16xf32>
        tpu.vector_store %arg7[%parallel_loop3A_734, %parallel_loop3A_735, %parallel_loop3A_736], %parallel_loop3A_739 {add = true, strides = array<i32>} : memref<4x32x768xf32, #tpu.memory_space<vmem>>, vector<1x1x16xf32>,
        %parallel_loop3A_740 = arith.index_cast %parallel_loop3A_343 : i32 to index
        %parallel_loop3A_741 = arith.constant 576 : index
        %parallel_loop3A_742 = tpu.vector_load %arg8[%parallel_loop3A_740, %parallel_loop3A_741] {strides = array<i32>} : memref<32x768xf32, #tpu.memory_space<vmem>>, vector<1x16xf32>,
        %parallel_loop3A_743 = vector.shape_cast %parallel_loop3A_742 : vector<1x16xf32> to vector<16xf32>
        %parallel_loop3A_744 = arith.constant 0 : i32
        %parallel_loop3A_745 = arith.index_cast %parallel_loop3A_744 : i32 to index
        %parallel_loop3A_746 = arith.index_cast %parallel_loop3A_343 : i32 to index
        %parallel_loop3A_747 = arith.constant 576 : index
        %parallel_loop3A_748 = tpu.vector_load %arg7[%parallel_loop3A_745, %parallel_loop3A_746, %parallel_loop3A_747] {strides = array<i32>} : memref<4x32x768xf32, #tpu.memory_space<vmem>>, vector<1x1x16xf32>,
        %parallel_loop3A_749 = vector.shape_cast %parallel_loop3A_748 : vector<1x1x16xf32> to vector<16xf32>
        %parallel_loop3A_750 = vector.shape_cast %parallel_loop3A_743 : vector<16xf32> to vector<1x1x16xf32>
        tpu.vector_store %arg7[%parallel_loop3A_745, %parallel_loop3A_746, %parallel_loop3A_747], %parallel_loop3A_750 {add = true, strides = array<i32>} : memref<4x32x768xf32, #tpu.memory_space<vmem>>, vector<1x1x16xf32>,
        %parallel_loop3A_751 = arith.index_cast %parallel_loop3A_343 : i32 to index
        %parallel_loop3A_752 = arith.constant 592 : index
        %parallel_loop3A_753 = tpu.vector_load %arg8[%parallel_loop3A_751, %parallel_loop3A_752] {strides = array<i32>} : memref<32x768xf32, #tpu.memory_space<vmem>>, vector<1x16xf32>,
        %parallel_loop3A_754 = vector.shape_cast %parallel_loop3A_753 : vector<1x16xf32> to vector<16xf32>
        %parallel_loop3A_755 = arith.constant 0 : i32
        %parallel_loop3A_756 = arith.index_cast %parallel_loop3A_755 : i32 to index
        %parallel_loop3A_757 = arith.index_cast %parallel_loop3A_343 : i32 to index
        %parallel_loop3A_758 = arith.constant 592 : index
        %parallel_loop3A_759 = tpu.vector_load %arg7[%parallel_loop3A_756, %parallel_loop3A_757, %parallel_loop3A_758] {strides = array<i32>} : memref<4x32x768xf32, #tpu.memory_space<vmem>>, vector<1x1x16xf32>,
        %parallel_loop3A_760 = vector.shape_cast %parallel_loop3A_759 : vector<1x1x16xf32> to vector<16xf32>
        %parallel_loop3A_761 = vector.shape_cast %parallel_loop3A_754 : vector<16xf32> to vector<1x1x16xf32>
        tpu.vector_store %arg7[%parallel_loop3A_756, %parallel_loop3A_757, %parallel_loop3A_758], %parallel_loop3A_761 {add = true, strides = array<i32>} : memref<4x32x768xf32, #tpu.memory_space<vmem>>, vector<1x1x16xf32>,
        %parallel_loop3A_762 = arith.index_cast %parallel_loop3A_343 : i32 to index
        %parallel_loop3A_763 = arith.constant 608 : index
        %parallel_loop3A_764 = tpu.vector_load %arg8[%parallel_loop3A_762, %parallel_loop3A_763] {strides = array<i32>} : memref<32x768xf32, #tpu.memory_space<vmem>>, vector<1x16xf32>,
        %parallel_loop3A_765 = vector.shape_cast %parallel_loop3A_764 : vector<1x16xf32> to vector<16xf32>
        %parallel_loop3A_766 = arith.constant 0 : i32
        %parallel_loop3A_767 = arith.index_cast %parallel_loop3A_766 : i32 to index
        %parallel_loop3A_768 = arith.index_cast %parallel_loop3A_343 : i32 to index
        %parallel_loop3A_769 = arith.constant 608 : index
        %parallel_loop3A_770 = tpu.vector_load %arg7[%parallel_loop3A_767, %parallel_loop3A_768, %parallel_loop3A_769] {strides = array<i32>} : memref<4x32x768xf32, #tpu.memory_space<vmem>>, vector<1x1x16xf32>,
        %parallel_loop3A_771 = vector.shape_cast %parallel_loop3A_770 : vector<1x1x16xf32> to vector<16xf32>
        %parallel_loop3A_772 = vector.shape_cast %parallel_loop3A_765 : vector<16xf32> to vector<1x1x16xf32>
        tpu.vector_store %arg7[%parallel_loop3A_767, %parallel_loop3A_768, %parallel_loop3A_769], %parallel_loop3A_772 {add = true, strides = array<i32>} : memref<4x32x768xf32, #tpu.memory_space<vmem>>, vector<1x1x16xf32>,
        %parallel_loop3A_773 = arith.index_cast %parallel_loop3A_343 : i32 to index
        %parallel_loop3A_774 = arith.constant 624 : index
        %parallel_loop3A_775 = tpu.vector_load %arg8[%parallel_loop3A_773, %parallel_loop3A_774] {strides = array<i32>} : memref<32x768xf32, #tpu.memory_space<vmem>>, vector<1x16xf32>,
        %parallel_loop3A_776 = vector.shape_cast %parallel_loop3A_775 : vector<1x16xf32> to vector<16xf32>
        %parallel_loop3A_777 = arith.constant 0 : i32
        %parallel_loop3A_778 = arith.index_cast %parallel_loop3A_777 : i32 to index
        %parallel_loop3A_779 = arith.index_cast %parallel_loop3A_343 : i32 to index
        %parallel_loop3A_780 = arith.constant 624 : index
        %parallel_loop3A_781 = tpu.vector_load %arg7[%parallel_loop3A_778, %parallel_loop3A_779, %parallel_loop3A_780] {strides = array<i32>} : memref<4x32x768xf32, #tpu.memory_space<vmem>>, vector<1x1x16xf32>,
        %parallel_loop3A_782 = vector.shape_cast %parallel_loop3A_781 : vector<1x1x16xf32> to vector<16xf32>
        %parallel_loop3A_783 = vector.shape_cast %parallel_loop3A_776 : vector<16xf32> to vector<1x1x16xf32>
        tpu.vector_store %arg7[%parallel_loop3A_778, %parallel_loop3A_779, %parallel_loop3A_780], %parallel_loop3A_783 {add = true, strides = array<i32>} : memref<4x32x768xf32, #tpu.memory_space<vmem>>, vector<1x1x16xf32>,
        %parallel_loop3A_784 = arith.index_cast %parallel_loop3A_343 : i32 to index
        %parallel_loop3A_785 = arith.constant 640 : index
        %parallel_loop3A_786 = tpu.vector_load %arg8[%parallel_loop3A_784, %parallel_loop3A_785] {strides = array<i32>} : memref<32x768xf32, #tpu.memory_space<vmem>>, vector<1x16xf32>,
        %parallel_loop3A_787 = vector.shape_cast %parallel_loop3A_786 : vector<1x16xf32> to vector<16xf32>
        %parallel_loop3A_788 = arith.constant 0 : i32
        %parallel_loop3A_789 = arith.index_cast %parallel_loop3A_788 : i32 to index
        %parallel_loop3A_790 = arith.index_cast %parallel_loop3A_343 : i32 to index
        %parallel_loop3A_791 = arith.constant 640 : index
        %parallel_loop3A_792 = tpu.vector_load %arg7[%parallel_loop3A_789, %parallel_loop3A_790, %parallel_loop3A_791] {strides = array<i32>} : memref<4x32x768xf32, #tpu.memory_space<vmem>>, vector<1x1x16xf32>,
        %parallel_loop3A_793 = vector.shape_cast %parallel_loop3A_792 : vector<1x1x16xf32> to vector<16xf32>
        %parallel_loop3A_794 = vector.shape_cast %parallel_loop3A_787 : vector<16xf32> to vector<1x1x16xf32>
        tpu.vector_store %arg7[%parallel_loop3A_789, %parallel_loop3A_790, %parallel_loop3A_791], %parallel_loop3A_794 {add = true, strides = array<i32>} : memref<4x32x768xf32, #tpu.memory_space<vmem>>, vector<1x1x16xf32>,
        %parallel_loop3A_795 = arith.index_cast %parallel_loop3A_343 : i32 to index
        %parallel_loop3A_796 = arith.constant 656 : index
        %parallel_loop3A_797 = tpu.vector_load %arg8[%parallel_loop3A_795, %parallel_loop3A_796] {strides = array<i32>} : memref<32x768xf32, #tpu.memory_space<vmem>>, vector<1x16xf32>,
        %parallel_loop3A_798 = vector.shape_cast %parallel_loop3A_797 : vector<1x16xf32> to vector<16xf32>
        %parallel_loop3A_799 = arith.constant 0 : i32
        %parallel_loop3A_800 = arith.index_cast %parallel_loop3A_799 : i32 to index
        %parallel_loop3A_801 = arith.index_cast %parallel_loop3A_343 : i32 to index
        %parallel_loop3A_802 = arith.constant 656 : index
        %parallel_loop3A_803 = tpu.vector_load %arg7[%parallel_loop3A_800, %parallel_loop3A_801, %parallel_loop3A_802] {strides = array<i32>} : memref<4x32x768xf32, #tpu.memory_space<vmem>>, vector<1x1x16xf32>,
        %parallel_loop3A_804 = vector.shape_cast %parallel_loop3A_803 : vector<1x1x16xf32> to vector<16xf32>
        %parallel_loop3A_805 = vector.shape_cast %parallel_loop3A_798 : vector<16xf32> to vector<1x1x16xf32>
        tpu.vector_store %arg7[%parallel_loop3A_800, %parallel_loop3A_801, %parallel_loop3A_802], %parallel_loop3A_805 {add = true, strides = array<i32>} : memref<4x32x768xf32, #tpu.memory_space<vmem>>, vector<1x1x16xf32>,
        %parallel_loop3A_806 = arith.index_cast %parallel_loop3A_343 : i32 to index
        %parallel_loop3A_807 = arith.constant 672 : index
        %parallel_loop3A_808 = tpu.vector_load %arg8[%parallel_loop3A_806, %parallel_loop3A_807] {strides = array<i32>} : memref<32x768xf32, #tpu.memory_space<vmem>>, vector<1x16xf32>,
        %parallel_loop3A_809 = vector.shape_cast %parallel_loop3A_808 : vector<1x16xf32> to vector<16xf32>
        %parallel_loop3A_810 = arith.constant 0 : i32
        %parallel_loop3A_811 = arith.index_cast %parallel_loop3A_810 : i32 to index
        %parallel_loop3A_812 = arith.index_cast %parallel_loop3A_343 : i32 to index
        %parallel_loop3A_813 = arith.constant 672 : index
        %parallel_loop3A_814 = tpu.vector_load %arg7[%parallel_loop3A_811, %parallel_loop3A_812, %parallel_loop3A_813] {strides = array<i32>} : memref<4x32x768xf32, #tpu.memory_space<vmem>>, vector<1x1x16xf32>,
        %parallel_loop3A_815 = vector.shape_cast %parallel_loop3A_814 : vector<1x1x16xf32> to vector<16xf32>
        %parallel_loop3A_816 = vector.shape_cast %parallel_loop3A_809 : vector<16xf32> to vector<1x1x16xf32>
        tpu.vector_store %arg7[%parallel_loop3A_811, %parallel_loop3A_812, %parallel_loop3A_813], %parallel_loop3A_816 {add = true, strides = array<i32>} : memref<4x32x768xf32, #tpu.memory_space<vmem>>, vector<1x1x16xf32>,
        %parallel_loop3A_817 = arith.index_cast %parallel_loop3A_343 : i32 to index
        %parallel_loop3A_818 = arith.constant 688 : index
        %parallel_loop3A_819 = tpu.vector_load %arg8[%parallel_loop3A_817, %parallel_loop3A_818] {strides = array<i32>} : memref<32x768xf32, #tpu.memory_space<vmem>>, vector<1x16xf32>,
        %parallel_loop3A_820 = vector.shape_cast %parallel_loop3A_819 : vector<1x16xf32> to vector<16xf32>
        %parallel_loop3A_821 = arith.constant 0 : i32
        %parallel_loop3A_822 = arith.index_cast %parallel_loop3A_821 : i32 to index
        %parallel_loop3A_823 = arith.index_cast %parallel_loop3A_343 : i32 to index
        %parallel_loop3A_824 = arith.constant 688 : index
        %parallel_loop3A_825 = tpu.vector_load %arg7[%parallel_loop3A_822, %parallel_loop3A_823, %parallel_loop3A_824] {strides = array<i32>} : memref<4x32x768xf32, #tpu.memory_space<vmem>>, vector<1x1x16xf32>,
        %parallel_loop3A_826 = vector.shape_cast %parallel_loop3A_825 : vector<1x1x16xf32> to vector<16xf32>
        %parallel_loop3A_827 = vector.shape_cast %parallel_loop3A_820 : vector<16xf32> to vector<1x1x16xf32>
        tpu.vector_store %arg7[%parallel_loop3A_822, %parallel_loop3A_823, %parallel_loop3A_824], %parallel_loop3A_827 {add = true, strides = array<i32>} : memref<4x32x768xf32, #tpu.memory_space<vmem>>, vector<1x1x16xf32>,
        %parallel_loop3A_828 = arith.index_cast %parallel_loop3A_343 : i32 to index
        %parallel_loop3A_829 = arith.constant 704 : index
        %parallel_loop3A_830 = tpu.vector_load %arg8[%parallel_loop3A_828, %parallel_loop3A_829] {strides = array<i32>} : memref<32x768xf32, #tpu.memory_space<vmem>>, vector<1x16xf32>,
        %parallel_loop3A_831 = vector.shape_cast %parallel_loop3A_830 : vector<1x16xf32> to vector<16xf32>
        %parallel_loop3A_832 = arith.constant 0 : i32
        %parallel_loop3A_833 = arith.index_cast %parallel_loop3A_832 : i32 to index
        %parallel_loop3A_834 = arith.index_cast %parallel_loop3A_343 : i32 to index
        %parallel_loop3A_835 = arith.constant 704 : index
        %parallel_loop3A_836 = tpu.vector_load %arg7[%parallel_loop3A_833, %parallel_loop3A_834, %parallel_loop3A_835] {strides = array<i32>} : memref<4x32x768xf32, #tpu.memory_space<vmem>>, vector<1x1x16xf32>,
        %parallel_loop3A_837 = vector.shape_cast %parallel_loop3A_836 : vector<1x1x16xf32> to vector<16xf32>
        %parallel_loop3A_838 = vector.shape_cast %parallel_loop3A_831 : vector<16xf32> to vector<1x1x16xf32>
        tpu.vector_store %arg7[%parallel_loop3A_833, %parallel_loop3A_834, %parallel_loop3A_835], %parallel_loop3A_838 {add = true, strides = array<i32>} : memref<4x32x768xf32, #tpu.memory_space<vmem>>, vector<1x1x16xf32>,
        %parallel_loop3A_839 = arith.index_cast %parallel_loop3A_343 : i32 to index
        %parallel_loop3A_840 = arith.constant 720 : index
        %parallel_loop3A_841 = tpu.vector_load %arg8[%parallel_loop3A_839, %parallel_loop3A_840] {strides = array<i32>} : memref<32x768xf32, #tpu.memory_space<vmem>>, vector<1x16xf32>,
        %parallel_loop3A_842 = vector.shape_cast %parallel_loop3A_841 : vector<1x16xf32> to vector<16xf32>
        %parallel_loop3A_843 = arith.constant 0 : i32
        %parallel_loop3A_844 = arith.index_cast %parallel_loop3A_843 : i32 to index
        %parallel_loop3A_845 = arith.index_cast %parallel_loop3A_343 : i32 to index
        %parallel_loop3A_846 = arith.constant 720 : index
        %parallel_loop3A_847 = tpu.vector_load %arg7[%parallel_loop3A_844, %parallel_loop3A_845, %parallel_loop3A_846] {strides = array<i32>} : memref<4x32x768xf32, #tpu.memory_space<vmem>>, vector<1x1x16xf32>,
        %parallel_loop3A_848 = vector.shape_cast %parallel_loop3A_847 : vector<1x1x16xf32> to vector<16xf32>
        %parallel_loop3A_849 = vector.shape_cast %parallel_loop3A_842 : vector<16xf32> to vector<1x1x16xf32>
        tpu.vector_store %arg7[%parallel_loop3A_844, %parallel_loop3A_845, %parallel_loop3A_846], %parallel_loop3A_849 {add = true, strides = array<i32>} : memref<4x32x768xf32, #tpu.memory_space<vmem>>, vector<1x1x16xf32>,
        %parallel_loop3A_850 = arith.index_cast %parallel_loop3A_343 : i32 to index
        %parallel_loop3A_851 = arith.constant 736 : index
        %parallel_loop3A_852 = tpu.vector_load %arg8[%parallel_loop3A_850, %parallel_loop3A_851] {strides = array<i32>} : memref<32x768xf32, #tpu.memory_space<vmem>>, vector<1x16xf32>,
        %parallel_loop3A_853 = vector.shape_cast %parallel_loop3A_852 : vector<1x16xf32> to vector<16xf32>
        %parallel_loop3A_854 = arith.constant 0 : i32
        %parallel_loop3A_855 = arith.index_cast %parallel_loop3A_854 : i32 to index
        %parallel_loop3A_856 = arith.index_cast %parallel_loop3A_343 : i32 to index
        %parallel_loop3A_857 = arith.constant 736 : index
        %parallel_loop3A_858 = tpu.vector_load %arg7[%parallel_loop3A_855, %parallel_loop3A_856, %parallel_loop3A_857] {strides = array<i32>} : memref<4x32x768xf32, #tpu.memory_space<vmem>>, vector<1x1x16xf32>,
        %parallel_loop3A_859 = vector.shape_cast %parallel_loop3A_858 : vector<1x1x16xf32> to vector<16xf32>
        %parallel_loop3A_860 = vector.shape_cast %parallel_loop3A_853 : vector<16xf32> to vector<1x1x16xf32>
        tpu.vector_store %arg7[%parallel_loop3A_855, %parallel_loop3A_856, %parallel_loop3A_857], %parallel_loop3A_860 {add = true, strides = array<i32>} : memref<4x32x768xf32, #tpu.memory_space<vmem>>, vector<1x1x16xf32>,
        %parallel_loop3A_861 = arith.index_cast %parallel_loop3A_343 : i32 to index
        %parallel_loop3A_862 = arith.constant 752 : index
        %parallel_loop3A_863 = tpu.vector_load %arg8[%parallel_loop3A_861, %parallel_loop3A_862] {strides = array<i32>} : memref<32x768xf32, #tpu.memory_space<vmem>>, vector<1x16xf32>,
        %parallel_loop3A_864 = vector.shape_cast %parallel_loop3A_863 : vector<1x16xf32> to vector<16xf32>
        %parallel_loop3A_865 = arith.constant 0 : i32
        %parallel_loop3A_866 = arith.index_cast %parallel_loop3A_865 : i32 to index
        %parallel_loop3A_867 = arith.index_cast %parallel_loop3A_343 : i32 to index
        %parallel_loop3A_868 = arith.constant 752 : index
        %parallel_loop3A_869 = tpu.vector_load %arg7[%parallel_loop3A_866, %parallel_loop3A_867, %parallel_loop3A_868] {strides = array<i32>} : memref<4x32x768xf32, #tpu.memory_space<vmem>>, vector<1x1x16xf32>,
        %parallel_loop3A_870 = vector.shape_cast %parallel_loop3A_869 : vector<1x1x16xf32> to vector<16xf32>
        %parallel_loop3A_871 = vector.shape_cast %parallel_loop3A_864 : vector<16xf32> to vector<1x1x16xf32>
        tpu.vector_store %arg7[%parallel_loop3A_866, %parallel_loop3A_867, %parallel_loop3A_868], %parallel_loop3A_871 {add = true, strides = array<i32>} : memref<4x32x768xf32, #tpu.memory_space<vmem>>, vector<1x1x16xf32>,
      } {sc.loop_unroll_factor = 2 : i64, sc.parallel_access}
      %mul3A_131 = arith.constant 64 : i32
      %mul3A_132 = arith.muli %add3A, %mul3A_131 : i32
      %mul3A_133 = arith.constant 32 : i32
      %mul3A_134 = arith.muli %scan3A_108, %mul3A_133 : i32
      %add3A_135 = arith.constant 0 : i32
      %add3A_136 = arith.addi %add3A_135, %mul3A_134 : i32
      %add3A_137 = arith.addi %mul3A_132, %add3A_136 : i32
      %dma_start3A_138 = arith.constant 0 : i32
      %dma_start3A_139 = arith.constant 0 : i32
      %dma_start3A_140 = arith.constant 0 : i32
      %dma_start3A_141 = tpu.memref_slice %arg7[%dma_start3A_138, %dma_start3A_139, %dma_start3A_140] : memref<4x32x768xf32, #tpu.memory_space<vmem>> -> memref<1x32x768xf32, #tpu.memory_space<vmem>>
      %dma_start3A_142 = tpu.memref_squeeze %dma_start3A_141 : memref<1x32x768xf32, #tpu.memory_space<vmem>> -> memref<32x768xf32, #tpu.memory_space<vmem>>
      %dma_start3A_143 = arith.constant 0 : i32
      %dma_start3A_144 = tpu.memref_slice %arg5[%add3A_137, %dma_start3A_143] : memref<8192x768xf32, #tpu.memory_space<hbm>> -> memref<32x768xf32, #tpu.memory_space<hbm>>
      %dma_start3A_145 = arith.constant 0 : i32
      %dma_start3A_146 = tpu.memref_slice %arg5[%add3A_137, %dma_start3A_145] : memref<8192x768xf32, #tpu.memory_space<hbm>> -> memref<32x768xf32, #tpu.memory_space<hbm>>
      %dma_start3A_147 = arith.constant 0 : i32
      %dma_start3A_148 = arith.constant 0 : i32
      %dma_start3A_149 = tpu.memref_slice %arg7[%dma_start3A_138, %dma_start3A_147, %dma_start3A_148] : memref<4x32x768xf32, #tpu.memory_space<vmem>> -> memref<1x32x768xf32, #tpu.memory_space<vmem>>
      %dma_start3A_150 = tpu.memref_squeeze %dma_start3A_149 : memref<1x32x768xf32, #tpu.memory_space<vmem>> -> memref<32x768xf32, #tpu.memory_space<vmem>>
      tpu.enqueue_dma source(%dma_start3A_150 : memref<32x768xf32, #tpu.memory_space<vmem>>) target(%dma_start3A_146 : memref<32x768xf32, #tpu.memory_space<hbm>>) target_semaphore(%arg13 : memref<!tpu.dma_semaphore, #tpu.memory_space<semaphore_mem>>)
      %ge3A = arith.constant 1 : i32
      %ge3A_151 = arith.cmpi sge, %add3A_117, %ge3A : i32
      %add3A_152 = arith.constant 4 : i32
      %add3A_153 = arith.addi %add3A_117, %add3A_152 : i32
      %sub3A = arith.constant 1 : i32
      %sub3A_154 = arith.subi %add3A_153, %sub3A : i32
      %lt3A = arith.constant 8 : i32
      %lt3A_155 = arith.cmpi slt, %sub3A_154, %lt3A : i32
      %and3A = arith.andi %ge3A_151, %lt3A_155 : i1
      %convert_element_type3A = arith.extui %and3A : i1 to i32
      %cond3A = arith.constant 0 : i32
      %cond3A_156 = arith.cmpi ne, %convert_element_type3A, %cond3A : i32
      scf.if %cond3A_156 {
        %sub3A_343 = arith.constant 1 : i32
        %sub3A_344 = arith.subi %add3A_117, %sub3A_343 : i32
        %mul3A_345 = arith.constant 64 : i32
        %mul3A_346 = arith.muli %add3A, %mul3A_345 : i32
        %add3A_347 = arith.constant 0 : i32
        %add3A_348 = arith.addi %mul3A_346, %add3A_347 : i32
        %dma_wait3A_349 = arith.constant 3 : i32
        %dma_wait3A_350 = arith.constant 0 : i32
        %dma_wait3A_351 = arith.constant 0 : i32
        %dma_wait3A_352 = tpu.memref_slice %arg7[%dma_wait3A_349, %dma_wait3A_350, %dma_wait3A_351] : memref<4x32x768xf32, #tpu.memory_space<vmem>> -> memref<1x32x768xf32, #tpu.memory_space<vmem>>
        %dma_wait3A_353 = tpu.memref_squeeze %dma_wait3A_352 : memref<1x32x768xf32, #tpu.memory_space<vmem>> -> memref<32x768xf32, #tpu.memory_space<vmem>>
        %dma_wait3A_354 = arith.constant 0 : i32
        %dma_wait3A_355 = tpu.memref_slice %arg5[%add3A_348, %dma_wait3A_354] : memref<8192x768xf32, #tpu.memory_space<hbm>> -> memref<32x768xf32, #tpu.memory_space<hbm>>
        %dma_wait3A_356 = arith.constant 0 : i32
        %dma_wait3A_357 = tpu.memref_slice %arg5[%add3A_348, %dma_wait3A_356] : memref<8192x768xf32, #tpu.memory_space<hbm>> -> memref<32x768xf32, #tpu.memory_space<hbm>>
        %dma_wait3A_358 = arith.constant 0 : i32
        %dma_wait3A_359 = arith.constant 0 : i32
        %dma_wait3A_360 = tpu.memref_slice %arg7[%dma_wait3A_349, %dma_wait3A_358, %dma_wait3A_359] : memref<4x32x768xf32, #tpu.memory_space<vmem>> -> memref<1x32x768xf32, #tpu.memory_space<vmem>>
        %dma_wait3A_361 = tpu.memref_squeeze %dma_wait3A_360 : memref<1x32x768xf32, #tpu.memory_space<vmem>> -> memref<32x768xf32, #tpu.memory_space<vmem>>
        tpu.wait_dma2 semaphore(%arg16 : memref<!tpu.dma_semaphore, #tpu.memory_space<semaphore_mem>>) src(%dma_wait3A_361 : memref<32x768xf32, #tpu.memory_space<vmem>>) dst(%dma_wait3A_357 : memref<32x768xf32, #tpu.memory_space<hbm>>)
      } else {
      }
      %add3A_157 = arith.constant 4 : i32
      %add3A_158 = arith.addi %add3A_117, %add3A_157 : i32
      %sub3A_159 = arith.constant 1 : i32
      %sub3A_160 = arith.subi %add3A_158, %sub3A_159 : i32
      %lt3A_161 = arith.constant 8 : i32
      %lt3A_162 = arith.cmpi slt, %sub3A_160, %lt3A_161 : i32
      %convert_element_type3A_163 = arith.extui %lt3A_162 : i1 to i32
      %cond3A_164 = arith.constant 0 : i32
      %cond3A_165 = arith.cmpi ne, %convert_element_type3A_163, %cond3A_164 : i32
      scf.if %cond3A_165 {
        %add3A_343 = arith.constant 4 : i32
        %add3A_344 = arith.addi %add3A_117, %add3A_343 : i32
        %sub3A_345 = arith.constant 1 : i32
        %sub3A_346 = arith.subi %add3A_344, %sub3A_345 : i32
        %dma_start3A_347 = arith.constant 3 : i32
        %dma_start3A_348 = arith.constant 0 : i32
        %dma_start3A_349 = arith.constant 0 : i32
        %dma_start3A_350 = tpu.memref_slice %arg7[%dma_start3A_347, %dma_start3A_348, %dma_start3A_349] : memref<4x32x768xf32, #tpu.memory_space<vmem>> -> memref<1x32x768xf32, #tpu.memory_space<vmem>>
        %dma_start3A_351 = tpu.memref_squeeze %dma_start3A_350 : memref<1x32x768xf32, #tpu.memory_space<vmem>> -> memref<32x768xf32, #tpu.memory_space<vmem>>
        %dma_start3A_352 = arith.constant 0 : i32
        %dma_start3A_353 = tpu.memref_slice %arg6[%sub3A_346, %dma_start3A_352] : memref<8x32xi32, #tpu.memory_space<vmem>> -> memref<1x32xi32, #tpu.memory_space<vmem>>
        %dma_start3A_354 = tpu.memref_squeeze %dma_start3A_353 : memref<1x32xi32, #tpu.memory_space<vmem>> -> memref<32xi32, #tpu.memory_space<vmem>>
        %dma_start3A_355 = arith.constant 0 : i32
        %dma_start3A_356 = arith.constant 0 : i32
        %dma_start3A_357 = tpu.memref_slice %arg3[%dma_start3A_355, %dma_start3A_356] : memref<100000x768xf32, #tpu.memory_space<hbm>> -> memref<100000x768xf32, #tpu.memory_space<hbm>>
        tpu.enqueue_indirect_dma source(%dma_start3A_357 : memref<100000x768xf32, #tpu.memory_space<hbm>>) target(%dma_start3A_351 : memref<32x768xf32, #tpu.memory_space<vmem>>) offsets(%dma_start3A_354 : memref<32xi32, #tpu.memory_space<vmem>>) semaphore(%arg12 : memref<!tpu.dma_semaphore, #tpu.memory_space<semaphore_mem>>)
      } else {
      }
      %mul3A_166 = arith.constant 4 : i32
      %mul3A_167 = arith.muli %scan3A_108, %mul3A_166 : i32
      %add3A_168 = arith.constant 1 : i32
      %add3A_169 = arith.addi %mul3A_167, %add3A_168 : i32
      %dma_wait3A_170 = arith.constant 1 : i32
      %dma_wait3A_171 = arith.constant 0 : i32
      %dma_wait3A_172 = arith.constant 0 : i32
      %dma_wait3A_173 = tpu.memref_slice %arg7[%dma_wait3A_170, %dma_wait3A_171, %dma_wait3A_172] : memref<4x32x768xf32, #tpu.memory_space<vmem>> -> memref<1x32x768xf32, #tpu.memory_space<vmem>>
      %dma_wait3A_174 = tpu.memref_squeeze %dma_wait3A_173 : memref<1x32x768xf32, #tpu.memory_space<vmem>> -> memref<32x768xf32, #tpu.memory_space<vmem>>
      %dma_wait3A_175 = arith.constant 0 : i32
      %dma_wait3A_176 = tpu.memref_slice %arg6[%add3A_169, %dma_wait3A_175] : memref<8x32xi32, #tpu.memory_space<vmem>> -> memref<1x32xi32, #tpu.memory_space<vmem>>
      %dma_wait3A_177 = tpu.memref_squeeze %dma_wait3A_176 : memref<1x32xi32, #tpu.memory_space<vmem>> -> memref<32xi32, #tpu.memory_space<vmem>>
      %dma_wait3A_178 = arith.constant 0 : i32
      %dma_wait3A_179 = arith.constant 0 : i32
      %dma_wait3A_180 = tpu.memref_slice %arg3[%dma_wait3A_178, %dma_wait3A_179] : memref<100000x768xf32, #tpu.memory_space<hbm>> -> memref<100000x768xf32, #tpu.memory_space<hbm>>
      tpu.wait_indirect_dma semaphore(%arg10 : memref<!tpu.dma_semaphore, #tpu.memory_space<semaphore_mem>>) src(%dma_wait3A_180 : memref<100000x768xf32, #tpu.memory_space<hbm>>) dst(%dma_wait3A_174 : memref<32x768xf32, #tpu.memory_space<vmem>>)
      %parallel_loop3A_181 = arith.constant 0 : i32
      %parallel_loop3A_182 = arith.constant 32 : i32
      %parallel_loop3A_183 = arith.constant 1 : i32
      scf.for %parallel_loop3A_343 = %parallel_loop3A_181 to %parallel_loop3A_182 step %parallel_loop3A_183  : i32 {
        %parallel_loop3A_344 = arith.index_cast %parallel_loop3A_343 : i32 to index
        %parallel_loop3A_345 = arith.constant 0 : index
        %parallel_loop3A_346 = tpu.vector_load %arg8[%parallel_loop3A_344, %parallel_loop3A_345] {strides = array<i32>} : memref<32x768xf32, #tpu.memory_space<vmem>>, vector<1x16xf32>,
        %parallel_loop3A_347 = vector.shape_cast %parallel_loop3A_346 : vector<1x16xf32> to vector<16xf32>
        %parallel_loop3A_348 = arith.constant 1 : i32
        %parallel_loop3A_349 = arith.index_cast %parallel_loop3A_348 : i32 to index
        %parallel_loop3A_350 = arith.index_cast %parallel_loop3A_343 : i32 to index
        %parallel_loop3A_351 = arith.constant 0 : index
        %parallel_loop3A_352 = tpu.vector_load %arg7[%parallel_loop3A_349, %parallel_loop3A_350, %parallel_loop3A_351] {strides = array<i32>} : memref<4x32x768xf32, #tpu.memory_space<vmem>>, vector<1x1x16xf32>,
        %parallel_loop3A_353 = vector.shape_cast %parallel_loop3A_352 : vector<1x1x16xf32> to vector<16xf32>
        %parallel_loop3A_354 = vector.shape_cast %parallel_loop3A_347 : vector<16xf32> to vector<1x1x16xf32>
        tpu.vector_store %arg7[%parallel_loop3A_349, %parallel_loop3A_350, %parallel_loop3A_351], %parallel_loop3A_354 {add = true, strides = array<i32>} : memref<4x32x768xf32, #tpu.memory_space<vmem>>, vector<1x1x16xf32>,
        %parallel_loop3A_355 = arith.index_cast %parallel_loop3A_343 : i32 to index
        %parallel_loop3A_356 = arith.constant 16 : index
        %parallel_loop3A_357 = tpu.vector_load %arg8[%parallel_loop3A_355, %parallel_loop3A_356] {strides = array<i32>} : memref<32x768xf32, #tpu.memory_space<vmem>>, vector<1x16xf32>,
        %parallel_loop3A_358 = vector.shape_cast %parallel_loop3A_357 : vector<1x16xf32> to vector<16xf32>
        %parallel_loop3A_359 = arith.constant 1 : i32
        %parallel_loop3A_360 = arith.index_cast %parallel_loop3A_359 : i32 to index
        %parallel_loop3A_361 = arith.index_cast %parallel_loop3A_343 : i32 to index
        %parallel_loop3A_362 = arith.constant 16 : index
        %parallel_loop3A_363 = tpu.vector_load %arg7[%parallel_loop3A_360, %parallel_loop3A_361, %parallel_loop3A_362] {strides = array<i32>} : memref<4x32x768xf32, #tpu.memory_space<vmem>>, vector<1x1x16xf32>,
        %parallel_loop3A_364 = vector.shape_cast %parallel_loop3A_363 : vector<1x1x16xf32> to vector<16xf32>
        %parallel_loop3A_365 = vector.shape_cast %parallel_loop3A_358 : vector<16xf32> to vector<1x1x16xf32>
        tpu.vector_store %arg7[%parallel_loop3A_360, %parallel_loop3A_361, %parallel_loop3A_362], %parallel_loop3A_365 {add = true, strides = array<i32>} : memref<4x32x768xf32, #tpu.memory_space<vmem>>, vector<1x1x16xf32>,
        %parallel_loop3A_366 = arith.index_cast %parallel_loop3A_343 : i32 to index
        %parallel_loop3A_367 = arith.constant 32 : index
        %parallel_loop3A_368 = tpu.vector_load %arg8[%parallel_loop3A_366, %parallel_loop3A_367] {strides = array<i32>} : memref<32x768xf32, #tpu.memory_space<vmem>>, vector<1x16xf32>,
        %parallel_loop3A_369 = vector.shape_cast %parallel_loop3A_368 : vector<1x16xf32> to vector<16xf32>
        %parallel_loop3A_370 = arith.constant 1 : i32
        %parallel_loop3A_371 = arith.index_cast %parallel_loop3A_370 : i32 to index
        %parallel_loop3A_372 = arith.index_cast %parallel_loop3A_343 : i32 to index
        %parallel_loop3A_373 = arith.constant 32 : index
        %parallel_loop3A_374 = tpu.vector_load %arg7[%parallel_loop3A_371, %parallel_loop3A_372, %parallel_loop3A_373] {strides = array<i32>} : memref<4x32x768xf32, #tpu.memory_space<vmem>>, vector<1x1x16xf32>,
        %parallel_loop3A_375 = vector.shape_cast %parallel_loop3A_374 : vector<1x1x16xf32> to vector<16xf32>
        %parallel_loop3A_376 = vector.shape_cast %parallel_loop3A_369 : vector<16xf32> to vector<1x1x16xf32>
        tpu.vector_store %arg7[%parallel_loop3A_371, %parallel_loop3A_372, %parallel_loop3A_373], %parallel_loop3A_376 {add = true, strides = array<i32>} : memref<4x32x768xf32, #tpu.memory_space<vmem>>, vector<1x1x16xf32>,
        %parallel_loop3A_377 = arith.index_cast %parallel_loop3A_343 : i32 to index
        %parallel_loop3A_378 = arith.constant 48 : index
        %parallel_loop3A_379 = tpu.vector_load %arg8[%parallel_loop3A_377, %parallel_loop3A_378] {strides = array<i32>} : memref<32x768xf32, #tpu.memory_space<vmem>>, vector<1x16xf32>,
        %parallel_loop3A_380 = vector.shape_cast %parallel_loop3A_379 : vector<1x16xf32> to vector<16xf32>
        %parallel_loop3A_381 = arith.constant 1 : i32
        %parallel_loop3A_382 = arith.index_cast %parallel_loop3A_381 : i32 to index
        %parallel_loop3A_383 = arith.index_cast %parallel_loop3A_343 : i32 to index
        %parallel_loop3A_384 = arith.constant 48 : index
        %parallel_loop3A_385 = tpu.vector_load %arg7[%parallel_loop3A_382, %parallel_loop3A_383, %parallel_loop3A_384] {strides = array<i32>} : memref<4x32x768xf32, #tpu.memory_space<vmem>>, vector<1x1x16xf32>,
        %parallel_loop3A_386 = vector.shape_cast %parallel_loop3A_385 : vector<1x1x16xf32> to vector<16xf32>
        %parallel_loop3A_387 = vector.shape_cast %parallel_loop3A_380 : vector<16xf32> to vector<1x1x16xf32>
        tpu.vector_store %arg7[%parallel_loop3A_382, %parallel_loop3A_383, %parallel_loop3A_384], %parallel_loop3A_387 {add = true, strides = array<i32>} : memref<4x32x768xf32, #tpu.memory_space<vmem>>, vector<1x1x16xf32>,
        %parallel_loop3A_388 = arith.index_cast %parallel_loop3A_343 : i32 to index
        %parallel_loop3A_389 = arith.constant 64 : index
        %parallel_loop3A_390 = tpu.vector_load %arg8[%parallel_loop3A_388, %parallel_loop3A_389] {strides = array<i32>} : memref<32x768xf32, #tpu.memory_space<vmem>>, vector<1x16xf32>,
        %parallel_loop3A_391 = vector.shape_cast %parallel_loop3A_390 : vector<1x16xf32> to vector<16xf32>
        %parallel_loop3A_392 = arith.constant 1 : i32
        %parallel_loop3A_393 = arith.index_cast %parallel_loop3A_392 : i32 to index
        %parallel_loop3A_394 = arith.index_cast %parallel_loop3A_343 : i32 to index
        %parallel_loop3A_395 = arith.constant 64 : index
        %parallel_loop3A_396 = tpu.vector_load %arg7[%parallel_loop3A_393, %parallel_loop3A_394, %parallel_loop3A_395] {strides = array<i32>} : memref<4x32x768xf32, #tpu.memory_space<vmem>>, vector<1x1x16xf32>,
        %parallel_loop3A_397 = vector.shape_cast %parallel_loop3A_396 : vector<1x1x16xf32> to vector<16xf32>
        %parallel_loop3A_398 = vector.shape_cast %parallel_loop3A_391 : vector<16xf32> to vector<1x1x16xf32>
        tpu.vector_store %arg7[%parallel_loop3A_393, %parallel_loop3A_394, %parallel_loop3A_395], %parallel_loop3A_398 {add = true, strides = array<i32>} : memref<4x32x768xf32, #tpu.memory_space<vmem>>, vector<1x1x16xf32>,
        %parallel_loop3A_399 = arith.index_cast %parallel_loop3A_343 : i32 to index
        %parallel_loop3A_400 = arith.constant 80 : index
        %parallel_loop3A_401 = tpu.vector_load %arg8[%parallel_loop3A_399, %parallel_loop3A_400] {strides = array<i32>} : memref<32x768xf32, #tpu.memory_space<vmem>>, vector<1x16xf32>,
        %parallel_loop3A_402 = vector.shape_cast %parallel_loop3A_401 : vector<1x16xf32> to vector<16xf32>
        %parallel_loop3A_403 = arith.constant 1 : i32
        %parallel_loop3A_404 = arith.index_cast %parallel_loop3A_403 : i32 to index
        %parallel_loop3A_405 = arith.index_cast %parallel_loop3A_343 : i32 to index
        %parallel_loop3A_406 = arith.constant 80 : index
        %parallel_loop3A_407 = tpu.vector_load %arg7[%parallel_loop3A_404, %parallel_loop3A_405, %parallel_loop3A_406] {strides = array<i32>} : memref<4x32x768xf32, #tpu.memory_space<vmem>>, vector<1x1x16xf32>,
        %parallel_loop3A_408 = vector.shape_cast %parallel_loop3A_407 : vector<1x1x16xf32> to vector<16xf32>
        %parallel_loop3A_409 = vector.shape_cast %parallel_loop3A_402 : vector<16xf32> to vector<1x1x16xf32>
        tpu.vector_store %arg7[%parallel_loop3A_404, %parallel_loop3A_405, %parallel_loop3A_406], %parallel_loop3A_409 {add = true, strides = array<i32>} : memref<4x32x768xf32, #tpu.memory_space<vmem>>, vector<1x1x16xf32>,
        %parallel_loop3A_410 = arith.index_cast %parallel_loop3A_343 : i32 to index
        %parallel_loop3A_411 = arith.constant 96 : index
        %parallel_loop3A_412 = tpu.vector_load %arg8[%parallel_loop3A_410, %parallel_loop3A_411] {strides = array<i32>} : memref<32x768xf32, #tpu.memory_space<vmem>>, vector<1x16xf32>,
        %parallel_loop3A_413 = vector.shape_cast %parallel_loop3A_412 : vector<1x16xf32> to vector<16xf32>
        %parallel_loop3A_414 = arith.constant 1 : i32
        %parallel_loop3A_415 = arith.index_cast %parallel_loop3A_414 : i32 to index
        %parallel_loop3A_416 = arith.index_cast %parallel_loop3A_343 : i32 to index
        %parallel_loop3A_417 = arith.constant 96 : index
        %parallel_loop3A_418 = tpu.vector_load %arg7[%parallel_loop3A_415, %parallel_loop3A_416, %parallel_loop3A_417] {strides = array<i32>} : memref<4x32x768xf32, #tpu.memory_space<vmem>>, vector<1x1x16xf32>,
        %parallel_loop3A_419 = vector.shape_cast %parallel_loop3A_418 : vector<1x1x16xf32> to vector<16xf32>
        %parallel_loop3A_420 = vector.shape_cast %parallel_loop3A_413 : vector<16xf32> to vector<1x1x16xf32>
        tpu.vector_store %arg7[%parallel_loop3A_415, %parallel_loop3A_416, %parallel_loop3A_417], %parallel_loop3A_420 {add = true, strides = array<i32>} : memref<4x32x768xf32, #tpu.memory_space<vmem>>, vector<1x1x16xf32>,
        %parallel_loop3A_421 = arith.index_cast %parallel_loop3A_343 : i32 to index
        %parallel_loop3A_422 = arith.constant 112 : index
        %parallel_loop3A_423 = tpu.vector_load %arg8[%parallel_loop3A_421, %parallel_loop3A_422] {strides = array<i32>} : memref<32x768xf32, #tpu.memory_space<vmem>>, vector<1x16xf32>,
        %parallel_loop3A_424 = vector.shape_cast %parallel_loop3A_423 : vector<1x16xf32> to vector<16xf32>
        %parallel_loop3A_425 = arith.constant 1 : i32
        %parallel_loop3A_426 = arith.index_cast %parallel_loop3A_425 : i32 to index
        %parallel_loop3A_427 = arith.index_cast %parallel_loop3A_343 : i32 to index
        %parallel_loop3A_428 = arith.constant 112 : index
        %parallel_loop3A_429 = tpu.vector_load %arg7[%parallel_loop3A_426, %parallel_loop3A_427, %parallel_loop3A_428] {strides = array<i32>} : memref<4x32x768xf32, #tpu.memory_space<vmem>>, vector<1x1x16xf32>,
        %parallel_loop3A_430 = vector.shape_cast %parallel_loop3A_429 : vector<1x1x16xf32> to vector<16xf32>
        %parallel_loop3A_431 = vector.shape_cast %parallel_loop3A_424 : vector<16xf32> to vector<1x1x16xf32>
        tpu.vector_store %arg7[%parallel_loop3A_426, %parallel_loop3A_427, %parallel_loop3A_428], %parallel_loop3A_431 {add = true, strides = array<i32>} : memref<4x32x768xf32, #tpu.memory_space<vmem>>, vector<1x1x16xf32>,
        %parallel_loop3A_432 = arith.index_cast %parallel_loop3A_343 : i32 to index
        %parallel_loop3A_433 = arith.constant 128 : index
        %parallel_loop3A_434 = tpu.vector_load %arg8[%parallel_loop3A_432, %parallel_loop3A_433] {strides = array<i32>} : memref<32x768xf32, #tpu.memory_space<vmem>>, vector<1x16xf32>,
        %parallel_loop3A_435 = vector.shape_cast %parallel_loop3A_434 : vector<1x16xf32> to vector<16xf32>
        %parallel_loop3A_436 = arith.constant 1 : i32
        %parallel_loop3A_437 = arith.index_cast %parallel_loop3A_436 : i32 to index
        %parallel_loop3A_438 = arith.index_cast %parallel_loop3A_343 : i32 to index
        %parallel_loop3A_439 = arith.constant 128 : index
        %parallel_loop3A_440 = tpu.vector_load %arg7[%parallel_loop3A_437, %parallel_loop3A_438, %parallel_loop3A_439] {strides = array<i32>} : memref<4x32x768xf32, #tpu.memory_space<vmem>>, vector<1x1x16xf32>,
        %parallel_loop3A_441 = vector.shape_cast %parallel_loop3A_440 : vector<1x1x16xf32> to vector<16xf32>
        %parallel_loop3A_442 = vector.shape_cast %parallel_loop3A_435 : vector<16xf32> to vector<1x1x16xf32>
        tpu.vector_store %arg7[%parallel_loop3A_437, %parallel_loop3A_438, %parallel_loop3A_439], %parallel_loop3A_442 {add = true, strides = array<i32>} : memref<4x32x768xf32, #tpu.memory_space<vmem>>, vector<1x1x16xf32>,
        %parallel_loop3A_443 = arith.index_cast %parallel_loop3A_343 : i32 to index
        %parallel_loop3A_444 = arith.constant 144 : index
        %parallel_loop3A_445 = tpu.vector_load %arg8[%parallel_loop3A_443, %parallel_loop3A_444] {strides = array<i32>} : memref<32x768xf32, #tpu.memory_space<vmem>>, vector<1x16xf32>,
        %parallel_loop3A_446 = vector.shape_cast %parallel_loop3A_445 : vector<1x16xf32> to vector<16xf32>
        %parallel_loop3A_447 = arith.constant 1 : i32
        %parallel_loop3A_448 = arith.index_cast %parallel_loop3A_447 : i32 to index
        %parallel_loop3A_449 = arith.index_cast %parallel_loop3A_343 : i32 to index
        %parallel_loop3A_450 = arith.constant 144 : index
        %parallel_loop3A_451 = tpu.vector_load %arg7[%parallel_loop3A_448, %parallel_loop3A_449, %parallel_loop3A_450] {strides = array<i32>} : memref<4x32x768xf32, #tpu.memory_space<vmem>>, vector<1x1x16xf32>,
        %parallel_loop3A_452 = vector.shape_cast %parallel_loop3A_451 : vector<1x1x16xf32> to vector<16xf32>
        %parallel_loop3A_453 = vector.shape_cast %parallel_loop3A_446 : vector<16xf32> to vector<1x1x16xf32>
        tpu.vector_store %arg7[%parallel_loop3A_448, %parallel_loop3A_449, %parallel_loop3A_450], %parallel_loop3A_453 {add = true, strides = array<i32>} : memref<4x32x768xf32, #tpu.memory_space<vmem>>, vector<1x1x16xf32>,
        %parallel_loop3A_454 = arith.index_cast %parallel_loop3A_343 : i32 to index
        %parallel_loop3A_455 = arith.constant 160 : index
        %parallel_loop3A_456 = tpu.vector_load %arg8[%parallel_loop3A_454, %parallel_loop3A_455] {strides = array<i32>} : memref<32x768xf32, #tpu.memory_space<vmem>>, vector<1x16xf32>,
        %parallel_loop3A_457 = vector.shape_cast %parallel_loop3A_456 : vector<1x16xf32> to vector<16xf32>
        %parallel_loop3A_458 = arith.constant 1 : i32
        %parallel_loop3A_459 = arith.index_cast %parallel_loop3A_458 : i32 to index
        %parallel_loop3A_460 = arith.index_cast %parallel_loop3A_343 : i32 to index
        %parallel_loop3A_461 = arith.constant 160 : index
        %parallel_loop3A_462 = tpu.vector_load %arg7[%parallel_loop3A_459, %parallel_loop3A_460, %parallel_loop3A_461] {strides = array<i32>} : memref<4x32x768xf32, #tpu.memory_space<vmem>>, vector<1x1x16xf32>,
        %parallel_loop3A_463 = vector.shape_cast %parallel_loop3A_462 : vector<1x1x16xf32> to vector<16xf32>
        %parallel_loop3A_464 = vector.shape_cast %parallel_loop3A_457 : vector<16xf32> to vector<1x1x16xf32>
        tpu.vector_store %arg7[%parallel_loop3A_459, %parallel_loop3A_460, %parallel_loop3A_461], %parallel_loop3A_464 {add = true, strides = array<i32>} : memref<4x32x768xf32, #tpu.memory_space<vmem>>, vector<1x1x16xf32>,
        %parallel_loop3A_465 = arith.index_cast %parallel_loop3A_343 : i32 to index
        %parallel_loop3A_466 = arith.constant 176 : index
        %parallel_loop3A_467 = tpu.vector_load %arg8[%parallel_loop3A_465, %parallel_loop3A_466] {strides = array<i32>} : memref<32x768xf32, #tpu.memory_space<vmem>>, vector<1x16xf32>,
        %parallel_loop3A_468 = vector.shape_cast %parallel_loop3A_467 : vector<1x16xf32> to vector<16xf32>
        %parallel_loop3A_469 = arith.constant 1 : i32
        %parallel_loop3A_470 = arith.index_cast %parallel_loop3A_469 : i32 to index
        %parallel_loop3A_471 = arith.index_cast %parallel_loop3A_343 : i32 to index
        %parallel_loop3A_472 = arith.constant 176 : index
        %parallel_loop3A_473 = tpu.vector_load %arg7[%parallel_loop3A_470, %parallel_loop3A_471, %parallel_loop3A_472] {strides = array<i32>} : memref<4x32x768xf32, #tpu.memory_space<vmem>>, vector<1x1x16xf32>,
        %parallel_loop3A_474 = vector.shape_cast %parallel_loop3A_473 : vector<1x1x16xf32> to vector<16xf32>
        %parallel_loop3A_475 = vector.shape_cast %parallel_loop3A_468 : vector<16xf32> to vector<1x1x16xf32>
        tpu.vector_store %arg7[%parallel_loop3A_470, %parallel_loop3A_471, %parallel_loop3A_472], %parallel_loop3A_475 {add = true, strides = array<i32>} : memref<4x32x768xf32, #tpu.memory_space<vmem>>, vector<1x1x16xf32>,
        %parallel_loop3A_476 = arith.index_cast %parallel_loop3A_343 : i32 to index
        %parallel_loop3A_477 = arith.constant 192 : index
        %parallel_loop3A_478 = tpu.vector_load %arg8[%parallel_loop3A_476, %parallel_loop3A_477] {strides = array<i32>} : memref<32x768xf32, #tpu.memory_space<vmem>>, vector<1x16xf32>,
        %parallel_loop3A_479 = vector.shape_cast %parallel_loop3A_478 : vector<1x16xf32> to vector<16xf32>
        %parallel_loop3A_480 = arith.constant 1 : i32
        %parallel_loop3A_481 = arith.index_cast %parallel_loop3A_480 : i32 to index
        %parallel_loop3A_482 = arith.index_cast %parallel_loop3A_343 : i32 to index
        %parallel_loop3A_483 = arith.constant 192 : index
        %parallel_loop3A_484 = tpu.vector_load %arg7[%parallel_loop3A_481, %parallel_loop3A_482, %parallel_loop3A_483] {strides = array<i32>} : memref<4x32x768xf32, #tpu.memory_space<vmem>>, vector<1x1x16xf32>,
        %parallel_loop3A_485 = vector.shape_cast %parallel_loop3A_484 : vector<1x1x16xf32> to vector<16xf32>
        %parallel_loop3A_486 = vector.shape_cast %parallel_loop3A_479 : vector<16xf32> to vector<1x1x16xf32>
        tpu.vector_store %arg7[%parallel_loop3A_481, %parallel_loop3A_482, %parallel_loop3A_483], %parallel_loop3A_486 {add = true, strides = array<i32>} : memref<4x32x768xf32, #tpu.memory_space<vmem>>, vector<1x1x16xf32>,
        %parallel_loop3A_487 = arith.index_cast %parallel_loop3A_343 : i32 to index
        %parallel_loop3A_488 = arith.constant 208 : index
        %parallel_loop3A_489 = tpu.vector_load %arg8[%parallel_loop3A_487, %parallel_loop3A_488] {strides = array<i32>} : memref<32x768xf32, #tpu.memory_space<vmem>>, vector<1x16xf32>,
        %parallel_loop3A_490 = vector.shape_cast %parallel_loop3A_489 : vector<1x16xf32> to vector<16xf32>
        %parallel_loop3A_491 = arith.constant 1 : i32
        %parallel_loop3A_492 = arith.index_cast %parallel_loop3A_491 : i32 to index
        %parallel_loop3A_493 = arith.index_cast %parallel_loop3A_343 : i32 to index
        %parallel_loop3A_494 = arith.constant 208 : index
        %parallel_loop3A_495 = tpu.vector_load %arg7[%parallel_loop3A_492, %parallel_loop3A_493, %parallel_loop3A_494] {strides = array<i32>} : memref<4x32x768xf32, #tpu.memory_space<vmem>>, vector<1x1x16xf32>,
        %parallel_loop3A_496 = vector.shape_cast %parallel_loop3A_495 : vector<1x1x16xf32> to vector<16xf32>
        %parallel_loop3A_497 = vector.shape_cast %parallel_loop3A_490 : vector<16xf32> to vector<1x1x16xf32>
        tpu.vector_store %arg7[%parallel_loop3A_492, %parallel_loop3A_493, %parallel_loop3A_494], %parallel_loop3A_497 {add = true, strides = array<i32>} : memref<4x32x768xf32, #tpu.memory_space<vmem>>, vector<1x1x16xf32>,
        %parallel_loop3A_498 = arith.index_cast %parallel_loop3A_343 : i32 to index
        %parallel_loop3A_499 = arith.constant 224 : index
        %parallel_loop3A_500 = tpu.vector_load %arg8[%parallel_loop3A_498, %parallel_loop3A_499] {strides = array<i32>} : memref<32x768xf32, #tpu.memory_space<vmem>>, vector<1x16xf32>,
        %parallel_loop3A_501 = vector.shape_cast %parallel_loop3A_500 : vector<1x16xf32> to vector<16xf32>
        %parallel_loop3A_502 = arith.constant 1 : i32
        %parallel_loop3A_503 = arith.index_cast %parallel_loop3A_502 : i32 to index
        %parallel_loop3A_504 = arith.index_cast %parallel_loop3A_343 : i32 to index
        %parallel_loop3A_505 = arith.constant 224 : index
        %parallel_loop3A_506 = tpu.vector_load %arg7[%parallel_loop3A_503, %parallel_loop3A_504, %parallel_loop3A_505] {strides = array<i32>} : memref<4x32x768xf32, #tpu.memory_space<vmem>>, vector<1x1x16xf32>,
        %parallel_loop3A_507 = vector.shape_cast %parallel_loop3A_506 : vector<1x1x16xf32> to vector<16xf32>
        %parallel_loop3A_508 = vector.shape_cast %parallel_loop3A_501 : vector<16xf32> to vector<1x1x16xf32>
        tpu.vector_store %arg7[%parallel_loop3A_503, %parallel_loop3A_504, %parallel_loop3A_505], %parallel_loop3A_508 {add = true, strides = array<i32>} : memref<4x32x768xf32, #tpu.memory_space<vmem>>, vector<1x1x16xf32>,
        %parallel_loop3A_509 = arith.index_cast %parallel_loop3A_343 : i32 to index
        %parallel_loop3A_510 = arith.constant 240 : index
        %parallel_loop3A_511 = tpu.vector_load %arg8[%parallel_loop3A_509, %parallel_loop3A_510] {strides = array<i32>} : memref<32x768xf32, #tpu.memory_space<vmem>>, vector<1x16xf32>,
        %parallel_loop3A_512 = vector.shape_cast %parallel_loop3A_511 : vector<1x16xf32> to vector<16xf32>
        %parallel_loop3A_513 = arith.constant 1 : i32
        %parallel_loop3A_514 = arith.index_cast %parallel_loop3A_513 : i32 to index
        %parallel_loop3A_515 = arith.index_cast %parallel_loop3A_343 : i32 to index
        %parallel_loop3A_516 = arith.constant 240 : index
        %parallel_loop3A_517 = tpu.vector_load %arg7[%parallel_loop3A_514, %parallel_loop3A_515, %parallel_loop3A_516] {strides = array<i32>} : memref<4x32x768xf32, #tpu.memory_space<vmem>>, vector<1x1x16xf32>,
        %parallel_loop3A_518 = vector.shape_cast %parallel_loop3A_517 : vector<1x1x16xf32> to vector<16xf32>
        %parallel_loop3A_519 = vector.shape_cast %parallel_loop3A_512 : vector<16xf32> to vector<1x1x16xf32>
        tpu.vector_store %arg7[%parallel_loop3A_514, %parallel_loop3A_515, %parallel_loop3A_516], %parallel_loop3A_519 {add = true, strides = array<i32>} : memref<4x32x768xf32, #tpu.memory_space<vmem>>, vector<1x1x16xf32>,
        %parallel_loop3A_520 = arith.index_cast %parallel_loop3A_343 : i32 to index
        %parallel_loop3A_521 = arith.constant 256 : index
        %parallel_loop3A_522 = tpu.vector_load %arg8[%parallel_loop3A_520, %parallel_loop3A_521] {strides = array<i32>} : memref<32x768xf32, #tpu.memory_space<vmem>>, vector<1x16xf32>,
        %parallel_loop3A_523 = vector.shape_cast %parallel_loop3A_522 : vector<1x16xf32> to vector<16xf32>
        %parallel_loop3A_524 = arith.constant 1 : i32
        %parallel_loop3A_525 = arith.index_cast %parallel_loop3A_524 : i32 to index
        %parallel_loop3A_526 = arith.index_cast %parallel_loop3A_343 : i32 to index
        %parallel_loop3A_527 = arith.constant 256 : index
        %parallel_loop3A_528 = tpu.vector_load %arg7[%parallel_loop3A_525, %parallel_loop3A_526, %parallel_loop3A_527] {strides = array<i32>} : memref<4x32x768xf32, #tpu.memory_space<vmem>>, vector<1x1x16xf32>,
        %parallel_loop3A_529 = vector.shape_cast %parallel_loop3A_528 : vector<1x1x16xf32> to vector<16xf32>
        %parallel_loop3A_530 = vector.shape_cast %parallel_loop3A_523 : vector<16xf32> to vector<1x1x16xf32>
        tpu.vector_store %arg7[%parallel_loop3A_525, %parallel_loop3A_526, %parallel_loop3A_527], %parallel_loop3A_530 {add = true, strides = array<i32>} : memref<4x32x768xf32, #tpu.memory_space<vmem>>, vector<1x1x16xf32>,
        %parallel_loop3A_531 = arith.index_cast %parallel_loop3A_343 : i32 to index
        %parallel_loop3A_532 = arith.constant 272 : index
        %parallel_loop3A_533 = tpu.vector_load %arg8[%parallel_loop3A_531, %parallel_loop3A_532] {strides = array<i32>} : memref<32x768xf32, #tpu.memory_space<vmem>>, vector<1x16xf32>,
        %parallel_loop3A_534 = vector.shape_cast %parallel_loop3A_533 : vector<1x16xf32> to vector<16xf32>
        %parallel_loop3A_535 = arith.constant 1 : i32
        %parallel_loop3A_536 = arith.index_cast %parallel_loop3A_535 : i32 to index
        %parallel_loop3A_537 = arith.index_cast %parallel_loop3A_343 : i32 to index
        %parallel_loop3A_538 = arith.constant 272 : index
        %parallel_loop3A_539 = tpu.vector_load %arg7[%parallel_loop3A_536, %parallel_loop3A_537, %parallel_loop3A_538] {strides = array<i32>} : memref<4x32x768xf32, #tpu.memory_space<vmem>>, vector<1x1x16xf32>,
        %parallel_loop3A_540 = vector.shape_cast %parallel_loop3A_539 : vector<1x1x16xf32> to vector<16xf32>
        %parallel_loop3A_541 = vector.shape_cast %parallel_loop3A_534 : vector<16xf32> to vector<1x1x16xf32>
        tpu.vector_store %arg7[%parallel_loop3A_536, %parallel_loop3A_537, %parallel_loop3A_538], %parallel_loop3A_541 {add = true, strides = array<i32>} : memref<4x32x768xf32, #tpu.memory_space<vmem>>, vector<1x1x16xf32>,
        %parallel_loop3A_542 = arith.index_cast %parallel_loop3A_343 : i32 to index
        %parallel_loop3A_543 = arith.constant 288 : index
        %parallel_loop3A_544 = tpu.vector_load %arg8[%parallel_loop3A_542, %parallel_loop3A_543] {strides = array<i32>} : memref<32x768xf32, #tpu.memory_space<vmem>>, vector<1x16xf32>,
        %parallel_loop3A_545 = vector.shape_cast %parallel_loop3A_544 : vector<1x16xf32> to vector<16xf32>
        %parallel_loop3A_546 = arith.constant 1 : i32
        %parallel_loop3A_547 = arith.index_cast %parallel_loop3A_546 : i32 to index
        %parallel_loop3A_548 = arith.index_cast %parallel_loop3A_343 : i32 to index
        %parallel_loop3A_549 = arith.constant 288 : index
        %parallel_loop3A_550 = tpu.vector_load %arg7[%parallel_loop3A_547, %parallel_loop3A_548, %parallel_loop3A_549] {strides = array<i32>} : memref<4x32x768xf32, #tpu.memory_space<vmem>>, vector<1x1x16xf32>,
        %parallel_loop3A_551 = vector.shape_cast %parallel_loop3A_550 : vector<1x1x16xf32> to vector<16xf32>
        %parallel_loop3A_552 = vector.shape_cast %parallel_loop3A_545 : vector<16xf32> to vector<1x1x16xf32>
        tpu.vector_store %arg7[%parallel_loop3A_547, %parallel_loop3A_548, %parallel_loop3A_549], %parallel_loop3A_552 {add = true, strides = array<i32>} : memref<4x32x768xf32, #tpu.memory_space<vmem>>, vector<1x1x16xf32>,
        %parallel_loop3A_553 = arith.index_cast %parallel_loop3A_343 : i32 to index
        %parallel_loop3A_554 = arith.constant 304 : index
        %parallel_loop3A_555 = tpu.vector_load %arg8[%parallel_loop3A_553, %parallel_loop3A_554] {strides = array<i32>} : memref<32x768xf32, #tpu.memory_space<vmem>>, vector<1x16xf32>,
        %parallel_loop3A_556 = vector.shape_cast %parallel_loop3A_555 : vector<1x16xf32> to vector<16xf32>
        %parallel_loop3A_557 = arith.constant 1 : i32
        %parallel_loop3A_558 = arith.index_cast %parallel_loop3A_557 : i32 to index
        %parallel_loop3A_559 = arith.index_cast %parallel_loop3A_343 : i32 to index
        %parallel_loop3A_560 = arith.constant 304 : index
        %parallel_loop3A_561 = tpu.vector_load %arg7[%parallel_loop3A_558, %parallel_loop3A_559, %parallel_loop3A_560] {strides = array<i32>} : memref<4x32x768xf32, #tpu.memory_space<vmem>>, vector<1x1x16xf32>,
        %parallel_loop3A_562 = vector.shape_cast %parallel_loop3A_561 : vector<1x1x16xf32> to vector<16xf32>
        %parallel_loop3A_563 = vector.shape_cast %parallel_loop3A_556 : vector<16xf32> to vector<1x1x16xf32>
        tpu.vector_store %arg7[%parallel_loop3A_558, %parallel_loop3A_559, %parallel_loop3A_560], %parallel_loop3A_563 {add = true, strides = array<i32>} : memref<4x32x768xf32, #tpu.memory_space<vmem>>, vector<1x1x16xf32>,
        %parallel_loop3A_564 = arith.index_cast %parallel_loop3A_343 : i32 to index
        %parallel_loop3A_565 = arith.constant 320 : index
        %parallel_loop3A_566 = tpu.vector_load %arg8[%parallel_loop3A_564, %parallel_loop3A_565] {strides = array<i32>} : memref<32x768xf32, #tpu.memory_space<vmem>>, vector<1x16xf32>,
        %parallel_loop3A_567 = vector.shape_cast %parallel_loop3A_566 : vector<1x16xf32> to vector<16xf32>
        %parallel_loop3A_568 = arith.constant 1 : i32
        %parallel_loop3A_569 = arith.index_cast %parallel_loop3A_568 : i32 to index
        %parallel_loop3A_570 = arith.index_cast %parallel_loop3A_343 : i32 to index
        %parallel_loop3A_571 = arith.constant 320 : index
        %parallel_loop3A_572 = tpu.vector_load %arg7[%parallel_loop3A_569, %parallel_loop3A_570, %parallel_loop3A_571] {strides = array<i32>} : memref<4x32x768xf32, #tpu.memory_space<vmem>>, vector<1x1x16xf32>,
        %parallel_loop3A_573 = vector.shape_cast %parallel_loop3A_572 : vector<1x1x16xf32> to vector<16xf32>
        %parallel_loop3A_574 = vector.shape_cast %parallel_loop3A_567 : vector<16xf32> to vector<1x1x16xf32>
        tpu.vector_store %arg7[%parallel_loop3A_569, %parallel_loop3A_570, %parallel_loop3A_571], %parallel_loop3A_574 {add = true, strides = array<i32>} : memref<4x32x768xf32, #tpu.memory_space<vmem>>, vector<1x1x16xf32>,
        %parallel_loop3A_575 = arith.index_cast %parallel_loop3A_343 : i32 to index
        %parallel_loop3A_576 = arith.constant 336 : index
        %parallel_loop3A_577 = tpu.vector_load %arg8[%parallel_loop3A_575, %parallel_loop3A_576] {strides = array<i32>} : memref<32x768xf32, #tpu.memory_space<vmem>>, vector<1x16xf32>,
        %parallel_loop3A_578 = vector.shape_cast %parallel_loop3A_577 : vector<1x16xf32> to vector<16xf32>
        %parallel_loop3A_579 = arith.constant 1 : i32
        %parallel_loop3A_580 = arith.index_cast %parallel_loop3A_579 : i32 to index
        %parallel_loop3A_581 = arith.index_cast %parallel_loop3A_343 : i32 to index
        %parallel_loop3A_582 = arith.constant 336 : index
        %parallel_loop3A_583 = tpu.vector_load %arg7[%parallel_loop3A_580, %parallel_loop3A_581, %parallel_loop3A_582] {strides = array<i32>} : memref<4x32x768xf32, #tpu.memory_space<vmem>>, vector<1x1x16xf32>,
        %parallel_loop3A_584 = vector.shape_cast %parallel_loop3A_583 : vector<1x1x16xf32> to vector<16xf32>
        %parallel_loop3A_585 = vector.shape_cast %parallel_loop3A_578 : vector<16xf32> to vector<1x1x16xf32>
        tpu.vector_store %arg7[%parallel_loop3A_580, %parallel_loop3A_581, %parallel_loop3A_582], %parallel_loop3A_585 {add = true, strides = array<i32>} : memref<4x32x768xf32, #tpu.memory_space<vmem>>, vector<1x1x16xf32>,
        %parallel_loop3A_586 = arith.index_cast %parallel_loop3A_343 : i32 to index
        %parallel_loop3A_587 = arith.constant 352 : index
        %parallel_loop3A_588 = tpu.vector_load %arg8[%parallel_loop3A_586, %parallel_loop3A_587] {strides = array<i32>} : memref<32x768xf32, #tpu.memory_space<vmem>>, vector<1x16xf32>,
        %parallel_loop3A_589 = vector.shape_cast %parallel_loop3A_588 : vector<1x16xf32> to vector<16xf32>
        %parallel_loop3A_590 = arith.constant 1 : i32
        %parallel_loop3A_591 = arith.index_cast %parallel_loop3A_590 : i32 to index
        %parallel_loop3A_592 = arith.index_cast %parallel_loop3A_343 : i32 to index
        %parallel_loop3A_593 = arith.constant 352 : index
        %parallel_loop3A_594 = tpu.vector_load %arg7[%parallel_loop3A_591, %parallel_loop3A_592, %parallel_loop3A_593] {strides = array<i32>} : memref<4x32x768xf32, #tpu.memory_space<vmem>>, vector<1x1x16xf32>,
        %parallel_loop3A_595 = vector.shape_cast %parallel_loop3A_594 : vector<1x1x16xf32> to vector<16xf32>
        %parallel_loop3A_596 = vector.shape_cast %parallel_loop3A_589 : vector<16xf32> to vector<1x1x16xf32>
        tpu.vector_store %arg7[%parallel_loop3A_591, %parallel_loop3A_592, %parallel_loop3A_593], %parallel_loop3A_596 {add = true, strides = array<i32>} : memref<4x32x768xf32, #tpu.memory_space<vmem>>, vector<1x1x16xf32>,
        %parallel_loop3A_597 = arith.index_cast %parallel_loop3A_343 : i32 to index
        %parallel_loop3A_598 = arith.constant 368 : index
        %parallel_loop3A_599 = tpu.vector_load %arg8[%parallel_loop3A_597, %parallel_loop3A_598] {strides = array<i32>} : memref<32x768xf32, #tpu.memory_space<vmem>>, vector<1x16xf32>,
        %parallel_loop3A_600 = vector.shape_cast %parallel_loop3A_599 : vector<1x16xf32> to vector<16xf32>
        %parallel_loop3A_601 = arith.constant 1 : i32
        %parallel_loop3A_602 = arith.index_cast %parallel_loop3A_601 : i32 to index
        %parallel_loop3A_603 = arith.index_cast %parallel_loop3A_343 : i32 to index
        %parallel_loop3A_604 = arith.constant 368 : index
        %parallel_loop3A_605 = tpu.vector_load %arg7[%parallel_loop3A_602, %parallel_loop3A_603, %parallel_loop3A_604] {strides = array<i32>} : memref<4x32x768xf32, #tpu.memory_space<vmem>>, vector<1x1x16xf32>,
        %parallel_loop3A_606 = vector.shape_cast %parallel_loop3A_605 : vector<1x1x16xf32> to vector<16xf32>
        %parallel_loop3A_607 = vector.shape_cast %parallel_loop3A_600 : vector<16xf32> to vector<1x1x16xf32>
        tpu.vector_store %arg7[%parallel_loop3A_602, %parallel_loop3A_603, %parallel_loop3A_604], %parallel_loop3A_607 {add = true, strides = array<i32>} : memref<4x32x768xf32, #tpu.memory_space<vmem>>, vector<1x1x16xf32>,
        %parallel_loop3A_608 = arith.index_cast %parallel_loop3A_343 : i32 to index
        %parallel_loop3A_609 = arith.constant 384 : index
        %parallel_loop3A_610 = tpu.vector_load %arg8[%parallel_loop3A_608, %parallel_loop3A_609] {strides = array<i32>} : memref<32x768xf32, #tpu.memory_space<vmem>>, vector<1x16xf32>,
        %parallel_loop3A_611 = vector.shape_cast %parallel_loop3A_610 : vector<1x16xf32> to vector<16xf32>
        %parallel_loop3A_612 = arith.constant 1 : i32
        %parallel_loop3A_613 = arith.index_cast %parallel_loop3A_612 : i32 to index
        %parallel_loop3A_614 = arith.index_cast %parallel_loop3A_343 : i32 to index
        %parallel_loop3A_615 = arith.constant 384 : index
        %parallel_loop3A_616 = tpu.vector_load %arg7[%parallel_loop3A_613, %parallel_loop3A_614, %parallel_loop3A_615] {strides = array<i32>} : memref<4x32x768xf32, #tpu.memory_space<vmem>>, vector<1x1x16xf32>,
        %parallel_loop3A_617 = vector.shape_cast %parallel_loop3A_616 : vector<1x1x16xf32> to vector<16xf32>
        %parallel_loop3A_618 = vector.shape_cast %parallel_loop3A_611 : vector<16xf32> to vector<1x1x16xf32>
        tpu.vector_store %arg7[%parallel_loop3A_613, %parallel_loop3A_614, %parallel_loop3A_615], %parallel_loop3A_618 {add = true, strides = array<i32>} : memref<4x32x768xf32, #tpu.memory_space<vmem>>, vector<1x1x16xf32>,
        %parallel_loop3A_619 = arith.index_cast %parallel_loop3A_343 : i32 to index
        %parallel_loop3A_620 = arith.constant 400 : index
        %parallel_loop3A_621 = tpu.vector_load %arg8[%parallel_loop3A_619, %parallel_loop3A_620] {strides = array<i32>} : memref<32x768xf32, #tpu.memory_space<vmem>>, vector<1x16xf32>,
        %parallel_loop3A_622 = vector.shape_cast %parallel_loop3A_621 : vector<1x16xf32> to vector<16xf32>
        %parallel_loop3A_623 = arith.constant 1 : i32
        %parallel_loop3A_624 = arith.index_cast %parallel_loop3A_623 : i32 to index
        %parallel_loop3A_625 = arith.index_cast %parallel_loop3A_343 : i32 to index
        %parallel_loop3A_626 = arith.constant 400 : index
        %parallel_loop3A_627 = tpu.vector_load %arg7[%parallel_loop3A_624, %parallel_loop3A_625, %parallel_loop3A_626] {strides = array<i32>} : memref<4x32x768xf32, #tpu.memory_space<vmem>>, vector<1x1x16xf32>,
        %parallel_loop3A_628 = vector.shape_cast %parallel_loop3A_627 : vector<1x1x16xf32> to vector<16xf32>
        %parallel_loop3A_629 = vector.shape_cast %parallel_loop3A_622 : vector<16xf32> to vector<1x1x16xf32>
        tpu.vector_store %arg7[%parallel_loop3A_624, %parallel_loop3A_625, %parallel_loop3A_626], %parallel_loop3A_629 {add = true, strides = array<i32>} : memref<4x32x768xf32, #tpu.memory_space<vmem>>, vector<1x1x16xf32>,
        %parallel_loop3A_630 = arith.index_cast %parallel_loop3A_343 : i32 to index
        %parallel_loop3A_631 = arith.constant 416 : index
        %parallel_loop3A_632 = tpu.vector_load %arg8[%parallel_loop3A_630, %parallel_loop3A_631] {strides = array<i32>} : memref<32x768xf32, #tpu.memory_space<vmem>>, vector<1x16xf32>,
        %parallel_loop3A_633 = vector.shape_cast %parallel_loop3A_632 : vector<1x16xf32> to vector<16xf32>
        %parallel_loop3A_634 = arith.constant 1 : i32
        %parallel_loop3A_635 = arith.index_cast %parallel_loop3A_634 : i32 to index
        %parallel_loop3A_636 = arith.index_cast %parallel_loop3A_343 : i32 to index
        %parallel_loop3A_637 = arith.constant 416 : index
        %parallel_loop3A_638 = tpu.vector_load %arg7[%parallel_loop3A_635, %parallel_loop3A_636, %parallel_loop3A_637] {strides = array<i32>} : memref<4x32x768xf32, #tpu.memory_space<vmem>>, vector<1x1x16xf32>,
        %parallel_loop3A_639 = vector.shape_cast %parallel_loop3A_638 : vector<1x1x16xf32> to vector<16xf32>
        %parallel_loop3A_640 = vector.shape_cast %parallel_loop3A_633 : vector<16xf32> to vector<1x1x16xf32>
        tpu.vector_store %arg7[%parallel_loop3A_635, %parallel_loop3A_636, %parallel_loop3A_637], %parallel_loop3A_640 {add = true, strides = array<i32>} : memref<4x32x768xf32, #tpu.memory_space<vmem>>, vector<1x1x16xf32>,
        %parallel_loop3A_641 = arith.index_cast %parallel_loop3A_343 : i32 to index
        %parallel_loop3A_642 = arith.constant 432 : index
        %parallel_loop3A_643 = tpu.vector_load %arg8[%parallel_loop3A_641, %parallel_loop3A_642] {strides = array<i32>} : memref<32x768xf32, #tpu.memory_space<vmem>>, vector<1x16xf32>,
        %parallel_loop3A_644 = vector.shape_cast %parallel_loop3A_643 : vector<1x16xf32> to vector<16xf32>
        %parallel_loop3A_645 = arith.constant 1 : i32
        %parallel_loop3A_646 = arith.index_cast %parallel_loop3A_645 : i32 to index
        %parallel_loop3A_647 = arith.index_cast %parallel_loop3A_343 : i32 to index
        %parallel_loop3A_648 = arith.constant 432 : index
        %parallel_loop3A_649 = tpu.vector_load %arg7[%parallel_loop3A_646, %parallel_loop3A_647, %parallel_loop3A_648] {strides = array<i32>} : memref<4x32x768xf32, #tpu.memory_space<vmem>>, vector<1x1x16xf32>,
        %parallel_loop3A_650 = vector.shape_cast %parallel_loop3A_649 : vector<1x1x16xf32> to vector<16xf32>
        %parallel_loop3A_651 = vector.shape_cast %parallel_loop3A_644 : vector<16xf32> to vector<1x1x16xf32>
        tpu.vector_store %arg7[%parallel_loop3A_646, %parallel_loop3A_647, %parallel_loop3A_648], %parallel_loop3A_651 {add = true, strides = array<i32>} : memref<4x32x768xf32, #tpu.memory_space<vmem>>, vector<1x1x16xf32>,
        %parallel_loop3A_652 = arith.index_cast %parallel_loop3A_343 : i32 to index
        %parallel_loop3A_653 = arith.constant 448 : index
        %parallel_loop3A_654 = tpu.vector_load %arg8[%parallel_loop3A_652, %parallel_loop3A_653] {strides = array<i32>} : memref<32x768xf32, #tpu.memory_space<vmem>>, vector<1x16xf32>,
        %parallel_loop3A_655 = vector.shape_cast %parallel_loop3A_654 : vector<1x16xf32> to vector<16xf32>
        %parallel_loop3A_656 = arith.constant 1 : i32
        %parallel_loop3A_657 = arith.index_cast %parallel_loop3A_656 : i32 to index
        %parallel_loop3A_658 = arith.index_cast %parallel_loop3A_343 : i32 to index
        %parallel_loop3A_659 = arith.constant 448 : index
        %parallel_loop3A_660 = tpu.vector_load %arg7[%parallel_loop3A_657, %parallel_loop3A_658, %parallel_loop3A_659] {strides = array<i32>} : memref<4x32x768xf32, #tpu.memory_space<vmem>>, vector<1x1x16xf32>,
        %parallel_loop3A_661 = vector.shape_cast %parallel_loop3A_660 : vector<1x1x16xf32> to vector<16xf32>
        %parallel_loop3A_662 = vector.shape_cast %parallel_loop3A_655 : vector<16xf32> to vector<1x1x16xf32>
        tpu.vector_store %arg7[%parallel_loop3A_657, %parallel_loop3A_658, %parallel_loop3A_659], %parallel_loop3A_662 {add = true, strides = array<i32>} : memref<4x32x768xf32, #tpu.memory_space<vmem>>, vector<1x1x16xf32>,
        %parallel_loop3A_663 = arith.index_cast %parallel_loop3A_343 : i32 to index
        %parallel_loop3A_664 = arith.constant 464 : index
        %parallel_loop3A_665 = tpu.vector_load %arg8[%parallel_loop3A_663, %parallel_loop3A_664] {strides = array<i32>} : memref<32x768xf32, #tpu.memory_space<vmem>>, vector<1x16xf32>,
        %parallel_loop3A_666 = vector.shape_cast %parallel_loop3A_665 : vector<1x16xf32> to vector<16xf32>
        %parallel_loop3A_667 = arith.constant 1 : i32
        %parallel_loop3A_668 = arith.index_cast %parallel_loop3A_667 : i32 to index
        %parallel_loop3A_669 = arith.index_cast %parallel_loop3A_343 : i32 to index
        %parallel_loop3A_670 = arith.constant 464 : index
        %parallel_loop3A_671 = tpu.vector_load %arg7[%parallel_loop3A_668, %parallel_loop3A_669, %parallel_loop3A_670] {strides = array<i32>} : memref<4x32x768xf32, #tpu.memory_space<vmem>>, vector<1x1x16xf32>,
        %parallel_loop3A_672 = vector.shape_cast %parallel_loop3A_671 : vector<1x1x16xf32> to vector<16xf32>
        %parallel_loop3A_673 = vector.shape_cast %parallel_loop3A_666 : vector<16xf32> to vector<1x1x16xf32>
        tpu.vector_store %arg7[%parallel_loop3A_668, %parallel_loop3A_669, %parallel_loop3A_670], %parallel_loop3A_673 {add = true, strides = array<i32>} : memref<4x32x768xf32, #tpu.memory_space<vmem>>, vector<1x1x16xf32>,
        %parallel_loop3A_674 = arith.index_cast %parallel_loop3A_343 : i32 to index
        %parallel_loop3A_675 = arith.constant 480 : index
        %parallel_loop3A_676 = tpu.vector_load %arg8[%parallel_loop3A_674, %parallel_loop3A_675] {strides = array<i32>} : memref<32x768xf32, #tpu.memory_space<vmem>>, vector<1x16xf32>,
        %parallel_loop3A_677 = vector.shape_cast %parallel_loop3A_676 : vector<1x16xf32> to vector<16xf32>
        %parallel_loop3A_678 = arith.constant 1 : i32
        %parallel_loop3A_679 = arith.index_cast %parallel_loop3A_678 : i32 to index
        %parallel_loop3A_680 = arith.index_cast %parallel_loop3A_343 : i32 to index
        %parallel_loop3A_681 = arith.constant 480 : index
        %parallel_loop3A_682 = tpu.vector_load %arg7[%parallel_loop3A_679, %parallel_loop3A_680, %parallel_loop3A_681] {strides = array<i32>} : memref<4x32x768xf32, #tpu.memory_space<vmem>>, vector<1x1x16xf32>,
        %parallel_loop3A_683 = vector.shape_cast %parallel_loop3A_682 : vector<1x1x16xf32> to vector<16xf32>
        %parallel_loop3A_684 = vector.shape_cast %parallel_loop3A_677 : vector<16xf32> to vector<1x1x16xf32>
        tpu.vector_store %arg7[%parallel_loop3A_679, %parallel_loop3A_680, %parallel_loop3A_681], %parallel_loop3A_684 {add = true, strides = array<i32>} : memref<4x32x768xf32, #tpu.memory_space<vmem>>, vector<1x1x16xf32>,
        %parallel_loop3A_685 = arith.index_cast %parallel_loop3A_343 : i32 to index
        %parallel_loop3A_686 = arith.constant 496 : index
        %parallel_loop3A_687 = tpu.vector_load %arg8[%parallel_loop3A_685, %parallel_loop3A_686] {strides = array<i32>} : memref<32x768xf32, #tpu.memory_space<vmem>>, vector<1x16xf32>,
        %parallel_loop3A_688 = vector.shape_cast %parallel_loop3A_687 : vector<1x16xf32> to vector<16xf32>
        %parallel_loop3A_689 = arith.constant 1 : i32
        %parallel_loop3A_690 = arith.index_cast %parallel_loop3A_689 : i32 to index
        %parallel_loop3A_691 = arith.index_cast %parallel_loop3A_343 : i32 to index
        %parallel_loop3A_692 = arith.constant 496 : index
        %parallel_loop3A_693 = tpu.vector_load %arg7[%parallel_loop3A_690, %parallel_loop3A_691, %parallel_loop3A_692] {strides = array<i32>} : memref<4x32x768xf32, #tpu.memory_space<vmem>>, vector<1x1x16xf32>,
        %parallel_loop3A_694 = vector.shape_cast %parallel_loop3A_693 : vector<1x1x16xf32> to vector<16xf32>
        %parallel_loop3A_695 = vector.shape_cast %parallel_loop3A_688 : vector<16xf32> to vector<1x1x16xf32>
        tpu.vector_store %arg7[%parallel_loop3A_690, %parallel_loop3A_691, %parallel_loop3A_692], %parallel_loop3A_695 {add = true, strides = array<i32>} : memref<4x32x768xf32, #tpu.memory_space<vmem>>, vector<1x1x16xf32>,
        %parallel_loop3A_696 = arith.index_cast %parallel_loop3A_343 : i32 to index
        %parallel_loop3A_697 = arith.constant 512 : index
        %parallel_loop3A_698 = tpu.vector_load %arg8[%parallel_loop3A_696, %parallel_loop3A_697] {strides = array<i32>} : memref<32x768xf32, #tpu.memory_space<vmem>>, vector<1x16xf32>,
        %parallel_loop3A_699 = vector.shape_cast %parallel_loop3A_698 : vector<1x16xf32> to vector<16xf32>
        %parallel_loop3A_700 = arith.constant 1 : i32
        %parallel_loop3A_701 = arith.index_cast %parallel_loop3A_700 : i32 to index
        %parallel_loop3A_702 = arith.index_cast %parallel_loop3A_343 : i32 to index
        %parallel_loop3A_703 = arith.constant 512 : index
        %parallel_loop3A_704 = tpu.vector_load %arg7[%parallel_loop3A_701, %parallel_loop3A_702, %parallel_loop3A_703] {strides = array<i32>} : memref<4x32x768xf32, #tpu.memory_space<vmem>>, vector<1x1x16xf32>,
        %parallel_loop3A_705 = vector.shape_cast %parallel_loop3A_704 : vector<1x1x16xf32> to vector<16xf32>
        %parallel_loop3A_706 = vector.shape_cast %parallel_loop3A_699 : vector<16xf32> to vector<1x1x16xf32>
        tpu.vector_store %arg7[%parallel_loop3A_701, %parallel_loop3A_702, %parallel_loop3A_703], %parallel_loop3A_706 {add = true, strides = array<i32>} : memref<4x32x768xf32, #tpu.memory_space<vmem>>, vector<1x1x16xf32>,
        %parallel_loop3A_707 = arith.index_cast %parallel_loop3A_343 : i32 to index
        %parallel_loop3A_708 = arith.constant 528 : index
        %parallel_loop3A_709 = tpu.vector_load %arg8[%parallel_loop3A_707, %parallel_loop3A_708] {strides = array<i32>} : memref<32x768xf32, #tpu.memory_space<vmem>>, vector<1x16xf32>,
        %parallel_loop3A_710 = vector.shape_cast %parallel_loop3A_709 : vector<1x16xf32> to vector<16xf32>
        %parallel_loop3A_711 = arith.constant 1 : i32
        %parallel_loop3A_712 = arith.index_cast %parallel_loop3A_711 : i32 to index
        %parallel_loop3A_713 = arith.index_cast %parallel_loop3A_343 : i32 to index
        %parallel_loop3A_714 = arith.constant 528 : index
        %parallel_loop3A_715 = tpu.vector_load %arg7[%parallel_loop3A_712, %parallel_loop3A_713, %parallel_loop3A_714] {strides = array<i32>} : memref<4x32x768xf32, #tpu.memory_space<vmem>>, vector<1x1x16xf32>,
        %parallel_loop3A_716 = vector.shape_cast %parallel_loop3A_715 : vector<1x1x16xf32> to vector<16xf32>
        %parallel_loop3A_717 = vector.shape_cast %parallel_loop3A_710 : vector<16xf32> to vector<1x1x16xf32>
        tpu.vector_store %arg7[%parallel_loop3A_712, %parallel_loop3A_713, %parallel_loop3A_714], %parallel_loop3A_717 {add = true, strides = array<i32>} : memref<4x32x768xf32, #tpu.memory_space<vmem>>, vector<1x1x16xf32>,
        %parallel_loop3A_718 = arith.index_cast %parallel_loop3A_343 : i32 to index
        %parallel_loop3A_719 = arith.constant 544 : index
        %parallel_loop3A_720 = tpu.vector_load %arg8[%parallel_loop3A_718, %parallel_loop3A_719] {strides = array<i32>} : memref<32x768xf32, #tpu.memory_space<vmem>>, vector<1x16xf32>,
        %parallel_loop3A_721 = vector.shape_cast %parallel_loop3A_720 : vector<1x16xf32> to vector<16xf32>
        %parallel_loop3A_722 = arith.constant 1 : i32
        %parallel_loop3A_723 = arith.index_cast %parallel_loop3A_722 : i32 to index
        %parallel_loop3A_724 = arith.index_cast %parallel_loop3A_343 : i32 to index
        %parallel_loop3A_725 = arith.constant 544 : index
        %parallel_loop3A_726 = tpu.vector_load %arg7[%parallel_loop3A_723, %parallel_loop3A_724, %parallel_loop3A_725] {strides = array<i32>} : memref<4x32x768xf32, #tpu.memory_space<vmem>>, vector<1x1x16xf32>,
        %parallel_loop3A_727 = vector.shape_cast %parallel_loop3A_726 : vector<1x1x16xf32> to vector<16xf32>
        %parallel_loop3A_728 = vector.shape_cast %parallel_loop3A_721 : vector<16xf32> to vector<1x1x16xf32>
        tpu.vector_store %arg7[%parallel_loop3A_723, %parallel_loop3A_724, %parallel_loop3A_725], %parallel_loop3A_728 {add = true, strides = array<i32>} : memref<4x32x768xf32, #tpu.memory_space<vmem>>, vector<1x1x16xf32>,
        %parallel_loop3A_729 = arith.index_cast %parallel_loop3A_343 : i32 to index
        %parallel_loop3A_730 = arith.constant 560 : index
        %parallel_loop3A_731 = tpu.vector_load %arg8[%parallel_loop3A_729, %parallel_loop3A_730] {strides = array<i32>} : memref<32x768xf32, #tpu.memory_space<vmem>>, vector<1x16xf32>,
        %parallel_loop3A_732 = vector.shape_cast %parallel_loop3A_731 : vector<1x16xf32> to vector<16xf32>
        %parallel_loop3A_733 = arith.constant 1 : i32
        %parallel_loop3A_734 = arith.index_cast %parallel_loop3A_733 : i32 to index
        %parallel_loop3A_735 = arith.index_cast %parallel_loop3A_343 : i32 to index
        %parallel_loop3A_736 = arith.constant 560 : index
        %parallel_loop3A_737 = tpu.vector_load %arg7[%parallel_loop3A_734, %parallel_loop3A_735, %parallel_loop3A_736] {strides = array<i32>} : memref<4x32x768xf32, #tpu.memory_space<vmem>>, vector<1x1x16xf32>,
        %parallel_loop3A_738 = vector.shape_cast %parallel_loop3A_737 : vector<1x1x16xf32> to vector<16xf32>
        %parallel_loop3A_739 = vector.shape_cast %parallel_loop3A_732 : vector<16xf32> to vector<1x1x16xf32>
        tpu.vector_store %arg7[%parallel_loop3A_734, %parallel_loop3A_735, %parallel_loop3A_736], %parallel_loop3A_739 {add = true, strides = array<i32>} : memref<4x32x768xf32, #tpu.memory_space<vmem>>, vector<1x1x16xf32>,
        %parallel_loop3A_740 = arith.index_cast %parallel_loop3A_343 : i32 to index
        %parallel_loop3A_741 = arith.constant 576 : index
        %parallel_loop3A_742 = tpu.vector_load %arg8[%parallel_loop3A_740, %parallel_loop3A_741] {strides = array<i32>} : memref<32x768xf32, #tpu.memory_space<vmem>>, vector<1x16xf32>,
        %parallel_loop3A_743 = vector.shape_cast %parallel_loop3A_742 : vector<1x16xf32> to vector<16xf32>
        %parallel_loop3A_744 = arith.constant 1 : i32
        %parallel_loop3A_745 = arith.index_cast %parallel_loop3A_744 : i32 to index
        %parallel_loop3A_746 = arith.index_cast %parallel_loop3A_343 : i32 to index
        %parallel_loop3A_747 = arith.constant 576 : index
        %parallel_loop3A_748 = tpu.vector_load %arg7[%parallel_loop3A_745, %parallel_loop3A_746, %parallel_loop3A_747] {strides = array<i32>} : memref<4x32x768xf32, #tpu.memory_space<vmem>>, vector<1x1x16xf32>,
        %parallel_loop3A_749 = vector.shape_cast %parallel_loop3A_748 : vector<1x1x16xf32> to vector<16xf32>
        %parallel_loop3A_750 = vector.shape_cast %parallel_loop3A_743 : vector<16xf32> to vector<1x1x16xf32>
        tpu.vector_store %arg7[%parallel_loop3A_745, %parallel_loop3A_746, %parallel_loop3A_747], %parallel_loop3A_750 {add = true, strides = array<i32>} : memref<4x32x768xf32, #tpu.memory_space<vmem>>, vector<1x1x16xf32>,
        %parallel_loop3A_751 = arith.index_cast %parallel_loop3A_343 : i32 to index
        %parallel_loop3A_752 = arith.constant 592 : index
        %parallel_loop3A_753 = tpu.vector_load %arg8[%parallel_loop3A_751, %parallel_loop3A_752] {strides = array<i32>} : memref<32x768xf32, #tpu.memory_space<vmem>>, vector<1x16xf32>,
        %parallel_loop3A_754 = vector.shape_cast %parallel_loop3A_753 : vector<1x16xf32> to vector<16xf32>
        %parallel_loop3A_755 = arith.constant 1 : i32
        %parallel_loop3A_756 = arith.index_cast %parallel_loop3A_755 : i32 to index
        %parallel_loop3A_757 = arith.index_cast %parallel_loop3A_343 : i32 to index
        %parallel_loop3A_758 = arith.constant 592 : index
        %parallel_loop3A_759 = tpu.vector_load %arg7[%parallel_loop3A_756, %parallel_loop3A_757, %parallel_loop3A_758] {strides = array<i32>} : memref<4x32x768xf32, #tpu.memory_space<vmem>>, vector<1x1x16xf32>,
        %parallel_loop3A_760 = vector.shape_cast %parallel_loop3A_759 : vector<1x1x16xf32> to vector<16xf32>
        %parallel_loop3A_761 = vector.shape_cast %parallel_loop3A_754 : vector<16xf32> to vector<1x1x16xf32>
        tpu.vector_store %arg7[%parallel_loop3A_756, %parallel_loop3A_757, %parallel_loop3A_758], %parallel_loop3A_761 {add = true, strides = array<i32>} : memref<4x32x768xf32, #tpu.memory_space<vmem>>, vector<1x1x16xf32>,
        %parallel_loop3A_762 = arith.index_cast %parallel_loop3A_343 : i32 to index
        %parallel_loop3A_763 = arith.constant 608 : index
        %parallel_loop3A_764 = tpu.vector_load %arg8[%parallel_loop3A_762, %parallel_loop3A_763] {strides = array<i32>} : memref<32x768xf32, #tpu.memory_space<vmem>>, vector<1x16xf32>,
        %parallel_loop3A_765 = vector.shape_cast %parallel_loop3A_764 : vector<1x16xf32> to vector<16xf32>
        %parallel_loop3A_766 = arith.constant 1 : i32
        %parallel_loop3A_767 = arith.index_cast %parallel_loop3A_766 : i32 to index
        %parallel_loop3A_768 = arith.index_cast %parallel_loop3A_343 : i32 to index
        %parallel_loop3A_769 = arith.constant 608 : index
        %parallel_loop3A_770 = tpu.vector_load %arg7[%parallel_loop3A_767, %parallel_loop3A_768, %parallel_loop3A_769] {strides = array<i32>} : memref<4x32x768xf32, #tpu.memory_space<vmem>>, vector<1x1x16xf32>,
        %parallel_loop3A_771 = vector.shape_cast %parallel_loop3A_770 : vector<1x1x16xf32> to vector<16xf32>
        %parallel_loop3A_772 = vector.shape_cast %parallel_loop3A_765 : vector<16xf32> to vector<1x1x16xf32>
        tpu.vector_store %arg7[%parallel_loop3A_767, %parallel_loop3A_768, %parallel_loop3A_769], %parallel_loop3A_772 {add = true, strides = array<i32>} : memref<4x32x768xf32, #tpu.memory_space<vmem>>, vector<1x1x16xf32>,
        %parallel_loop3A_773 = arith.index_cast %parallel_loop3A_343 : i32 to index
        %parallel_loop3A_774 = arith.constant 624 : index
        %parallel_loop3A_775 = tpu.vector_load %arg8[%parallel_loop3A_773, %parallel_loop3A_774] {strides = array<i32>} : memref<32x768xf32, #tpu.memory_space<vmem>>, vector<1x16xf32>,
        %parallel_loop3A_776 = vector.shape_cast %parallel_loop3A_775 : vector<1x16xf32> to vector<16xf32>
        %parallel_loop3A_777 = arith.constant 1 : i32
        %parallel_loop3A_778 = arith.index_cast %parallel_loop3A_777 : i32 to index
        %parallel_loop3A_779 = arith.index_cast %parallel_loop3A_343 : i32 to index
        %parallel_loop3A_780 = arith.constant 624 : index
        %parallel_loop3A_781 = tpu.vector_load %arg7[%parallel_loop3A_778, %parallel_loop3A_779, %parallel_loop3A_780] {strides = array<i32>} : memref<4x32x768xf32, #tpu.memory_space<vmem>>, vector<1x1x16xf32>,
        %parallel_loop3A_782 = vector.shape_cast %parallel_loop3A_781 : vector<1x1x16xf32> to vector<16xf32>
        %parallel_loop3A_783 = vector.shape_cast %parallel_loop3A_776 : vector<16xf32> to vector<1x1x16xf32>
        tpu.vector_store %arg7[%parallel_loop3A_778, %parallel_loop3A_779, %parallel_loop3A_780], %parallel_loop3A_783 {add = true, strides = array<i32>} : memref<4x32x768xf32, #tpu.memory_space<vmem>>, vector<1x1x16xf32>,
        %parallel_loop3A_784 = arith.index_cast %parallel_loop3A_343 : i32 to index
        %parallel_loop3A_785 = arith.constant 640 : index
        %parallel_loop3A_786 = tpu.vector_load %arg8[%parallel_loop3A_784, %parallel_loop3A_785] {strides = array<i32>} : memref<32x768xf32, #tpu.memory_space<vmem>>, vector<1x16xf32>,
        %parallel_loop3A_787 = vector.shape_cast %parallel_loop3A_786 : vector<1x16xf32> to vector<16xf32>
        %parallel_loop3A_788 = arith.constant 1 : i32
        %parallel_loop3A_789 = arith.index_cast %parallel_loop3A_788 : i32 to index
        %parallel_loop3A_790 = arith.index_cast %parallel_loop3A_343 : i32 to index
        %parallel_loop3A_791 = arith.constant 640 : index
        %parallel_loop3A_792 = tpu.vector_load %arg7[%parallel_loop3A_789, %parallel_loop3A_790, %parallel_loop3A_791] {strides = array<i32>} : memref<4x32x768xf32, #tpu.memory_space<vmem>>, vector<1x1x16xf32>,
        %parallel_loop3A_793 = vector.shape_cast %parallel_loop3A_792 : vector<1x1x16xf32> to vector<16xf32>
        %parallel_loop3A_794 = vector.shape_cast %parallel_loop3A_787 : vector<16xf32> to vector<1x1x16xf32>
        tpu.vector_store %arg7[%parallel_loop3A_789, %parallel_loop3A_790, %parallel_loop3A_791], %parallel_loop3A_794 {add = true, strides = array<i32>} : memref<4x32x768xf32, #tpu.memory_space<vmem>>, vector<1x1x16xf32>,
        %parallel_loop3A_795 = arith.index_cast %parallel_loop3A_343 : i32 to index
        %parallel_loop3A_796 = arith.constant 656 : index
        %parallel_loop3A_797 = tpu.vector_load %arg8[%parallel_loop3A_795, %parallel_loop3A_796] {strides = array<i32>} : memref<32x768xf32, #tpu.memory_space<vmem>>, vector<1x16xf32>,
        %parallel_loop3A_798 = vector.shape_cast %parallel_loop3A_797 : vector<1x16xf32> to vector<16xf32>
        %parallel_loop3A_799 = arith.constant 1 : i32
        %parallel_loop3A_800 = arith.index_cast %parallel_loop3A_799 : i32 to index
        %parallel_loop3A_801 = arith.index_cast %parallel_loop3A_343 : i32 to index
        %parallel_loop3A_802 = arith.constant 656 : index
        %parallel_loop3A_803 = tpu.vector_load %arg7[%parallel_loop3A_800, %parallel_loop3A_801, %parallel_loop3A_802] {strides = array<i32>} : memref<4x32x768xf32, #tpu.memory_space<vmem>>, vector<1x1x16xf32>,
        %parallel_loop3A_804 = vector.shape_cast %parallel_loop3A_803 : vector<1x1x16xf32> to vector<16xf32>
        %parallel_loop3A_805 = vector.shape_cast %parallel_loop3A_798 : vector<16xf32> to vector<1x1x16xf32>
        tpu.vector_store %arg7[%parallel_loop3A_800, %parallel_loop3A_801, %parallel_loop3A_802], %parallel_loop3A_805 {add = true, strides = array<i32>} : memref<4x32x768xf32, #tpu.memory_space<vmem>>, vector<1x1x16xf32>,
        %parallel_loop3A_806 = arith.index_cast %parallel_loop3A_343 : i32 to index
        %parallel_loop3A_807 = arith.constant 672 : index
        %parallel_loop3A_808 = tpu.vector_load %arg8[%parallel_loop3A_806, %parallel_loop3A_807] {strides = array<i32>} : memref<32x768xf32, #tpu.memory_space<vmem>>, vector<1x16xf32>,
        %parallel_loop3A_809 = vector.shape_cast %parallel_loop3A_808 : vector<1x16xf32> to vector<16xf32>
        %parallel_loop3A_810 = arith.constant 1 : i32
        %parallel_loop3A_811 = arith.index_cast %parallel_loop3A_810 : i32 to index
        %parallel_loop3A_812 = arith.index_cast %parallel_loop3A_343 : i32 to index
        %parallel_loop3A_813 = arith.constant 672 : index
        %parallel_loop3A_814 = tpu.vector_load %arg7[%parallel_loop3A_811, %parallel_loop3A_812, %parallel_loop3A_813] {strides = array<i32>} : memref<4x32x768xf32, #tpu.memory_space<vmem>>, vector<1x1x16xf32>,
        %parallel_loop3A_815 = vector.shape_cast %parallel_loop3A_814 : vector<1x1x16xf32> to vector<16xf32>
        %parallel_loop3A_816 = vector.shape_cast %parallel_loop3A_809 : vector<16xf32> to vector<1x1x16xf32>
        tpu.vector_store %arg7[%parallel_loop3A_811, %parallel_loop3A_812, %parallel_loop3A_813], %parallel_loop3A_816 {add = true, strides = array<i32>} : memref<4x32x768xf32, #tpu.memory_space<vmem>>, vector<1x1x16xf32>,
        %parallel_loop3A_817 = arith.index_cast %parallel_loop3A_343 : i32 to index
        %parallel_loop3A_818 = arith.constant 688 : index
        %parallel_loop3A_819 = tpu.vector_load %arg8[%parallel_loop3A_817, %parallel_loop3A_818] {strides = array<i32>} : memref<32x768xf32, #tpu.memory_space<vmem>>, vector<1x16xf32>,
        %parallel_loop3A_820 = vector.shape_cast %parallel_loop3A_819 : vector<1x16xf32> to vector<16xf32>
        %parallel_loop3A_821 = arith.constant 1 : i32
        %parallel_loop3A_822 = arith.index_cast %parallel_loop3A_821 : i32 to index
        %parallel_loop3A_823 = arith.index_cast %parallel_loop3A_343 : i32 to index
        %parallel_loop3A_824 = arith.constant 688 : index
        %parallel_loop3A_825 = tpu.vector_load %arg7[%parallel_loop3A_822, %parallel_loop3A_823, %parallel_loop3A_824] {strides = array<i32>} : memref<4x32x768xf32, #tpu.memory_space<vmem>>, vector<1x1x16xf32>,
        %parallel_loop3A_826 = vector.shape_cast %parallel_loop3A_825 : vector<1x1x16xf32> to vector<16xf32>
        %parallel_loop3A_827 = vector.shape_cast %parallel_loop3A_820 : vector<16xf32> to vector<1x1x16xf32>
        tpu.vector_store %arg7[%parallel_loop3A_822, %parallel_loop3A_823, %parallel_loop3A_824], %parallel_loop3A_827 {add = true, strides = array<i32>} : memref<4x32x768xf32, #tpu.memory_space<vmem>>, vector<1x1x16xf32>,
        %parallel_loop3A_828 = arith.index_cast %parallel_loop3A_343 : i32 to index
        %parallel_loop3A_829 = arith.constant 704 : index
        %parallel_loop3A_830 = tpu.vector_load %arg8[%parallel_loop3A_828, %parallel_loop3A_829] {strides = array<i32>} : memref<32x768xf32, #tpu.memory_space<vmem>>, vector<1x16xf32>,
        %parallel_loop3A_831 = vector.shape_cast %parallel_loop3A_830 : vector<1x16xf32> to vector<16xf32>
        %parallel_loop3A_832 = arith.constant 1 : i32
        %parallel_loop3A_833 = arith.index_cast %parallel_loop3A_832 : i32 to index
        %parallel_loop3A_834 = arith.index_cast %parallel_loop3A_343 : i32 to index
        %parallel_loop3A_835 = arith.constant 704 : index
        %parallel_loop3A_836 = tpu.vector_load %arg7[%parallel_loop3A_833, %parallel_loop3A_834, %parallel_loop3A_835] {strides = array<i32>} : memref<4x32x768xf32, #tpu.memory_space<vmem>>, vector<1x1x16xf32>,
        %parallel_loop3A_837 = vector.shape_cast %parallel_loop3A_836 : vector<1x1x16xf32> to vector<16xf32>
        %parallel_loop3A_838 = vector.shape_cast %parallel_loop3A_831 : vector<16xf32> to vector<1x1x16xf32>
        tpu.vector_store %arg7[%parallel_loop3A_833, %parallel_loop3A_834, %parallel_loop3A_835], %parallel_loop3A_838 {add = true, strides = array<i32>} : memref<4x32x768xf32, #tpu.memory_space<vmem>>, vector<1x1x16xf32>,
        %parallel_loop3A_839 = arith.index_cast %parallel_loop3A_343 : i32 to index
        %parallel_loop3A_840 = arith.constant 720 : index
        %parallel_loop3A_841 = tpu.vector_load %arg8[%parallel_loop3A_839, %parallel_loop3A_840] {strides = array<i32>} : memref<32x768xf32, #tpu.memory_space<vmem>>, vector<1x16xf32>,
        %parallel_loop3A_842 = vector.shape_cast %parallel_loop3A_841 : vector<1x16xf32> to vector<16xf32>
        %parallel_loop3A_843 = arith.constant 1 : i32
        %parallel_loop3A_844 = arith.index_cast %parallel_loop3A_843 : i32 to index
        %parallel_loop3A_845 = arith.index_cast %parallel_loop3A_343 : i32 to index
        %parallel_loop3A_846 = arith.constant 720 : index
        %parallel_loop3A_847 = tpu.vector_load %arg7[%parallel_loop3A_844, %parallel_loop3A_845, %parallel_loop3A_846] {strides = array<i32>} : memref<4x32x768xf32, #tpu.memory_space<vmem>>, vector<1x1x16xf32>,
        %parallel_loop3A_848 = vector.shape_cast %parallel_loop3A_847 : vector<1x1x16xf32> to vector<16xf32>
        %parallel_loop3A_849 = vector.shape_cast %parallel_loop3A_842 : vector<16xf32> to vector<1x1x16xf32>
        tpu.vector_store %arg7[%parallel_loop3A_844, %parallel_loop3A_845, %parallel_loop3A_846], %parallel_loop3A_849 {add = true, strides = array<i32>} : memref<4x32x768xf32, #tpu.memory_space<vmem>>, vector<1x1x16xf32>,
        %parallel_loop3A_850 = arith.index_cast %parallel_loop3A_343 : i32 to index
        %parallel_loop3A_851 = arith.constant 736 : index
        %parallel_loop3A_852 = tpu.vector_load %arg8[%parallel_loop3A_850, %parallel_loop3A_851] {strides = array<i32>} : memref<32x768xf32, #tpu.memory_space<vmem>>, vector<1x16xf32>,
        %parallel_loop3A_853 = vector.shape_cast %parallel_loop3A_852 : vector<1x16xf32> to vector<16xf32>
        %parallel_loop3A_854 = arith.constant 1 : i32
        %parallel_loop3A_855 = arith.index_cast %parallel_loop3A_854 : i32 to index
        %parallel_loop3A_856 = arith.index_cast %parallel_loop3A_343 : i32 to index
        %parallel_loop3A_857 = arith.constant 736 : index
        %parallel_loop3A_858 = tpu.vector_load %arg7[%parallel_loop3A_855, %parallel_loop3A_856, %parallel_loop3A_857] {strides = array<i32>} : memref<4x32x768xf32, #tpu.memory_space<vmem>>, vector<1x1x16xf32>,
        %parallel_loop3A_859 = vector.shape_cast %parallel_loop3A_858 : vector<1x1x16xf32> to vector<16xf32>
        %parallel_loop3A_860 = vector.shape_cast %parallel_loop3A_853 : vector<16xf32> to vector<1x1x16xf32>
        tpu.vector_store %arg7[%parallel_loop3A_855, %parallel_loop3A_856, %parallel_loop3A_857], %parallel_loop3A_860 {add = true, strides = array<i32>} : memref<4x32x768xf32, #tpu.memory_space<vmem>>, vector<1x1x16xf32>,
        %parallel_loop3A_861 = arith.index_cast %parallel_loop3A_343 : i32 to index
        %parallel_loop3A_862 = arith.constant 752 : index
        %parallel_loop3A_863 = tpu.vector_load %arg8[%parallel_loop3A_861, %parallel_loop3A_862] {strides = array<i32>} : memref<32x768xf32, #tpu.memory_space<vmem>>, vector<1x16xf32>,
        %parallel_loop3A_864 = vector.shape_cast %parallel_loop3A_863 : vector<1x16xf32> to vector<16xf32>
        %parallel_loop3A_865 = arith.constant 1 : i32
        %parallel_loop3A_866 = arith.index_cast %parallel_loop3A_865 : i32 to index
        %parallel_loop3A_867 = arith.index_cast %parallel_loop3A_343 : i32 to index
        %parallel_loop3A_868 = arith.constant 752 : index
        %parallel_loop3A_869 = tpu.vector_load %arg7[%parallel_loop3A_866, %parallel_loop3A_867, %parallel_loop3A_868] {strides = array<i32>} : memref<4x32x768xf32, #tpu.memory_space<vmem>>, vector<1x1x16xf32>,
        %parallel_loop3A_870 = vector.shape_cast %parallel_loop3A_869 : vector<1x1x16xf32> to vector<16xf32>
        %parallel_loop3A_871 = vector.shape_cast %parallel_loop3A_864 : vector<16xf32> to vector<1x1x16xf32>
        tpu.vector_store %arg7[%parallel_loop3A_866, %parallel_loop3A_867, %parallel_loop3A_868], %parallel_loop3A_871 {add = true, strides = array<i32>} : memref<4x32x768xf32, #tpu.memory_space<vmem>>, vector<1x1x16xf32>,
      } {sc.loop_unroll_factor = 2 : i64, sc.parallel_access}
      %mul3A_184 = arith.constant 64 : i32
      %mul3A_185 = arith.muli %add3A, %mul3A_184 : i32
      %mul3A_186 = arith.constant 32 : i32
      %mul3A_187 = arith.muli %scan3A_108, %mul3A_186 : i32
      %add3A_188 = arith.constant 2048 : i32
      %add3A_189 = arith.addi %add3A_188, %mul3A_187 : i32
      %add3A_190 = arith.addi %mul3A_185, %add3A_189 : i32
      %dma_start3A_191 = arith.constant 1 : i32
      %dma_start3A_192 = arith.constant 0 : i32
      %dma_start3A_193 = arith.constant 0 : i32
      %dma_start3A_194 = tpu.memref_slice %arg7[%dma_start3A_191, %dma_start3A_192, %dma_start3A_193] : memref<4x32x768xf32, #tpu.memory_space<vmem>> -> memref<1x32x768xf32, #tpu.memory_space<vmem>>
      %dma_start3A_195 = tpu.memref_squeeze %dma_start3A_194 : memref<1x32x768xf32, #tpu.memory_space<vmem>> -> memref<32x768xf32, #tpu.memory_space<vmem>>
      %dma_start3A_196 = arith.constant 0 : i32
      %dma_start3A_197 = tpu.memref_slice %arg5[%add3A_190, %dma_start3A_196] : memref<8192x768xf32, #tpu.memory_space<hbm>> -> memref<32x768xf32, #tpu.memory_space<hbm>>
      %dma_start3A_198 = arith.constant 0 : i32
      %dma_start3A_199 = tpu.memref_slice %arg5[%add3A_190, %dma_start3A_198] : memref<8192x768xf32, #tpu.memory_space<hbm>> -> memref<32x768xf32, #tpu.memory_space<hbm>>
      %dma_start3A_200 = arith.constant 0 : i32
      %dma_start3A_201 = arith.constant 0 : i32
      %dma_start3A_202 = tpu.memref_slice %arg7[%dma_start3A_191, %dma_start3A_200, %dma_start3A_201] : memref<4x32x768xf32, #tpu.memory_space<vmem>> -> memref<1x32x768xf32, #tpu.memory_space<vmem>>
      %dma_start3A_203 = tpu.memref_squeeze %dma_start3A_202 : memref<1x32x768xf32, #tpu.memory_space<vmem>> -> memref<32x768xf32, #tpu.memory_space<vmem>>
      tpu.enqueue_dma source(%dma_start3A_203 : memref<32x768xf32, #tpu.memory_space<vmem>>) target(%dma_start3A_199 : memref<32x768xf32, #tpu.memory_space<hbm>>) target_semaphore(%arg14 : memref<!tpu.dma_semaphore, #tpu.memory_space<semaphore_mem>>)
      %ge3A_204 = arith.constant 1 : i32
      %ge3A_205 = arith.cmpi sge, %add3A_169, %ge3A_204 : i32
      %add3A_206 = arith.constant 4 : i32
      %add3A_207 = arith.addi %add3A_169, %add3A_206 : i32
      %sub3A_208 = arith.constant 1 : i32
      %sub3A_209 = arith.subi %add3A_207, %sub3A_208 : i32
      %lt3A_210 = arith.constant 8 : i32
      %lt3A_211 = arith.cmpi slt, %sub3A_209, %lt3A_210 : i32
      %and3A_212 = arith.andi %ge3A_205, %lt3A_211 : i1
      %convert_element_type3A_213 = arith.extui %and3A_212 : i1 to i32
      %cond3A_214 = arith.constant 0 : i32
      %cond3A_215 = arith.cmpi ne, %convert_element_type3A_213, %cond3A_214 : i32
      scf.if %cond3A_215 {
        %sub3A_343 = arith.constant 1 : i32
        %sub3A_344 = arith.subi %add3A_169, %sub3A_343 : i32
        %mul3A_345 = arith.constant 64 : i32
        %mul3A_346 = arith.muli %add3A, %mul3A_345 : i32
        %add3A_347 = arith.constant 0 : i32
        %add3A_348 = arith.addi %mul3A_346, %add3A_347 : i32
        %dma_wait3A_349 = arith.constant 0 : i32
        %dma_wait3A_350 = arith.constant 0 : i32
        %dma_wait3A_351 = arith.constant 0 : i32
        %dma_wait3A_352 = tpu.memref_slice %arg7[%dma_wait3A_349, %dma_wait3A_350, %dma_wait3A_351] : memref<4x32x768xf32, #tpu.memory_space<vmem>> -> memref<1x32x768xf32, #tpu.memory_space<vmem>>
        %dma_wait3A_353 = tpu.memref_squeeze %dma_wait3A_352 : memref<1x32x768xf32, #tpu.memory_space<vmem>> -> memref<32x768xf32, #tpu.memory_space<vmem>>
        %dma_wait3A_354 = arith.constant 0 : i32
        %dma_wait3A_355 = tpu.memref_slice %arg5[%add3A_348, %dma_wait3A_354] : memref<8192x768xf32, #tpu.memory_space<hbm>> -> memref<32x768xf32, #tpu.memory_space<hbm>>
        %dma_wait3A_356 = arith.constant 0 : i32
        %dma_wait3A_357 = tpu.memref_slice %arg5[%add3A_348, %dma_wait3A_356] : memref<8192x768xf32, #tpu.memory_space<hbm>> -> memref<32x768xf32, #tpu.memory_space<hbm>>
        %dma_wait3A_358 = arith.constant 0 : i32
        %dma_wait3A_359 = arith.constant 0 : i32
        %dma_wait3A_360 = tpu.memref_slice %arg7[%dma_wait3A_349, %dma_wait3A_358, %dma_wait3A_359] : memref<4x32x768xf32, #tpu.memory_space<vmem>> -> memref<1x32x768xf32, #tpu.memory_space<vmem>>
        %dma_wait3A_361 = tpu.memref_squeeze %dma_wait3A_360 : memref<1x32x768xf32, #tpu.memory_space<vmem>> -> memref<32x768xf32, #tpu.memory_space<vmem>>
        tpu.wait_dma2 semaphore(%arg13 : memref<!tpu.dma_semaphore, #tpu.memory_space<semaphore_mem>>) src(%dma_wait3A_361 : memref<32x768xf32, #tpu.memory_space<vmem>>) dst(%dma_wait3A_357 : memref<32x768xf32, #tpu.memory_space<hbm>>)
      } else {
      }
      %add3A_216 = arith.constant 4 : i32
      %add3A_217 = arith.addi %add3A_169, %add3A_216 : i32
      %sub3A_218 = arith.constant 1 : i32
      %sub3A_219 = arith.subi %add3A_217, %sub3A_218 : i32
      %lt3A_220 = arith.constant 8 : i32
      %lt3A_221 = arith.cmpi slt, %sub3A_219, %lt3A_220 : i32
      %convert_element_type3A_222 = arith.extui %lt3A_221 : i1 to i32
      %cond3A_223 = arith.constant 0 : i32
      %cond3A_224 = arith.cmpi ne, %convert_element_type3A_222, %cond3A_223 : i32
      scf.if %cond3A_224 {
        %add3A_343 = arith.constant 4 : i32
        %add3A_344 = arith.addi %add3A_169, %add3A_343 : i32
        %sub3A_345 = arith.constant 1 : i32
        %sub3A_346 = arith.subi %add3A_344, %sub3A_345 : i32
        %dma_start3A_347 = arith.constant 0 : i32
        %dma_start3A_348 = arith.constant 0 : i32
        %dma_start3A_349 = arith.constant 0 : i32
        %dma_start3A_350 = tpu.memref_slice %arg7[%dma_start3A_347, %dma_start3A_348, %dma_start3A_349] : memref<4x32x768xf32, #tpu.memory_space<vmem>> -> memref<1x32x768xf32, #tpu.memory_space<vmem>>
        %dma_start3A_351 = tpu.memref_squeeze %dma_start3A_350 : memref<1x32x768xf32, #tpu.memory_space<vmem>> -> memref<32x768xf32, #tpu.memory_space<vmem>>
        %dma_start3A_352 = arith.constant 0 : i32
        %dma_start3A_353 = tpu.memref_slice %arg6[%sub3A_346, %dma_start3A_352] : memref<8x32xi32, #tpu.memory_space<vmem>> -> memref<1x32xi32, #tpu.memory_space<vmem>>
        %dma_start3A_354 = tpu.memref_squeeze %dma_start3A_353 : memref<1x32xi32, #tpu.memory_space<vmem>> -> memref<32xi32, #tpu.memory_space<vmem>>
        %dma_start3A_355 = arith.constant 0 : i32
        %dma_start3A_356 = arith.constant 0 : i32
        %dma_start3A_357 = tpu.memref_slice %arg3[%dma_start3A_355, %dma_start3A_356] : memref<100000x768xf32, #tpu.memory_space<hbm>> -> memref<100000x768xf32, #tpu.memory_space<hbm>>
        tpu.enqueue_indirect_dma source(%dma_start3A_357 : memref<100000x768xf32, #tpu.memory_space<hbm>>) target(%dma_start3A_351 : memref<32x768xf32, #tpu.memory_space<vmem>>) offsets(%dma_start3A_354 : memref<32xi32, #tpu.memory_space<vmem>>) semaphore(%arg9 : memref<!tpu.dma_semaphore, #tpu.memory_space<semaphore_mem>>)
      } else {
      }
      %mul3A_225 = arith.constant 4 : i32
      %mul3A_226 = arith.muli %scan3A_108, %mul3A_225 : i32
      %add3A_227 = arith.constant 2 : i32
      %add3A_228 = arith.addi %mul3A_226, %add3A_227 : i32
      %dma_wait3A_229 = arith.constant 2 : i32
      %dma_wait3A_230 = arith.constant 0 : i32
      %dma_wait3A_231 = arith.constant 0 : i32
      %dma_wait3A_232 = tpu.memref_slice %arg7[%dma_wait3A_229, %dma_wait3A_230, %dma_wait3A_231] : memref<4x32x768xf32, #tpu.memory_space<vmem>> -> memref<1x32x768xf32, #tpu.memory_space<vmem>>
      %dma_wait3A_233 = tpu.memref_squeeze %dma_wait3A_232 : memref<1x32x768xf32, #tpu.memory_space<vmem>> -> memref<32x768xf32, #tpu.memory_space<vmem>>
      %dma_wait3A_234 = arith.constant 0 : i32
      %dma_wait3A_235 = tpu.memref_slice %arg6[%add3A_228, %dma_wait3A_234] : memref<8x32xi32, #tpu.memory_space<vmem>> -> memref<1x32xi32, #tpu.memory_space<vmem>>
      %dma_wait3A_236 = tpu.memref_squeeze %dma_wait3A_235 : memref<1x32xi32, #tpu.memory_space<vmem>> -> memref<32xi32, #tpu.memory_space<vmem>>
      %dma_wait3A_237 = arith.constant 0 : i32
      %dma_wait3A_238 = arith.constant 0 : i32
      %dma_wait3A_239 = tpu.memref_slice %arg3[%dma_wait3A_237, %dma_wait3A_238] : memref<100000x768xf32, #tpu.memory_space<hbm>> -> memref<100000x768xf32, #tpu.memory_space<hbm>>
      tpu.wait_indirect_dma semaphore(%arg11 : memref<!tpu.dma_semaphore, #tpu.memory_space<semaphore_mem>>) src(%dma_wait3A_239 : memref<100000x768xf32, #tpu.memory_space<hbm>>) dst(%dma_wait3A_233 : memref<32x768xf32, #tpu.memory_space<vmem>>)
      %parallel_loop3A_240 = arith.constant 0 : i32
      %parallel_loop3A_241 = arith.constant 32 : i32
      %parallel_loop3A_242 = arith.constant 1 : i32
      scf.for %parallel_loop3A_343 = %parallel_loop3A_240 to %parallel_loop3A_241 step %parallel_loop3A_242  : i32 {
        %parallel_loop3A_344 = arith.index_cast %parallel_loop3A_343 : i32 to index
        %parallel_loop3A_345 = arith.constant 0 : index
        %parallel_loop3A_346 = tpu.vector_load %arg8[%parallel_loop3A_344, %parallel_loop3A_345] {strides = array<i32>} : memref<32x768xf32, #tpu.memory_space<vmem>>, vector<1x16xf32>,
        %parallel_loop3A_347 = vector.shape_cast %parallel_loop3A_346 : vector<1x16xf32> to vector<16xf32>
        %parallel_loop3A_348 = arith.constant 2 : i32
        %parallel_loop3A_349 = arith.index_cast %parallel_loop3A_348 : i32 to index
        %parallel_loop3A_350 = arith.index_cast %parallel_loop3A_343 : i32 to index
        %parallel_loop3A_351 = arith.constant 0 : index
        %parallel_loop3A_352 = tpu.vector_load %arg7[%parallel_loop3A_349, %parallel_loop3A_350, %parallel_loop3A_351] {strides = array<i32>} : memref<4x32x768xf32, #tpu.memory_space<vmem>>, vector<1x1x16xf32>,
        %parallel_loop3A_353 = vector.shape_cast %parallel_loop3A_352 : vector<1x1x16xf32> to vector<16xf32>
        %parallel_loop3A_354 = vector.shape_cast %parallel_loop3A_347 : vector<16xf32> to vector<1x1x16xf32>
        tpu.vector_store %arg7[%parallel_loop3A_349, %parallel_loop3A_350, %parallel_loop3A_351], %parallel_loop3A_354 {add = true, strides = array<i32>} : memref<4x32x768xf32, #tpu.memory_space<vmem>>, vector<1x1x16xf32>,
        %parallel_loop3A_355 = arith.index_cast %parallel_loop3A_343 : i32 to index
        %parallel_loop3A_356 = arith.constant 16 : index
        %parallel_loop3A_357 = tpu.vector_load %arg8[%parallel_loop3A_355, %parallel_loop3A_356] {strides = array<i32>} : memref<32x768xf32, #tpu.memory_space<vmem>>, vector<1x16xf32>,
        %parallel_loop3A_358 = vector.shape_cast %parallel_loop3A_357 : vector<1x16xf32> to vector<16xf32>
        %parallel_loop3A_359 = arith.constant 2 : i32
        %parallel_loop3A_360 = arith.index_cast %parallel_loop3A_359 : i32 to index
        %parallel_loop3A_361 = arith.index_cast %parallel_loop3A_343 : i32 to index
        %parallel_loop3A_362 = arith.constant 16 : index
        %parallel_loop3A_363 = tpu.vector_load %arg7[%parallel_loop3A_360, %parallel_loop3A_361, %parallel_loop3A_362] {strides = array<i32>} : memref<4x32x768xf32, #tpu.memory_space<vmem>>, vector<1x1x16xf32>,
        %parallel_loop3A_364 = vector.shape_cast %parallel_loop3A_363 : vector<1x1x16xf32> to vector<16xf32>
        %parallel_loop3A_365 = vector.shape_cast %parallel_loop3A_358 : vector<16xf32> to vector<1x1x16xf32>
        tpu.vector_store %arg7[%parallel_loop3A_360, %parallel_loop3A_361, %parallel_loop3A_362], %parallel_loop3A_365 {add = true, strides = array<i32>} : memref<4x32x768xf32, #tpu.memory_space<vmem>>, vector<1x1x16xf32>,
        %parallel_loop3A_366 = arith.index_cast %parallel_loop3A_343 : i32 to index
        %parallel_loop3A_367 = arith.constant 32 : index
        %parallel_loop3A_368 = tpu.vector_load %arg8[%parallel_loop3A_366, %parallel_loop3A_367] {strides = array<i32>} : memref<32x768xf32, #tpu.memory_space<vmem>>, vector<1x16xf32>,
        %parallel_loop3A_369 = vector.shape_cast %parallel_loop3A_368 : vector<1x16xf32> to vector<16xf32>
        %parallel_loop3A_370 = arith.constant 2 : i32
        %parallel_loop3A_371 = arith.index_cast %parallel_loop3A_370 : i32 to index
        %parallel_loop3A_372 = arith.index_cast %parallel_loop3A_343 : i32 to index
        %parallel_loop3A_373 = arith.constant 32 : index
        %parallel_loop3A_374 = tpu.vector_load %arg7[%parallel_loop3A_371, %parallel_loop3A_372, %parallel_loop3A_373] {strides = array<i32>} : memref<4x32x768xf32, #tpu.memory_space<vmem>>, vector<1x1x16xf32>,
        %parallel_loop3A_375 = vector.shape_cast %parallel_loop3A_374 : vector<1x1x16xf32> to vector<16xf32>
        %parallel_loop3A_376 = vector.shape_cast %parallel_loop3A_369 : vector<16xf32> to vector<1x1x16xf32>
        tpu.vector_store %arg7[%parallel_loop3A_371, %parallel_loop3A_372, %parallel_loop3A_373], %parallel_loop3A_376 {add = true, strides = array<i32>} : memref<4x32x768xf32, #tpu.memory_space<vmem>>, vector<1x1x16xf32>,
        %parallel_loop3A_377 = arith.index_cast %parallel_loop3A_343 : i32 to index
        %parallel_loop3A_378 = arith.constant 48 : index
        %parallel_loop3A_379 = tpu.vector_load %arg8[%parallel_loop3A_377, %parallel_loop3A_378] {strides = array<i32>} : memref<32x768xf32, #tpu.memory_space<vmem>>, vector<1x16xf32>,
        %parallel_loop3A_380 = vector.shape_cast %parallel_loop3A_379 : vector<1x16xf32> to vector<16xf32>
        %parallel_loop3A_381 = arith.constant 2 : i32
        %parallel_loop3A_382 = arith.index_cast %parallel_loop3A_381 : i32 to index
        %parallel_loop3A_383 = arith.index_cast %parallel_loop3A_343 : i32 to index
        %parallel_loop3A_384 = arith.constant 48 : index
        %parallel_loop3A_385 = tpu.vector_load %arg7[%parallel_loop3A_382, %parallel_loop3A_383, %parallel_loop3A_384] {strides = array<i32>} : memref<4x32x768xf32, #tpu.memory_space<vmem>>, vector<1x1x16xf32>,
        %parallel_loop3A_386 = vector.shape_cast %parallel_loop3A_385 : vector<1x1x16xf32> to vector<16xf32>
        %parallel_loop3A_387 = vector.shape_cast %parallel_loop3A_380 : vector<16xf32> to vector<1x1x16xf32>
        tpu.vector_store %arg7[%parallel_loop3A_382, %parallel_loop3A_383, %parallel_loop3A_384], %parallel_loop3A_387 {add = true, strides = array<i32>} : memref<4x32x768xf32, #tpu.memory_space<vmem>>, vector<1x1x16xf32>,
        %parallel_loop3A_388 = arith.index_cast %parallel_loop3A_343 : i32 to index
        %parallel_loop3A_389 = arith.constant 64 : index
        %parallel_loop3A_390 = tpu.vector_load %arg8[%parallel_loop3A_388, %parallel_loop3A_389] {strides = array<i32>} : memref<32x768xf32, #tpu.memory_space<vmem>>, vector<1x16xf32>,
        %parallel_loop3A_391 = vector.shape_cast %parallel_loop3A_390 : vector<1x16xf32> to vector<16xf32>
        %parallel_loop3A_392 = arith.constant 2 : i32
        %parallel_loop3A_393 = arith.index_cast %parallel_loop3A_392 : i32 to index
        %parallel_loop3A_394 = arith.index_cast %parallel_loop3A_343 : i32 to index
        %parallel_loop3A_395 = arith.constant 64 : index
        %parallel_loop3A_396 = tpu.vector_load %arg7[%parallel_loop3A_393, %parallel_loop3A_394, %parallel_loop3A_395] {strides = array<i32>} : memref<4x32x768xf32, #tpu.memory_space<vmem>>, vector<1x1x16xf32>,
        %parallel_loop3A_397 = vector.shape_cast %parallel_loop3A_396 : vector<1x1x16xf32> to vector<16xf32>
        %parallel_loop3A_398 = vector.shape_cast %parallel_loop3A_391 : vector<16xf32> to vector<1x1x16xf32>
        tpu.vector_store %arg7[%parallel_loop3A_393, %parallel_loop3A_394, %parallel_loop3A_395], %parallel_loop3A_398 {add = true, strides = array<i32>} : memref<4x32x768xf32, #tpu.memory_space<vmem>>, vector<1x1x16xf32>,
        %parallel_loop3A_399 = arith.index_cast %parallel_loop3A_343 : i32 to index
        %parallel_loop3A_400 = arith.constant 80 : index
        %parallel_loop3A_401 = tpu.vector_load %arg8[%parallel_loop3A_399, %parallel_loop3A_400] {strides = array<i32>} : memref<32x768xf32, #tpu.memory_space<vmem>>, vector<1x16xf32>,
        %parallel_loop3A_402 = vector.shape_cast %parallel_loop3A_401 : vector<1x16xf32> to vector<16xf32>
        %parallel_loop3A_403 = arith.constant 2 : i32
        %parallel_loop3A_404 = arith.index_cast %parallel_loop3A_403 : i32 to index
        %parallel_loop3A_405 = arith.index_cast %parallel_loop3A_343 : i32 to index
        %parallel_loop3A_406 = arith.constant 80 : index
        %parallel_loop3A_407 = tpu.vector_load %arg7[%parallel_loop3A_404, %parallel_loop3A_405, %parallel_loop3A_406] {strides = array<i32>} : memref<4x32x768xf32, #tpu.memory_space<vmem>>, vector<1x1x16xf32>,
        %parallel_loop3A_408 = vector.shape_cast %parallel_loop3A_407 : vector<1x1x16xf32> to vector<16xf32>
        %parallel_loop3A_409 = vector.shape_cast %parallel_loop3A_402 : vector<16xf32> to vector<1x1x16xf32>
        tpu.vector_store %arg7[%parallel_loop3A_404, %parallel_loop3A_405, %parallel_loop3A_406], %parallel_loop3A_409 {add = true, strides = array<i32>} : memref<4x32x768xf32, #tpu.memory_space<vmem>>, vector<1x1x16xf32>,
        %parallel_loop3A_410 = arith.index_cast %parallel_loop3A_343 : i32 to index
        %parallel_loop3A_411 = arith.constant 96 : index
        %parallel_loop3A_412 = tpu.vector_load %arg8[%parallel_loop3A_410, %parallel_loop3A_411] {strides = array<i32>} : memref<32x768xf32, #tpu.memory_space<vmem>>, vector<1x16xf32>,
        %parallel_loop3A_413 = vector.shape_cast %parallel_loop3A_412 : vector<1x16xf32> to vector<16xf32>
        %parallel_loop3A_414 = arith.constant 2 : i32
        %parallel_loop3A_415 = arith.index_cast %parallel_loop3A_414 : i32 to index
        %parallel_loop3A_416 = arith.index_cast %parallel_loop3A_343 : i32 to index
        %parallel_loop3A_417 = arith.constant 96 : index
        %parallel_loop3A_418 = tpu.vector_load %arg7[%parallel_loop3A_415, %parallel_loop3A_416, %parallel_loop3A_417] {strides = array<i32>} : memref<4x32x768xf32, #tpu.memory_space<vmem>>, vector<1x1x16xf32>,
        %parallel_loop3A_419 = vector.shape_cast %parallel_loop3A_418 : vector<1x1x16xf32> to vector<16xf32>
        %parallel_loop3A_420 = vector.shape_cast %parallel_loop3A_413 : vector<16xf32> to vector<1x1x16xf32>
        tpu.vector_store %arg7[%parallel_loop3A_415, %parallel_loop3A_416, %parallel_loop3A_417], %parallel_loop3A_420 {add = true, strides = array<i32>} : memref<4x32x768xf32, #tpu.memory_space<vmem>>, vector<1x1x16xf32>,
        %parallel_loop3A_421 = arith.index_cast %parallel_loop3A_343 : i32 to index
        %parallel_loop3A_422 = arith.constant 112 : index
        %parallel_loop3A_423 = tpu.vector_load %arg8[%parallel_loop3A_421, %parallel_loop3A_422] {strides = array<i32>} : memref<32x768xf32, #tpu.memory_space<vmem>>, vector<1x16xf32>,
        %parallel_loop3A_424 = vector.shape_cast %parallel_loop3A_423 : vector<1x16xf32> to vector<16xf32>
        %parallel_loop3A_425 = arith.constant 2 : i32
        %parallel_loop3A_426 = arith.index_cast %parallel_loop3A_425 : i32 to index
        %parallel_loop3A_427 = arith.index_cast %parallel_loop3A_343 : i32 to index
        %parallel_loop3A_428 = arith.constant 112 : index
        %parallel_loop3A_429 = tpu.vector_load %arg7[%parallel_loop3A_426, %parallel_loop3A_427, %parallel_loop3A_428] {strides = array<i32>} : memref<4x32x768xf32, #tpu.memory_space<vmem>>, vector<1x1x16xf32>,
        %parallel_loop3A_430 = vector.shape_cast %parallel_loop3A_429 : vector<1x1x16xf32> to vector<16xf32>
        %parallel_loop3A_431 = vector.shape_cast %parallel_loop3A_424 : vector<16xf32> to vector<1x1x16xf32>
        tpu.vector_store %arg7[%parallel_loop3A_426, %parallel_loop3A_427, %parallel_loop3A_428], %parallel_loop3A_431 {add = true, strides = array<i32>} : memref<4x32x768xf32, #tpu.memory_space<vmem>>, vector<1x1x16xf32>,
        %parallel_loop3A_432 = arith.index_cast %parallel_loop3A_343 : i32 to index
        %parallel_loop3A_433 = arith.constant 128 : index
        %parallel_loop3A_434 = tpu.vector_load %arg8[%parallel_loop3A_432, %parallel_loop3A_433] {strides = array<i32>} : memref<32x768xf32, #tpu.memory_space<vmem>>, vector<1x16xf32>,
        %parallel_loop3A_435 = vector.shape_cast %parallel_loop3A_434 : vector<1x16xf32> to vector<16xf32>
        %parallel_loop3A_436 = arith.constant 2 : i32
        %parallel_loop3A_437 = arith.index_cast %parallel_loop3A_436 : i32 to index
        %parallel_loop3A_438 = arith.index_cast %parallel_loop3A_343 : i32 to index
        %parallel_loop3A_439 = arith.constant 128 : index
        %parallel_loop3A_440 = tpu.vector_load %arg7[%parallel_loop3A_437, %parallel_loop3A_438, %parallel_loop3A_439] {strides = array<i32>} : memref<4x32x768xf32, #tpu.memory_space<vmem>>, vector<1x1x16xf32>,
        %parallel_loop3A_441 = vector.shape_cast %parallel_loop3A_440 : vector<1x1x16xf32> to vector<16xf32>
        %parallel_loop3A_442 = vector.shape_cast %parallel_loop3A_435 : vector<16xf32> to vector<1x1x16xf32>
        tpu.vector_store %arg7[%parallel_loop3A_437, %parallel_loop3A_438, %parallel_loop3A_439], %parallel_loop3A_442 {add = true, strides = array<i32>} : memref<4x32x768xf32, #tpu.memory_space<vmem>>, vector<1x1x16xf32>,
        %parallel_loop3A_443 = arith.index_cast %parallel_loop3A_343 : i32 to index
        %parallel_loop3A_444 = arith.constant 144 : index
        %parallel_loop3A_445 = tpu.vector_load %arg8[%parallel_loop3A_443, %parallel_loop3A_444] {strides = array<i32>} : memref<32x768xf32, #tpu.memory_space<vmem>>, vector<1x16xf32>,
        %parallel_loop3A_446 = vector.shape_cast %parallel_loop3A_445 : vector<1x16xf32> to vector<16xf32>
        %parallel_loop3A_447 = arith.constant 2 : i32
        %parallel_loop3A_448 = arith.index_cast %parallel_loop3A_447 : i32 to index
        %parallel_loop3A_449 = arith.index_cast %parallel_loop3A_343 : i32 to index
        %parallel_loop3A_450 = arith.constant 144 : index
        %parallel_loop3A_451 = tpu.vector_load %arg7[%parallel_loop3A_448, %parallel_loop3A_449, %parallel_loop3A_450] {strides = array<i32>} : memref<4x32x768xf32, #tpu.memory_space<vmem>>, vector<1x1x16xf32>,
        %parallel_loop3A_452 = vector.shape_cast %parallel_loop3A_451 : vector<1x1x16xf32> to vector<16xf32>
        %parallel_loop3A_453 = vector.shape_cast %parallel_loop3A_446 : vector<16xf32> to vector<1x1x16xf32>
        tpu.vector_store %arg7[%parallel_loop3A_448, %parallel_loop3A_449, %parallel_loop3A_450], %parallel_loop3A_453 {add = true, strides = array<i32>} : memref<4x32x768xf32, #tpu.memory_space<vmem>>, vector<1x1x16xf32>,
        %parallel_loop3A_454 = arith.index_cast %parallel_loop3A_343 : i32 to index
        %parallel_loop3A_455 = arith.constant 160 : index
        %parallel_loop3A_456 = tpu.vector_load %arg8[%parallel_loop3A_454, %parallel_loop3A_455] {strides = array<i32>} : memref<32x768xf32, #tpu.memory_space<vmem>>, vector<1x16xf32>,
        %parallel_loop3A_457 = vector.shape_cast %parallel_loop3A_456 : vector<1x16xf32> to vector<16xf32>
        %parallel_loop3A_458 = arith.constant 2 : i32
        %parallel_loop3A_459 = arith.index_cast %parallel_loop3A_458 : i32 to index
        %parallel_loop3A_460 = arith.index_cast %parallel_loop3A_343 : i32 to index
        %parallel_loop3A_461 = arith.constant 160 : index
        %parallel_loop3A_462 = tpu.vector_load %arg7[%parallel_loop3A_459, %parallel_loop3A_460, %parallel_loop3A_461] {strides = array<i32>} : memref<4x32x768xf32, #tpu.memory_space<vmem>>, vector<1x1x16xf32>,
        %parallel_loop3A_463 = vector.shape_cast %parallel_loop3A_462 : vector<1x1x16xf32> to vector<16xf32>
        %parallel_loop3A_464 = vector.shape_cast %parallel_loop3A_457 : vector<16xf32> to vector<1x1x16xf32>
        tpu.vector_store %arg7[%parallel_loop3A_459, %parallel_loop3A_460, %parallel_loop3A_461], %parallel_loop3A_464 {add = true, strides = array<i32>} : memref<4x32x768xf32, #tpu.memory_space<vmem>>, vector<1x1x16xf32>,
        %parallel_loop3A_465 = arith.index_cast %parallel_loop3A_343 : i32 to index
        %parallel_loop3A_466 = arith.constant 176 : index
        %parallel_loop3A_467 = tpu.vector_load %arg8[%parallel_loop3A_465, %parallel_loop3A_466] {strides = array<i32>} : memref<32x768xf32, #tpu.memory_space<vmem>>, vector<1x16xf32>,
        %parallel_loop3A_468 = vector.shape_cast %parallel_loop3A_467 : vector<1x16xf32> to vector<16xf32>
        %parallel_loop3A_469 = arith.constant 2 : i32
        %parallel_loop3A_470 = arith.index_cast %parallel_loop3A_469 : i32 to index
        %parallel_loop3A_471 = arith.index_cast %parallel_loop3A_343 : i32 to index
        %parallel_loop3A_472 = arith.constant 176 : index
        %parallel_loop3A_473 = tpu.vector_load %arg7[%parallel_loop3A_470, %parallel_loop3A_471, %parallel_loop3A_472] {strides = array<i32>} : memref<4x32x768xf32, #tpu.memory_space<vmem>>, vector<1x1x16xf32>,
        %parallel_loop3A_474 = vector.shape_cast %parallel_loop3A_473 : vector<1x1x16xf32> to vector<16xf32>
        %parallel_loop3A_475 = vector.shape_cast %parallel_loop3A_468 : vector<16xf32> to vector<1x1x16xf32>
        tpu.vector_store %arg7[%parallel_loop3A_470, %parallel_loop3A_471, %parallel_loop3A_472], %parallel_loop3A_475 {add = true, strides = array<i32>} : memref<4x32x768xf32, #tpu.memory_space<vmem>>, vector<1x1x16xf32>,
        %parallel_loop3A_476 = arith.index_cast %parallel_loop3A_343 : i32 to index
        %parallel_loop3A_477 = arith.constant 192 : index
        %parallel_loop3A_478 = tpu.vector_load %arg8[%parallel_loop3A_476, %parallel_loop3A_477] {strides = array<i32>} : memref<32x768xf32, #tpu.memory_space<vmem>>, vector<1x16xf32>,
        %parallel_loop3A_479 = vector.shape_cast %parallel_loop3A_478 : vector<1x16xf32> to vector<16xf32>
        %parallel_loop3A_480 = arith.constant 2 : i32
        %parallel_loop3A_481 = arith.index_cast %parallel_loop3A_480 : i32 to index
        %parallel_loop3A_482 = arith.index_cast %parallel_loop3A_343 : i32 to index
        %parallel_loop3A_483 = arith.constant 192 : index
        %parallel_loop3A_484 = tpu.vector_load %arg7[%parallel_loop3A_481, %parallel_loop3A_482, %parallel_loop3A_483] {strides = array<i32>} : memref<4x32x768xf32, #tpu.memory_space<vmem>>, vector<1x1x16xf32>,
        %parallel_loop3A_485 = vector.shape_cast %parallel_loop3A_484 : vector<1x1x16xf32> to vector<16xf32>
        %parallel_loop3A_486 = vector.shape_cast %parallel_loop3A_479 : vector<16xf32> to vector<1x1x16xf32>
        tpu.vector_store %arg7[%parallel_loop3A_481, %parallel_loop3A_482, %parallel_loop3A_483], %parallel_loop3A_486 {add = true, strides = array<i32>} : memref<4x32x768xf32, #tpu.memory_space<vmem>>, vector<1x1x16xf32>,
        %parallel_loop3A_487 = arith.index_cast %parallel_loop3A_343 : i32 to index
        %parallel_loop3A_488 = arith.constant 208 : index
        %parallel_loop3A_489 = tpu.vector_load %arg8[%parallel_loop3A_487, %parallel_loop3A_488] {strides = array<i32>} : memref<32x768xf32, #tpu.memory_space<vmem>>, vector<1x16xf32>,
        %parallel_loop3A_490 = vector.shape_cast %parallel_loop3A_489 : vector<1x16xf32> to vector<16xf32>
        %parallel_loop3A_491 = arith.constant 2 : i32
        %parallel_loop3A_492 = arith.index_cast %parallel_loop3A_491 : i32 to index
        %parallel_loop3A_493 = arith.index_cast %parallel_loop3A_343 : i32 to index
        %parallel_loop3A_494 = arith.constant 208 : index
        %parallel_loop3A_495 = tpu.vector_load %arg7[%parallel_loop3A_492, %parallel_loop3A_493, %parallel_loop3A_494] {strides = array<i32>} : memref<4x32x768xf32, #tpu.memory_space<vmem>>, vector<1x1x16xf32>,
        %parallel_loop3A_496 = vector.shape_cast %parallel_loop3A_495 : vector<1x1x16xf32> to vector<16xf32>
        %parallel_loop3A_497 = vector.shape_cast %parallel_loop3A_490 : vector<16xf32> to vector<1x1x16xf32>
        tpu.vector_store %arg7[%parallel_loop3A_492, %parallel_loop3A_493, %parallel_loop3A_494], %parallel_loop3A_497 {add = true, strides = array<i32>} : memref<4x32x768xf32, #tpu.memory_space<vmem>>, vector<1x1x16xf32>,
        %parallel_loop3A_498 = arith.index_cast %parallel_loop3A_343 : i32 to index
        %parallel_loop3A_499 = arith.constant 224 : index
        %parallel_loop3A_500 = tpu.vector_load %arg8[%parallel_loop3A_498, %parallel_loop3A_499] {strides = array<i32>} : memref<32x768xf32, #tpu.memory_space<vmem>>, vector<1x16xf32>,
        %parallel_loop3A_501 = vector.shape_cast %parallel_loop3A_500 : vector<1x16xf32> to vector<16xf32>
        %parallel_loop3A_502 = arith.constant 2 : i32
        %parallel_loop3A_503 = arith.index_cast %parallel_loop3A_502 : i32 to index
        %parallel_loop3A_504 = arith.index_cast %parallel_loop3A_343 : i32 to index
        %parallel_loop3A_505 = arith.constant 224 : index
        %parallel_loop3A_506 = tpu.vector_load %arg7[%parallel_loop3A_503, %parallel_loop3A_504, %parallel_loop3A_505] {strides = array<i32>} : memref<4x32x768xf32, #tpu.memory_space<vmem>>, vector<1x1x16xf32>,
        %parallel_loop3A_507 = vector.shape_cast %parallel_loop3A_506 : vector<1x1x16xf32> to vector<16xf32>
        %parallel_loop3A_508 = vector.shape_cast %parallel_loop3A_501 : vector<16xf32> to vector<1x1x16xf32>
        tpu.vector_store %arg7[%parallel_loop3A_503, %parallel_loop3A_504, %parallel_loop3A_505], %parallel_loop3A_508 {add = true, strides = array<i32>} : memref<4x32x768xf32, #tpu.memory_space<vmem>>, vector<1x1x16xf32>,
        %parallel_loop3A_509 = arith.index_cast %parallel_loop3A_343 : i32 to index
        %parallel_loop3A_510 = arith.constant 240 : index
        %parallel_loop3A_511 = tpu.vector_load %arg8[%parallel_loop3A_509, %parallel_loop3A_510] {strides = array<i32>} : memref<32x768xf32, #tpu.memory_space<vmem>>, vector<1x16xf32>,
        %parallel_loop3A_512 = vector.shape_cast %parallel_loop3A_511 : vector<1x16xf32> to vector<16xf32>
        %parallel_loop3A_513 = arith.constant 2 : i32
        %parallel_loop3A_514 = arith.index_cast %parallel_loop3A_513 : i32 to index
        %parallel_loop3A_515 = arith.index_cast %parallel_loop3A_343 : i32 to index
        %parallel_loop3A_516 = arith.constant 240 : index
        %parallel_loop3A_517 = tpu.vector_load %arg7[%parallel_loop3A_514, %parallel_loop3A_515, %parallel_loop3A_516] {strides = array<i32>} : memref<4x32x768xf32, #tpu.memory_space<vmem>>, vector<1x1x16xf32>,
        %parallel_loop3A_518 = vector.shape_cast %parallel_loop3A_517 : vector<1x1x16xf32> to vector<16xf32>
        %parallel_loop3A_519 = vector.shape_cast %parallel_loop3A_512 : vector<16xf32> to vector<1x1x16xf32>
        tpu.vector_store %arg7[%parallel_loop3A_514, %parallel_loop3A_515, %parallel_loop3A_516], %parallel_loop3A_519 {add = true, strides = array<i32>} : memref<4x32x768xf32, #tpu.memory_space<vmem>>, vector<1x1x16xf32>,
        %parallel_loop3A_520 = arith.index_cast %parallel_loop3A_343 : i32 to index
        %parallel_loop3A_521 = arith.constant 256 : index
        %parallel_loop3A_522 = tpu.vector_load %arg8[%parallel_loop3A_520, %parallel_loop3A_521] {strides = array<i32>} : memref<32x768xf32, #tpu.memory_space<vmem>>, vector<1x16xf32>,
        %parallel_loop3A_523 = vector.shape_cast %parallel_loop3A_522 : vector<1x16xf32> to vector<16xf32>
        %parallel_loop3A_524 = arith.constant 2 : i32
        %parallel_loop3A_525 = arith.index_cast %parallel_loop3A_524 : i32 to index
        %parallel_loop3A_526 = arith.index_cast %parallel_loop3A_343 : i32 to index
        %parallel_loop3A_527 = arith.constant 256 : index
        %parallel_loop3A_528 = tpu.vector_load %arg7[%parallel_loop3A_525, %parallel_loop3A_526, %parallel_loop3A_527] {strides = array<i32>} : memref<4x32x768xf32, #tpu.memory_space<vmem>>, vector<1x1x16xf32>,
        %parallel_loop3A_529 = vector.shape_cast %parallel_loop3A_528 : vector<1x1x16xf32> to vector<16xf32>
        %parallel_loop3A_530 = vector.shape_cast %parallel_loop3A_523 : vector<16xf32> to vector<1x1x16xf32>
        tpu.vector_store %arg7[%parallel_loop3A_525, %parallel_loop3A_526, %parallel_loop3A_527], %parallel_loop3A_530 {add = true, strides = array<i32>} : memref<4x32x768xf32, #tpu.memory_space<vmem>>, vector<1x1x16xf32>,
        %parallel_loop3A_531 = arith.index_cast %parallel_loop3A_343 : i32 to index
        %parallel_loop3A_532 = arith.constant 272 : index
        %parallel_loop3A_533 = tpu.vector_load %arg8[%parallel_loop3A_531, %parallel_loop3A_532] {strides = array<i32>} : memref<32x768xf32, #tpu.memory_space<vmem>>, vector<1x16xf32>,
        %parallel_loop3A_534 = vector.shape_cast %parallel_loop3A_533 : vector<1x16xf32> to vector<16xf32>
        %parallel_loop3A_535 = arith.constant 2 : i32
        %parallel_loop3A_536 = arith.index_cast %parallel_loop3A_535 : i32 to index
        %parallel_loop3A_537 = arith.index_cast %parallel_loop3A_343 : i32 to index
        %parallel_loop3A_538 = arith.constant 272 : index
        %parallel_loop3A_539 = tpu.vector_load %arg7[%parallel_loop3A_536, %parallel_loop3A_537, %parallel_loop3A_538] {strides = array<i32>} : memref<4x32x768xf32, #tpu.memory_space<vmem>>, vector<1x1x16xf32>,
        %parallel_loop3A_540 = vector.shape_cast %parallel_loop3A_539 : vector<1x1x16xf32> to vector<16xf32>
        %parallel_loop3A_541 = vector.shape_cast %parallel_loop3A_534 : vector<16xf32> to vector<1x1x16xf32>
        tpu.vector_store %arg7[%parallel_loop3A_536, %parallel_loop3A_537, %parallel_loop3A_538], %parallel_loop3A_541 {add = true, strides = array<i32>} : memref<4x32x768xf32, #tpu.memory_space<vmem>>, vector<1x1x16xf32>,
        %parallel_loop3A_542 = arith.index_cast %parallel_loop3A_343 : i32 to index
        %parallel_loop3A_543 = arith.constant 288 : index
        %parallel_loop3A_544 = tpu.vector_load %arg8[%parallel_loop3A_542, %parallel_loop3A_543] {strides = array<i32>} : memref<32x768xf32, #tpu.memory_space<vmem>>, vector<1x16xf32>,
        %parallel_loop3A_545 = vector.shape_cast %parallel_loop3A_544 : vector<1x16xf32> to vector<16xf32>
        %parallel_loop3A_546 = arith.constant 2 : i32
        %parallel_loop3A_547 = arith.index_cast %parallel_loop3A_546 : i32 to index
        %parallel_loop3A_548 = arith.index_cast %parallel_loop3A_343 : i32 to index
        %parallel_loop3A_549 = arith.constant 288 : index
        %parallel_loop3A_550 = tpu.vector_load %arg7[%parallel_loop3A_547, %parallel_loop3A_548, %parallel_loop3A_549] {strides = array<i32>} : memref<4x32x768xf32, #tpu.memory_space<vmem>>, vector<1x1x16xf32>,
        %parallel_loop3A_551 = vector.shape_cast %parallel_loop3A_550 : vector<1x1x16xf32> to vector<16xf32>
        %parallel_loop3A_552 = vector.shape_cast %parallel_loop3A_545 : vector<16xf32> to vector<1x1x16xf32>
        tpu.vector_store %arg7[%parallel_loop3A_547, %parallel_loop3A_548, %parallel_loop3A_549], %parallel_loop3A_552 {add = true, strides = array<i32>} : memref<4x32x768xf32, #tpu.memory_space<vmem>>, vector<1x1x16xf32>,
        %parallel_loop3A_553 = arith.index_cast %parallel_loop3A_343 : i32 to index
        %parallel_loop3A_554 = arith.constant 304 : index
        %parallel_loop3A_555 = tpu.vector_load %arg8[%parallel_loop3A_553, %parallel_loop3A_554] {strides = array<i32>} : memref<32x768xf32, #tpu.memory_space<vmem>>, vector<1x16xf32>,
        %parallel_loop3A_556 = vector.shape_cast %parallel_loop3A_555 : vector<1x16xf32> to vector<16xf32>
        %parallel_loop3A_557 = arith.constant 2 : i32
        %parallel_loop3A_558 = arith.index_cast %parallel_loop3A_557 : i32 to index
        %parallel_loop3A_559 = arith.index_cast %parallel_loop3A_343 : i32 to index
        %parallel_loop3A_560 = arith.constant 304 : index
        %parallel_loop3A_561 = tpu.vector_load %arg7[%parallel_loop3A_558, %parallel_loop3A_559, %parallel_loop3A_560] {strides = array<i32>} : memref<4x32x768xf32, #tpu.memory_space<vmem>>, vector<1x1x16xf32>,
        %parallel_loop3A_562 = vector.shape_cast %parallel_loop3A_561 : vector<1x1x16xf32> to vector<16xf32>
        %parallel_loop3A_563 = vector.shape_cast %parallel_loop3A_556 : vector<16xf32> to vector<1x1x16xf32>
        tpu.vector_store %arg7[%parallel_loop3A_558, %parallel_loop3A_559, %parallel_loop3A_560], %parallel_loop3A_563 {add = true, strides = array<i32>} : memref<4x32x768xf32, #tpu.memory_space<vmem>>, vector<1x1x16xf32>,
        %parallel_loop3A_564 = arith.index_cast %parallel_loop3A_343 : i32 to index
        %parallel_loop3A_565 = arith.constant 320 : index
        %parallel_loop3A_566 = tpu.vector_load %arg8[%parallel_loop3A_564, %parallel_loop3A_565] {strides = array<i32>} : memref<32x768xf32, #tpu.memory_space<vmem>>, vector<1x16xf32>,
        %parallel_loop3A_567 = vector.shape_cast %parallel_loop3A_566 : vector<1x16xf32> to vector<16xf32>
        %parallel_loop3A_568 = arith.constant 2 : i32
        %parallel_loop3A_569 = arith.index_cast %parallel_loop3A_568 : i32 to index
        %parallel_loop3A_570 = arith.index_cast %parallel_loop3A_343 : i32 to index
        %parallel_loop3A_571 = arith.constant 320 : index
        %parallel_loop3A_572 = tpu.vector_load %arg7[%parallel_loop3A_569, %parallel_loop3A_570, %parallel_loop3A_571] {strides = array<i32>} : memref<4x32x768xf32, #tpu.memory_space<vmem>>, vector<1x1x16xf32>,
        %parallel_loop3A_573 = vector.shape_cast %parallel_loop3A_572 : vector<1x1x16xf32> to vector<16xf32>
        %parallel_loop3A_574 = vector.shape_cast %parallel_loop3A_567 : vector<16xf32> to vector<1x1x16xf32>
        tpu.vector_store %arg7[%parallel_loop3A_569, %parallel_loop3A_570, %parallel_loop3A_571], %parallel_loop3A_574 {add = true, strides = array<i32>} : memref<4x32x768xf32, #tpu.memory_space<vmem>>, vector<1x1x16xf32>,
        %parallel_loop3A_575 = arith.index_cast %parallel_loop3A_343 : i32 to index
        %parallel_loop3A_576 = arith.constant 336 : index
        %parallel_loop3A_577 = tpu.vector_load %arg8[%parallel_loop3A_575, %parallel_loop3A_576] {strides = array<i32>} : memref<32x768xf32, #tpu.memory_space<vmem>>, vector<1x16xf32>,
        %parallel_loop3A_578 = vector.shape_cast %parallel_loop3A_577 : vector<1x16xf32> to vector<16xf32>
        %parallel_loop3A_579 = arith.constant 2 : i32
        %parallel_loop3A_580 = arith.index_cast %parallel_loop3A_579 : i32 to index
        %parallel_loop3A_581 = arith.index_cast %parallel_loop3A_343 : i32 to index
        %parallel_loop3A_582 = arith.constant 336 : index
        %parallel_loop3A_583 = tpu.vector_load %arg7[%parallel_loop3A_580, %parallel_loop3A_581, %parallel_loop3A_582] {strides = array<i32>} : memref<4x32x768xf32, #tpu.memory_space<vmem>>, vector<1x1x16xf32>,
        %parallel_loop3A_584 = vector.shape_cast %parallel_loop3A_583 : vector<1x1x16xf32> to vector<16xf32>
        %parallel_loop3A_585 = vector.shape_cast %parallel_loop3A_578 : vector<16xf32> to vector<1x1x16xf32>
        tpu.vector_store %arg7[%parallel_loop3A_580, %parallel_loop3A_581, %parallel_loop3A_582], %parallel_loop3A_585 {add = true, strides = array<i32>} : memref<4x32x768xf32, #tpu.memory_space<vmem>>, vector<1x1x16xf32>,
        %parallel_loop3A_586 = arith.index_cast %parallel_loop3A_343 : i32 to index
        %parallel_loop3A_587 = arith.constant 352 : index
        %parallel_loop3A_588 = tpu.vector_load %arg8[%parallel_loop3A_586, %parallel_loop3A_587] {strides = array<i32>} : memref<32x768xf32, #tpu.memory_space<vmem>>, vector<1x16xf32>,
        %parallel_loop3A_589 = vector.shape_cast %parallel_loop3A_588 : vector<1x16xf32> to vector<16xf32>
        %parallel_loop3A_590 = arith.constant 2 : i32
        %parallel_loop3A_591 = arith.index_cast %parallel_loop3A_590 : i32 to index
        %parallel_loop3A_592 = arith.index_cast %parallel_loop3A_343 : i32 to index
        %parallel_loop3A_593 = arith.constant 352 : index
        %parallel_loop3A_594 = tpu.vector_load %arg7[%parallel_loop3A_591, %parallel_loop3A_592, %parallel_loop3A_593] {strides = array<i32>} : memref<4x32x768xf32, #tpu.memory_space<vmem>>, vector<1x1x16xf32>,
        %parallel_loop3A_595 = vector.shape_cast %parallel_loop3A_594 : vector<1x1x16xf32> to vector<16xf32>
        %parallel_loop3A_596 = vector.shape_cast %parallel_loop3A_589 : vector<16xf32> to vector<1x1x16xf32>
        tpu.vector_store %arg7[%parallel_loop3A_591, %parallel_loop3A_592, %parallel_loop3A_593], %parallel_loop3A_596 {add = true, strides = array<i32>} : memref<4x32x768xf32, #tpu.memory_space<vmem>>, vector<1x1x16xf32>,
        %parallel_loop3A_597 = arith.index_cast %parallel_loop3A_343 : i32 to index
        %parallel_loop3A_598 = arith.constant 368 : index
        %parallel_loop3A_599 = tpu.vector_load %arg8[%parallel_loop3A_597, %parallel_loop3A_598] {strides = array<i32>} : memref<32x768xf32, #tpu.memory_space<vmem>>, vector<1x16xf32>,
        %parallel_loop3A_600 = vector.shape_cast %parallel_loop3A_599 : vector<1x16xf32> to vector<16xf32>
        %parallel_loop3A_601 = arith.constant 2 : i32
        %parallel_loop3A_602 = arith.index_cast %parallel_loop3A_601 : i32 to index
        %parallel_loop3A_603 = arith.index_cast %parallel_loop3A_343 : i32 to index
        %parallel_loop3A_604 = arith.constant 368 : index
        %parallel_loop3A_605 = tpu.vector_load %arg7[%parallel_loop3A_602, %parallel_loop3A_603, %parallel_loop3A_604] {strides = array<i32>} : memref<4x32x768xf32, #tpu.memory_space<vmem>>, vector<1x1x16xf32>,
        %parallel_loop3A_606 = vector.shape_cast %parallel_loop3A_605 : vector<1x1x16xf32> to vector<16xf32>
        %parallel_loop3A_607 = vector.shape_cast %parallel_loop3A_600 : vector<16xf32> to vector<1x1x16xf32>
        tpu.vector_store %arg7[%parallel_loop3A_602, %parallel_loop3A_603, %parallel_loop3A_604], %parallel_loop3A_607 {add = true, strides = array<i32>} : memref<4x32x768xf32, #tpu.memory_space<vmem>>, vector<1x1x16xf32>,
        %parallel_loop3A_608 = arith.index_cast %parallel_loop3A_343 : i32 to index
        %parallel_loop3A_609 = arith.constant 384 : index
        %parallel_loop3A_610 = tpu.vector_load %arg8[%parallel_loop3A_608, %parallel_loop3A_609] {strides = array<i32>} : memref<32x768xf32, #tpu.memory_space<vmem>>, vector<1x16xf32>,
        %parallel_loop3A_611 = vector.shape_cast %parallel_loop3A_610 : vector<1x16xf32> to vector<16xf32>
        %parallel_loop3A_612 = arith.constant 2 : i32
        %parallel_loop3A_613 = arith.index_cast %parallel_loop3A_612 : i32 to index
        %parallel_loop3A_614 = arith.index_cast %parallel_loop3A_343 : i32 to index
        %parallel_loop3A_615 = arith.constant 384 : index
        %parallel_loop3A_616 = tpu.vector_load %arg7[%parallel_loop3A_613, %parallel_loop3A_614, %parallel_loop3A_615] {strides = array<i32>} : memref<4x32x768xf32, #tpu.memory_space<vmem>>, vector<1x1x16xf32>,
        %parallel_loop3A_617 = vector.shape_cast %parallel_loop3A_616 : vector<1x1x16xf32> to vector<16xf32>
        %parallel_loop3A_618 = vector.shape_cast %parallel_loop3A_611 : vector<16xf32> to vector<1x1x16xf32>
        tpu.vector_store %arg7[%parallel_loop3A_613, %parallel_loop3A_614, %parallel_loop3A_615], %parallel_loop3A_618 {add = true, strides = array<i32>} : memref<4x32x768xf32, #tpu.memory_space<vmem>>, vector<1x1x16xf32>,
        %parallel_loop3A_619 = arith.index_cast %parallel_loop3A_343 : i32 to index
        %parallel_loop3A_620 = arith.constant 400 : index
        %parallel_loop3A_621 = tpu.vector_load %arg8[%parallel_loop3A_619, %parallel_loop3A_620] {strides = array<i32>} : memref<32x768xf32, #tpu.memory_space<vmem>>, vector<1x16xf32>,
        %parallel_loop3A_622 = vector.shape_cast %parallel_loop3A_621 : vector<1x16xf32> to vector<16xf32>
        %parallel_loop3A_623 = arith.constant 2 : i32
        %parallel_loop3A_624 = arith.index_cast %parallel_loop3A_623 : i32 to index
        %parallel_loop3A_625 = arith.index_cast %parallel_loop3A_343 : i32 to index
        %parallel_loop3A_626 = arith.constant 400 : index
        %parallel_loop3A_627 = tpu.vector_load %arg7[%parallel_loop3A_624, %parallel_loop3A_625, %parallel_loop3A_626] {strides = array<i32>} : memref<4x32x768xf32, #tpu.memory_space<vmem>>, vector<1x1x16xf32>,
        %parallel_loop3A_628 = vector.shape_cast %parallel_loop3A_627 : vector<1x1x16xf32> to vector<16xf32>
        %parallel_loop3A_629 = vector.shape_cast %parallel_loop3A_622 : vector<16xf32> to vector<1x1x16xf32>
        tpu.vector_store %arg7[%parallel_loop3A_624, %parallel_loop3A_625, %parallel_loop3A_626], %parallel_loop3A_629 {add = true, strides = array<i32>} : memref<4x32x768xf32, #tpu.memory_space<vmem>>, vector<1x1x16xf32>,
        %parallel_loop3A_630 = arith.index_cast %parallel_loop3A_343 : i32 to index
        %parallel_loop3A_631 = arith.constant 416 : index
        %parallel_loop3A_632 = tpu.vector_load %arg8[%parallel_loop3A_630, %parallel_loop3A_631] {strides = array<i32>} : memref<32x768xf32, #tpu.memory_space<vmem>>, vector<1x16xf32>,
        %parallel_loop3A_633 = vector.shape_cast %parallel_loop3A_632 : vector<1x16xf32> to vector<16xf32>
        %parallel_loop3A_634 = arith.constant 2 : i32
        %parallel_loop3A_635 = arith.index_cast %parallel_loop3A_634 : i32 to index
        %parallel_loop3A_636 = arith.index_cast %parallel_loop3A_343 : i32 to index
        %parallel_loop3A_637 = arith.constant 416 : index
        %parallel_loop3A_638 = tpu.vector_load %arg7[%parallel_loop3A_635, %parallel_loop3A_636, %parallel_loop3A_637] {strides = array<i32>} : memref<4x32x768xf32, #tpu.memory_space<vmem>>, vector<1x1x16xf32>,
        %parallel_loop3A_639 = vector.shape_cast %parallel_loop3A_638 : vector<1x1x16xf32> to vector<16xf32>
        %parallel_loop3A_640 = vector.shape_cast %parallel_loop3A_633 : vector<16xf32> to vector<1x1x16xf32>
        tpu.vector_store %arg7[%parallel_loop3A_635, %parallel_loop3A_636, %parallel_loop3A_637], %parallel_loop3A_640 {add = true, strides = array<i32>} : memref<4x32x768xf32, #tpu.memory_space<vmem>>, vector<1x1x16xf32>,
        %parallel_loop3A_641 = arith.index_cast %parallel_loop3A_343 : i32 to index
        %parallel_loop3A_642 = arith.constant 432 : index
        %parallel_loop3A_643 = tpu.vector_load %arg8[%parallel_loop3A_641, %parallel_loop3A_642] {strides = array<i32>} : memref<32x768xf32, #tpu.memory_space<vmem>>, vector<1x16xf32>,
        %parallel_loop3A_644 = vector.shape_cast %parallel_loop3A_643 : vector<1x16xf32> to vector<16xf32>
        %parallel_loop3A_645 = arith.constant 2 : i32
        %parallel_loop3A_646 = arith.index_cast %parallel_loop3A_645 : i32 to index
        %parallel_loop3A_647 = arith.index_cast %parallel_loop3A_343 : i32 to index
        %parallel_loop3A_648 = arith.constant 432 : index
        %parallel_loop3A_649 = tpu.vector_load %arg7[%parallel_loop3A_646, %parallel_loop3A_647, %parallel_loop3A_648] {strides = array<i32>} : memref<4x32x768xf32, #tpu.memory_space<vmem>>, vector<1x1x16xf32>,
        %parallel_loop3A_650 = vector.shape_cast %parallel_loop3A_649 : vector<1x1x16xf32> to vector<16xf32>
        %parallel_loop3A_651 = vector.shape_cast %parallel_loop3A_644 : vector<16xf32> to vector<1x1x16xf32>
        tpu.vector_store %arg7[%parallel_loop3A_646, %parallel_loop3A_647, %parallel_loop3A_648], %parallel_loop3A_651 {add = true, strides = array<i32>} : memref<4x32x768xf32, #tpu.memory_space<vmem>>, vector<1x1x16xf32>,
        %parallel_loop3A_652 = arith.index_cast %parallel_loop3A_343 : i32 to index
        %parallel_loop3A_653 = arith.constant 448 : index
        %parallel_loop3A_654 = tpu.vector_load %arg8[%parallel_loop3A_652, %parallel_loop3A_653] {strides = array<i32>} : memref<32x768xf32, #tpu.memory_space<vmem>>, vector<1x16xf32>,
        %parallel_loop3A_655 = vector.shape_cast %parallel_loop3A_654 : vector<1x16xf32> to vector<16xf32>
        %parallel_loop3A_656 = arith.constant 2 : i32
        %parallel_loop3A_657 = arith.index_cast %parallel_loop3A_656 : i32 to index
        %parallel_loop3A_658 = arith.index_cast %parallel_loop3A_343 : i32 to index
        %parallel_loop3A_659 = arith.constant 448 : index
        %parallel_loop3A_660 = tpu.vector_load %arg7[%parallel_loop3A_657, %parallel_loop3A_658, %parallel_loop3A_659] {strides = array<i32>} : memref<4x32x768xf32, #tpu.memory_space<vmem>>, vector<1x1x16xf32>,
        %parallel_loop3A_661 = vector.shape_cast %parallel_loop3A_660 : vector<1x1x16xf32> to vector<16xf32>
        %parallel_loop3A_662 = vector.shape_cast %parallel_loop3A_655 : vector<16xf32> to vector<1x1x16xf32>
        tpu.vector_store %arg7[%parallel_loop3A_657, %parallel_loop3A_658, %parallel_loop3A_659], %parallel_loop3A_662 {add = true, strides = array<i32>} : memref<4x32x768xf32, #tpu.memory_space<vmem>>, vector<1x1x16xf32>,
        %parallel_loop3A_663 = arith.index_cast %parallel_loop3A_343 : i32 to index
        %parallel_loop3A_664 = arith.constant 464 : index
        %parallel_loop3A_665 = tpu.vector_load %arg8[%parallel_loop3A_663, %parallel_loop3A_664] {strides = array<i32>} : memref<32x768xf32, #tpu.memory_space<vmem>>, vector<1x16xf32>,
        %parallel_loop3A_666 = vector.shape_cast %parallel_loop3A_665 : vector<1x16xf32> to vector<16xf32>
        %parallel_loop3A_667 = arith.constant 2 : i32
        %parallel_loop3A_668 = arith.index_cast %parallel_loop3A_667 : i32 to index
        %parallel_loop3A_669 = arith.index_cast %parallel_loop3A_343 : i32 to index
        %parallel_loop3A_670 = arith.constant 464 : index
        %parallel_loop3A_671 = tpu.vector_load %arg7[%parallel_loop3A_668, %parallel_loop3A_669, %parallel_loop3A_670] {strides = array<i32>} : memref<4x32x768xf32, #tpu.memory_space<vmem>>, vector<1x1x16xf32>,
        %parallel_loop3A_672 = vector.shape_cast %parallel_loop3A_671 : vector<1x1x16xf32> to vector<16xf32>
        %parallel_loop3A_673 = vector.shape_cast %parallel_loop3A_666 : vector<16xf32> to vector<1x1x16xf32>
        tpu.vector_store %arg7[%parallel_loop3A_668, %parallel_loop3A_669, %parallel_loop3A_670], %parallel_loop3A_673 {add = true, strides = array<i32>} : memref<4x32x768xf32, #tpu.memory_space<vmem>>, vector<1x1x16xf32>,
        %parallel_loop3A_674 = arith.index_cast %parallel_loop3A_343 : i32 to index
        %parallel_loop3A_675 = arith.constant 480 : index
        %parallel_loop3A_676 = tpu.vector_load %arg8[%parallel_loop3A_674, %parallel_loop3A_675] {strides = array<i32>} : memref<32x768xf32, #tpu.memory_space<vmem>>, vector<1x16xf32>,
        %parallel_loop3A_677 = vector.shape_cast %parallel_loop3A_676 : vector<1x16xf32> to vector<16xf32>
        %parallel_loop3A_678 = arith.constant 2 : i32
        %parallel_loop3A_679 = arith.index_cast %parallel_loop3A_678 : i32 to index
        %parallel_loop3A_680 = arith.index_cast %parallel_loop3A_343 : i32 to index
        %parallel_loop3A_681 = arith.constant 480 : index
        %parallel_loop3A_682 = tpu.vector_load %arg7[%parallel_loop3A_679, %parallel_loop3A_680, %parallel_loop3A_681] {strides = array<i32>} : memref<4x32x768xf32, #tpu.memory_space<vmem>>, vector<1x1x16xf32>,
        %parallel_loop3A_683 = vector.shape_cast %parallel_loop3A_682 : vector<1x1x16xf32> to vector<16xf32>
        %parallel_loop3A_684 = vector.shape_cast %parallel_loop3A_677 : vector<16xf32> to vector<1x1x16xf32>
        tpu.vector_store %arg7[%parallel_loop3A_679, %parallel_loop3A_680, %parallel_loop3A_681], %parallel_loop3A_684 {add = true, strides = array<i32>} : memref<4x32x768xf32, #tpu.memory_space<vmem>>, vector<1x1x16xf32>,
        %parallel_loop3A_685 = arith.index_cast %parallel_loop3A_343 : i32 to index
        %parallel_loop3A_686 = arith.constant 496 : index
        %parallel_loop3A_687 = tpu.vector_load %arg8[%parallel_loop3A_685, %parallel_loop3A_686] {strides = array<i32>} : memref<32x768xf32, #tpu.memory_space<vmem>>, vector<1x16xf32>,
        %parallel_loop3A_688 = vector.shape_cast %parallel_loop3A_687 : vector<1x16xf32> to vector<16xf32>
        %parallel_loop3A_689 = arith.constant 2 : i32
        %parallel_loop3A_690 = arith.index_cast %parallel_loop3A_689 : i32 to index
        %parallel_loop3A_691 = arith.index_cast %parallel_loop3A_343 : i32 to index
        %parallel_loop3A_692 = arith.constant 496 : index
        %parallel_loop3A_693 = tpu.vector_load %arg7[%parallel_loop3A_690, %parallel_loop3A_691, %parallel_loop3A_692] {strides = array<i32>} : memref<4x32x768xf32, #tpu.memory_space<vmem>>, vector<1x1x16xf32>,
        %parallel_loop3A_694 = vector.shape_cast %parallel_loop3A_693 : vector<1x1x16xf32> to vector<16xf32>
        %parallel_loop3A_695 = vector.shape_cast %parallel_loop3A_688 : vector<16xf32> to vector<1x1x16xf32>
        tpu.vector_store %arg7[%parallel_loop3A_690, %parallel_loop3A_691, %parallel_loop3A_692], %parallel_loop3A_695 {add = true, strides = array<i32>} : memref<4x32x768xf32, #tpu.memory_space<vmem>>, vector<1x1x16xf32>,
        %parallel_loop3A_696 = arith.index_cast %parallel_loop3A_343 : i32 to index
        %parallel_loop3A_697 = arith.constant 512 : index
        %parallel_loop3A_698 = tpu.vector_load %arg8[%parallel_loop3A_696, %parallel_loop3A_697] {strides = array<i32>} : memref<32x768xf32, #tpu.memory_space<vmem>>, vector<1x16xf32>,
        %parallel_loop3A_699 = vector.shape_cast %parallel_loop3A_698 : vector<1x16xf32> to vector<16xf32>
        %parallel_loop3A_700 = arith.constant 2 : i32
        %parallel_loop3A_701 = arith.index_cast %parallel_loop3A_700 : i32 to index
        %parallel_loop3A_702 = arith.index_cast %parallel_loop3A_343 : i32 to index
        %parallel_loop3A_703 = arith.constant 512 : index
        %parallel_loop3A_704 = tpu.vector_load %arg7[%parallel_loop3A_701, %parallel_loop3A_702, %parallel_loop3A_703] {strides = array<i32>} : memref<4x32x768xf32, #tpu.memory_space<vmem>>, vector<1x1x16xf32>,
        %parallel_loop3A_705 = vector.shape_cast %parallel_loop3A_704 : vector<1x1x16xf32> to vector<16xf32>
        %parallel_loop3A_706 = vector.shape_cast %parallel_loop3A_699 : vector<16xf32> to vector<1x1x16xf32>
        tpu.vector_store %arg7[%parallel_loop3A_701, %parallel_loop3A_702, %parallel_loop3A_703], %parallel_loop3A_706 {add = true, strides = array<i32>} : memref<4x32x768xf32, #tpu.memory_space<vmem>>, vector<1x1x16xf32>,
        %parallel_loop3A_707 = arith.index_cast %parallel_loop3A_343 : i32 to index
        %parallel_loop3A_708 = arith.constant 528 : index
        %parallel_loop3A_709 = tpu.vector_load %arg8[%parallel_loop3A_707, %parallel_loop3A_708] {strides = array<i32>} : memref<32x768xf32, #tpu.memory_space<vmem>>, vector<1x16xf32>,
        %parallel_loop3A_710 = vector.shape_cast %parallel_loop3A_709 : vector<1x16xf32> to vector<16xf32>
        %parallel_loop3A_711 = arith.constant 2 : i32
        %parallel_loop3A_712 = arith.index_cast %parallel_loop3A_711 : i32 to index
        %parallel_loop3A_713 = arith.index_cast %parallel_loop3A_343 : i32 to index
        %parallel_loop3A_714 = arith.constant 528 : index
        %parallel_loop3A_715 = tpu.vector_load %arg7[%parallel_loop3A_712, %parallel_loop3A_713, %parallel_loop3A_714] {strides = array<i32>} : memref<4x32x768xf32, #tpu.memory_space<vmem>>, vector<1x1x16xf32>,
        %parallel_loop3A_716 = vector.shape_cast %parallel_loop3A_715 : vector<1x1x16xf32> to vector<16xf32>
        %parallel_loop3A_717 = vector.shape_cast %parallel_loop3A_710 : vector<16xf32> to vector<1x1x16xf32>
        tpu.vector_store %arg7[%parallel_loop3A_712, %parallel_loop3A_713, %parallel_loop3A_714], %parallel_loop3A_717 {add = true, strides = array<i32>} : memref<4x32x768xf32, #tpu.memory_space<vmem>>, vector<1x1x16xf32>,
        %parallel_loop3A_718 = arith.index_cast %parallel_loop3A_343 : i32 to index
        %parallel_loop3A_719 = arith.constant 544 : index
        %parallel_loop3A_720 = tpu.vector_load %arg8[%parallel_loop3A_718, %parallel_loop3A_719] {strides = array<i32>} : memref<32x768xf32, #tpu.memory_space<vmem>>, vector<1x16xf32>,
        %parallel_loop3A_721 = vector.shape_cast %parallel_loop3A_720 : vector<1x16xf32> to vector<16xf32>
        %parallel_loop3A_722 = arith.constant 2 : i32
        %parallel_loop3A_723 = arith.index_cast %parallel_loop3A_722 : i32 to index
        %parallel_loop3A_724 = arith.index_cast %parallel_loop3A_343 : i32 to index
        %parallel_loop3A_725 = arith.constant 544 : index
        %parallel_loop3A_726 = tpu.vector_load %arg7[%parallel_loop3A_723, %parallel_loop3A_724, %parallel_loop3A_725] {strides = array<i32>} : memref<4x32x768xf32, #tpu.memory_space<vmem>>, vector<1x1x16xf32>,
        %parallel_loop3A_727 = vector.shape_cast %parallel_loop3A_726 : vector<1x1x16xf32> to vector<16xf32>
        %parallel_loop3A_728 = vector.shape_cast %parallel_loop3A_721 : vector<16xf32> to vector<1x1x16xf32>
        tpu.vector_store %arg7[%parallel_loop3A_723, %parallel_loop3A_724, %parallel_loop3A_725], %parallel_loop3A_728 {add = true, strides = array<i32>} : memref<4x32x768xf32, #tpu.memory_space<vmem>>, vector<1x1x16xf32>,
        %parallel_loop3A_729 = arith.index_cast %parallel_loop3A_343 : i32 to index
        %parallel_loop3A_730 = arith.constant 560 : index
        %parallel_loop3A_731 = tpu.vector_load %arg8[%parallel_loop3A_729, %parallel_loop3A_730] {strides = array<i32>} : memref<32x768xf32, #tpu.memory_space<vmem>>, vector<1x16xf32>,
        %parallel_loop3A_732 = vector.shape_cast %parallel_loop3A_731 : vector<1x16xf32> to vector<16xf32>
        %parallel_loop3A_733 = arith.constant 2 : i32
        %parallel_loop3A_734 = arith.index_cast %parallel_loop3A_733 : i32 to index
        %parallel_loop3A_735 = arith.index_cast %parallel_loop3A_343 : i32 to index
        %parallel_loop3A_736 = arith.constant 560 : index
        %parallel_loop3A_737 = tpu.vector_load %arg7[%parallel_loop3A_734, %parallel_loop3A_735, %parallel_loop3A_736] {strides = array<i32>} : memref<4x32x768xf32, #tpu.memory_space<vmem>>, vector<1x1x16xf32>,
        %parallel_loop3A_738 = vector.shape_cast %parallel_loop3A_737 : vector<1x1x16xf32> to vector<16xf32>
        %parallel_loop3A_739 = vector.shape_cast %parallel_loop3A_732 : vector<16xf32> to vector<1x1x16xf32>
        tpu.vector_store %arg7[%parallel_loop3A_734, %parallel_loop3A_735, %parallel_loop3A_736], %parallel_loop3A_739 {add = true, strides = array<i32>} : memref<4x32x768xf32, #tpu.memory_space<vmem>>, vector<1x1x16xf32>,
        %parallel_loop3A_740 = arith.index_cast %parallel_loop3A_343 : i32 to index
        %parallel_loop3A_741 = arith.constant 576 : index
        %parallel_loop3A_742 = tpu.vector_load %arg8[%parallel_loop3A_740, %parallel_loop3A_741] {strides = array<i32>} : memref<32x768xf32, #tpu.memory_space<vmem>>, vector<1x16xf32>,
        %parallel_loop3A_743 = vector.shape_cast %parallel_loop3A_742 : vector<1x16xf32> to vector<16xf32>
        %parallel_loop3A_744 = arith.constant 2 : i32
        %parallel_loop3A_745 = arith.index_cast %parallel_loop3A_744 : i32 to index
        %parallel_loop3A_746 = arith.index_cast %parallel_loop3A_343 : i32 to index
        %parallel_loop3A_747 = arith.constant 576 : index
        %parallel_loop3A_748 = tpu.vector_load %arg7[%parallel_loop3A_745, %parallel_loop3A_746, %parallel_loop3A_747] {strides = array<i32>} : memref<4x32x768xf32, #tpu.memory_space<vmem>>, vector<1x1x16xf32>,
        %parallel_loop3A_749 = vector.shape_cast %parallel_loop3A_748 : vector<1x1x16xf32> to vector<16xf32>
        %parallel_loop3A_750 = vector.shape_cast %parallel_loop3A_743 : vector<16xf32> to vector<1x1x16xf32>
        tpu.vector_store %arg7[%parallel_loop3A_745, %parallel_loop3A_746, %parallel_loop3A_747], %parallel_loop3A_750 {add = true, strides = array<i32>} : memref<4x32x768xf32, #tpu.memory_space<vmem>>, vector<1x1x16xf32>,
        %parallel_loop3A_751 = arith.index_cast %parallel_loop3A_343 : i32 to index
        %parallel_loop3A_752 = arith.constant 592 : index
        %parallel_loop3A_753 = tpu.vector_load %arg8[%parallel_loop3A_751, %parallel_loop3A_752] {strides = array<i32>} : memref<32x768xf32, #tpu.memory_space<vmem>>, vector<1x16xf32>,
        %parallel_loop3A_754 = vector.shape_cast %parallel_loop3A_753 : vector<1x16xf32> to vector<16xf32>
        %parallel_loop3A_755 = arith.constant 2 : i32
        %parallel_loop3A_756 = arith.index_cast %parallel_loop3A_755 : i32 to index
        %parallel_loop3A_757 = arith.index_cast %parallel_loop3A_343 : i32 to index
        %parallel_loop3A_758 = arith.constant 592 : index
        %parallel_loop3A_759 = tpu.vector_load %arg7[%parallel_loop3A_756, %parallel_loop3A_757, %parallel_loop3A_758] {strides = array<i32>} : memref<4x32x768xf32, #tpu.memory_space<vmem>>, vector<1x1x16xf32>,
        %parallel_loop3A_760 = vector.shape_cast %parallel_loop3A_759 : vector<1x1x16xf32> to vector<16xf32>
        %parallel_loop3A_761 = vector.shape_cast %parallel_loop3A_754 : vector<16xf32> to vector<1x1x16xf32>
        tpu.vector_store %arg7[%parallel_loop3A_756, %parallel_loop3A_757, %parallel_loop3A_758], %parallel_loop3A_761 {add = true, strides = array<i32>} : memref<4x32x768xf32, #tpu.memory_space<vmem>>, vector<1x1x16xf32>,
        %parallel_loop3A_762 = arith.index_cast %parallel_loop3A_343 : i32 to index
        %parallel_loop3A_763 = arith.constant 608 : index
        %parallel_loop3A_764 = tpu.vector_load %arg8[%parallel_loop3A_762, %parallel_loop3A_763] {strides = array<i32>} : memref<32x768xf32, #tpu.memory_space<vmem>>, vector<1x16xf32>,
        %parallel_loop3A_765 = vector.shape_cast %parallel_loop3A_764 : vector<1x16xf32> to vector<16xf32>
        %parallel_loop3A_766 = arith.constant 2 : i32
        %parallel_loop3A_767 = arith.index_cast %parallel_loop3A_766 : i32 to index
        %parallel_loop3A_768 = arith.index_cast %parallel_loop3A_343 : i32 to index
        %parallel_loop3A_769 = arith.constant 608 : index
        %parallel_loop3A_770 = tpu.vector_load %arg7[%parallel_loop3A_767, %parallel_loop3A_768, %parallel_loop3A_769] {strides = array<i32>} : memref<4x32x768xf32, #tpu.memory_space<vmem>>, vector<1x1x16xf32>,
        %parallel_loop3A_771 = vector.shape_cast %parallel_loop3A_770 : vector<1x1x16xf32> to vector<16xf32>
        %parallel_loop3A_772 = vector.shape_cast %parallel_loop3A_765 : vector<16xf32> to vector<1x1x16xf32>
        tpu.vector_store %arg7[%parallel_loop3A_767, %parallel_loop3A_768, %parallel_loop3A_769], %parallel_loop3A_772 {add = true, strides = array<i32>} : memref<4x32x768xf32, #tpu.memory_space<vmem>>, vector<1x1x16xf32>,
        %parallel_loop3A_773 = arith.index_cast %parallel_loop3A_343 : i32 to index
        %parallel_loop3A_774 = arith.constant 624 : index
        %parallel_loop3A_775 = tpu.vector_load %arg8[%parallel_loop3A_773, %parallel_loop3A_774] {strides = array<i32>} : memref<32x768xf32, #tpu.memory_space<vmem>>, vector<1x16xf32>,
        %parallel_loop3A_776 = vector.shape_cast %parallel_loop3A_775 : vector<1x16xf32> to vector<16xf32>
        %parallel_loop3A_777 = arith.constant 2 : i32
        %parallel_loop3A_778 = arith.index_cast %parallel_loop3A_777 : i32 to index
        %parallel_loop3A_779 = arith.index_cast %parallel_loop3A_343 : i32 to index
        %parallel_loop3A_780 = arith.constant 624 : index
        %parallel_loop3A_781 = tpu.vector_load %arg7[%parallel_loop3A_778, %parallel_loop3A_779, %parallel_loop3A_780] {strides = array<i32>} : memref<4x32x768xf32, #tpu.memory_space<vmem>>, vector<1x1x16xf32>,
        %parallel_loop3A_782 = vector.shape_cast %parallel_loop3A_781 : vector<1x1x16xf32> to vector<16xf32>
        %parallel_loop3A_783 = vector.shape_cast %parallel_loop3A_776 : vector<16xf32> to vector<1x1x16xf32>
        tpu.vector_store %arg7[%parallel_loop3A_778, %parallel_loop3A_779, %parallel_loop3A_780], %parallel_loop3A_783 {add = true, strides = array<i32>} : memref<4x32x768xf32, #tpu.memory_space<vmem>>, vector<1x1x16xf32>,
        %parallel_loop3A_784 = arith.index_cast %parallel_loop3A_343 : i32 to index
        %parallel_loop3A_785 = arith.constant 640 : index
        %parallel_loop3A_786 = tpu.vector_load %arg8[%parallel_loop3A_784, %parallel_loop3A_785] {strides = array<i32>} : memref<32x768xf32, #tpu.memory_space<vmem>>, vector<1x16xf32>,
        %parallel_loop3A_787 = vector.shape_cast %parallel_loop3A_786 : vector<1x16xf32> to vector<16xf32>
        %parallel_loop3A_788 = arith.constant 2 : i32
        %parallel_loop3A_789 = arith.index_cast %parallel_loop3A_788 : i32 to index
        %parallel_loop3A_790 = arith.index_cast %parallel_loop3A_343 : i32 to index
        %parallel_loop3A_791 = arith.constant 640 : index
        %parallel_loop3A_792 = tpu.vector_load %arg7[%parallel_loop3A_789, %parallel_loop3A_790, %parallel_loop3A_791] {strides = array<i32>} : memref<4x32x768xf32, #tpu.memory_space<vmem>>, vector<1x1x16xf32>,
        %parallel_loop3A_793 = vector.shape_cast %parallel_loop3A_792 : vector<1x1x16xf32> to vector<16xf32>
        %parallel_loop3A_794 = vector.shape_cast %parallel_loop3A_787 : vector<16xf32> to vector<1x1x16xf32>
        tpu.vector_store %arg7[%parallel_loop3A_789, %parallel_loop3A_790, %parallel_loop3A_791], %parallel_loop3A_794 {add = true, strides = array<i32>} : memref<4x32x768xf32, #tpu.memory_space<vmem>>, vector<1x1x16xf32>,
        %parallel_loop3A_795 = arith.index_cast %parallel_loop3A_343 : i32 to index
        %parallel_loop3A_796 = arith.constant 656 : index
        %parallel_loop3A_797 = tpu.vector_load %arg8[%parallel_loop3A_795, %parallel_loop3A_796] {strides = array<i32>} : memref<32x768xf32, #tpu.memory_space<vmem>>, vector<1x16xf32>,
        %parallel_loop3A_798 = vector.shape_cast %parallel_loop3A_797 : vector<1x16xf32> to vector<16xf32>
        %parallel_loop3A_799 = arith.constant 2 : i32
        %parallel_loop3A_800 = arith.index_cast %parallel_loop3A_799 : i32 to index
        %parallel_loop3A_801 = arith.index_cast %parallel_loop3A_343 : i32 to index
        %parallel_loop3A_802 = arith.constant 656 : index
        %parallel_loop3A_803 = tpu.vector_load %arg7[%parallel_loop3A_800, %parallel_loop3A_801, %parallel_loop3A_802] {strides = array<i32>} : memref<4x32x768xf32, #tpu.memory_space<vmem>>, vector<1x1x16xf32>,
        %parallel_loop3A_804 = vector.shape_cast %parallel_loop3A_803 : vector<1x1x16xf32> to vector<16xf32>
        %parallel_loop3A_805 = vector.shape_cast %parallel_loop3A_798 : vector<16xf32> to vector<1x1x16xf32>
        tpu.vector_store %arg7[%parallel_loop3A_800, %parallel_loop3A_801, %parallel_loop3A_802], %parallel_loop3A_805 {add = true, strides = array<i32>} : memref<4x32x768xf32, #tpu.memory_space<vmem>>, vector<1x1x16xf32>,
        %parallel_loop3A_806 = arith.index_cast %parallel_loop3A_343 : i32 to index
        %parallel_loop3A_807 = arith.constant 672 : index
        %parallel_loop3A_808 = tpu.vector_load %arg8[%parallel_loop3A_806, %parallel_loop3A_807] {strides = array<i32>} : memref<32x768xf32, #tpu.memory_space<vmem>>, vector<1x16xf32>,
        %parallel_loop3A_809 = vector.shape_cast %parallel_loop3A_808 : vector<1x16xf32> to vector<16xf32>
        %parallel_loop3A_810 = arith.constant 2 : i32
        %parallel_loop3A_811 = arith.index_cast %parallel_loop3A_810 : i32 to index
        %parallel_loop3A_812 = arith.index_cast %parallel_loop3A_343 : i32 to index
        %parallel_loop3A_813 = arith.constant 672 : index
        %parallel_loop3A_814 = tpu.vector_load %arg7[%parallel_loop3A_811, %parallel_loop3A_812, %parallel_loop3A_813] {strides = array<i32>} : memref<4x32x768xf32, #tpu.memory_space<vmem>>, vector<1x1x16xf32>,
        %parallel_loop3A_815 = vector.shape_cast %parallel_loop3A_814 : vector<1x1x16xf32> to vector<16xf32>
        %parallel_loop3A_816 = vector.shape_cast %parallel_loop3A_809 : vector<16xf32> to vector<1x1x16xf32>
        tpu.vector_store %arg7[%parallel_loop3A_811, %parallel_loop3A_812, %parallel_loop3A_813], %parallel_loop3A_816 {add = true, strides = array<i32>} : memref<4x32x768xf32, #tpu.memory_space<vmem>>, vector<1x1x16xf32>,
        %parallel_loop3A_817 = arith.index_cast %parallel_loop3A_343 : i32 to index
        %parallel_loop3A_818 = arith.constant 688 : index
        %parallel_loop3A_819 = tpu.vector_load %arg8[%parallel_loop3A_817, %parallel_loop3A_818] {strides = array<i32>} : memref<32x768xf32, #tpu.memory_space<vmem>>, vector<1x16xf32>,
        %parallel_loop3A_820 = vector.shape_cast %parallel_loop3A_819 : vector<1x16xf32> to vector<16xf32>
        %parallel_loop3A_821 = arith.constant 2 : i32
        %parallel_loop3A_822 = arith.index_cast %parallel_loop3A_821 : i32 to index
        %parallel_loop3A_823 = arith.index_cast %parallel_loop3A_343 : i32 to index
        %parallel_loop3A_824 = arith.constant 688 : index
        %parallel_loop3A_825 = tpu.vector_load %arg7[%parallel_loop3A_822, %parallel_loop3A_823, %parallel_loop3A_824] {strides = array<i32>} : memref<4x32x768xf32, #tpu.memory_space<vmem>>, vector<1x1x16xf32>,
        %parallel_loop3A_826 = vector.shape_cast %parallel_loop3A_825 : vector<1x1x16xf32> to vector<16xf32>
        %parallel_loop3A_827 = vector.shape_cast %parallel_loop3A_820 : vector<16xf32> to vector<1x1x16xf32>
        tpu.vector_store %arg7[%parallel_loop3A_822, %parallel_loop3A_823, %parallel_loop3A_824], %parallel_loop3A_827 {add = true, strides = array<i32>} : memref<4x32x768xf32, #tpu.memory_space<vmem>>, vector<1x1x16xf32>,
        %parallel_loop3A_828 = arith.index_cast %parallel_loop3A_343 : i32 to index
        %parallel_loop3A_829 = arith.constant 704 : index
        %parallel_loop3A_830 = tpu.vector_load %arg8[%parallel_loop3A_828, %parallel_loop3A_829] {strides = array<i32>} : memref<32x768xf32, #tpu.memory_space<vmem>>, vector<1x16xf32>,
        %parallel_loop3A_831 = vector.shape_cast %parallel_loop3A_830 : vector<1x16xf32> to vector<16xf32>
        %parallel_loop3A_832 = arith.constant 2 : i32
        %parallel_loop3A_833 = arith.index_cast %parallel_loop3A_832 : i32 to index
        %parallel_loop3A_834 = arith.index_cast %parallel_loop3A_343 : i32 to index
        %parallel_loop3A_835 = arith.constant 704 : index
        %parallel_loop3A_836 = tpu.vector_load %arg7[%parallel_loop3A_833, %parallel_loop3A_834, %parallel_loop3A_835] {strides = array<i32>} : memref<4x32x768xf32, #tpu.memory_space<vmem>>, vector<1x1x16xf32>,
        %parallel_loop3A_837 = vector.shape_cast %parallel_loop3A_836 : vector<1x1x16xf32> to vector<16xf32>
        %parallel_loop3A_838 = vector.shape_cast %parallel_loop3A_831 : vector<16xf32> to vector<1x1x16xf32>
        tpu.vector_store %arg7[%parallel_loop3A_833, %parallel_loop3A_834, %parallel_loop3A_835], %parallel_loop3A_838 {add = true, strides = array<i32>} : memref<4x32x768xf32, #tpu.memory_space<vmem>>, vector<1x1x16xf32>,
        %parallel_loop3A_839 = arith.index_cast %parallel_loop3A_343 : i32 to index
        %parallel_loop3A_840 = arith.constant 720 : index
        %parallel_loop3A_841 = tpu.vector_load %arg8[%parallel_loop3A_839, %parallel_loop3A_840] {strides = array<i32>} : memref<32x768xf32, #tpu.memory_space<vmem>>, vector<1x16xf32>,
        %parallel_loop3A_842 = vector.shape_cast %parallel_loop3A_841 : vector<1x16xf32> to vector<16xf32>
        %parallel_loop3A_843 = arith.constant 2 : i32
        %parallel_loop3A_844 = arith.index_cast %parallel_loop3A_843 : i32 to index
        %parallel_loop3A_845 = arith.index_cast %parallel_loop3A_343 : i32 to index
        %parallel_loop3A_846 = arith.constant 720 : index
        %parallel_loop3A_847 = tpu.vector_load %arg7[%parallel_loop3A_844, %parallel_loop3A_845, %parallel_loop3A_846] {strides = array<i32>} : memref<4x32x768xf32, #tpu.memory_space<vmem>>, vector<1x1x16xf32>,
        %parallel_loop3A_848 = vector.shape_cast %parallel_loop3A_847 : vector<1x1x16xf32> to vector<16xf32>
        %parallel_loop3A_849 = vector.shape_cast %parallel_loop3A_842 : vector<16xf32> to vector<1x1x16xf32>
        tpu.vector_store %arg7[%parallel_loop3A_844, %parallel_loop3A_845, %parallel_loop3A_846], %parallel_loop3A_849 {add = true, strides = array<i32>} : memref<4x32x768xf32, #tpu.memory_space<vmem>>, vector<1x1x16xf32>,
        %parallel_loop3A_850 = arith.index_cast %parallel_loop3A_343 : i32 to index
        %parallel_loop3A_851 = arith.constant 736 : index
        %parallel_loop3A_852 = tpu.vector_load %arg8[%parallel_loop3A_850, %parallel_loop3A_851] {strides = array<i32>} : memref<32x768xf32, #tpu.memory_space<vmem>>, vector<1x16xf32>,
        %parallel_loop3A_853 = vector.shape_cast %parallel_loop3A_852 : vector<1x16xf32> to vector<16xf32>
        %parallel_loop3A_854 = arith.constant 2 : i32
        %parallel_loop3A_855 = arith.index_cast %parallel_loop3A_854 : i32 to index
        %parallel_loop3A_856 = arith.index_cast %parallel_loop3A_343 : i32 to index
        %parallel_loop3A_857 = arith.constant 736 : index
        %parallel_loop3A_858 = tpu.vector_load %arg7[%parallel_loop3A_855, %parallel_loop3A_856, %parallel_loop3A_857] {strides = array<i32>} : memref<4x32x768xf32, #tpu.memory_space<vmem>>, vector<1x1x16xf32>,
        %parallel_loop3A_859 = vector.shape_cast %parallel_loop3A_858 : vector<1x1x16xf32> to vector<16xf32>
        %parallel_loop3A_860 = vector.shape_cast %parallel_loop3A_853 : vector<16xf32> to vector<1x1x16xf32>
        tpu.vector_store %arg7[%parallel_loop3A_855, %parallel_loop3A_856, %parallel_loop3A_857], %parallel_loop3A_860 {add = true, strides = array<i32>} : memref<4x32x768xf32, #tpu.memory_space<vmem>>, vector<1x1x16xf32>,
        %parallel_loop3A_861 = arith.index_cast %parallel_loop3A_343 : i32 to index
        %parallel_loop3A_862 = arith.constant 752 : index
        %parallel_loop3A_863 = tpu.vector_load %arg8[%parallel_loop3A_861, %parallel_loop3A_862] {strides = array<i32>} : memref<32x768xf32, #tpu.memory_space<vmem>>, vector<1x16xf32>,
        %parallel_loop3A_864 = vector.shape_cast %parallel_loop3A_863 : vector<1x16xf32> to vector<16xf32>
        %parallel_loop3A_865 = arith.constant 2 : i32
        %parallel_loop3A_866 = arith.index_cast %parallel_loop3A_865 : i32 to index
        %parallel_loop3A_867 = arith.index_cast %parallel_loop3A_343 : i32 to index
        %parallel_loop3A_868 = arith.constant 752 : index
        %parallel_loop3A_869 = tpu.vector_load %arg7[%parallel_loop3A_866, %parallel_loop3A_867, %parallel_loop3A_868] {strides = array<i32>} : memref<4x32x768xf32, #tpu.memory_space<vmem>>, vector<1x1x16xf32>,
        %parallel_loop3A_870 = vector.shape_cast %parallel_loop3A_869 : vector<1x1x16xf32> to vector<16xf32>
        %parallel_loop3A_871 = vector.shape_cast %parallel_loop3A_864 : vector<16xf32> to vector<1x1x16xf32>
        tpu.vector_store %arg7[%parallel_loop3A_866, %parallel_loop3A_867, %parallel_loop3A_868], %parallel_loop3A_871 {add = true, strides = array<i32>} : memref<4x32x768xf32, #tpu.memory_space<vmem>>, vector<1x1x16xf32>,
      } {sc.loop_unroll_factor = 2 : i64, sc.parallel_access}
      %mul3A_243 = arith.constant 64 : i32
      %mul3A_244 = arith.muli %add3A, %mul3A_243 : i32
      %mul3A_245 = arith.constant 32 : i32
      %mul3A_246 = arith.muli %scan3A_108, %mul3A_245 : i32
      %add3A_247 = arith.constant 4096 : i32
      %add3A_248 = arith.addi %add3A_247, %mul3A_246 : i32
      %add3A_249 = arith.addi %mul3A_244, %add3A_248 : i32
      %dma_start3A_250 = arith.constant 2 : i32
      %dma_start3A_251 = arith.constant 0 : i32
      %dma_start3A_252 = arith.constant 0 : i32
      %dma_start3A_253 = tpu.memref_slice %arg7[%dma_start3A_250, %dma_start3A_251, %dma_start3A_252] : memref<4x32x768xf32, #tpu.memory_space<vmem>> -> memref<1x32x768xf32, #tpu.memory_space<vmem>>
      %dma_start3A_254 = tpu.memref_squeeze %dma_start3A_253 : memref<1x32x768xf32, #tpu.memory_space<vmem>> -> memref<32x768xf32, #tpu.memory_space<vmem>>
      %dma_start3A_255 = arith.constant 0 : i32
      %dma_start3A_256 = tpu.memref_slice %arg5[%add3A_249, %dma_start3A_255] : memref<8192x768xf32, #tpu.memory_space<hbm>> -> memref<32x768xf32, #tpu.memory_space<hbm>>
      %dma_start3A_257 = arith.constant 0 : i32
      %dma_start3A_258 = tpu.memref_slice %arg5[%add3A_249, %dma_start3A_257] : memref<8192x768xf32, #tpu.memory_space<hbm>> -> memref<32x768xf32, #tpu.memory_space<hbm>>
      %dma_start3A_259 = arith.constant 0 : i32
      %dma_start3A_260 = arith.constant 0 : i32
      %dma_start3A_261 = tpu.memref_slice %arg7[%dma_start3A_250, %dma_start3A_259, %dma_start3A_260] : memref<4x32x768xf32, #tpu.memory_space<vmem>> -> memref<1x32x768xf32, #tpu.memory_space<vmem>>
      %dma_start3A_262 = tpu.memref_squeeze %dma_start3A_261 : memref<1x32x768xf32, #tpu.memory_space<vmem>> -> memref<32x768xf32, #tpu.memory_space<vmem>>
      tpu.enqueue_dma source(%dma_start3A_262 : memref<32x768xf32, #tpu.memory_space<vmem>>) target(%dma_start3A_258 : memref<32x768xf32, #tpu.memory_space<hbm>>) target_semaphore(%arg15 : memref<!tpu.dma_semaphore, #tpu.memory_space<semaphore_mem>>)
      %ge3A_263 = arith.constant 1 : i32
      %ge3A_264 = arith.cmpi sge, %add3A_228, %ge3A_263 : i32
      %add3A_265 = arith.constant 4 : i32
      %add3A_266 = arith.addi %add3A_228, %add3A_265 : i32
      %sub3A_267 = arith.constant 1 : i32
      %sub3A_268 = arith.subi %add3A_266, %sub3A_267 : i32
      %lt3A_269 = arith.constant 8 : i32
      %lt3A_270 = arith.cmpi slt, %sub3A_268, %lt3A_269 : i32
      %and3A_271 = arith.andi %ge3A_264, %lt3A_270 : i1
      %convert_element_type3A_272 = arith.extui %and3A_271 : i1 to i32
      %cond3A_273 = arith.constant 0 : i32
      %cond3A_274 = arith.cmpi ne, %convert_element_type3A_272, %cond3A_273 : i32
      scf.if %cond3A_274 {
        %sub3A_343 = arith.constant 1 : i32
        %sub3A_344 = arith.subi %add3A_228, %sub3A_343 : i32
        %mul3A_345 = arith.constant 64 : i32
        %mul3A_346 = arith.muli %add3A, %mul3A_345 : i32
        %add3A_347 = arith.constant 0 : i32
        %add3A_348 = arith.addi %mul3A_346, %add3A_347 : i32
        %dma_wait3A_349 = arith.constant 1 : i32
        %dma_wait3A_350 = arith.constant 0 : i32
        %dma_wait3A_351 = arith.constant 0 : i32
        %dma_wait3A_352 = tpu.memref_slice %arg7[%dma_wait3A_349, %dma_wait3A_350, %dma_wait3A_351] : memref<4x32x768xf32, #tpu.memory_space<vmem>> -> memref<1x32x768xf32, #tpu.memory_space<vmem>>
        %dma_wait3A_353 = tpu.memref_squeeze %dma_wait3A_352 : memref<1x32x768xf32, #tpu.memory_space<vmem>> -> memref<32x768xf32, #tpu.memory_space<vmem>>
        %dma_wait3A_354 = arith.constant 0 : i32
        %dma_wait3A_355 = tpu.memref_slice %arg5[%add3A_348, %dma_wait3A_354] : memref<8192x768xf32, #tpu.memory_space<hbm>> -> memref<32x768xf32, #tpu.memory_space<hbm>>
        %dma_wait3A_356 = arith.constant 0 : i32
        %dma_wait3A_357 = tpu.memref_slice %arg5[%add3A_348, %dma_wait3A_356] : memref<8192x768xf32, #tpu.memory_space<hbm>> -> memref<32x768xf32, #tpu.memory_space<hbm>>
        %dma_wait3A_358 = arith.constant 0 : i32
        %dma_wait3A_359 = arith.constant 0 : i32
        %dma_wait3A_360 = tpu.memref_slice %arg7[%dma_wait3A_349, %dma_wait3A_358, %dma_wait3A_359] : memref<4x32x768xf32, #tpu.memory_space<vmem>> -> memref<1x32x768xf32, #tpu.memory_space<vmem>>
        %dma_wait3A_361 = tpu.memref_squeeze %dma_wait3A_360 : memref<1x32x768xf32, #tpu.memory_space<vmem>> -> memref<32x768xf32, #tpu.memory_space<vmem>>
        tpu.wait_dma2 semaphore(%arg14 : memref<!tpu.dma_semaphore, #tpu.memory_space<semaphore_mem>>) src(%dma_wait3A_361 : memref<32x768xf32, #tpu.memory_space<vmem>>) dst(%dma_wait3A_357 : memref<32x768xf32, #tpu.memory_space<hbm>>)
      } else {
      }
      %add3A_275 = arith.constant 4 : i32
      %add3A_276 = arith.addi %add3A_228, %add3A_275 : i32
      %sub3A_277 = arith.constant 1 : i32
      %sub3A_278 = arith.subi %add3A_276, %sub3A_277 : i32
      %lt3A_279 = arith.constant 8 : i32
      %lt3A_280 = arith.cmpi slt, %sub3A_278, %lt3A_279 : i32
      %convert_element_type3A_281 = arith.extui %lt3A_280 : i1 to i32
      %cond3A_282 = arith.constant 0 : i32
      %cond3A_283 = arith.cmpi ne, %convert_element_type3A_281, %cond3A_282 : i32
      scf.if %cond3A_283 {
        %add3A_343 = arith.constant 4 : i32
        %add3A_344 = arith.addi %add3A_228, %add3A_343 : i32
        %sub3A_345 = arith.constant 1 : i32
        %sub3A_346 = arith.subi %add3A_344, %sub3A_345 : i32
        %dma_start3A_347 = arith.constant 1 : i32
        %dma_start3A_348 = arith.constant 0 : i32
        %dma_start3A_349 = arith.constant 0 : i32
        %dma_start3A_350 = tpu.memref_slice %arg7[%dma_start3A_347, %dma_start3A_348, %dma_start3A_349] : memref<4x32x768xf32, #tpu.memory_space<vmem>> -> memref<1x32x768xf32, #tpu.memory_space<vmem>>
        %dma_start3A_351 = tpu.memref_squeeze %dma_start3A_350 : memref<1x32x768xf32, #tpu.memory_space<vmem>> -> memref<32x768xf32, #tpu.memory_space<vmem>>
        %dma_start3A_352 = arith.constant 0 : i32
        %dma_start3A_353 = tpu.memref_slice %arg6[%sub3A_346, %dma_start3A_352] : memref<8x32xi32, #tpu.memory_space<vmem>> -> memref<1x32xi32, #tpu.memory_space<vmem>>
        %dma_start3A_354 = tpu.memref_squeeze %dma_start3A_353 : memref<1x32xi32, #tpu.memory_space<vmem>> -> memref<32xi32, #tpu.memory_space<vmem>>
        %dma_start3A_355 = arith.constant 0 : i32
        %dma_start3A_356 = arith.constant 0 : i32
        %dma_start3A_357 = tpu.memref_slice %arg3[%dma_start3A_355, %dma_start3A_356] : memref<100000x768xf32, #tpu.memory_space<hbm>> -> memref<100000x768xf32, #tpu.memory_space<hbm>>
        tpu.enqueue_indirect_dma source(%dma_start3A_357 : memref<100000x768xf32, #tpu.memory_space<hbm>>) target(%dma_start3A_351 : memref<32x768xf32, #tpu.memory_space<vmem>>) offsets(%dma_start3A_354 : memref<32xi32, #tpu.memory_space<vmem>>) semaphore(%arg10 : memref<!tpu.dma_semaphore, #tpu.memory_space<semaphore_mem>>)
      } else {
      }
      %mul3A_284 = arith.constant 4 : i32
      %mul3A_285 = arith.muli %scan3A_108, %mul3A_284 : i32
      %add3A_286 = arith.constant 3 : i32
      %add3A_287 = arith.addi %mul3A_285, %add3A_286 : i32
      %dma_wait3A_288 = arith.constant 3 : i32
      %dma_wait3A_289 = arith.constant 0 : i32
      %dma_wait3A_290 = arith.constant 0 : i32
      %dma_wait3A_291 = tpu.memref_slice %arg7[%dma_wait3A_288, %dma_wait3A_289, %dma_wait3A_290] : memref<4x32x768xf32, #tpu.memory_space<vmem>> -> memref<1x32x768xf32, #tpu.memory_space<vmem>>
      %dma_wait3A_292 = tpu.memref_squeeze %dma_wait3A_291 : memref<1x32x768xf32, #tpu.memory_space<vmem>> -> memref<32x768xf32, #tpu.memory_space<vmem>>
      %dma_wait3A_293 = arith.constant 0 : i32
      %dma_wait3A_294 = tpu.memref_slice %arg6[%add3A_287, %dma_wait3A_293] : memref<8x32xi32, #tpu.memory_space<vmem>> -> memref<1x32xi32, #tpu.memory_space<vmem>>
      %dma_wait3A_295 = tpu.memref_squeeze %dma_wait3A_294 : memref<1x32xi32, #tpu.memory_space<vmem>> -> memref<32xi32, #tpu.memory_space<vmem>>
      %dma_wait3A_296 = arith.constant 0 : i32
      %dma_wait3A_297 = arith.constant 0 : i32
      %dma_wait3A_298 = tpu.memref_slice %arg3[%dma_wait3A_296, %dma_wait3A_297] : memref<100000x768xf32, #tpu.memory_space<hbm>> -> memref<100000x768xf32, #tpu.memory_space<hbm>>
      tpu.wait_indirect_dma semaphore(%arg12 : memref<!tpu.dma_semaphore, #tpu.memory_space<semaphore_mem>>) src(%dma_wait3A_298 : memref<100000x768xf32, #tpu.memory_space<hbm>>) dst(%dma_wait3A_292 : memref<32x768xf32, #tpu.memory_space<vmem>>)
      %parallel_loop3A_299 = arith.constant 0 : i32
      %parallel_loop3A_300 = arith.constant 32 : i32
      %parallel_loop3A_301 = arith.constant 1 : i32
      scf.for %parallel_loop3A_343 = %parallel_loop3A_299 to %parallel_loop3A_300 step %parallel_loop3A_301  : i32 {
        %parallel_loop3A_344 = arith.index_cast %parallel_loop3A_343 : i32 to index
        %parallel_loop3A_345 = arith.constant 0 : index
        %parallel_loop3A_346 = tpu.vector_load %arg8[%parallel_loop3A_344, %parallel_loop3A_345] {strides = array<i32>} : memref<32x768xf32, #tpu.memory_space<vmem>>, vector<1x16xf32>,
        %parallel_loop3A_347 = vector.shape_cast %parallel_loop3A_346 : vector<1x16xf32> to vector<16xf32>
        %parallel_loop3A_348 = arith.constant 3 : i32
        %parallel_loop3A_349 = arith.index_cast %parallel_loop3A_348 : i32 to index
        %parallel_loop3A_350 = arith.index_cast %parallel_loop3A_343 : i32 to index
        %parallel_loop3A_351 = arith.constant 0 : index
        %parallel_loop3A_352 = tpu.vector_load %arg7[%parallel_loop3A_349, %parallel_loop3A_350, %parallel_loop3A_351] {strides = array<i32>} : memref<4x32x768xf32, #tpu.memory_space<vmem>>, vector<1x1x16xf32>,
        %parallel_loop3A_353 = vector.shape_cast %parallel_loop3A_352 : vector<1x1x16xf32> to vector<16xf32>
        %parallel_loop3A_354 = vector.shape_cast %parallel_loop3A_347 : vector<16xf32> to vector<1x1x16xf32>
        tpu.vector_store %arg7[%parallel_loop3A_349, %parallel_loop3A_350, %parallel_loop3A_351], %parallel_loop3A_354 {add = true, strides = array<i32>} : memref<4x32x768xf32, #tpu.memory_space<vmem>>, vector<1x1x16xf32>,
        %parallel_loop3A_355 = arith.index_cast %parallel_loop3A_343 : i32 to index
        %parallel_loop3A_356 = arith.constant 16 : index
        %parallel_loop3A_357 = tpu.vector_load %arg8[%parallel_loop3A_355, %parallel_loop3A_356] {strides = array<i32>} : memref<32x768xf32, #tpu.memory_space<vmem>>, vector<1x16xf32>,
        %parallel_loop3A_358 = vector.shape_cast %parallel_loop3A_357 : vector<1x16xf32> to vector<16xf32>
        %parallel_loop3A_359 = arith.constant 3 : i32
        %parallel_loop3A_360 = arith.index_cast %parallel_loop3A_359 : i32 to index
        %parallel_loop3A_361 = arith.index_cast %parallel_loop3A_343 : i32 to index
        %parallel_loop3A_362 = arith.constant 16 : index
        %parallel_loop3A_363 = tpu.vector_load %arg7[%parallel_loop3A_360, %parallel_loop3A_361, %parallel_loop3A_362] {strides = array<i32>} : memref<4x32x768xf32, #tpu.memory_space<vmem>>, vector<1x1x16xf32>,
        %parallel_loop3A_364 = vector.shape_cast %parallel_loop3A_363 : vector<1x1x16xf32> to vector<16xf32>
        %parallel_loop3A_365 = vector.shape_cast %parallel_loop3A_358 : vector<16xf32> to vector<1x1x16xf32>
        tpu.vector_store %arg7[%parallel_loop3A_360, %parallel_loop3A_361, %parallel_loop3A_362], %parallel_loop3A_365 {add = true, strides = array<i32>} : memref<4x32x768xf32, #tpu.memory_space<vmem>>, vector<1x1x16xf32>,
        %parallel_loop3A_366 = arith.index_cast %parallel_loop3A_343 : i32 to index
        %parallel_loop3A_367 = arith.constant 32 : index
        %parallel_loop3A_368 = tpu.vector_load %arg8[%parallel_loop3A_366, %parallel_loop3A_367] {strides = array<i32>} : memref<32x768xf32, #tpu.memory_space<vmem>>, vector<1x16xf32>,
        %parallel_loop3A_369 = vector.shape_cast %parallel_loop3A_368 : vector<1x16xf32> to vector<16xf32>
        %parallel_loop3A_370 = arith.constant 3 : i32
        %parallel_loop3A_371 = arith.index_cast %parallel_loop3A_370 : i32 to index
        %parallel_loop3A_372 = arith.index_cast %parallel_loop3A_343 : i32 to index
        %parallel_loop3A_373 = arith.constant 32 : index
        %parallel_loop3A_374 = tpu.vector_load %arg7[%parallel_loop3A_371, %parallel_loop3A_372, %parallel_loop3A_373] {strides = array<i32>} : memref<4x32x768xf32, #tpu.memory_space<vmem>>, vector<1x1x16xf32>,
        %parallel_loop3A_375 = vector.shape_cast %parallel_loop3A_374 : vector<1x1x16xf32> to vector<16xf32>
        %parallel_loop3A_376 = vector.shape_cast %parallel_loop3A_369 : vector<16xf32> to vector<1x1x16xf32>
        tpu.vector_store %arg7[%parallel_loop3A_371, %parallel_loop3A_372, %parallel_loop3A_373], %parallel_loop3A_376 {add = true, strides = array<i32>} : memref<4x32x768xf32, #tpu.memory_space<vmem>>, vector<1x1x16xf32>,
        %parallel_loop3A_377 = arith.index_cast %parallel_loop3A_343 : i32 to index
        %parallel_loop3A_378 = arith.constant 48 : index
        %parallel_loop3A_379 = tpu.vector_load %arg8[%parallel_loop3A_377, %parallel_loop3A_378] {strides = array<i32>} : memref<32x768xf32, #tpu.memory_space<vmem>>, vector<1x16xf32>,
        %parallel_loop3A_380 = vector.shape_cast %parallel_loop3A_379 : vector<1x16xf32> to vector<16xf32>
        %parallel_loop3A_381 = arith.constant 3 : i32
        %parallel_loop3A_382 = arith.index_cast %parallel_loop3A_381 : i32 to index
        %parallel_loop3A_383 = arith.index_cast %parallel_loop3A_343 : i32 to index
        %parallel_loop3A_384 = arith.constant 48 : index
        %parallel_loop3A_385 = tpu.vector_load %arg7[%parallel_loop3A_382, %parallel_loop3A_383, %parallel_loop3A_384] {strides = array<i32>} : memref<4x32x768xf32, #tpu.memory_space<vmem>>, vector<1x1x16xf32>,
        %parallel_loop3A_386 = vector.shape_cast %parallel_loop3A_385 : vector<1x1x16xf32> to vector<16xf32>
        %parallel_loop3A_387 = vector.shape_cast %parallel_loop3A_380 : vector<16xf32> to vector<1x1x16xf32>
        tpu.vector_store %arg7[%parallel_loop3A_382, %parallel_loop3A_383, %parallel_loop3A_384], %parallel_loop3A_387 {add = true, strides = array<i32>} : memref<4x32x768xf32, #tpu.memory_space<vmem>>, vector<1x1x16xf32>,
        %parallel_loop3A_388 = arith.index_cast %parallel_loop3A_343 : i32 to index
        %parallel_loop3A_389 = arith.constant 64 : index
        %parallel_loop3A_390 = tpu.vector_load %arg8[%parallel_loop3A_388, %parallel_loop3A_389] {strides = array<i32>} : memref<32x768xf32, #tpu.memory_space<vmem>>, vector<1x16xf32>,
        %parallel_loop3A_391 = vector.shape_cast %parallel_loop3A_390 : vector<1x16xf32> to vector<16xf32>
        %parallel_loop3A_392 = arith.constant 3 : i32
        %parallel_loop3A_393 = arith.index_cast %parallel_loop3A_392 : i32 to index
        %parallel_loop3A_394 = arith.index_cast %parallel_loop3A_343 : i32 to index
        %parallel_loop3A_395 = arith.constant 64 : index
        %parallel_loop3A_396 = tpu.vector_load %arg7[%parallel_loop3A_393, %parallel_loop3A_394, %parallel_loop3A_395] {strides = array<i32>} : memref<4x32x768xf32, #tpu.memory_space<vmem>>, vector<1x1x16xf32>,
        %parallel_loop3A_397 = vector.shape_cast %parallel_loop3A_396 : vector<1x1x16xf32> to vector<16xf32>
        %parallel_loop3A_398 = vector.shape_cast %parallel_loop3A_391 : vector<16xf32> to vector<1x1x16xf32>
        tpu.vector_store %arg7[%parallel_loop3A_393, %parallel_loop3A_394, %parallel_loop3A_395], %parallel_loop3A_398 {add = true, strides = array<i32>} : memref<4x32x768xf32, #tpu.memory_space<vmem>>, vector<1x1x16xf32>,
        %parallel_loop3A_399 = arith.index_cast %parallel_loop3A_343 : i32 to index
        %parallel_loop3A_400 = arith.constant 80 : index
        %parallel_loop3A_401 = tpu.vector_load %arg8[%parallel_loop3A_399, %parallel_loop3A_400] {strides = array<i32>} : memref<32x768xf32, #tpu.memory_space<vmem>>, vector<1x16xf32>,
        %parallel_loop3A_402 = vector.shape_cast %parallel_loop3A_401 : vector<1x16xf32> to vector<16xf32>
        %parallel_loop3A_403 = arith.constant 3 : i32
        %parallel_loop3A_404 = arith.index_cast %parallel_loop3A_403 : i32 to index
        %parallel_loop3A_405 = arith.index_cast %parallel_loop3A_343 : i32 to index
        %parallel_loop3A_406 = arith.constant 80 : index
        %parallel_loop3A_407 = tpu.vector_load %arg7[%parallel_loop3A_404, %parallel_loop3A_405, %parallel_loop3A_406] {strides = array<i32>} : memref<4x32x768xf32, #tpu.memory_space<vmem>>, vector<1x1x16xf32>,
        %parallel_loop3A_408 = vector.shape_cast %parallel_loop3A_407 : vector<1x1x16xf32> to vector<16xf32>
        %parallel_loop3A_409 = vector.shape_cast %parallel_loop3A_402 : vector<16xf32> to vector<1x1x16xf32>
        tpu.vector_store %arg7[%parallel_loop3A_404, %parallel_loop3A_405, %parallel_loop3A_406], %parallel_loop3A_409 {add = true, strides = array<i32>} : memref<4x32x768xf32, #tpu.memory_space<vmem>>, vector<1x1x16xf32>,
        %parallel_loop3A_410 = arith.index_cast %parallel_loop3A_343 : i32 to index
        %parallel_loop3A_411 = arith.constant 96 : index
        %parallel_loop3A_412 = tpu.vector_load %arg8[%parallel_loop3A_410, %parallel_loop3A_411] {strides = array<i32>} : memref<32x768xf32, #tpu.memory_space<vmem>>, vector<1x16xf32>,
        %parallel_loop3A_413 = vector.shape_cast %parallel_loop3A_412 : vector<1x16xf32> to vector<16xf32>
        %parallel_loop3A_414 = arith.constant 3 : i32
        %parallel_loop3A_415 = arith.index_cast %parallel_loop3A_414 : i32 to index
        %parallel_loop3A_416 = arith.index_cast %parallel_loop3A_343 : i32 to index
        %parallel_loop3A_417 = arith.constant 96 : index
        %parallel_loop3A_418 = tpu.vector_load %arg7[%parallel_loop3A_415, %parallel_loop3A_416, %parallel_loop3A_417] {strides = array<i32>} : memref<4x32x768xf32, #tpu.memory_space<vmem>>, vector<1x1x16xf32>,
        %parallel_loop3A_419 = vector.shape_cast %parallel_loop3A_418 : vector<1x1x16xf32> to vector<16xf32>
        %parallel_loop3A_420 = vector.shape_cast %parallel_loop3A_413 : vector<16xf32> to vector<1x1x16xf32>
        tpu.vector_store %arg7[%parallel_loop3A_415, %parallel_loop3A_416, %parallel_loop3A_417], %parallel_loop3A_420 {add = true, strides = array<i32>} : memref<4x32x768xf32, #tpu.memory_space<vmem>>, vector<1x1x16xf32>,
        %parallel_loop3A_421 = arith.index_cast %parallel_loop3A_343 : i32 to index
        %parallel_loop3A_422 = arith.constant 112 : index
        %parallel_loop3A_423 = tpu.vector_load %arg8[%parallel_loop3A_421, %parallel_loop3A_422] {strides = array<i32>} : memref<32x768xf32, #tpu.memory_space<vmem>>, vector<1x16xf32>,
        %parallel_loop3A_424 = vector.shape_cast %parallel_loop3A_423 : vector<1x16xf32> to vector<16xf32>
        %parallel_loop3A_425 = arith.constant 3 : i32
        %parallel_loop3A_426 = arith.index_cast %parallel_loop3A_425 : i32 to index
        %parallel_loop3A_427 = arith.index_cast %parallel_loop3A_343 : i32 to index
        %parallel_loop3A_428 = arith.constant 112 : index
        %parallel_loop3A_429 = tpu.vector_load %arg7[%parallel_loop3A_426, %parallel_loop3A_427, %parallel_loop3A_428] {strides = array<i32>} : memref<4x32x768xf32, #tpu.memory_space<vmem>>, vector<1x1x16xf32>,
        %parallel_loop3A_430 = vector.shape_cast %parallel_loop3A_429 : vector<1x1x16xf32> to vector<16xf32>
        %parallel_loop3A_431 = vector.shape_cast %parallel_loop3A_424 : vector<16xf32> to vector<1x1x16xf32>
        tpu.vector_store %arg7[%parallel_loop3A_426, %parallel_loop3A_427, %parallel_loop3A_428], %parallel_loop3A_431 {add = true, strides = array<i32>} : memref<4x32x768xf32, #tpu.memory_space<vmem>>, vector<1x1x16xf32>,
        %parallel_loop3A_432 = arith.index_cast %parallel_loop3A_343 : i32 to index
        %parallel_loop3A_433 = arith.constant 128 : index
        %parallel_loop3A_434 = tpu.vector_load %arg8[%parallel_loop3A_432, %parallel_loop3A_433] {strides = array<i32>} : memref<32x768xf32, #tpu.memory_space<vmem>>, vector<1x16xf32>,
        %parallel_loop3A_435 = vector.shape_cast %parallel_loop3A_434 : vector<1x16xf32> to vector<16xf32>
        %parallel_loop3A_436 = arith.constant 3 : i32
        %parallel_loop3A_437 = arith.index_cast %parallel_loop3A_436 : i32 to index
        %parallel_loop3A_438 = arith.index_cast %parallel_loop3A_343 : i32 to index
        %parallel_loop3A_439 = arith.constant 128 : index
        %parallel_loop3A_440 = tpu.vector_load %arg7[%parallel_loop3A_437, %parallel_loop3A_438, %parallel_loop3A_439] {strides = array<i32>} : memref<4x32x768xf32, #tpu.memory_space<vmem>>, vector<1x1x16xf32>,
        %parallel_loop3A_441 = vector.shape_cast %parallel_loop3A_440 : vector<1x1x16xf32> to vector<16xf32>
        %parallel_loop3A_442 = vector.shape_cast %parallel_loop3A_435 : vector<16xf32> to vector<1x1x16xf32>
        tpu.vector_store %arg7[%parallel_loop3A_437, %parallel_loop3A_438, %parallel_loop3A_439], %parallel_loop3A_442 {add = true, strides = array<i32>} : memref<4x32x768xf32, #tpu.memory_space<vmem>>, vector<1x1x16xf32>,
        %parallel_loop3A_443 = arith.index_cast %parallel_loop3A_343 : i32 to index
        %parallel_loop3A_444 = arith.constant 144 : index
        %parallel_loop3A_445 = tpu.vector_load %arg8[%parallel_loop3A_443, %parallel_loop3A_444] {strides = array<i32>} : memref<32x768xf32, #tpu.memory_space<vmem>>, vector<1x16xf32>,
        %parallel_loop3A_446 = vector.shape_cast %parallel_loop3A_445 : vector<1x16xf32> to vector<16xf32>
        %parallel_loop3A_447 = arith.constant 3 : i32
        %parallel_loop3A_448 = arith.index_cast %parallel_loop3A_447 : i32 to index
        %parallel_loop3A_449 = arith.index_cast %parallel_loop3A_343 : i32 to index
        %parallel_loop3A_450 = arith.constant 144 : index
        %parallel_loop3A_451 = tpu.vector_load %arg7[%parallel_loop3A_448, %parallel_loop3A_449, %parallel_loop3A_450] {strides = array<i32>} : memref<4x32x768xf32, #tpu.memory_space<vmem>>, vector<1x1x16xf32>,
        %parallel_loop3A_452 = vector.shape_cast %parallel_loop3A_451 : vector<1x1x16xf32> to vector<16xf32>
        %parallel_loop3A_453 = vector.shape_cast %parallel_loop3A_446 : vector<16xf32> to vector<1x1x16xf32>
        tpu.vector_store %arg7[%parallel_loop3A_448, %parallel_loop3A_449, %parallel_loop3A_450], %parallel_loop3A_453 {add = true, strides = array<i32>} : memref<4x32x768xf32, #tpu.memory_space<vmem>>, vector<1x1x16xf32>,
        %parallel_loop3A_454 = arith.index_cast %parallel_loop3A_343 : i32 to index
        %parallel_loop3A_455 = arith.constant 160 : index
        %parallel_loop3A_456 = tpu.vector_load %arg8[%parallel_loop3A_454, %parallel_loop3A_455] {strides = array<i32>} : memref<32x768xf32, #tpu.memory_space<vmem>>, vector<1x16xf32>,
        %parallel_loop3A_457 = vector.shape_cast %parallel_loop3A_456 : vector<1x16xf32> to vector<16xf32>
        %parallel_loop3A_458 = arith.constant 3 : i32
        %parallel_loop3A_459 = arith.index_cast %parallel_loop3A_458 : i32 to index
        %parallel_loop3A_460 = arith.index_cast %parallel_loop3A_343 : i32 to index
        %parallel_loop3A_461 = arith.constant 160 : index
        %parallel_loop3A_462 = tpu.vector_load %arg7[%parallel_loop3A_459, %parallel_loop3A_460, %parallel_loop3A_461] {strides = array<i32>} : memref<4x32x768xf32, #tpu.memory_space<vmem>>, vector<1x1x16xf32>,
        %parallel_loop3A_463 = vector.shape_cast %parallel_loop3A_462 : vector<1x1x16xf32> to vector<16xf32>
        %parallel_loop3A_464 = vector.shape_cast %parallel_loop3A_457 : vector<16xf32> to vector<1x1x16xf32>
        tpu.vector_store %arg7[%parallel_loop3A_459, %parallel_loop3A_460, %parallel_loop3A_461], %parallel_loop3A_464 {add = true, strides = array<i32>} : memref<4x32x768xf32, #tpu.memory_space<vmem>>, vector<1x1x16xf32>,
        %parallel_loop3A_465 = arith.index_cast %parallel_loop3A_343 : i32 to index
        %parallel_loop3A_466 = arith.constant 176 : index
        %parallel_loop3A_467 = tpu.vector_load %arg8[%parallel_loop3A_465, %parallel_loop3A_466] {strides = array<i32>} : memref<32x768xf32, #tpu.memory_space<vmem>>, vector<1x16xf32>,
        %parallel_loop3A_468 = vector.shape_cast %parallel_loop3A_467 : vector<1x16xf32> to vector<16xf32>
        %parallel_loop3A_469 = arith.constant 3 : i32
        %parallel_loop3A_470 = arith.index_cast %parallel_loop3A_469 : i32 to index
        %parallel_loop3A_471 = arith.index_cast %parallel_loop3A_343 : i32 to index
        %parallel_loop3A_472 = arith.constant 176 : index
        %parallel_loop3A_473 = tpu.vector_load %arg7[%parallel_loop3A_470, %parallel_loop3A_471, %parallel_loop3A_472] {strides = array<i32>} : memref<4x32x768xf32, #tpu.memory_space<vmem>>, vector<1x1x16xf32>,
        %parallel_loop3A_474 = vector.shape_cast %parallel_loop3A_473 : vector<1x1x16xf32> to vector<16xf32>
        %parallel_loop3A_475 = vector.shape_cast %parallel_loop3A_468 : vector<16xf32> to vector<1x1x16xf32>
        tpu.vector_store %arg7[%parallel_loop3A_470, %parallel_loop3A_471, %parallel_loop3A_472], %parallel_loop3A_475 {add = true, strides = array<i32>} : memref<4x32x768xf32, #tpu.memory_space<vmem>>, vector<1x1x16xf32>,
        %parallel_loop3A_476 = arith.index_cast %parallel_loop3A_343 : i32 to index
        %parallel_loop3A_477 = arith.constant 192 : index
        %parallel_loop3A_478 = tpu.vector_load %arg8[%parallel_loop3A_476, %parallel_loop3A_477] {strides = array<i32>} : memref<32x768xf32, #tpu.memory_space<vmem>>, vector<1x16xf32>,
        %parallel_loop3A_479 = vector.shape_cast %parallel_loop3A_478 : vector<1x16xf32> to vector<16xf32>
        %parallel_loop3A_480 = arith.constant 3 : i32
        %parallel_loop3A_481 = arith.index_cast %parallel_loop3A_480 : i32 to index
        %parallel_loop3A_482 = arith.index_cast %parallel_loop3A_343 : i32 to index
        %parallel_loop3A_483 = arith.constant 192 : index
        %parallel_loop3A_484 = tpu.vector_load %arg7[%parallel_loop3A_481, %parallel_loop3A_482, %parallel_loop3A_483] {strides = array<i32>} : memref<4x32x768xf32, #tpu.memory_space<vmem>>, vector<1x1x16xf32>,
        %parallel_loop3A_485 = vector.shape_cast %parallel_loop3A_484 : vector<1x1x16xf32> to vector<16xf32>
        %parallel_loop3A_486 = vector.shape_cast %parallel_loop3A_479 : vector<16xf32> to vector<1x1x16xf32>
        tpu.vector_store %arg7[%parallel_loop3A_481, %parallel_loop3A_482, %parallel_loop3A_483], %parallel_loop3A_486 {add = true, strides = array<i32>} : memref<4x32x768xf32, #tpu.memory_space<vmem>>, vector<1x1x16xf32>,
        %parallel_loop3A_487 = arith.index_cast %parallel_loop3A_343 : i32 to index
        %parallel_loop3A_488 = arith.constant 208 : index
        %parallel_loop3A_489 = tpu.vector_load %arg8[%parallel_loop3A_487, %parallel_loop3A_488] {strides = array<i32>} : memref<32x768xf32, #tpu.memory_space<vmem>>, vector<1x16xf32>,
        %parallel_loop3A_490 = vector.shape_cast %parallel_loop3A_489 : vector<1x16xf32> to vector<16xf32>
        %parallel_loop3A_491 = arith.constant 3 : i32
        %parallel_loop3A_492 = arith.index_cast %parallel_loop3A_491 : i32 to index
        %parallel_loop3A_493 = arith.index_cast %parallel_loop3A_343 : i32 to index
        %parallel_loop3A_494 = arith.constant 208 : index
        %parallel_loop3A_495 = tpu.vector_load %arg7[%parallel_loop3A_492, %parallel_loop3A_493, %parallel_loop3A_494] {strides = array<i32>} : memref<4x32x768xf32, #tpu.memory_space<vmem>>, vector<1x1x16xf32>,
        %parallel_loop3A_496 = vector.shape_cast %parallel_loop3A_495 : vector<1x1x16xf32> to vector<16xf32>
        %parallel_loop3A_497 = vector.shape_cast %parallel_loop3A_490 : vector<16xf32> to vector<1x1x16xf32>
        tpu.vector_store %arg7[%parallel_loop3A_492, %parallel_loop3A_493, %parallel_loop3A_494], %parallel_loop3A_497 {add = true, strides = array<i32>} : memref<4x32x768xf32, #tpu.memory_space<vmem>>, vector<1x1x16xf32>,
        %parallel_loop3A_498 = arith.index_cast %parallel_loop3A_343 : i32 to index
        %parallel_loop3A_499 = arith.constant 224 : index
        %parallel_loop3A_500 = tpu.vector_load %arg8[%parallel_loop3A_498, %parallel_loop3A_499] {strides = array<i32>} : memref<32x768xf32, #tpu.memory_space<vmem>>, vector<1x16xf32>,
        %parallel_loop3A_501 = vector.shape_cast %parallel_loop3A_500 : vector<1x16xf32> to vector<16xf32>
        %parallel_loop3A_502 = arith.constant 3 : i32
        %parallel_loop3A_503 = arith.index_cast %parallel_loop3A_502 : i32 to index
        %parallel_loop3A_504 = arith.index_cast %parallel_loop3A_343 : i32 to index
        %parallel_loop3A_505 = arith.constant 224 : index
        %parallel_loop3A_506 = tpu.vector_load %arg7[%parallel_loop3A_503, %parallel_loop3A_504, %parallel_loop3A_505] {strides = array<i32>} : memref<4x32x768xf32, #tpu.memory_space<vmem>>, vector<1x1x16xf32>,
        %parallel_loop3A_507 = vector.shape_cast %parallel_loop3A_506 : vector<1x1x16xf32> to vector<16xf32>
        %parallel_loop3A_508 = vector.shape_cast %parallel_loop3A_501 : vector<16xf32> to vector<1x1x16xf32>
        tpu.vector_store %arg7[%parallel_loop3A_503, %parallel_loop3A_504, %parallel_loop3A_505], %parallel_loop3A_508 {add = true, strides = array<i32>} : memref<4x32x768xf32, #tpu.memory_space<vmem>>, vector<1x1x16xf32>,
        %parallel_loop3A_509 = arith.index_cast %parallel_loop3A_343 : i32 to index
        %parallel_loop3A_510 = arith.constant 240 : index
        %parallel_loop3A_511 = tpu.vector_load %arg8[%parallel_loop3A_509, %parallel_loop3A_510] {strides = array<i32>} : memref<32x768xf32, #tpu.memory_space<vmem>>, vector<1x16xf32>,
        %parallel_loop3A_512 = vector.shape_cast %parallel_loop3A_511 : vector<1x16xf32> to vector<16xf32>
        %parallel_loop3A_513 = arith.constant 3 : i32
        %parallel_loop3A_514 = arith.index_cast %parallel_loop3A_513 : i32 to index
        %parallel_loop3A_515 = arith.index_cast %parallel_loop3A_343 : i32 to index
        %parallel_loop3A_516 = arith.constant 240 : index
        %parallel_loop3A_517 = tpu.vector_load %arg7[%parallel_loop3A_514, %parallel_loop3A_515, %parallel_loop3A_516] {strides = array<i32>} : memref<4x32x768xf32, #tpu.memory_space<vmem>>, vector<1x1x16xf32>,
        %parallel_loop3A_518 = vector.shape_cast %parallel_loop3A_517 : vector<1x1x16xf32> to vector<16xf32>
        %parallel_loop3A_519 = vector.shape_cast %parallel_loop3A_512 : vector<16xf32> to vector<1x1x16xf32>
        tpu.vector_store %arg7[%parallel_loop3A_514, %parallel_loop3A_515, %parallel_loop3A_516], %parallel_loop3A_519 {add = true, strides = array<i32>} : memref<4x32x768xf32, #tpu.memory_space<vmem>>, vector<1x1x16xf32>,
        %parallel_loop3A_520 = arith.index_cast %parallel_loop3A_343 : i32 to index
        %parallel_loop3A_521 = arith.constant 256 : index
        %parallel_loop3A_522 = tpu.vector_load %arg8[%parallel_loop3A_520, %parallel_loop3A_521] {strides = array<i32>} : memref<32x768xf32, #tpu.memory_space<vmem>>, vector<1x16xf32>,
        %parallel_loop3A_523 = vector.shape_cast %parallel_loop3A_522 : vector<1x16xf32> to vector<16xf32>
        %parallel_loop3A_524 = arith.constant 3 : i32
        %parallel_loop3A_525 = arith.index_cast %parallel_loop3A_524 : i32 to index
        %parallel_loop3A_526 = arith.index_cast %parallel_loop3A_343 : i32 to index
        %parallel_loop3A_527 = arith.constant 256 : index
        %parallel_loop3A_528 = tpu.vector_load %arg7[%parallel_loop3A_525, %parallel_loop3A_526, %parallel_loop3A_527] {strides = array<i32>} : memref<4x32x768xf32, #tpu.memory_space<vmem>>, vector<1x1x16xf32>,
        %parallel_loop3A_529 = vector.shape_cast %parallel_loop3A_528 : vector<1x1x16xf32> to vector<16xf32>
        %parallel_loop3A_530 = vector.shape_cast %parallel_loop3A_523 : vector<16xf32> to vector<1x1x16xf32>
        tpu.vector_store %arg7[%parallel_loop3A_525, %parallel_loop3A_526, %parallel_loop3A_527], %parallel_loop3A_530 {add = true, strides = array<i32>} : memref<4x32x768xf32, #tpu.memory_space<vmem>>, vector<1x1x16xf32>,
        %parallel_loop3A_531 = arith.index_cast %parallel_loop3A_343 : i32 to index
        %parallel_loop3A_532 = arith.constant 272 : index
        %parallel_loop3A_533 = tpu.vector_load %arg8[%parallel_loop3A_531, %parallel_loop3A_532] {strides = array<i32>} : memref<32x768xf32, #tpu.memory_space<vmem>>, vector<1x16xf32>,
        %parallel_loop3A_534 = vector.shape_cast %parallel_loop3A_533 : vector<1x16xf32> to vector<16xf32>
        %parallel_loop3A_535 = arith.constant 3 : i32
        %parallel_loop3A_536 = arith.index_cast %parallel_loop3A_535 : i32 to index
        %parallel_loop3A_537 = arith.index_cast %parallel_loop3A_343 : i32 to index
        %parallel_loop3A_538 = arith.constant 272 : index
        %parallel_loop3A_539 = tpu.vector_load %arg7[%parallel_loop3A_536, %parallel_loop3A_537, %parallel_loop3A_538] {strides = array<i32>} : memref<4x32x768xf32, #tpu.memory_space<vmem>>, vector<1x1x16xf32>,
        %parallel_loop3A_540 = vector.shape_cast %parallel_loop3A_539 : vector<1x1x16xf32> to vector<16xf32>
        %parallel_loop3A_541 = vector.shape_cast %parallel_loop3A_534 : vector<16xf32> to vector<1x1x16xf32>
        tpu.vector_store %arg7[%parallel_loop3A_536, %parallel_loop3A_537, %parallel_loop3A_538], %parallel_loop3A_541 {add = true, strides = array<i32>} : memref<4x32x768xf32, #tpu.memory_space<vmem>>, vector<1x1x16xf32>,
        %parallel_loop3A_542 = arith.index_cast %parallel_loop3A_343 : i32 to index
        %parallel_loop3A_543 = arith.constant 288 : index
        %parallel_loop3A_544 = tpu.vector_load %arg8[%parallel_loop3A_542, %parallel_loop3A_543] {strides = array<i32>} : memref<32x768xf32, #tpu.memory_space<vmem>>, vector<1x16xf32>,
        %parallel_loop3A_545 = vector.shape_cast %parallel_loop3A_544 : vector<1x16xf32> to vector<16xf32>
        %parallel_loop3A_546 = arith.constant 3 : i32
        %parallel_loop3A_547 = arith.index_cast %parallel_loop3A_546 : i32 to index
        %parallel_loop3A_548 = arith.index_cast %parallel_loop3A_343 : i32 to index
        %parallel_loop3A_549 = arith.constant 288 : index
        %parallel_loop3A_550 = tpu.vector_load %arg7[%parallel_loop3A_547, %parallel_loop3A_548, %parallel_loop3A_549] {strides = array<i32>} : memref<4x32x768xf32, #tpu.memory_space<vmem>>, vector<1x1x16xf32>,
        %parallel_loop3A_551 = vector.shape_cast %parallel_loop3A_550 : vector<1x1x16xf32> to vector<16xf32>
        %parallel_loop3A_552 = vector.shape_cast %parallel_loop3A_545 : vector<16xf32> to vector<1x1x16xf32>
        tpu.vector_store %arg7[%parallel_loop3A_547, %parallel_loop3A_548, %parallel_loop3A_549], %parallel_loop3A_552 {add = true, strides = array<i32>} : memref<4x32x768xf32, #tpu.memory_space<vmem>>, vector<1x1x16xf32>,
        %parallel_loop3A_553 = arith.index_cast %parallel_loop3A_343 : i32 to index
        %parallel_loop3A_554 = arith.constant 304 : index
        %parallel_loop3A_555 = tpu.vector_load %arg8[%parallel_loop3A_553, %parallel_loop3A_554] {strides = array<i32>} : memref<32x768xf32, #tpu.memory_space<vmem>>, vector<1x16xf32>,
        %parallel_loop3A_556 = vector.shape_cast %parallel_loop3A_555 : vector<1x16xf32> to vector<16xf32>
        %parallel_loop3A_557 = arith.constant 3 : i32
        %parallel_loop3A_558 = arith.index_cast %parallel_loop3A_557 : i32 to index
        %parallel_loop3A_559 = arith.index_cast %parallel_loop3A_343 : i32 to index
        %parallel_loop3A_560 = arith.constant 304 : index
        %parallel_loop3A_561 = tpu.vector_load %arg7[%parallel_loop3A_558, %parallel_loop3A_559, %parallel_loop3A_560] {strides = array<i32>} : memref<4x32x768xf32, #tpu.memory_space<vmem>>, vector<1x1x16xf32>,
        %parallel_loop3A_562 = vector.shape_cast %parallel_loop3A_561 : vector<1x1x16xf32> to vector<16xf32>
        %parallel_loop3A_563 = vector.shape_cast %parallel_loop3A_556 : vector<16xf32> to vector<1x1x16xf32>
        tpu.vector_store %arg7[%parallel_loop3A_558, %parallel_loop3A_559, %parallel_loop3A_560], %parallel_loop3A_563 {add = true, strides = array<i32>} : memref<4x32x768xf32, #tpu.memory_space<vmem>>, vector<1x1x16xf32>,
        %parallel_loop3A_564 = arith.index_cast %parallel_loop3A_343 : i32 to index
        %parallel_loop3A_565 = arith.constant 320 : index
        %parallel_loop3A_566 = tpu.vector_load %arg8[%parallel_loop3A_564, %parallel_loop3A_565] {strides = array<i32>} : memref<32x768xf32, #tpu.memory_space<vmem>>, vector<1x16xf32>,
        %parallel_loop3A_567 = vector.shape_cast %parallel_loop3A_566 : vector<1x16xf32> to vector<16xf32>
        %parallel_loop3A_568 = arith.constant 3 : i32
        %parallel_loop3A_569 = arith.index_cast %parallel_loop3A_568 : i32 to index
        %parallel_loop3A_570 = arith.index_cast %parallel_loop3A_343 : i32 to index
        %parallel_loop3A_571 = arith.constant 320 : index
        %parallel_loop3A_572 = tpu.vector_load %arg7[%parallel_loop3A_569, %parallel_loop3A_570, %parallel_loop3A_571] {strides = array<i32>} : memref<4x32x768xf32, #tpu.memory_space<vmem>>, vector<1x1x16xf32>,
        %parallel_loop3A_573 = vector.shape_cast %parallel_loop3A_572 : vector<1x1x16xf32> to vector<16xf32>
        %parallel_loop3A_574 = vector.shape_cast %parallel_loop3A_567 : vector<16xf32> to vector<1x1x16xf32>
        tpu.vector_store %arg7[%parallel_loop3A_569, %parallel_loop3A_570, %parallel_loop3A_571], %parallel_loop3A_574 {add = true, strides = array<i32>} : memref<4x32x768xf32, #tpu.memory_space<vmem>>, vector<1x1x16xf32>,
        %parallel_loop3A_575 = arith.index_cast %parallel_loop3A_343 : i32 to index
        %parallel_loop3A_576 = arith.constant 336 : index
        %parallel_loop3A_577 = tpu.vector_load %arg8[%parallel_loop3A_575, %parallel_loop3A_576] {strides = array<i32>} : memref<32x768xf32, #tpu.memory_space<vmem>>, vector<1x16xf32>,
        %parallel_loop3A_578 = vector.shape_cast %parallel_loop3A_577 : vector<1x16xf32> to vector<16xf32>
        %parallel_loop3A_579 = arith.constant 3 : i32
        %parallel_loop3A_580 = arith.index_cast %parallel_loop3A_579 : i32 to index
        %parallel_loop3A_581 = arith.index_cast %parallel_loop3A_343 : i32 to index
        %parallel_loop3A_582 = arith.constant 336 : index
        %parallel_loop3A_583 = tpu.vector_load %arg7[%parallel_loop3A_580, %parallel_loop3A_581, %parallel_loop3A_582] {strides = array<i32>} : memref<4x32x768xf32, #tpu.memory_space<vmem>>, vector<1x1x16xf32>,
        %parallel_loop3A_584 = vector.shape_cast %parallel_loop3A_583 : vector<1x1x16xf32> to vector<16xf32>
        %parallel_loop3A_585 = vector.shape_cast %parallel_loop3A_578 : vector<16xf32> to vector<1x1x16xf32>
        tpu.vector_store %arg7[%parallel_loop3A_580, %parallel_loop3A_581, %parallel_loop3A_582], %parallel_loop3A_585 {add = true, strides = array<i32>} : memref<4x32x768xf32, #tpu.memory_space<vmem>>, vector<1x1x16xf32>,
        %parallel_loop3A_586 = arith.index_cast %parallel_loop3A_343 : i32 to index
        %parallel_loop3A_587 = arith.constant 352 : index
        %parallel_loop3A_588 = tpu.vector_load %arg8[%parallel_loop3A_586, %parallel_loop3A_587] {strides = array<i32>} : memref<32x768xf32, #tpu.memory_space<vmem>>, vector<1x16xf32>,
        %parallel_loop3A_589 = vector.shape_cast %parallel_loop3A_588 : vector<1x16xf32> to vector<16xf32>
        %parallel_loop3A_590 = arith.constant 3 : i32
        %parallel_loop3A_591 = arith.index_cast %parallel_loop3A_590 : i32 to index
        %parallel_loop3A_592 = arith.index_cast %parallel_loop3A_343 : i32 to index
        %parallel_loop3A_593 = arith.constant 352 : index
        %parallel_loop3A_594 = tpu.vector_load %arg7[%parallel_loop3A_591, %parallel_loop3A_592, %parallel_loop3A_593] {strides = array<i32>} : memref<4x32x768xf32, #tpu.memory_space<vmem>>, vector<1x1x16xf32>,
        %parallel_loop3A_595 = vector.shape_cast %parallel_loop3A_594 : vector<1x1x16xf32> to vector<16xf32>
        %parallel_loop3A_596 = vector.shape_cast %parallel_loop3A_589 : vector<16xf32> to vector<1x1x16xf32>
        tpu.vector_store %arg7[%parallel_loop3A_591, %parallel_loop3A_592, %parallel_loop3A_593], %parallel_loop3A_596 {add = true, strides = array<i32>} : memref<4x32x768xf32, #tpu.memory_space<vmem>>, vector<1x1x16xf32>,
        %parallel_loop3A_597 = arith.index_cast %parallel_loop3A_343 : i32 to index
        %parallel_loop3A_598 = arith.constant 368 : index
        %parallel_loop3A_599 = tpu.vector_load %arg8[%parallel_loop3A_597, %parallel_loop3A_598] {strides = array<i32>} : memref<32x768xf32, #tpu.memory_space<vmem>>, vector<1x16xf32>,
        %parallel_loop3A_600 = vector.shape_cast %parallel_loop3A_599 : vector<1x16xf32> to vector<16xf32>
        %parallel_loop3A_601 = arith.constant 3 : i32
        %parallel_loop3A_602 = arith.index_cast %parallel_loop3A_601 : i32 to index
        %parallel_loop3A_603 = arith.index_cast %parallel_loop3A_343 : i32 to index
        %parallel_loop3A_604 = arith.constant 368 : index
        %parallel_loop3A_605 = tpu.vector_load %arg7[%parallel_loop3A_602, %parallel_loop3A_603, %parallel_loop3A_604] {strides = array<i32>} : memref<4x32x768xf32, #tpu.memory_space<vmem>>, vector<1x1x16xf32>,
        %parallel_loop3A_606 = vector.shape_cast %parallel_loop3A_605 : vector<1x1x16xf32> to vector<16xf32>
        %parallel_loop3A_607 = vector.shape_cast %parallel_loop3A_600 : vector<16xf32> to vector<1x1x16xf32>
        tpu.vector_store %arg7[%parallel_loop3A_602, %parallel_loop3A_603, %parallel_loop3A_604], %parallel_loop3A_607 {add = true, strides = array<i32>} : memref<4x32x768xf32, #tpu.memory_space<vmem>>, vector<1x1x16xf32>,
        %parallel_loop3A_608 = arith.index_cast %parallel_loop3A_343 : i32 to index
        %parallel_loop3A_609 = arith.constant 384 : index
        %parallel_loop3A_610 = tpu.vector_load %arg8[%parallel_loop3A_608, %parallel_loop3A_609] {strides = array<i32>} : memref<32x768xf32, #tpu.memory_space<vmem>>, vector<1x16xf32>,
        %parallel_loop3A_611 = vector.shape_cast %parallel_loop3A_610 : vector<1x16xf32> to vector<16xf32>
        %parallel_loop3A_612 = arith.constant 3 : i32
        %parallel_loop3A_613 = arith.index_cast %parallel_loop3A_612 : i32 to index
        %parallel_loop3A_614 = arith.index_cast %parallel_loop3A_343 : i32 to index
        %parallel_loop3A_615 = arith.constant 384 : index
        %parallel_loop3A_616 = tpu.vector_load %arg7[%parallel_loop3A_613, %parallel_loop3A_614, %parallel_loop3A_615] {strides = array<i32>} : memref<4x32x768xf32, #tpu.memory_space<vmem>>, vector<1x1x16xf32>,
        %parallel_loop3A_617 = vector.shape_cast %parallel_loop3A_616 : vector<1x1x16xf32> to vector<16xf32>
        %parallel_loop3A_618 = vector.shape_cast %parallel_loop3A_611 : vector<16xf32> to vector<1x1x16xf32>
        tpu.vector_store %arg7[%parallel_loop3A_613, %parallel_loop3A_614, %parallel_loop3A_615], %parallel_loop3A_618 {add = true, strides = array<i32>} : memref<4x32x768xf32, #tpu.memory_space<vmem>>, vector<1x1x16xf32>,
        %parallel_loop3A_619 = arith.index_cast %parallel_loop3A_343 : i32 to index
        %parallel_loop3A_620 = arith.constant 400 : index
        %parallel_loop3A_621 = tpu.vector_load %arg8[%parallel_loop3A_619, %parallel_loop3A_620] {strides = array<i32>} : memref<32x768xf32, #tpu.memory_space<vmem>>, vector<1x16xf32>,
        %parallel_loop3A_622 = vector.shape_cast %parallel_loop3A_621 : vector<1x16xf32> to vector<16xf32>
        %parallel_loop3A_623 = arith.constant 3 : i32
        %parallel_loop3A_624 = arith.index_cast %parallel_loop3A_623 : i32 to index
        %parallel_loop3A_625 = arith.index_cast %parallel_loop3A_343 : i32 to index
        %parallel_loop3A_626 = arith.constant 400 : index
        %parallel_loop3A_627 = tpu.vector_load %arg7[%parallel_loop3A_624, %parallel_loop3A_625, %parallel_loop3A_626] {strides = array<i32>} : memref<4x32x768xf32, #tpu.memory_space<vmem>>, vector<1x1x16xf32>,
        %parallel_loop3A_628 = vector.shape_cast %parallel_loop3A_627 : vector<1x1x16xf32> to vector<16xf32>
        %parallel_loop3A_629 = vector.shape_cast %parallel_loop3A_622 : vector<16xf32> to vector<1x1x16xf32>
        tpu.vector_store %arg7[%parallel_loop3A_624, %parallel_loop3A_625, %parallel_loop3A_626], %parallel_loop3A_629 {add = true, strides = array<i32>} : memref<4x32x768xf32, #tpu.memory_space<vmem>>, vector<1x1x16xf32>,
        %parallel_loop3A_630 = arith.index_cast %parallel_loop3A_343 : i32 to index
        %parallel_loop3A_631 = arith.constant 416 : index
        %parallel_loop3A_632 = tpu.vector_load %arg8[%parallel_loop3A_630, %parallel_loop3A_631] {strides = array<i32>} : memref<32x768xf32, #tpu.memory_space<vmem>>, vector<1x16xf32>,
        %parallel_loop3A_633 = vector.shape_cast %parallel_loop3A_632 : vector<1x16xf32> to vector<16xf32>
        %parallel_loop3A_634 = arith.constant 3 : i32
        %parallel_loop3A_635 = arith.index_cast %parallel_loop3A_634 : i32 to index
        %parallel_loop3A_636 = arith.index_cast %parallel_loop3A_343 : i32 to index
        %parallel_loop3A_637 = arith.constant 416 : index
        %parallel_loop3A_638 = tpu.vector_load %arg7[%parallel_loop3A_635, %parallel_loop3A_636, %parallel_loop3A_637] {strides = array<i32>} : memref<4x32x768xf32, #tpu.memory_space<vmem>>, vector<1x1x16xf32>,
        %parallel_loop3A_639 = vector.shape_cast %parallel_loop3A_638 : vector<1x1x16xf32> to vector<16xf32>
        %parallel_loop3A_640 = vector.shape_cast %parallel_loop3A_633 : vector<16xf32> to vector<1x1x16xf32>
        tpu.vector_store %arg7[%parallel_loop3A_635, %parallel_loop3A_636, %parallel_loop3A_637], %parallel_loop3A_640 {add = true, strides = array<i32>} : memref<4x32x768xf32, #tpu.memory_space<vmem>>, vector<1x1x16xf32>,
        %parallel_loop3A_641 = arith.index_cast %parallel_loop3A_343 : i32 to index
        %parallel_loop3A_642 = arith.constant 432 : index
        %parallel_loop3A_643 = tpu.vector_load %arg8[%parallel_loop3A_641, %parallel_loop3A_642] {strides = array<i32>} : memref<32x768xf32, #tpu.memory_space<vmem>>, vector<1x16xf32>,
        %parallel_loop3A_644 = vector.shape_cast %parallel_loop3A_643 : vector<1x16xf32> to vector<16xf32>
        %parallel_loop3A_645 = arith.constant 3 : i32
        %parallel_loop3A_646 = arith.index_cast %parallel_loop3A_645 : i32 to index
        %parallel_loop3A_647 = arith.index_cast %parallel_loop3A_343 : i32 to index
        %parallel_loop3A_648 = arith.constant 432 : index
        %parallel_loop3A_649 = tpu.vector_load %arg7[%parallel_loop3A_646, %parallel_loop3A_647, %parallel_loop3A_648] {strides = array<i32>} : memref<4x32x768xf32, #tpu.memory_space<vmem>>, vector<1x1x16xf32>,
        %parallel_loop3A_650 = vector.shape_cast %parallel_loop3A_649 : vector<1x1x16xf32> to vector<16xf32>
        %parallel_loop3A_651 = vector.shape_cast %parallel_loop3A_644 : vector<16xf32> to vector<1x1x16xf32>
        tpu.vector_store %arg7[%parallel_loop3A_646, %parallel_loop3A_647, %parallel_loop3A_648], %parallel_loop3A_651 {add = true, strides = array<i32>} : memref<4x32x768xf32, #tpu.memory_space<vmem>>, vector<1x1x16xf32>,
        %parallel_loop3A_652 = arith.index_cast %parallel_loop3A_343 : i32 to index
        %parallel_loop3A_653 = arith.constant 448 : index
        %parallel_loop3A_654 = tpu.vector_load %arg8[%parallel_loop3A_652, %parallel_loop3A_653] {strides = array<i32>} : memref<32x768xf32, #tpu.memory_space<vmem>>, vector<1x16xf32>,
        %parallel_loop3A_655 = vector.shape_cast %parallel_loop3A_654 : vector<1x16xf32> to vector<16xf32>
        %parallel_loop3A_656 = arith.constant 3 : i32
        %parallel_loop3A_657 = arith.index_cast %parallel_loop3A_656 : i32 to index
        %parallel_loop3A_658 = arith.index_cast %parallel_loop3A_343 : i32 to index
        %parallel_loop3A_659 = arith.constant 448 : index
        %parallel_loop3A_660 = tpu.vector_load %arg7[%parallel_loop3A_657, %parallel_loop3A_658, %parallel_loop3A_659] {strides = array<i32>} : memref<4x32x768xf32, #tpu.memory_space<vmem>>, vector<1x1x16xf32>,
        %parallel_loop3A_661 = vector.shape_cast %parallel_loop3A_660 : vector<1x1x16xf32> to vector<16xf32>
        %parallel_loop3A_662 = vector.shape_cast %parallel_loop3A_655 : vector<16xf32> to vector<1x1x16xf32>
        tpu.vector_store %arg7[%parallel_loop3A_657, %parallel_loop3A_658, %parallel_loop3A_659], %parallel_loop3A_662 {add = true, strides = array<i32>} : memref<4x32x768xf32, #tpu.memory_space<vmem>>, vector<1x1x16xf32>,
        %parallel_loop3A_663 = arith.index_cast %parallel_loop3A_343 : i32 to index
        %parallel_loop3A_664 = arith.constant 464 : index
        %parallel_loop3A_665 = tpu.vector_load %arg8[%parallel_loop3A_663, %parallel_loop3A_664] {strides = array<i32>} : memref<32x768xf32, #tpu.memory_space<vmem>>, vector<1x16xf32>,
        %parallel_loop3A_666 = vector.shape_cast %parallel_loop3A_665 : vector<1x16xf32> to vector<16xf32>
        %parallel_loop3A_667 = arith.constant 3 : i32
        %parallel_loop3A_668 = arith.index_cast %parallel_loop3A_667 : i32 to index
        %parallel_loop3A_669 = arith.index_cast %parallel_loop3A_343 : i32 to index
        %parallel_loop3A_670 = arith.constant 464 : index
        %parallel_loop3A_671 = tpu.vector_load %arg7[%parallel_loop3A_668, %parallel_loop3A_669, %parallel_loop3A_670] {strides = array<i32>} : memref<4x32x768xf32, #tpu.memory_space<vmem>>, vector<1x1x16xf32>,
        %parallel_loop3A_672 = vector.shape_cast %parallel_loop3A_671 : vector<1x1x16xf32> to vector<16xf32>
        %parallel_loop3A_673 = vector.shape_cast %parallel_loop3A_666 : vector<16xf32> to vector<1x1x16xf32>
        tpu.vector_store %arg7[%parallel_loop3A_668, %parallel_loop3A_669, %parallel_loop3A_670], %parallel_loop3A_673 {add = true, strides = array<i32>} : memref<4x32x768xf32, #tpu.memory_space<vmem>>, vector<1x1x16xf32>,
        %parallel_loop3A_674 = arith.index_cast %parallel_loop3A_343 : i32 to index
        %parallel_loop3A_675 = arith.constant 480 : index
        %parallel_loop3A_676 = tpu.vector_load %arg8[%parallel_loop3A_674, %parallel_loop3A_675] {strides = array<i32>} : memref<32x768xf32, #tpu.memory_space<vmem>>, vector<1x16xf32>,
        %parallel_loop3A_677 = vector.shape_cast %parallel_loop3A_676 : vector<1x16xf32> to vector<16xf32>
        %parallel_loop3A_678 = arith.constant 3 : i32
        %parallel_loop3A_679 = arith.index_cast %parallel_loop3A_678 : i32 to index
        %parallel_loop3A_680 = arith.index_cast %parallel_loop3A_343 : i32 to index
        %parallel_loop3A_681 = arith.constant 480 : index
        %parallel_loop3A_682 = tpu.vector_load %arg7[%parallel_loop3A_679, %parallel_loop3A_680, %parallel_loop3A_681] {strides = array<i32>} : memref<4x32x768xf32, #tpu.memory_space<vmem>>, vector<1x1x16xf32>,
        %parallel_loop3A_683 = vector.shape_cast %parallel_loop3A_682 : vector<1x1x16xf32> to vector<16xf32>
        %parallel_loop3A_684 = vector.shape_cast %parallel_loop3A_677 : vector<16xf32> to vector<1x1x16xf32>
        tpu.vector_store %arg7[%parallel_loop3A_679, %parallel_loop3A_680, %parallel_loop3A_681], %parallel_loop3A_684 {add = true, strides = array<i32>} : memref<4x32x768xf32, #tpu.memory_space<vmem>>, vector<1x1x16xf32>,
        %parallel_loop3A_685 = arith.index_cast %parallel_loop3A_343 : i32 to index
        %parallel_loop3A_686 = arith.constant 496 : index
        %parallel_loop3A_687 = tpu.vector_load %arg8[%parallel_loop3A_685, %parallel_loop3A_686] {strides = array<i32>} : memref<32x768xf32, #tpu.memory_space<vmem>>, vector<1x16xf32>,
        %parallel_loop3A_688 = vector.shape_cast %parallel_loop3A_687 : vector<1x16xf32> to vector<16xf32>
        %parallel_loop3A_689 = arith.constant 3 : i32
        %parallel_loop3A_690 = arith.index_cast %parallel_loop3A_689 : i32 to index
        %parallel_loop3A_691 = arith.index_cast %parallel_loop3A_343 : i32 to index
        %parallel_loop3A_692 = arith.constant 496 : index
        %parallel_loop3A_693 = tpu.vector_load %arg7[%parallel_loop3A_690, %parallel_loop3A_691, %parallel_loop3A_692] {strides = array<i32>} : memref<4x32x768xf32, #tpu.memory_space<vmem>>, vector<1x1x16xf32>,
        %parallel_loop3A_694 = vector.shape_cast %parallel_loop3A_693 : vector<1x1x16xf32> to vector<16xf32>
        %parallel_loop3A_695 = vector.shape_cast %parallel_loop3A_688 : vector<16xf32> to vector<1x1x16xf32>
        tpu.vector_store %arg7[%parallel_loop3A_690, %parallel_loop3A_691, %parallel_loop3A_692], %parallel_loop3A_695 {add = true, strides = array<i32>} : memref<4x32x768xf32, #tpu.memory_space<vmem>>, vector<1x1x16xf32>,
        %parallel_loop3A_696 = arith.index_cast %parallel_loop3A_343 : i32 to index
        %parallel_loop3A_697 = arith.constant 512 : index
        %parallel_loop3A_698 = tpu.vector_load %arg8[%parallel_loop3A_696, %parallel_loop3A_697] {strides = array<i32>} : memref<32x768xf32, #tpu.memory_space<vmem>>, vector<1x16xf32>,
        %parallel_loop3A_699 = vector.shape_cast %parallel_loop3A_698 : vector<1x16xf32> to vector<16xf32>
        %parallel_loop3A_700 = arith.constant 3 : i32
        %parallel_loop3A_701 = arith.index_cast %parallel_loop3A_700 : i32 to index
        %parallel_loop3A_702 = arith.index_cast %parallel_loop3A_343 : i32 to index
        %parallel_loop3A_703 = arith.constant 512 : index
        %parallel_loop3A_704 = tpu.vector_load %arg7[%parallel_loop3A_701, %parallel_loop3A_702, %parallel_loop3A_703] {strides = array<i32>} : memref<4x32x768xf32, #tpu.memory_space<vmem>>, vector<1x1x16xf32>,
        %parallel_loop3A_705 = vector.shape_cast %parallel_loop3A_704 : vector<1x1x16xf32> to vector<16xf32>
        %parallel_loop3A_706 = vector.shape_cast %parallel_loop3A_699 : vector<16xf32> to vector<1x1x16xf32>
        tpu.vector_store %arg7[%parallel_loop3A_701, %parallel_loop3A_702, %parallel_loop3A_703], %parallel_loop3A_706 {add = true, strides = array<i32>} : memref<4x32x768xf32, #tpu.memory_space<vmem>>, vector<1x1x16xf32>,
        %parallel_loop3A_707 = arith.index_cast %parallel_loop3A_343 : i32 to index
        %parallel_loop3A_708 = arith.constant 528 : index
        %parallel_loop3A_709 = tpu.vector_load %arg8[%parallel_loop3A_707, %parallel_loop3A_708] {strides = array<i32>} : memref<32x768xf32, #tpu.memory_space<vmem>>, vector<1x16xf32>,
        %parallel_loop3A_710 = vector.shape_cast %parallel_loop3A_709 : vector<1x16xf32> to vector<16xf32>
        %parallel_loop3A_711 = arith.constant 3 : i32
        %parallel_loop3A_712 = arith.index_cast %parallel_loop3A_711 : i32 to index
        %parallel_loop3A_713 = arith.index_cast %parallel_loop3A_343 : i32 to index
        %parallel_loop3A_714 = arith.constant 528 : index
        %parallel_loop3A_715 = tpu.vector_load %arg7[%parallel_loop3A_712, %parallel_loop3A_713, %parallel_loop3A_714] {strides = array<i32>} : memref<4x32x768xf32, #tpu.memory_space<vmem>>, vector<1x1x16xf32>,
        %parallel_loop3A_716 = vector.shape_cast %parallel_loop3A_715 : vector<1x1x16xf32> to vector<16xf32>
        %parallel_loop3A_717 = vector.shape_cast %parallel_loop3A_710 : vector<16xf32> to vector<1x1x16xf32>
        tpu.vector_store %arg7[%parallel_loop3A_712, %parallel_loop3A_713, %parallel_loop3A_714], %parallel_loop3A_717 {add = true, strides = array<i32>} : memref<4x32x768xf32, #tpu.memory_space<vmem>>, vector<1x1x16xf32>,
        %parallel_loop3A_718 = arith.index_cast %parallel_loop3A_343 : i32 to index
        %parallel_loop3A_719 = arith.constant 544 : index
        %parallel_loop3A_720 = tpu.vector_load %arg8[%parallel_loop3A_718, %parallel_loop3A_719] {strides = array<i32>} : memref<32x768xf32, #tpu.memory_space<vmem>>, vector<1x16xf32>,
        %parallel_loop3A_721 = vector.shape_cast %parallel_loop3A_720 : vector<1x16xf32> to vector<16xf32>
        %parallel_loop3A_722 = arith.constant 3 : i32
        %parallel_loop3A_723 = arith.index_cast %parallel_loop3A_722 : i32 to index
        %parallel_loop3A_724 = arith.index_cast %parallel_loop3A_343 : i32 to index
        %parallel_loop3A_725 = arith.constant 544 : index
        %parallel_loop3A_726 = tpu.vector_load %arg7[%parallel_loop3A_723, %parallel_loop3A_724, %parallel_loop3A_725] {strides = array<i32>} : memref<4x32x768xf32, #tpu.memory_space<vmem>>, vector<1x1x16xf32>,
        %parallel_loop3A_727 = vector.shape_cast %parallel_loop3A_726 : vector<1x1x16xf32> to vector<16xf32>
        %parallel_loop3A_728 = vector.shape_cast %parallel_loop3A_721 : vector<16xf32> to vector<1x1x16xf32>
        tpu.vector_store %arg7[%parallel_loop3A_723, %parallel_loop3A_724, %parallel_loop3A_725], %parallel_loop3A_728 {add = true, strides = array<i32>} : memref<4x32x768xf32, #tpu.memory_space<vmem>>, vector<1x1x16xf32>,
        %parallel_loop3A_729 = arith.index_cast %parallel_loop3A_343 : i32 to index
        %parallel_loop3A_730 = arith.constant 560 : index
        %parallel_loop3A_731 = tpu.vector_load %arg8[%parallel_loop3A_729, %parallel_loop3A_730] {strides = array<i32>} : memref<32x768xf32, #tpu.memory_space<vmem>>, vector<1x16xf32>,
        %parallel_loop3A_732 = vector.shape_cast %parallel_loop3A_731 : vector<1x16xf32> to vector<16xf32>
        %parallel_loop3A_733 = arith.constant 3 : i32
        %parallel_loop3A_734 = arith.index_cast %parallel_loop3A_733 : i32 to index
        %parallel_loop3A_735 = arith.index_cast %parallel_loop3A_343 : i32 to index
        %parallel_loop3A_736 = arith.constant 560 : index
        %parallel_loop3A_737 = tpu.vector_load %arg7[%parallel_loop3A_734, %parallel_loop3A_735, %parallel_loop3A_736] {strides = array<i32>} : memref<4x32x768xf32, #tpu.memory_space<vmem>>, vector<1x1x16xf32>,
        %parallel_loop3A_738 = vector.shape_cast %parallel_loop3A_737 : vector<1x1x16xf32> to vector<16xf32>
        %parallel_loop3A_739 = vector.shape_cast %parallel_loop3A_732 : vector<16xf32> to vector<1x1x16xf32>
        tpu.vector_store %arg7[%parallel_loop3A_734, %parallel_loop3A_735, %parallel_loop3A_736], %parallel_loop3A_739 {add = true, strides = array<i32>} : memref<4x32x768xf32, #tpu.memory_space<vmem>>, vector<1x1x16xf32>,
        %parallel_loop3A_740 = arith.index_cast %parallel_loop3A_343 : i32 to index
        %parallel_loop3A_741 = arith.constant 576 : index
        %parallel_loop3A_742 = tpu.vector_load %arg8[%parallel_loop3A_740, %parallel_loop3A_741] {strides = array<i32>} : memref<32x768xf32, #tpu.memory_space<vmem>>, vector<1x16xf32>,
        %parallel_loop3A_743 = vector.shape_cast %parallel_loop3A_742 : vector<1x16xf32> to vector<16xf32>
        %parallel_loop3A_744 = arith.constant 3 : i32
        %parallel_loop3A_745 = arith.index_cast %parallel_loop3A_744 : i32 to index
        %parallel_loop3A_746 = arith.index_cast %parallel_loop3A_343 : i32 to index
        %parallel_loop3A_747 = arith.constant 576 : index
        %parallel_loop3A_748 = tpu.vector_load %arg7[%parallel_loop3A_745, %parallel_loop3A_746, %parallel_loop3A_747] {strides = array<i32>} : memref<4x32x768xf32, #tpu.memory_space<vmem>>, vector<1x1x16xf32>,
        %parallel_loop3A_749 = vector.shape_cast %parallel_loop3A_748 : vector<1x1x16xf32> to vector<16xf32>
        %parallel_loop3A_750 = vector.shape_cast %parallel_loop3A_743 : vector<16xf32> to vector<1x1x16xf32>
        tpu.vector_store %arg7[%parallel_loop3A_745, %parallel_loop3A_746, %parallel_loop3A_747], %parallel_loop3A_750 {add = true, strides = array<i32>} : memref<4x32x768xf32, #tpu.memory_space<vmem>>, vector<1x1x16xf32>,
        %parallel_loop3A_751 = arith.index_cast %parallel_loop3A_343 : i32 to index
        %parallel_loop3A_752 = arith.constant 592 : index
        %parallel_loop3A_753 = tpu.vector_load %arg8[%parallel_loop3A_751, %parallel_loop3A_752] {strides = array<i32>} : memref<32x768xf32, #tpu.memory_space<vmem>>, vector<1x16xf32>,
        %parallel_loop3A_754 = vector.shape_cast %parallel_loop3A_753 : vector<1x16xf32> to vector<16xf32>
        %parallel_loop3A_755 = arith.constant 3 : i32
        %parallel_loop3A_756 = arith.index_cast %parallel_loop3A_755 : i32 to index
        %parallel_loop3A_757 = arith.index_cast %parallel_loop3A_343 : i32 to index
        %parallel_loop3A_758 = arith.constant 592 : index
        %parallel_loop3A_759 = tpu.vector_load %arg7[%parallel_loop3A_756, %parallel_loop3A_757, %parallel_loop3A_758] {strides = array<i32>} : memref<4x32x768xf32, #tpu.memory_space<vmem>>, vector<1x1x16xf32>,
        %parallel_loop3A_760 = vector.shape_cast %parallel_loop3A_759 : vector<1x1x16xf32> to vector<16xf32>
        %parallel_loop3A_761 = vector.shape_cast %parallel_loop3A_754 : vector<16xf32> to vector<1x1x16xf32>
        tpu.vector_store %arg7[%parallel_loop3A_756, %parallel_loop3A_757, %parallel_loop3A_758], %parallel_loop3A_761 {add = true, strides = array<i32>} : memref<4x32x768xf32, #tpu.memory_space<vmem>>, vector<1x1x16xf32>,
        %parallel_loop3A_762 = arith.index_cast %parallel_loop3A_343 : i32 to index
        %parallel_loop3A_763 = arith.constant 608 : index
        %parallel_loop3A_764 = tpu.vector_load %arg8[%parallel_loop3A_762, %parallel_loop3A_763] {strides = array<i32>} : memref<32x768xf32, #tpu.memory_space<vmem>>, vector<1x16xf32>,
        %parallel_loop3A_765 = vector.shape_cast %parallel_loop3A_764 : vector<1x16xf32> to vector<16xf32>
        %parallel_loop3A_766 = arith.constant 3 : i32
        %parallel_loop3A_767 = arith.index_cast %parallel_loop3A_766 : i32 to index
        %parallel_loop3A_768 = arith.index_cast %parallel_loop3A_343 : i32 to index
        %parallel_loop3A_769 = arith.constant 608 : index
        %parallel_loop3A_770 = tpu.vector_load %arg7[%parallel_loop3A_767, %parallel_loop3A_768, %parallel_loop3A_769] {strides = array<i32>} : memref<4x32x768xf32, #tpu.memory_space<vmem>>, vector<1x1x16xf32>,
        %parallel_loop3A_771 = vector.shape_cast %parallel_loop3A_770 : vector<1x1x16xf32> to vector<16xf32>
        %parallel_loop3A_772 = vector.shape_cast %parallel_loop3A_765 : vector<16xf32> to vector<1x1x16xf32>
        tpu.vector_store %arg7[%parallel_loop3A_767, %parallel_loop3A_768, %parallel_loop3A_769], %parallel_loop3A_772 {add = true, strides = array<i32>} : memref<4x32x768xf32, #tpu.memory_space<vmem>>, vector<1x1x16xf32>,
        %parallel_loop3A_773 = arith.index_cast %parallel_loop3A_343 : i32 to index
        %parallel_loop3A_774 = arith.constant 624 : index
        %parallel_loop3A_775 = tpu.vector_load %arg8[%parallel_loop3A_773, %parallel_loop3A_774] {strides = array<i32>} : memref<32x768xf32, #tpu.memory_space<vmem>>, vector<1x16xf32>,
        %parallel_loop3A_776 = vector.shape_cast %parallel_loop3A_775 : vector<1x16xf32> to vector<16xf32>
        %parallel_loop3A_777 = arith.constant 3 : i32
        %parallel_loop3A_778 = arith.index_cast %parallel_loop3A_777 : i32 to index
        %parallel_loop3A_779 = arith.index_cast %parallel_loop3A_343 : i32 to index
        %parallel_loop3A_780 = arith.constant 624 : index
        %parallel_loop3A_781 = tpu.vector_load %arg7[%parallel_loop3A_778, %parallel_loop3A_779, %parallel_loop3A_780] {strides = array<i32>} : memref<4x32x768xf32, #tpu.memory_space<vmem>>, vector<1x1x16xf32>,
        %parallel_loop3A_782 = vector.shape_cast %parallel_loop3A_781 : vector<1x1x16xf32> to vector<16xf32>
        %parallel_loop3A_783 = vector.shape_cast %parallel_loop3A_776 : vector<16xf32> to vector<1x1x16xf32>
        tpu.vector_store %arg7[%parallel_loop3A_778, %parallel_loop3A_779, %parallel_loop3A_780], %parallel_loop3A_783 {add = true, strides = array<i32>} : memref<4x32x768xf32, #tpu.memory_space<vmem>>, vector<1x1x16xf32>,
        %parallel_loop3A_784 = arith.index_cast %parallel_loop3A_343 : i32 to index
        %parallel_loop3A_785 = arith.constant 640 : index
        %parallel_loop3A_786 = tpu.vector_load %arg8[%parallel_loop3A_784, %parallel_loop3A_785] {strides = array<i32>} : memref<32x768xf32, #tpu.memory_space<vmem>>, vector<1x16xf32>,
        %parallel_loop3A_787 = vector.shape_cast %parallel_loop3A_786 : vector<1x16xf32> to vector<16xf32>
        %parallel_loop3A_788 = arith.constant 3 : i32
        %parallel_loop3A_789 = arith.index_cast %parallel_loop3A_788 : i32 to index
        %parallel_loop3A_790 = arith.index_cast %parallel_loop3A_343 : i32 to index
        %parallel_loop3A_791 = arith.constant 640 : index
        %parallel_loop3A_792 = tpu.vector_load %arg7[%parallel_loop3A_789, %parallel_loop3A_790, %parallel_loop3A_791] {strides = array<i32>} : memref<4x32x768xf32, #tpu.memory_space<vmem>>, vector<1x1x16xf32>,
        %parallel_loop3A_793 = vector.shape_cast %parallel_loop3A_792 : vector<1x1x16xf32> to vector<16xf32>
        %parallel_loop3A_794 = vector.shape_cast %parallel_loop3A_787 : vector<16xf32> to vector<1x1x16xf32>
        tpu.vector_store %arg7[%parallel_loop3A_789, %parallel_loop3A_790, %parallel_loop3A_791], %parallel_loop3A_794 {add = true, strides = array<i32>} : memref<4x32x768xf32, #tpu.memory_space<vmem>>, vector<1x1x16xf32>,
        %parallel_loop3A_795 = arith.index_cast %parallel_loop3A_343 : i32 to index
        %parallel_loop3A_796 = arith.constant 656 : index
        %parallel_loop3A_797 = tpu.vector_load %arg8[%parallel_loop3A_795, %parallel_loop3A_796] {strides = array<i32>} : memref<32x768xf32, #tpu.memory_space<vmem>>, vector<1x16xf32>,
        %parallel_loop3A_798 = vector.shape_cast %parallel_loop3A_797 : vector<1x16xf32> to vector<16xf32>
        %parallel_loop3A_799 = arith.constant 3 : i32
        %parallel_loop3A_800 = arith.index_cast %parallel_loop3A_799 : i32 to index
        %parallel_loop3A_801 = arith.index_cast %parallel_loop3A_343 : i32 to index
        %parallel_loop3A_802 = arith.constant 656 : index
        %parallel_loop3A_803 = tpu.vector_load %arg7[%parallel_loop3A_800, %parallel_loop3A_801, %parallel_loop3A_802] {strides = array<i32>} : memref<4x32x768xf32, #tpu.memory_space<vmem>>, vector<1x1x16xf32>,
        %parallel_loop3A_804 = vector.shape_cast %parallel_loop3A_803 : vector<1x1x16xf32> to vector<16xf32>
        %parallel_loop3A_805 = vector.shape_cast %parallel_loop3A_798 : vector<16xf32> to vector<1x1x16xf32>
        tpu.vector_store %arg7[%parallel_loop3A_800, %parallel_loop3A_801, %parallel_loop3A_802], %parallel_loop3A_805 {add = true, strides = array<i32>} : memref<4x32x768xf32, #tpu.memory_space<vmem>>, vector<1x1x16xf32>,
        %parallel_loop3A_806 = arith.index_cast %parallel_loop3A_343 : i32 to index
        %parallel_loop3A_807 = arith.constant 672 : index
        %parallel_loop3A_808 = tpu.vector_load %arg8[%parallel_loop3A_806, %parallel_loop3A_807] {strides = array<i32>} : memref<32x768xf32, #tpu.memory_space<vmem>>, vector<1x16xf32>,
        %parallel_loop3A_809 = vector.shape_cast %parallel_loop3A_808 : vector<1x16xf32> to vector<16xf32>
        %parallel_loop3A_810 = arith.constant 3 : i32
        %parallel_loop3A_811 = arith.index_cast %parallel_loop3A_810 : i32 to index
        %parallel_loop3A_812 = arith.index_cast %parallel_loop3A_343 : i32 to index
        %parallel_loop3A_813 = arith.constant 672 : index
        %parallel_loop3A_814 = tpu.vector_load %arg7[%parallel_loop3A_811, %parallel_loop3A_812, %parallel_loop3A_813] {strides = array<i32>} : memref<4x32x768xf32, #tpu.memory_space<vmem>>, vector<1x1x16xf32>,
        %parallel_loop3A_815 = vector.shape_cast %parallel_loop3A_814 : vector<1x1x16xf32> to vector<16xf32>
        %parallel_loop3A_816 = vector.shape_cast %parallel_loop3A_809 : vector<16xf32> to vector<1x1x16xf32>
        tpu.vector_store %arg7[%parallel_loop3A_811, %parallel_loop3A_812, %parallel_loop3A_813], %parallel_loop3A_816 {add = true, strides = array<i32>} : memref<4x32x768xf32, #tpu.memory_space<vmem>>, vector<1x1x16xf32>,
        %parallel_loop3A_817 = arith.index_cast %parallel_loop3A_343 : i32 to index
        %parallel_loop3A_818 = arith.constant 688 : index
        %parallel_loop3A_819 = tpu.vector_load %arg8[%parallel_loop3A_817, %parallel_loop3A_818] {strides = array<i32>} : memref<32x768xf32, #tpu.memory_space<vmem>>, vector<1x16xf32>,
        %parallel_loop3A_820 = vector.shape_cast %parallel_loop3A_819 : vector<1x16xf32> to vector<16xf32>
        %parallel_loop3A_821 = arith.constant 3 : i32
        %parallel_loop3A_822 = arith.index_cast %parallel_loop3A_821 : i32 to index
        %parallel_loop3A_823 = arith.index_cast %parallel_loop3A_343 : i32 to index
        %parallel_loop3A_824 = arith.constant 688 : index
        %parallel_loop3A_825 = tpu.vector_load %arg7[%parallel_loop3A_822, %parallel_loop3A_823, %parallel_loop3A_824] {strides = array<i32>} : memref<4x32x768xf32, #tpu.memory_space<vmem>>, vector<1x1x16xf32>,
        %parallel_loop3A_826 = vector.shape_cast %parallel_loop3A_825 : vector<1x1x16xf32> to vector<16xf32>
        %parallel_loop3A_827 = vector.shape_cast %parallel_loop3A_820 : vector<16xf32> to vector<1x1x16xf32>
        tpu.vector_store %arg7[%parallel_loop3A_822, %parallel_loop3A_823, %parallel_loop3A_824], %parallel_loop3A_827 {add = true, strides = array<i32>} : memref<4x32x768xf32, #tpu.memory_space<vmem>>, vector<1x1x16xf32>,
        %parallel_loop3A_828 = arith.index_cast %parallel_loop3A_343 : i32 to index
        %parallel_loop3A_829 = arith.constant 704 : index
        %parallel_loop3A_830 = tpu.vector_load %arg8[%parallel_loop3A_828, %parallel_loop3A_829] {strides = array<i32>} : memref<32x768xf32, #tpu.memory_space<vmem>>, vector<1x16xf32>,
        %parallel_loop3A_831 = vector.shape_cast %parallel_loop3A_830 : vector<1x16xf32> to vector<16xf32>
        %parallel_loop3A_832 = arith.constant 3 : i32
        %parallel_loop3A_833 = arith.index_cast %parallel_loop3A_832 : i32 to index
        %parallel_loop3A_834 = arith.index_cast %parallel_loop3A_343 : i32 to index
        %parallel_loop3A_835 = arith.constant 704 : index
        %parallel_loop3A_836 = tpu.vector_load %arg7[%parallel_loop3A_833, %parallel_loop3A_834, %parallel_loop3A_835] {strides = array<i32>} : memref<4x32x768xf32, #tpu.memory_space<vmem>>, vector<1x1x16xf32>,
        %parallel_loop3A_837 = vector.shape_cast %parallel_loop3A_836 : vector<1x1x16xf32> to vector<16xf32>
        %parallel_loop3A_838 = vector.shape_cast %parallel_loop3A_831 : vector<16xf32> to vector<1x1x16xf32>
        tpu.vector_store %arg7[%parallel_loop3A_833, %parallel_loop3A_834, %parallel_loop3A_835], %parallel_loop3A_838 {add = true, strides = array<i32>} : memref<4x32x768xf32, #tpu.memory_space<vmem>>, vector<1x1x16xf32>,
        %parallel_loop3A_839 = arith.index_cast %parallel_loop3A_343 : i32 to index
        %parallel_loop3A_840 = arith.constant 720 : index
        %parallel_loop3A_841 = tpu.vector_load %arg8[%parallel_loop3A_839, %parallel_loop3A_840] {strides = array<i32>} : memref<32x768xf32, #tpu.memory_space<vmem>>, vector<1x16xf32>,
        %parallel_loop3A_842 = vector.shape_cast %parallel_loop3A_841 : vector<1x16xf32> to vector<16xf32>
        %parallel_loop3A_843 = arith.constant 3 : i32
        %parallel_loop3A_844 = arith.index_cast %parallel_loop3A_843 : i32 to index
        %parallel_loop3A_845 = arith.index_cast %parallel_loop3A_343 : i32 to index
        %parallel_loop3A_846 = arith.constant 720 : index
        %parallel_loop3A_847 = tpu.vector_load %arg7[%parallel_loop3A_844, %parallel_loop3A_845, %parallel_loop3A_846] {strides = array<i32>} : memref<4x32x768xf32, #tpu.memory_space<vmem>>, vector<1x1x16xf32>,
        %parallel_loop3A_848 = vector.shape_cast %parallel_loop3A_847 : vector<1x1x16xf32> to vector<16xf32>
        %parallel_loop3A_849 = vector.shape_cast %parallel_loop3A_842 : vector<16xf32> to vector<1x1x16xf32>
        tpu.vector_store %arg7[%parallel_loop3A_844, %parallel_loop3A_845, %parallel_loop3A_846], %parallel_loop3A_849 {add = true, strides = array<i32>} : memref<4x32x768xf32, #tpu.memory_space<vmem>>, vector<1x1x16xf32>,
        %parallel_loop3A_850 = arith.index_cast %parallel_loop3A_343 : i32 to index
        %parallel_loop3A_851 = arith.constant 736 : index
        %parallel_loop3A_852 = tpu.vector_load %arg8[%parallel_loop3A_850, %parallel_loop3A_851] {strides = array<i32>} : memref<32x768xf32, #tpu.memory_space<vmem>>, vector<1x16xf32>,
        %parallel_loop3A_853 = vector.shape_cast %parallel_loop3A_852 : vector<1x16xf32> to vector<16xf32>
        %parallel_loop3A_854 = arith.constant 3 : i32
        %parallel_loop3A_855 = arith.index_cast %parallel_loop3A_854 : i32 to index
        %parallel_loop3A_856 = arith.index_cast %parallel_loop3A_343 : i32 to index
        %parallel_loop3A_857 = arith.constant 736 : index
        %parallel_loop3A_858 = tpu.vector_load %arg7[%parallel_loop3A_855, %parallel_loop3A_856, %parallel_loop3A_857] {strides = array<i32>} : memref<4x32x768xf32, #tpu.memory_space<vmem>>, vector<1x1x16xf32>,
        %parallel_loop3A_859 = vector.shape_cast %parallel_loop3A_858 : vector<1x1x16xf32> to vector<16xf32>
        %parallel_loop3A_860 = vector.shape_cast %parallel_loop3A_853 : vector<16xf32> to vector<1x1x16xf32>
        tpu.vector_store %arg7[%parallel_loop3A_855, %parallel_loop3A_856, %parallel_loop3A_857], %parallel_loop3A_860 {add = true, strides = array<i32>} : memref<4x32x768xf32, #tpu.memory_space<vmem>>, vector<1x1x16xf32>,
        %parallel_loop3A_861 = arith.index_cast %parallel_loop3A_343 : i32 to index
        %parallel_loop3A_862 = arith.constant 752 : index
        %parallel_loop3A_863 = tpu.vector_load %arg8[%parallel_loop3A_861, %parallel_loop3A_862] {strides = array<i32>} : memref<32x768xf32, #tpu.memory_space<vmem>>, vector<1x16xf32>,
        %parallel_loop3A_864 = vector.shape_cast %parallel_loop3A_863 : vector<1x16xf32> to vector<16xf32>
        %parallel_loop3A_865 = arith.constant 3 : i32
        %parallel_loop3A_866 = arith.index_cast %parallel_loop3A_865 : i32 to index
        %parallel_loop3A_867 = arith.index_cast %parallel_loop3A_343 : i32 to index
        %parallel_loop3A_868 = arith.constant 752 : index
        %parallel_loop3A_869 = tpu.vector_load %arg7[%parallel_loop3A_866, %parallel_loop3A_867, %parallel_loop3A_868] {strides = array<i32>} : memref<4x32x768xf32, #tpu.memory_space<vmem>>, vector<1x1x16xf32>,
        %parallel_loop3A_870 = vector.shape_cast %parallel_loop3A_869 : vector<1x1x16xf32> to vector<16xf32>
        %parallel_loop3A_871 = vector.shape_cast %parallel_loop3A_864 : vector<16xf32> to vector<1x1x16xf32>
        tpu.vector_store %arg7[%parallel_loop3A_866, %parallel_loop3A_867, %parallel_loop3A_868], %parallel_loop3A_871 {add = true, strides = array<i32>} : memref<4x32x768xf32, #tpu.memory_space<vmem>>, vector<1x1x16xf32>,
      } {sc.loop_unroll_factor = 2 : i64, sc.parallel_access}
      %mul3A_302 = arith.constant 64 : i32
      %mul3A_303 = arith.muli %add3A, %mul3A_302 : i32
      %mul3A_304 = arith.constant 32 : i32
      %mul3A_305 = arith.muli %scan3A_108, %mul3A_304 : i32
      %add3A_306 = arith.constant 6144 : i32
      %add3A_307 = arith.addi %add3A_306, %mul3A_305 : i32
      %add3A_308 = arith.addi %mul3A_303, %add3A_307 : i32
      %dma_start3A_309 = arith.constant 3 : i32
      %dma_start3A_310 = arith.constant 0 : i32
      %dma_start3A_311 = arith.constant 0 : i32
      %dma_start3A_312 = tpu.memref_slice %arg7[%dma_start3A_309, %dma_start3A_310, %dma_start3A_311] : memref<4x32x768xf32, #tpu.memory_space<vmem>> -> memref<1x32x768xf32, #tpu.memory_space<vmem>>
      %dma_start3A_313 = tpu.memref_squeeze %dma_start3A_312 : memref<1x32x768xf32, #tpu.memory_space<vmem>> -> memref<32x768xf32, #tpu.memory_space<vmem>>
      %dma_start3A_314 = arith.constant 0 : i32
      %dma_start3A_315 = tpu.memref_slice %arg5[%add3A_308, %dma_start3A_314] : memref<8192x768xf32, #tpu.memory_space<hbm>> -> memref<32x768xf32, #tpu.memory_space<hbm>>
      %dma_start3A_316 = arith.constant 0 : i32
      %dma_start3A_317 = tpu.memref_slice %arg5[%add3A_308, %dma_start3A_316] : memref<8192x768xf32, #tpu.memory_space<hbm>> -> memref<32x768xf32, #tpu.memory_space<hbm>>
      %dma_start3A_318 = arith.constant 0 : i32
      %dma_start3A_319 = arith.constant 0 : i32
      %dma_start3A_320 = tpu.memref_slice %arg7[%dma_start3A_309, %dma_start3A_318, %dma_start3A_319] : memref<4x32x768xf32, #tpu.memory_space<vmem>> -> memref<1x32x768xf32, #tpu.memory_space<vmem>>
      %dma_start3A_321 = tpu.memref_squeeze %dma_start3A_320 : memref<1x32x768xf32, #tpu.memory_space<vmem>> -> memref<32x768xf32, #tpu.memory_space<vmem>>
      tpu.enqueue_dma source(%dma_start3A_321 : memref<32x768xf32, #tpu.memory_space<vmem>>) target(%dma_start3A_317 : memref<32x768xf32, #tpu.memory_space<hbm>>) target_semaphore(%arg16 : memref<!tpu.dma_semaphore, #tpu.memory_space<semaphore_mem>>)
      %ge3A_322 = arith.constant 1 : i32
      %ge3A_323 = arith.cmpi sge, %add3A_287, %ge3A_322 : i32
      %add3A_324 = arith.constant 4 : i32
      %add3A_325 = arith.addi %add3A_287, %add3A_324 : i32
      %sub3A_326 = arith.constant 1 : i32
      %sub3A_327 = arith.subi %add3A_325, %sub3A_326 : i32
      %lt3A_328 = arith.constant 8 : i32
      %lt3A_329 = arith.cmpi slt, %sub3A_327, %lt3A_328 : i32
      %and3A_330 = arith.andi %ge3A_323, %lt3A_329 : i1
      %convert_element_type3A_331 = arith.extui %and3A_330 : i1 to i32
      %cond3A_332 = arith.constant 0 : i32
      %cond3A_333 = arith.cmpi ne, %convert_element_type3A_331, %cond3A_332 : i32
      scf.if %cond3A_333 {
        %sub3A_343 = arith.constant 1 : i32
        %sub3A_344 = arith.subi %add3A_287, %sub3A_343 : i32
        %mul3A_345 = arith.constant 64 : i32
        %mul3A_346 = arith.muli %add3A, %mul3A_345 : i32
        %add3A_347 = arith.constant 0 : i32
        %add3A_348 = arith.addi %mul3A_346, %add3A_347 : i32
        %dma_wait3A_349 = arith.constant 2 : i32
        %dma_wait3A_350 = arith.constant 0 : i32
        %dma_wait3A_351 = arith.constant 0 : i32
        %dma_wait3A_352 = tpu.memref_slice %arg7[%dma_wait3A_349, %dma_wait3A_350, %dma_wait3A_351] : memref<4x32x768xf32, #tpu.memory_space<vmem>> -> memref<1x32x768xf32, #tpu.memory_space<vmem>>
        %dma_wait3A_353 = tpu.memref_squeeze %dma_wait3A_352 : memref<1x32x768xf32, #tpu.memory_space<vmem>> -> memref<32x768xf32, #tpu.memory_space<vmem>>
        %dma_wait3A_354 = arith.constant 0 : i32
        %dma_wait3A_355 = tpu.memref_slice %arg5[%add3A_348, %dma_wait3A_354] : memref<8192x768xf32, #tpu.memory_space<hbm>> -> memref<32x768xf32, #tpu.memory_space<hbm>>
        %dma_wait3A_356 = arith.constant 0 : i32
        %dma_wait3A_357 = tpu.memref_slice %arg5[%add3A_348, %dma_wait3A_356] : memref<8192x768xf32, #tpu.memory_space<hbm>> -> memref<32x768xf32, #tpu.memory_space<hbm>>
        %dma_wait3A_358 = arith.constant 0 : i32
        %dma_wait3A_359 = arith.constant 0 : i32
        %dma_wait3A_360 = tpu.memref_slice %arg7[%dma_wait3A_349, %dma_wait3A_358, %dma_wait3A_359] : memref<4x32x768xf32, #tpu.memory_space<vmem>> -> memref<1x32x768xf32, #tpu.memory_space<vmem>>
        %dma_wait3A_361 = tpu.memref_squeeze %dma_wait3A_360 : memref<1x32x768xf32, #tpu.memory_space<vmem>> -> memref<32x768xf32, #tpu.memory_space<vmem>>
        tpu.wait_dma2 semaphore(%arg15 : memref<!tpu.dma_semaphore, #tpu.memory_space<semaphore_mem>>) src(%dma_wait3A_361 : memref<32x768xf32, #tpu.memory_space<vmem>>) dst(%dma_wait3A_357 : memref<32x768xf32, #tpu.memory_space<hbm>>)
      } else {
      }
      %add3A_334 = arith.constant 4 : i32
      %add3A_335 = arith.addi %add3A_287, %add3A_334 : i32
      %sub3A_336 = arith.constant 1 : i32
      %sub3A_337 = arith.subi %add3A_335, %sub3A_336 : i32
      %lt3A_338 = arith.constant 8 : i32
      %lt3A_339 = arith.cmpi slt, %sub3A_337, %lt3A_338 : i32
      %convert_element_type3A_340 = arith.extui %lt3A_339 : i1 to i32
      %cond3A_341 = arith.constant 0 : i32
      %cond3A_342 = arith.cmpi ne, %convert_element_type3A_340, %cond3A_341 : i32
      scf.if %cond3A_342 {
        %add3A_343 = arith.constant 4 : i32
        %add3A_344 = arith.addi %add3A_287, %add3A_343 : i32
        %sub3A_345 = arith.constant 1 : i32
        %sub3A_346 = arith.subi %add3A_344, %sub3A_345 : i32
        %dma_start3A_347 = arith.constant 2 : i32
        %dma_start3A_348 = arith.constant 0 : i32
        %dma_start3A_349 = arith.constant 0 : i32
        %dma_start3A_350 = tpu.memref_slice %arg7[%dma_start3A_347, %dma_start3A_348, %dma_start3A_349] : memref<4x32x768xf32, #tpu.memory_space<vmem>> -> memref<1x32x768xf32, #tpu.memory_space<vmem>>
        %dma_start3A_351 = tpu.memref_squeeze %dma_start3A_350 : memref<1x32x768xf32, #tpu.memory_space<vmem>> -> memref<32x768xf32, #tpu.memory_space<vmem>>
        %dma_start3A_352 = arith.constant 0 : i32
        %dma_start3A_353 = tpu.memref_slice %arg6[%sub3A_346, %dma_start3A_352] : memref<8x32xi32, #tpu.memory_space<vmem>> -> memref<1x32xi32, #tpu.memory_space<vmem>>
        %dma_start3A_354 = tpu.memref_squeeze %dma_start3A_353 : memref<1x32xi32, #tpu.memory_space<vmem>> -> memref<32xi32, #tpu.memory_space<vmem>>
        %dma_start3A_355 = arith.constant 0 : i32
        %dma_start3A_356 = arith.constant 0 : i32
        %dma_start3A_357 = tpu.memref_slice %arg3[%dma_start3A_355, %dma_start3A_356] : memref<100000x768xf32, #tpu.memory_space<hbm>> -> memref<100000x768xf32, #tpu.memory_space<hbm>>
        tpu.enqueue_indirect_dma source(%dma_start3A_357 : memref<100000x768xf32, #tpu.memory_space<hbm>>) target(%dma_start3A_351 : memref<32x768xf32, #tpu.memory_space<vmem>>) offsets(%dma_start3A_354 : memref<32xi32, #tpu.memory_space<vmem>>) semaphore(%arg11 : memref<!tpu.dma_semaphore, #tpu.memory_space<semaphore_mem>>)
      } else {
      }
    }
    %scan3A_40 = arith.constant 2 : i32
    %mul3A_41 = arith.constant 64 : i32
    %mul3A_42 = arith.muli %add3A, %mul3A_41 : i32
    %add3A_43 = arith.constant 0 : i32
    %add3A_44 = arith.addi %mul3A_42, %add3A_43 : i32
    %dma_wait3A = arith.constant 0 : i32
    %dma_wait3A_45 = arith.constant 0 : i32
    %dma_wait3A_46 = arith.constant 0 : i32
    %dma_wait3A_47 = tpu.memref_slice %arg7[%dma_wait3A, %dma_wait3A_45, %dma_wait3A_46] : memref<4x32x768xf32, #tpu.memory_space<vmem>> -> memref<1x32x768xf32, #tpu.memory_space<vmem>>
    %dma_wait3A_48 = tpu.memref_squeeze %dma_wait3A_47 : memref<1x32x768xf32, #tpu.memory_space<vmem>> -> memref<32x768xf32, #tpu.memory_space<vmem>>
    %dma_wait3A_49 = arith.constant 0 : i32
    %dma_wait3A_50 = tpu.memref_slice %arg5[%add3A_44, %dma_wait3A_49] : memref<8192x768xf32, #tpu.memory_space<hbm>> -> memref<32x768xf32, #tpu.memory_space<hbm>>
    %dma_wait3A_51 = arith.constant 0 : i32
    %dma_wait3A_52 = tpu.memref_slice %arg5[%add3A_44, %dma_wait3A_51] : memref<8192x768xf32, #tpu.memory_space<hbm>> -> memref<32x768xf32, #tpu.memory_space<hbm>>
    %dma_wait3A_53 = arith.constant 0 : i32
    %dma_wait3A_54 = arith.constant 0 : i32
    %dma_wait3A_55 = tpu.memref_slice %arg7[%dma_wait3A, %dma_wait3A_53, %dma_wait3A_54] : memref<4x32x768xf32, #tpu.memory_space<vmem>> -> memref<1x32x768xf32, #tpu.memory_space<vmem>>
    %dma_wait3A_56 = tpu.memref_squeeze %dma_wait3A_55 : memref<1x32x768xf32, #tpu.memory_space<vmem>> -> memref<32x768xf32, #tpu.memory_space<vmem>>
    tpu.wait_dma2 semaphore(%arg13 : memref<!tpu.dma_semaphore, #tpu.memory_space<semaphore_mem>>) src(%dma_wait3A_56 : memref<32x768xf32, #tpu.memory_space<vmem>>) dst(%dma_wait3A_52 : memref<32x768xf32, #tpu.memory_space<hbm>>)
    %mul3A_57 = arith.constant 64 : i32
    %mul3A_58 = arith.muli %add3A, %mul3A_57 : i32
    %add3A_59 = arith.constant 0 : i32
    %add3A_60 = arith.addi %mul3A_58, %add3A_59 : i32
    %dma_wait3A_61 = arith.constant 1 : i32
    %dma_wait3A_62 = arith.constant 0 : i32
    %dma_wait3A_63 = arith.constant 0 : i32
    %dma_wait3A_64 = tpu.memref_slice %arg7[%dma_wait3A_61, %dma_wait3A_62, %dma_wait3A_63] : memref<4x32x768xf32, #tpu.memory_space<vmem>> -> memref<1x32x768xf32, #tpu.memory_space<vmem>>
    %dma_wait3A_65 = tpu.memref_squeeze %dma_wait3A_64 : memref<1x32x768xf32, #tpu.memory_space<vmem>> -> memref<32x768xf32, #tpu.memory_space<vmem>>
    %dma_wait3A_66 = arith.constant 0 : i32
    %dma_wait3A_67 = tpu.memref_slice %arg5[%add3A_60, %dma_wait3A_66] : memref<8192x768xf32, #tpu.memory_space<hbm>> -> memref<32x768xf32, #tpu.memory_space<hbm>>
    %dma_wait3A_68 = arith.constant 0 : i32
    %dma_wait3A_69 = tpu.memref_slice %arg5[%add3A_60, %dma_wait3A_68] : memref<8192x768xf32, #tpu.memory_space<hbm>> -> memref<32x768xf32, #tpu.memory_space<hbm>>
    %dma_wait3A_70 = arith.constant 0 : i32
    %dma_wait3A_71 = arith.constant 0 : i32
    %dma_wait3A_72 = tpu.memref_slice %arg7[%dma_wait3A_61, %dma_wait3A_70, %dma_wait3A_71] : memref<4x32x768xf32, #tpu.memory_space<vmem>> -> memref<1x32x768xf32, #tpu.memory_space<vmem>>
    %dma_wait3A_73 = tpu.memref_squeeze %dma_wait3A_72 : memref<1x32x768xf32, #tpu.memory_space<vmem>> -> memref<32x768xf32, #tpu.memory_space<vmem>>
    tpu.wait_dma2 semaphore(%arg14 : memref<!tpu.dma_semaphore, #tpu.memory_space<semaphore_mem>>) src(%dma_wait3A_73 : memref<32x768xf32, #tpu.memory_space<vmem>>) dst(%dma_wait3A_69 : memref<32x768xf32, #tpu.memory_space<hbm>>)
    %mul3A_74 = arith.constant 64 : i32
    %mul3A_75 = arith.muli %add3A, %mul3A_74 : i32
    %add3A_76 = arith.constant 0 : i32
    %add3A_77 = arith.addi %mul3A_75, %add3A_76 : i32
    %dma_wait3A_78 = arith.constant 2 : i32
    %dma_wait3A_79 = arith.constant 0 : i32
    %dma_wait3A_80 = arith.constant 0 : i32
    %dma_wait3A_81 = tpu.memref_slice %arg7[%dma_wait3A_78, %dma_wait3A_79, %dma_wait3A_80] : memref<4x32x768xf32, #tpu.memory_space<vmem>> -> memref<1x32x768xf32, #tpu.memory_space<vmem>>
    %dma_wait3A_82 = tpu.memref_squeeze %dma_wait3A_81 : memref<1x32x768xf32, #tpu.memory_space<vmem>> -> memref<32x768xf32, #tpu.memory_space<vmem>>
    %dma_wait3A_83 = arith.constant 0 : i32
    %dma_wait3A_84 = tpu.memref_slice %arg5[%add3A_77, %dma_wait3A_83] : memref<8192x768xf32, #tpu.memory_space<hbm>> -> memref<32x768xf32, #tpu.memory_space<hbm>>
    %dma_wait3A_85 = arith.constant 0 : i32
    %dma_wait3A_86 = tpu.memref_slice %arg5[%add3A_77, %dma_wait3A_85] : memref<8192x768xf32, #tpu.memory_space<hbm>> -> memref<32x768xf32, #tpu.memory_space<hbm>>
    %dma_wait3A_87 = arith.constant 0 : i32
    %dma_wait3A_88 = arith.constant 0 : i32
    %dma_wait3A_89 = tpu.memref_slice %arg7[%dma_wait3A_78, %dma_wait3A_87, %dma_wait3A_88] : memref<4x32x768xf32, #tpu.memory_space<vmem>> -> memref<1x32x768xf32, #tpu.memory_space<vmem>>
    %dma_wait3A_90 = tpu.memref_squeeze %dma_wait3A_89 : memref<1x32x768xf32, #tpu.memory_space<vmem>> -> memref<32x768xf32, #tpu.memory_space<vmem>>
    tpu.wait_dma2 semaphore(%arg15 : memref<!tpu.dma_semaphore, #tpu.memory_space<semaphore_mem>>) src(%dma_wait3A_90 : memref<32x768xf32, #tpu.memory_space<vmem>>) dst(%dma_wait3A_86 : memref<32x768xf32, #tpu.memory_space<hbm>>)
    %mul3A_91 = arith.constant 64 : i32
    %mul3A_92 = arith.muli %add3A, %mul3A_91 : i32
    %add3A_93 = arith.constant 0 : i32
    %add3A_94 = arith.addi %mul3A_92, %add3A_93 : i32
    %dma_wait3A_95 = arith.constant 3 : i32
    %dma_wait3A_96 = arith.constant 0 : i32
    %dma_wait3A_97 = arith.constant 0 : i32
    %dma_wait3A_98 = tpu.memref_slice %arg7[%dma_wait3A_95, %dma_wait3A_96, %dma_wait3A_97] : memref<4x32x768xf32, #tpu.memory_space<vmem>> -> memref<1x32x768xf32, #tpu.memory_space<vmem>>
    %dma_wait3A_99 = tpu.memref_squeeze %dma_wait3A_98 : memref<1x32x768xf32, #tpu.memory_space<vmem>> -> memref<32x768xf32, #tpu.memory_space<vmem>>
    %dma_wait3A_100 = arith.constant 0 : i32
    %dma_wait3A_101 = tpu.memref_slice %arg5[%add3A_94, %dma_wait3A_100] : memref<8192x768xf32, #tpu.memory_space<hbm>> -> memref<32x768xf32, #tpu.memory_space<hbm>>
    %dma_wait3A_102 = arith.constant 0 : i32
    %dma_wait3A_103 = tpu.memref_slice %arg5[%add3A_94, %dma_wait3A_102] : memref<8192x768xf32, #tpu.memory_space<hbm>> -> memref<32x768xf32, #tpu.memory_space<hbm>>
    %dma_wait3A_104 = arith.constant 0 : i32
    %dma_wait3A_105 = arith.constant 0 : i32
    %dma_wait3A_106 = tpu.memref_slice %arg7[%dma_wait3A_95, %dma_wait3A_104, %dma_wait3A_105] : memref<4x32x768xf32, #tpu.memory_space<vmem>> -> memref<1x32x768xf32, #tpu.memory_space<vmem>>
    %dma_wait3A_107 = tpu.memref_squeeze %dma_wait3A_106 : memref<1x32x768xf32, #tpu.memory_space<vmem>> -> memref<32x768xf32, #tpu.memory_space<vmem>>
    tpu.wait_dma2 semaphore(%arg16 : memref<!tpu.dma_semaphore, #tpu.memory_space<semaphore_mem>>) src(%dma_wait3A_107 : memref<32x768xf32, #tpu.memory_space<vmem>>) dst(%dma_wait3A_103 : memref<32x768xf32, #tpu.memory_space<hbm>>)
    return
  }
}

</mosaic_0001>

<sc_bundles>
// kernel: kernel.3.cloned.1.call-start
scs
__scs_entry_jumppad:
0x0: {  	(pc) =	sbr.rel $0x88, $3  }
0x1: {  	(tag) =	ssettag $0x0;
	lr =	simm.s32 $0x1  }
0x2: {  	[smem:$0x3F9E] =	sst lr;
	_ =	strace $0xD0000000  }
0x3: {  	_ = 	snop  }
0x4: {  	_ = 	snop  }
0x5: {  	_ = 	snop  }
0x6: {  	_ = 	snop  }
0x7: {  	_ = 	snop  }
__scs_overlays_trampoline_lowered:
0x8: {  	[smem:$0x3FAD] =	sst s0  }
0x9: {  	[smem:$0x3FAE] =	sst s1  }
0xa: {  	[smem:$0x3FAF] =	sst s2  }
0xb: {  	[smem:$0x3FB0] =	sst s3  }
0xc: {  	[smem:$0x3FB1] =	sst s4  }
0xd: {  	[smem:$0x3FB2] =	sst s5  }
0xe: {  	[smem:$0x3FB3] =	sst s6  }
0xf: {  	[smem:$0x3FB4] =	sst s7  }
0x10: {  	[smem:$0x3FB5] =	sst s8  }
0x11: {  	[smem:$0x3FB6] =	sst s9;
	s0 =	simm.s32 @!p0 $0x0  }
0x12: {  	s1 =	sld [smem:$0x3F9C];
	s0 =	simm.s32 @p0 $0x1  }
0x13: {  	[smem:$0x3FB7] =	sst s0;
	s0 =	simm.s32 @!p1 $0x0  }
0x14: {  	s2 =	sld [smem:$0x3F9B];
	s0 =	simm.s32 @p1 $0x1  }
0x15: {  	[smem:$0x3FB8] =	sst s0;
	s0 =	simm.s32 @!p2 $0x0  }
0x16: {  	s3 =	sld [smem:$0x3FDB];
	s0 =	simm.s32 @p2 $0x1  }
0x17: {  	s4 =	simm.s32 $0x1BF5;
	[smem:$0x3FBA] =	sst s0  }
0x18: {  	s0 =	sld [smem:$0x3F9D];
	_ =	swait.ge [sflag:s4], $0x0  }
0x19: {  	s7 =	sld [smem:$0x3F9E]  }
0x1a: {  	s8 =	sadd.s32 $0xFFFFE003, lr  }
0x1b: {  	s9 =	sadd.s32 $0xFFFFFEF7, lr;
	s5 =	simm.s32 $0xFFFFFFFF;
	p2 =	slt.u32 s8, $0xFFFFF086  }
0x1c: {  	p1 =	slt.u32 s9, $0xF7A;
	s5 =	simm.s32 @!p2 $0x0  }
0x1d: {  	s5 =	simm.s32 @p1 $0x1;
	p0 =	seq.s32 s7, s2  }
0x1e: {  	s7 =	smul.u32 @!p0 $0xF7A, s2;
	p2 =	seq.s32 @!p0 s5, $0x0  }
0x1f: {  	s9 =	smul.u32 $0xF7A, s1;
	s8 =	simm.s32 @!p0 $0x1BF5;
	p2 =	por !p2, p0  }
0x20: {  	[sflag:s8] =	ssyncset.s32 @!p0 $0xFFFFF086;
	s6 =	sadd.s32 @!p0 s3, s7;
	s7 =	simm.s32 @!p0 $0x108  }
0x21: {  	s3 =	sadd.s32 s3, s9;
	s6 =	sadd.s32 @!p0 $0x88, s6;
	s7 =	simm.s32 @p2 $0x1082  }
0x22: {  	[simem:s7], [sflag:s8] =	dma.local @!p0 [hbm:s6], $0xF7A  }
0x23: {  	s9 =	sor.u32 $0xD0000000, s2;
	s6 =	simm.s32 $0x108;
	_ =	swait.ge @!p0 [sflag:s8], $0x0  }
0x24: {  	s3 =	sadd.s32 $0x88, s3;
	s6 =	simm.s32 @!p1 $0x1082;
	[sflag:s4] =	ssyncset.s32 $0xFFFFF086  }
0x25: {  	[simem:s6], [sflag:s4] =	dma.local [hbm:s3], $0xF7A  }
0x26: {  	[smem:$0x3F9E] =	sst s1;
	(tag) =	ssettag s2;
	_ =	strace s9  }
0x27: {  	s1 =	sld [smem:$0x3FAE]  }
0x28: {  	s2 =	sld [smem:$0x3FAF]  }
0x29: {  	s4 =	sld [smem:$0x3FB1]  }
0x2a: {  	p0 =	seq.s32 s5, $0x0;
	s5 =	sld [smem:$0x3FB2]  }
0x2b: {  	s6 =	sld [smem:$0x3FB3]  }
0x2c: {  	s7 =	sld [smem:$0x3FB4]  }
0x2d: {  	s3 =	simm.s32 $0x108;
	s8 =	sld [smem:$0x3FB5]  }
0x2e: {  	s3 =	simm.s32 @!p0 $0x1082;
	s9 =	sld [smem:$0x3FB6]  }
0x2f: {  	lr =	sadd.s32 s0, s3;
	s0 =	sld [smem:$0x3FAD]  }
0x30: {  	s3 =	sld [smem:$0x3FB0]  }
0x31: {  	[smem:$0x3FB9] =	sst s10  }
0x32: {  	s10 =	sld [smem:$0x3FB7];
	_ =	sdelay $0x3  }
0x33: {  	p0 =	seq.s32 s10, $0x1;
	s10 =	sld [smem:$0x3FB9];
	_ =	sdelay $0x3  }
0x34: {  	[smem:$0x3FB9] =	sst s10  }
0x35: {  	s10 =	sld [smem:$0x3FB8];
	_ =	sdelay $0x3  }
0x36: {  	p1 =	seq.s32 s10, $0x1;
	s10 =	sld [smem:$0x3FB9];
	_ =	sdelay $0x3  }
0x37: {  	[smem:$0x3FB9] =	sst s10  }
0x38: {  	s10 =	sld [smem:$0x3FBA]  }
0x39: {  	_ = 	snop;
	(pc) =	sbr.ind lr, $3  }
0x3a: {  	_ = 	snop  }
0x3b: {  	_ = 	snop  }
0x3c: {  	p2 =	seq.s32 s10, $0x1;
	s10 =	sld [smem:$0x3FB9]  }
0x3d: {  	_ =	shalt  }
0x3e: {  	_ =	shalt  }
0x3f: {  	_ =	shalt  }
0x40: {  	_ =	shalt  }
0x41: {  	_ =	shalt  }
0x42: {  	_ =	shalt  }
0x43: {  	_ =	shalt  }
0x44: {  	_ =	shalt  }
0x45: {  	_ =	shalt  }
0x46: {  	_ =	shalt  }
0x47: {  	_ =	shalt  }
0x48: {  	_ =	shalt  }
0x49: {  	_ =	shalt  }
0x4a: {  	_ =	shalt  }
0x4b: {  	_ =	shalt  }
0x4c: {  	_ =	shalt  }
0x4d: {  	_ =	shalt  }
0x4e: {  	_ =	shalt  }
0x4f: {  	_ =	shalt  }
0x50: {  	_ =	shalt  }
0x51: {  	_ =	shalt  }
0x52: {  	_ =	shalt  }
0x53: {  	_ =	shalt  }
0x54: {  	_ =	shalt  }
0x55: {  	_ =	shalt  }
0x56: {  	_ =	shalt  }
0x57: {  	_ =	shalt  }
0x58: {  	_ =	shalt  }
0x59: {  	_ =	shalt  }
0x5a: {  	_ =	shalt  }
0x5b: {  	_ =	shalt  }
0x5c: {  	_ =	shalt  }
0x5d: {  	_ =	shalt  }
0x5e: {  	_ =	shalt  }
0x5f: {  	_ =	shalt  }
0x60: {  	_ =	shalt  }
0x61: {  	_ =	shalt  }
0x62: {  	_ =	shalt  }
0x63: {  	_ =	shalt  }
0x64: {  	_ =	shalt  }
0x65: {  	_ =	shalt  }
0x66: {  	_ =	shalt  }
0x67: {  	_ =	shalt  }
0x68: {  	_ =	shalt  }
0x69: {  	_ =	shalt  }
0x6a: {  	_ =	shalt  }
0x6b: {  	_ =	shalt  }
0x6c: {  	_ =	shalt  }
0x6d: {  	_ =	shalt  }
0x6e: {  	_ =	shalt  }
0x6f: {  	_ =	shalt  }
0x70: {  	_ =	shalt  }
0x71: {  	_ =	shalt  }
0x72: {  	_ =	shalt  }
0x73: {  	_ =	shalt  }
0x74: {  	_ =	shalt  }
0x75: {  	_ =	shalt  }
0x76: {  	_ =	shalt  }
0x77: {  	_ =	shalt  }
0x78: {  	_ =	shalt  }
0x79: {  	_ =	shalt  }
0x7a: {  	_ =	shalt  }
0x7b: {  	_ =	shalt  }
0x7c: {  	_ =	shalt  }
0x7d: {  	_ =	shalt  }
0x7e: {  	_ =	shalt  }
0x7f: {  	_ =	shalt  }
0x80: {  	_ =	shalt  }
0x81: {  	_ =	shalt  }
0x82: {  	_ =	shalt  }
0x83: {  	_ =	shalt  }
0x84: {  	_ =	shalt  }
0x85: {  	_ =	shalt  }
0x86: {  	_ =	shalt  }
0x87: {  	_ =	shalt  }
.Lfunc_end0:
.L_simem_size_0:
called_computation_lowered:
.L_overlay_start_0:
0x88: {  	s2 =	sld [smem:$0x3FD9]  }
0x89: {  	s3 =	sld [smem:$0x3FFE];
	_ =	sdelay $0x1  }
0x8a: {  	s1 =	srdreg.scid  }
0x8b: {  	s0 =	sand.u32 $0x1, s1  }
0x8c: {  	s17 =	sshll.u32 s0, $0xA;
	s2 =	sadd.s32 s3, s2  }
0x8d: {  	s2 =	sadd.s32 s2, s17  }
0x8e: {  	[smem:$0x3FC5] =	sst s2  }
0x8f: {  	_ = 	snop  }
0x90: {  	s2 =	sld [smem:$0x3FC8]  }
0x91: {  	s18 =	sld [smem:$0x3FC7]  }
0x92: {  	s4 =	sld [smem:$0x3FD0];
	(tm) =	ssettm $0x1  }
0x93: {  	s5 =	sld [smem:$0x3FFB];
	_ =	sdelay $0x3  }
0x94: {  	_ =	strace s5  }
0x95: {  	s5 =	sld [smem:$0x3FFC];
	_ =	sdelay $0x3  }
0x96: {  	_ =	strace s5  }
0x97: {  	s5 =	sld [smem:$0x3FFD];
	_ =	sdelay $0x3  }
0x98: {  	_ =	strace s5  }
0x99: {  	_ =	strace $0x8FFFFFFF  }
0x9a: {  	s19 =	sld [smem:$0x3FDB];
	_ =	sdelay $0x1  }
0x9b: {  	s6 =	simm.s32 $_scs_section_size  }
0x9c: {  	s7 =	simm.s32 $_size__tile_overlayer_lowered;
	s8 =	simm.s32 $_tile_overlayer_lowered  }
0x9d: {  	s22 =	simm.s32 $0x1BFF;
	s21 =	sshll.u32 s8, $0x1;
	s5 =	sadd.s32 s6, s19  }
0x9e: {  	s9 =	simm.s32 $0x0;
	s20 =	sshll.u32 s7, $0x1;
	s7 =	sadd.s32 s21, s5  }
0x9f: {  	[timem:s9], [sflag:s22] =	dma.local [hbm:s7], s20  }
0xa0: {  	_ =	swait.ge [sflag:s22], s20  }
0xa1: {  	s6 =	ssub.s32 $0x0, s20;
	[sflag:s22] =	ssyncset.done $0x0  }
0xa2: {  	[sflag:s22] =	ssyncadd.s32 s6;
	_ =	sdelay $0x1  }
0xa3: {  	s23 =	simm.s32 $0x1B8B  }
0xa4: {  	_ =	swait.ge [sflag:s23], $0x1  }
0xa5: {  	[sflag:s23] =	ssyncset.done $0x0  }
0xa6: {  	s25 =	simm.s32 $0x1B8E;
	s24 =	sld [smem:$0x3FFE];
	[sflag:s23] =	ssyncadd.s32 $0xFFFFFFFF  }
0xa7: {  	s26 =	simm.s32 $execute0_lowered;
	[smem:$0x3FD2] =	sst s25  }
0xa8: {  	s7 =	sshll.u32 s26, $0x1;
	_ =	strace $0x80000046;
	[dreg:$0x1] =	wrdreg $0xFFFFFFFF  }
0xa9: {  	s28 =	simm.s32 $_size_execute0_lowered;
	s5 =	sadd.s32 s5, s7;
	[dreg:$0x0] =	wrdreg $0x0  }
0xaa: {  	s7 =	sshll.u32 s28, $0x1;
	[dreg:$0x2] =	wrdreg s5  }
0xab: {  	[dreg:$0x3] =	wrdreg s7  }
0xac: {  	[dreg:$0x4] =	wrdreg $0xC0  }
0xad: {  	_ =	task [dreg:s9], $0x5FFFF  }
0xae: {  	[dreg:$0x1] =	wrdreg $0xFFFFFFFF  }
0xaf: {  	[dreg:$0x0] =	wrdreg $0x60  }
0xb0: {  	[dreg:$0x2] =	wrdreg s24  }
0xb1: {  	[dreg:$0x3] =	wrdreg s2  }
0xb2: {  	[dreg:$0x4] =	wrdreg s18  }
0xb3: {  	[dreg:$0x5] =	wrdreg s4  }
0xb4: {  	[dreg:$0x6] =	wrdreg $0x9  }
0xb5: {  	_ =	task.clear_ibuf [dreg:s9], $0x7FFFF;
	_ =	strace $0x90000046  }
0xb6: {  	s29 =	simm.s32 $0x9;
	_ =	strace $0x80000048  }
0xb7: {  	_ =	swait.ge [sflag:s29], $0x1  }
0xb8: {  	[sflag:s29] =	ssyncadd.s32 $0xFFFFFFFF  }
0xb9: {  	_ =	strace $0x90000048  }
0xba: {  	_ =	sfence  }
0xbb: {  	s30 =	sld [smem:$0x0];
	_ =	sdelay $0x2  }
0xbc: {  	s31 =	sshll.u32 s1, $0xD;
	s1 =	sshrl.u32 s1, $0x2  }
0xbd: {  	s3 =	sand.u32 $0x4000, s31;
	s1 =	sadd.s32 s1, s30  }
0xbe: {  	s0 =	sor.u32 s3, s0;
	s1 =	sshll.u32 s1, $0x11  }
0xbf: {  	s0 =	sor.u32 s1, s0  }
0xc0: {  	s0 =	sadd.s32 $0x8F2B, s0  }
0xc1: {  	[sflag:s0] =	ssyncadd.remote.s32 $0x1  }
0xc2: {  	_ =	sfence.sel $0xFFFF  }
0xc3: {  	[dreg:$0x0] =	wrdreg $0xFFFFFFFF;
	(pc) =	sbr.abs _section_cstart, $3  }
0xc4: {  	[dreg:$0x1] =	wrdreg $0xFFFFFFFF  }
0xc5: {  	_ =	task.clear_ibuf [dreg:s9], $0x2FFFF;
	_ =	strace $0x9FFFFFFF  }
0xc6: {  	(tm) =	ssettm $0x7FFFFFFF  }
0xc7: {  	_ =	shalt  }
tec
execute0_lowered:
.L_overlay_start_1:
0x0: {  	(tag) =	ssettag $0x1  }
0x1: {  	s0 =	rddreg [dreg:$0x0]  }
0x2: {  	s4 =	rddreg [dreg:$0x1];
	s1 =	srdreg.scid  }
0x3: {  	s2 =	stileid.u32;
	s5 =	simm.s32 $0x0;
	s1 =	sand.u32 $0x1, s1  }
0x4: {  	s2 =	sshll.u32 s2, $0x1;
	[smem:$0x7FF] =	sst s5;
	s25 =	sadd.s32 $0x100, s4  }
0x5: {  	s26 =	sadd.s32 $0x200, s4;
	_ =	strace $0x80000047;
	[dreg:$0x15] =	wrdreg s25  }
0x6: {  	s2 =	sor.u32 s1, s2;
	s1 =	ssub.s32 $0x2, s1;
	[dreg:$0x16] =	wrdreg s26  }
0x7: {  	s3 =	sshll.u32 s2, $0x7;
	s24 =	sshrl.u32 s1, $0x1;
	s28 =	sshll.u32 s2, $0x6  }
0x8: {  	s0 =	sadd.s32 s3, s0;
	s2 =	sor.u32 $0x800, s28;
	[dreg:$0x17] =	wrdreg s28  }
.Ltmp0:
0x9: {  	s29 =	sor.u32 $0x1000, s28;
	[dreg:$0x18] =	wrdreg s2;
	(pc) =	sbr.rel .LBB2_1-.Ltmp0, $4  }
0xa: {  	s1 =	ssub.s32 s1, s24;
	s0 =	sadd.s32 $0x400, s0;
	[dreg:$0x19] =	wrdreg s29  }
0xb: {  	v2 =	vlaneseq.u32;
	s31 =	smax.u32 s1, $0x1;
	[dreg:$0x14] =	wrdreg s0  }
0xc: {  	vm0 =	vmmov $0xffff;
	v1 =	vshrl.u32 v2, $0x3;
	s0 =	sor.u32 $0x1800, s28;
	[dreg:$0x1b] =	wrdreg s31  }
0xd: {  	s30 =	simm.s32 $0x12400;
	v0 =	vand.u32 $0x7, v2;
	v2 =	vor.u32 $0x8, v2;
	v1 =	vmul.u32 $0x8, v1;
	s2 =	simm.s32 $0x0;
	[dreg:$0x1a] =	wrdreg s0  }
.LBB2_12:
0xe: {  	s0 =	simm.s32 $0x5  }
0xf: {  	_ =	swait.ge [sflag:s0], $0x6000  }
0x10: {  	[sflag:s0] =	ssyncset.done $0x0  }
0x11: {  	s28 =	simm.s32 $0x6;
	[sflag:s0] =	ssyncadd.s32 $0xFFFFA000  }
0x12: {  	_ =	swait.ge [sflag:s28], $0x6000  }
0x13: {  	[sflag:s28] =	ssyncset.done $0x0  }
0x14: {  	s29 =	simm.s32 $0x7;
	[sflag:s28] =	ssyncadd.s32 $0xFFFFA000  }
0x15: {  	_ =	swait.ge [sflag:s29], $0x6000  }
0x16: {  	[sflag:s29] =	ssyncset.done $0x0  }
0x17: {  	s1 =	simm.s32 $0x8;
	[sflag:s29] =	ssyncadd.s32 $0xFFFFA000  }
0x18: {  	_ =	swait.ge [sflag:s1], $0x6000  }
0x19: {  	s2 =	rddreg [dreg:$0x1c]  }
0x1a: {  	s31 =	rddreg [dreg:$0x1b];
	s2 =	sadd.s32 $0x1, s2  }
0x1b: {  	p0 =	sne.s32 s2, s31  }
.Ltmp1:
0x1c: {  	_ = 	snop;
	(pc) =	sbr.rel @!p0 .LBB2_13-.Ltmp1, $3  }
0x1d: {  	_ =	sdelay $0x1  }
0x1e: {  	[sflag:s1] =	ssyncset.done $0x0  }
0x1f: {  	[sflag:s1] =	ssyncadd.s32 $0xFFFFA000  }
.LBB2_1:
0x20: {  	[dreg:$0x1c] =	wrdreg s2  }
0x21: {  	s1 =	simm.s32 $0x0;
	s0 =	rddreg [dreg:$0x14];
	s5 =	simm.s32 $0x9  }
0x22: {  	[tilespmem:s1], [sflag:$0x9] =	stream.linear.gather [hbm4b:s0+s1], $0x400, $0x38;
	[tilespmem:$0x1E400] =	vst v63  }
0x23: {  	_ =	swait.ge [sflag:s5], $0x400  }
0x24: {  	[sflag:s5] =	ssyncset.done $0x0  }
0x25: {  	[sflag:s5] =	ssyncadd.s32 $0xFFFFFC00  }
0x26: {  	v3 =	vld [tilespmem:$0x0];
	_ =	sdelay $0x4  }
0x27: {  	v4 =	vshrl.u32 v3, $0x3  }
0x28: {  	v4 =	vmul.u32 $0x30, v4  }
0x29: {  	v3 =	vand.u32 $0x7, v3  }
0x2a: {  	v3 =	vor.u32 v3, v4  }
0x2b: {  	v4 =	vperm.xlane v3, v0;
	_ =	sdelay $0x1  }
0x2c: {  	v4 =	vadd.s32 v1, v4;
	_ =	sdelay $0x3  }
0x2d: {  	s6 =	simm.s32 $0x400;
	s0 =	rddreg [dreg:$0x1];
	v3 =	vperm.xlane v3, v2  }
0x2e: {  	[tilespmem:s6], [sflag:$0x1] =	stream.indirect_vreg.gather [hbm4b:s0+s1], $0x80, v4, vm0, $0xb8;
	[tilespmem:$0x1E400] =	vst v63  }
0x2f: {  	s3 =	simm.s32 $0xC00;
	s7 =	rddreg [dreg:$0x15];
	v3 =	vadd.s32 v1, v3  }
0x30: {  	[tilespmem:s3], [sflag:$0x1] =	stream.indirect_vreg.gather [hbm4b:s7+s1], $0x80, v4, vm0, $0xb8;
	[tilespmem:$0x1E400] =	vst v63  }
0x31: {  	s4 =	simm.s32 $0x1400;
	s8 =	rddreg [dreg:$0x16]  }
0x32: {  	[tilespmem:s4], [sflag:$0x1] =	stream.indirect_vreg.gather [hbm4b:s8+s1], $0x80, v4, vm0, $0xb8;
	[tilespmem:$0x1E400] =	vst v63  }
0x33: {  	s9 =	simm.s32 $0x1C00  }
0x34: {  	[tilespmem:s9], [sflag:$0x1] =	stream.indirect_vreg.gather [hbm4b:s0+s1], $0x80, v3, vm0, $0xb8;
	[tilespmem:$0x1E400] =	vst v63  }
0x35: {  	s10 =	simm.s32 $0x2400  }
0x36: {  	[tilespmem:s10], [sflag:$0x1] =	stream.indirect_vreg.gather [hbm4b:s7+s1], $0x80, v3, vm0, $0xb8;
	[tilespmem:$0x1E400] =	vst v63  }
0x37: {  	s11 =	simm.s32 $0x2C00  }
0x38: {  	[tilespmem:s11], [sflag:$0x1] =	stream.indirect_vreg.gather [hbm4b:s8+s1], $0x80, v3, vm0, $0xb8;
	[tilespmem:$0x1E400] =	vst v63  }
0x39: {  	v3 =	vld [tilespmem:$0x10];
	_ =	sdelay $0x4  }
0x3a: {  	v61 =	vshrl.u32 v3, $0x3  }
0x3b: {  	v4 =	vmul.u32 $0x30, v61  }
0x3c: {  	v3 =	vand.u32 $0x7, v3  }
0x3d: {  	v3 =	vor.u32 v3, v4  }
0x3e: {  	v4 =	vperm.xlane v3, v0;
	_ =	sdelay $0x1  }
0x3f: {  	v4 =	vadd.s32 v1, v4;
	_ =	sdelay $0x3  }
0x40: {  	s12 =	simm.s32 $0x3400;
	v3 =	vperm.xlane v3, v2  }
0x41: {  	[tilespmem:s12], [sflag:$0x1] =	stream.indirect_vreg.gather [hbm4b:s0+s1], $0x80, v4, vm0, $0xb8;
	[tilespmem:$0x1E400] =	vst v63  }
0x42: {  	s13 =	simm.s32 $0x3C00;
	v3 =	vadd.s32 v1, v3  }
0x43: {  	[tilespmem:s13], [sflag:$0x1] =	stream.indirect_vreg.gather [hbm4b:s7+s1], $0x80, v4, vm0, $0xb8;
	[tilespmem:$0x1E400] =	vst v63  }
0x44: {  	s14 =	simm.s32 $0x4400  }
0x45: {  	[tilespmem:s14], [sflag:$0x1] =	stream.indirect_vreg.gather [hbm4b:s8+s1], $0x80, v4, vm0, $0xb8;
	[tilespmem:$0x1E400] =	vst v63  }
0x46: {  	s15 =	simm.s32 $0x4C00  }
0x47: {  	[tilespmem:s15], [sflag:$0x1] =	stream.indirect_vreg.gather [hbm4b:s0+s1], $0x80, v3, vm0, $0xb8;
	[tilespmem:$0x1E400] =	vst v63  }
0x48: {  	s16 =	simm.s32 $0x5400  }
0x49: {  	[tilespmem:s16], [sflag:$0x1] =	stream.indirect_vreg.gather [hbm4b:s7+s1], $0x80, v3, vm0, $0xb8;
	[tilespmem:$0x1E400] =	vst v63  }
0x4a: {  	s17 =	simm.s32 $0x5C00  }
0x4b: {  	[tilespmem:s17], [sflag:$0x1] =	stream.indirect_vreg.gather [hbm4b:s8+s1], $0x80, v3, vm0, $0xb8;
	[tilespmem:$0x1E400] =	vst v63  }
0x4c: {  	v3 =	vld [tilespmem:$0x80];
	_ =	sdelay $0x4  }
0x4d: {  	v62 =	vshrl.u32 v3, $0x3  }
0x4e: {  	v4 =	vmul.u32 $0x30, v62  }
0x4f: {  	v3 =	vand.u32 $0x7, v3  }
0x50: {  	v3 =	vor.u32 v3, v4  }
0x51: {  	v4 =	vperm.xlane v3, v0;
	_ =	sdelay $0x1  }
0x52: {  	v4 =	vadd.s32 v1, v4;
	_ =	sdelay $0x3  }
0x53: {  	s18 =	simm.s32 $0x6400;
	v3 =	vperm.xlane v3, v2  }
0x54: {  	[tilespmem:s18], [sflag:$0x2] =	stream.indirect_vreg.gather [hbm4b:s0+s1], $0x80, v4, vm0, $0xb8;
	[tilespmem:$0x1E400] =	vst v63  }
0x55: {  	s19 =	simm.s32 $0x6C00;
	v3 =	vadd.s32 v1, v3  }
0x56: {  	[tilespmem:s19], [sflag:$0x2] =	stream.indirect_vreg.gather [hbm4b:s7+s1], $0x80, v4, vm0, $0xb8;
	[tilespmem:$0x1E400] =	vst v63  }
0x57: {  	s20 =	simm.s32 $0x7400  }
0x58: {  	[tilespmem:s20], [sflag:$0x2] =	stream.indirect_vreg.gather [hbm4b:s8+s1], $0x80, v4, vm0, $0xb8;
	[tilespmem:$0x1E400] =	vst v63  }
0x59: {  	s21 =	simm.s32 $0x7C00  }
0x5a: {  	[tilespmem:s21], [sflag:$0x2] =	stream.indirect_vreg.gather [hbm4b:s0+s1], $0x80, v3, vm0, $0xb8;
	[tilespmem:$0x1E400] =	vst v63  }
0x5b: {  	s22 =	simm.s32 $0x8400  }
0x5c: {  	[tilespmem:s22], [sflag:$0x2] =	stream.indirect_vreg.gather [hbm4b:s7+s1], $0x80, v3, vm0, $0xb8;
	[tilespmem:$0x1E400] =	vst v63  }
0x5d: {  	s23 =	simm.s32 $0x8C00  }
0x5e: {  	[tilespmem:s23], [sflag:$0x2] =	stream.indirect_vreg.gather [hbm4b:s8+s1], $0x80, v3, vm0, $0xb8;
	[tilespmem:$0x1E400] =	vst v63  }
0x5f: {  	v3 =	vld [tilespmem:$0x90];
	_ =	sdelay $0x4  }
0x60: {  	v63 =	vshrl.u32 v3, $0x3  }
0x61: {  	v4 =	vmul.u32 $0x30, v63  }
0x62: {  	v3 =	vand.u32 $0x7, v3  }
0x63: {  	v3 =	vor.u32 v3, v4  }
0x64: {  	v4 =	vperm.xlane v3, v0;
	_ =	sdelay $0x1  }
0x65: {  	v4 =	vadd.s32 v1, v4;
	_ =	sdelay $0x3  }
0x66: {  	s24 =	simm.s32 $0x9400;
	v3 =	vperm.xlane v3, v2  }
0x67: {  	[tilespmem:s24], [sflag:$0x2] =	stream.indirect_vreg.gather [hbm4b:s0+s1], $0x80, v4, vm0, $0xb8;
	[tilespmem:$0x1E400] =	vst v63  }
0x68: {  	s25 =	simm.s32 $0x9C00;
	v3 =	vadd.s32 v1, v3  }
0x69: {  	[tilespmem:s25], [sflag:$0x2] =	stream.indirect_vreg.gather [hbm4b:s7+s1], $0x80, v4, vm0, $0xb8;
	[tilespmem:$0x1E400] =	vst v63  }
0x6a: {  	s26 =	simm.s32 $0xA400  }
0x6b: {  	[tilespmem:s26], [sflag:$0x2] =	stream.indirect_vreg.gather [hbm4b:s8+s1], $0x80, v4, vm0, $0xb8;
	[tilespmem:$0x1E400] =	vst v63  }
0x6c: {  	s28 =	simm.s32 $0xAC00  }
0x6d: {  	[tilespmem:s28], [sflag:$0x2] =	stream.indirect_vreg.gather [hbm4b:s0+s1], $0x80, v3, vm0, $0xb8;
	[tilespmem:$0x1E400] =	vst v63  }
0x6e: {  	s29 =	simm.s32 $0xB400  }
0x6f: {  	[tilespmem:s29], [sflag:$0x2] =	stream.indirect_vreg.gather [hbm4b:s7+s1], $0x80, v3, vm0, $0xb8;
	[tilespmem:$0x1E400] =	vst v63  }
0x70: {  	s31 =	simm.s32 $0xBC00;
	p0 =	por $0x1, $0x1  }
0x71: {  	[tilespmem:s31], [sflag:$0x2] =	stream.indirect_vreg.gather [hbm4b:s8+s1], $0x80, v3, vm0, $0xb8;
	[tilespmem:$0x1E400] =	vst v63  }
0x72: {  	s3 =	simm.s32 $0x0;
	s0 =	simm.s32 $0x110;
	s1 =	simm.s32 $0x100  }
.LBB2_2:
0x73: {  	v3 =	vld [tilespmem:s1+$0x0];
	_ =	sdelay $0x4  }
0x74: {  	v4 =	vshrl.u32 v3, $0x3  }
0x75: {  	v4 =	vmul.u32 $0x30, v4  }
0x76: {  	v3 =	vand.u32 $0x7, v3  }
0x77: {  	v3 =	vor.u32 v3, v4  }
0x78: {  	v4 =	vperm.xlane v3, v0;
	_ =	sdelay $0x1  }
0x79: {  	v4 =	vadd.s32 v1, v4;
	_ =	sdelay $0x3  }
0x7a: {  	s13 =	simm.s32 $0x0;
	s25 =	rddreg [dreg:$0x1];
	s2 =	simm.s32 $0xC400;
	v3 =	vperm.xlane v3, v2  }
0x7b: {  	[tilespmem:s2], [sflag:$0x3] =	stream.indirect_vreg.gather [hbm4b:s25+s13], $0x80, v4, vm0, $0xb8;
	[tilespmem:$0x1E400] =	vst v63  }
0x7c: {  	s26 =	rddreg [dreg:$0x15];
	s4 =	simm.s32 $0xCC00;
	v3 =	vadd.s32 v1, v3  }
0x7d: {  	[tilespmem:s4], [sflag:$0x3] =	stream.indirect_vreg.gather [hbm4b:s26+s13], $0x80, v4, vm0, $0xb8;
	[tilespmem:$0x1E400] =	vst v63  }
0x7e: {  	s28 =	rddreg [dreg:$0x16];
	s5 =	simm.s32 $0xD400  }
0x7f: {  	[tilespmem:s5], [sflag:$0x3] =	stream.indirect_vreg.gather [hbm4b:s28+s13], $0x80, v4, vm0, $0xb8;
	[tilespmem:$0x1E400] =	vst v63  }
0x80: {  	s31 =	simm.s32 $0xDC00  }
0x81: {  	[tilespmem:s31], [sflag:$0x3] =	stream.indirect_vreg.gather [hbm4b:s25+s13], $0x80, v3, vm0, $0xb8;
	[tilespmem:$0x1E400] =	vst v63  }
0x82: {  	s6 =	simm.s32 $0xE400  }
0x83: {  	[tilespmem:s6], [sflag:$0x3] =	stream.indirect_vreg.gather [hbm4b:s26+s13], $0x80, v3, vm0, $0xb8;
	[tilespmem:$0x1E400] =	vst v63  }
0x84: {  	s7 =	simm.s32 $0xEC00  }
0x85: {  	[tilespmem:s7], [sflag:$0x3] =	stream.indirect_vreg.gather [hbm4b:s28+s13], $0x80, v3, vm0, $0xb8;
	[tilespmem:$0x1E400] =	vst v63  }
0x86: {  	v3 =	vld [tilespmem:s0+$0x0];
	_ =	sdelay $0x4  }
0x87: {  	v4 =	vshrl.u32 v3, $0x3  }
0x88: {  	v4 =	vmul.u32 $0x30, v4  }
0x89: {  	v3 =	vand.u32 $0x7, v3  }
0x8a: {  	v3 =	vor.u32 v3, v4  }
0x8b: {  	v4 =	vperm.xlane v3, v0;
	_ =	sdelay $0x1  }
0x8c: {  	v4 =	vadd.s32 v1, v4;
	_ =	sdelay $0x3  }
0x8d: {  	s8 =	simm.s32 $0xF400;
	v3 =	vperm.xlane v3, v2  }
0x8e: {  	[tilespmem:s8], [sflag:$0x3] =	stream.indirect_vreg.gather [hbm4b:s25+s13], $0x80, v4, vm0, $0xb8;
	[tilespmem:$0x1E400] =	vst v63  }
0x8f: {  	s9 =	simm.s32 $0xFC00;
	v3 =	vadd.s32 v1, v3  }
0x90: {  	[tilespmem:s9], [sflag:$0x3] =	stream.indirect_vreg.gather [hbm4b:s26+s13], $0x80, v4, vm0, $0xb8;
	[tilespmem:$0x1E400] =	vst v63  }
0x91: {  	s10 =	simm.s32 $0x10400;
	s14 =	sshll.u32 s3, $0x5;
	s15 =	rddreg [dreg:$0x17]  }
0x92: {  	[tilespmem:s10], [sflag:$0x3] =	stream.indirect_vreg.gather [hbm4b:s28+s13], $0x80, v4, vm0, $0xb8;
	[tilespmem:$0x1E400] =	vst v63  }
0x93: {  	s11 =	simm.s32 $0x10C00;
	s0 =	sor.u32 s15, s14  }
0x94: {  	[tilespmem:s11], [sflag:$0x3] =	stream.indirect_vreg.gather [hbm4b:s25+s13], $0x80, v3, vm0, $0xb8;
	[tilespmem:$0x1E400] =	vst v63  }
0x95: {  	s12 =	simm.s32 $0x11400;
	s16 =	simm.s32 $0x11C00;
	s0 =	sshrl.u32 s0, $0x3  }
0x96: {  	[tilespmem:s12], [sflag:$0x3] =	stream.indirect_vreg.gather [hbm4b:s26+s13], $0x80, v3, vm0, $0xb8;
	[tilespmem:$0x1E400] =	vst v63  }
0x97: {  	s17 =	rddreg [dreg:$0x2];
	s18 =	simm.s32 $0x18400;
	s6 =	smul.u32 $0x300, s0  }
0x98: {  	[tilespmem:s16], [sflag:$0x3] =	stream.indirect_vreg.gather [hbm4b:s28+s13], $0x80, v3, vm0, $0xb8;
	[tilespmem:$0x1E400] =	vst v63  }
0x99: {  	s19 =	simm.s32 $0x9;
	[dreg:$0x1d] =	wrdreg s14;
	s0 =	sadd.s32 s17, s6  }
0x9a: {  	[tilespmem:s18], [sflag:$0x9] =	stream.linear.gather [hbm4b:s0+s13], $0x6000, $0x38;
	[tilespmem:$0x1E400] =	vst v63  }
0x9b: {  	_ =	swait.ge [sflag:s19], $0x6000  }
0x9c: {  	[sflag:s19] =	ssyncset.done $0x0  }
0x9d: {  	s20 =	simm.s32 $0x0;
	s21 =	simm.s32 $0x1;
	[sflag:s19] =	ssyncadd.s32 $0xFFFFA000  }
0x9e: {  	s2 =	smul.u32 $0x1800, s20;
	s0 =	sand.u32 $0x300, s13;
	_ =	swait.ge [sflag:s21], $0x6000  }
0x9f: {  	s9 =	sor.u32 $0x80, s0;
	[sflag:s21] =	ssyncset.done $0x0  }
0xa0: {  	s22 =	sor.u32 s2, s9;
	[sflag:s21] =	ssyncadd.s32 $0xFFFFA000  }
0xa1: {  	s1 =	sor.u32 s0, s2;
	v3 =	vld [tilespmem:s22+$0x18400]  }
0xa2: {  	v4 =	vld [tilespmem:s1+$0x18400];
	_ =	sdelay $0x2  }
0xa3: {  	s23 =	sor.u32 $0x400, s22  }
0xa4: {  	s24 =	sor.u32 $0x400, s1;
	[tilespmem:s23+$0x0] =	vst.add.f32.msk $0xffff, v3  }
0xa5: {  	[tilespmem:s24+$0x0] =	vst.add.f32.msk $0xffff, v4  }
0xa6: {  	v3 =	vld [tilespmem:s22+$0x18410]  }
0xa7: {  	v4 =	vld [tilespmem:s1+$0x18410];
	_ =	sdelay $0x2  }
0xa8: {  	s25 =	sor.u32 $0x410, s22  }
0xa9: {  	s26 =	sor.u32 $0x410, s1;
	[tilespmem:s25+$0x0] =	vst.add.f32.msk $0xffff, v3  }
0xaa: {  	[tilespmem:s26+$0x0] =	vst.add.f32.msk $0xffff, v4  }
0xab: {  	v3 =	vld [tilespmem:s22+$0x18420]  }
0xac: {  	v4 =	vld [tilespmem:s1+$0x18420];
	_ =	sdelay $0x2  }
0xad: {  	s28 =	sor.u32 $0x420, s22  }
0xae: {  	s31 =	sor.u32 $0x420, s1;
	[tilespmem:s28+$0x0] =	vst.add.f32.msk $0xffff, v3  }
0xaf: {  	[tilespmem:s31+$0x0] =	vst.add.f32.msk $0xffff, v4  }
0xb0: {  	v3 =	vld [tilespmem:s22+$0x18430]  }
0xb1: {  	v4 =	vld [tilespmem:s1+$0x18430];
	_ =	sdelay $0x2  }
0xb2: {  	s7 =	sor.u32 $0x430, s22  }
0xb3: {  	s8 =	sor.u32 $0x430, s1;
	[tilespmem:s7+$0x0] =	vst.add.f32.msk $0xffff, v3  }
0xb4: {  	[tilespmem:s8+$0x0] =	vst.add.f32.msk $0xffff, v4  }
0xb5: {  	v3 =	vld [tilespmem:s22+$0x18440]  }
0xb6: {  	v4 =	vld [tilespmem:s1+$0x18440];
	_ =	sdelay $0x2  }
0xb7: {  	s10 =	sor.u32 $0x440, s22  }
0xb8: {  	s11 =	sor.u32 $0x440, s1;
	[tilespmem:s10+$0x0] =	vst.add.f32.msk $0xffff, v3  }
0xb9: {  	[tilespmem:s11+$0x0] =	vst.add.f32.msk $0xffff, v4  }
0xba: {  	v3 =	vld [tilespmem:s22+$0x18450]  }
0xbb: {  	v4 =	vld [tilespmem:s1+$0x18450];
	_ =	sdelay $0x2  }
0xbc: {  	s12 =	sor.u32 $0x450, s22  }
0xbd: {  	s14 =	sor.u32 $0x450, s1;
	[tilespmem:s12+$0x0] =	vst.add.f32.msk $0xffff, v3  }
0xbe: {  	[tilespmem:s14+$0x0] =	vst.add.f32.msk $0xffff, v4  }
0xbf: {  	v3 =	vld [tilespmem:s22+$0x18460]  }
0xc0: {  	v4 =	vld [tilespmem:s1+$0x18460];
	_ =	sdelay $0x2  }
0xc1: {  	s15 =	sor.u32 $0x460, s22  }
0xc2: {  	s16 =	sor.u32 $0x460, s1;
	[tilespmem:s15+$0x0] =	vst.add.f32.msk $0xffff, v3  }
0xc3: {  	[tilespmem:s16+$0x0] =	vst.add.f32.msk $0xffff, v4  }
0xc4: {  	v3 =	vld [tilespmem:s22+$0x18470]  }
0xc5: {  	v4 =	vld [tilespmem:s1+$0x18470];
	_ =	sdelay $0x2  }
0xc6: {  	s17 =	sor.u32 $0x470, s22  }
0xc7: {  	s19 =	sor.u32 $0x470, s1;
	[tilespmem:s17+$0x0] =	vst.add.f32.msk $0xffff, v3  }
0xc8: {  	[tilespmem:s19+$0x0] =	vst.add.f32.msk $0xffff, v4  }
0xc9: {  	v3 =	vld [tilespmem:s22+$0x18800]  }
0xca: {  	v5 =	vld [tilespmem:s22+$0x18810]  }
0xcb: {  	v6 =	vld [tilespmem:s22+$0x18820]  }
0xcc: {  	v7 =	vld [tilespmem:s22+$0x18830]  }
0xcd: {  	v8 =	vld [tilespmem:s22+$0x18840]  }
0xce: {  	v9 =	vld [tilespmem:s22+$0x18850]  }
0xcf: {  	v10 =	vld [tilespmem:s22+$0x18860]  }
0xd0: {  	v11 =	vld [tilespmem:s22+$0x18870]  }
0xd1: {  	v4 =	vld [tilespmem:s1+$0x18800]  }
0xd2: {  	[tilespmem:s22+$0x800] =	vst.add.f32.msk $0xffff, v3  }
0xd3: {  	[tilespmem:s22+$0x810] =	vst.add.f32.msk $0xffff, v5  }
0xd4: {  	[tilespmem:s22+$0x820] =	vst.add.f32.msk $0xffff, v6  }
0xd5: {  	[tilespmem:s22+$0x830] =	vst.add.f32.msk $0xffff, v7  }
0xd6: {  	[tilespmem:s22+$0x840] =	vst.add.f32.msk $0xffff, v8  }
0xd7: {  	[tilespmem:s22+$0x850] =	vst.add.f32.msk $0xffff, v9  }
0xd8: {  	[tilespmem:s22+$0x860] =	vst.add.f32.msk $0xffff, v10  }
0xd9: {  	[tilespmem:s22+$0x870] =	vst.add.f32.msk $0xffff, v11  }
0xda: {  	v5 =	vld [tilespmem:s1+$0x18810]  }
0xdb: {  	v6 =	vld [tilespmem:s1+$0x18820]  }
0xdc: {  	s18 =	sadd.s32 $0x800, s2;
	v7 =	vld [tilespmem:s1+$0x18830]  }
0xdd: {  	s7 =	sor.u32 s9, s18;
	v8 =	vld [tilespmem:s1+$0x18840]  }
0xde: {  	v3 =	vld [tilespmem:s7+$0x18400]  }
0xdf: {  	v9 =	vld [tilespmem:s1+$0x18850]  }
0xe0: {  	v10 =	vld [tilespmem:s1+$0x18860]  }
0xe1: {  	v11 =	vld [tilespmem:s1+$0x18870]  }
0xe2: {  	s20 =	sor.u32 $0x400, s7;
	[tilespmem:s1+$0x800] =	vst.add.f32.msk $0xffff, v4  }
0xe3: {  	[tilespmem:s20+$0x0] =	vst.add.f32.msk $0xffff, v3  }
0xe4: {  	v3 =	vld [tilespmem:s7+$0x18410]  }
0xe5: {  	[tilespmem:s1+$0x810] =	vst.add.f32.msk $0xffff, v5  }
0xe6: {  	[tilespmem:s1+$0x820] =	vst.add.f32.msk $0xffff, v6  }
0xe7: {  	[tilespmem:s1+$0x830] =	vst.add.f32.msk $0xffff, v7  }
0xe8: {  	s21 =	sor.u32 $0x410, s7;
	[tilespmem:s1+$0x840] =	vst.add.f32.msk $0xffff, v8  }
0xe9: {  	[tilespmem:s21+$0x0] =	vst.add.f32.msk $0xffff, v3  }
0xea: {  	v3 =	vld [tilespmem:s7+$0x18420]  }
0xeb: {  	[tilespmem:s1+$0x850] =	vst.add.f32.msk $0xffff, v9  }
0xec: {  	[tilespmem:s1+$0x860] =	vst.add.f32.msk $0xffff, v10  }
0xed: {  	s24 =	sor.u32 s0, s18;
	[tilespmem:s1+$0x870] =	vst.add.f32.msk $0xffff, v11  }
0xee: {  	s22 =	sor.u32 $0x420, s7;
	v4 =	vld [tilespmem:s24+$0x18400]  }
0xef: {  	[tilespmem:s22+$0x0] =	vst.add.f32.msk $0xffff, v3  }
0xf0: {  	v3 =	vld [tilespmem:s7+$0x18430];
	_ =	sdelay $0x1  }
0xf1: {  	s26 =	sor.u32 $0x400, s24  }
0xf2: {  	[tilespmem:s26+$0x0] =	vst.add.f32.msk $0xffff, v4  }
0xf3: {  	s23 =	sor.u32 $0x430, s7;
	v4 =	vld [tilespmem:s24+$0x18410]  }
0xf4: {  	[tilespmem:s23+$0x0] =	vst.add.f32.msk $0xffff, v3  }
0xf5: {  	v3 =	vld [tilespmem:s7+$0x18440];
	_ =	sdelay $0x1  }
0xf6: {  	s31 =	sor.u32 $0x410, s24  }
0xf7: {  	[tilespmem:s31+$0x0] =	vst.add.f32.msk $0xffff, v4  }
0xf8: {  	s25 =	sor.u32 $0x440, s7;
	v4 =	vld [tilespmem:s24+$0x18420]  }
0xf9: {  	[tilespmem:s25+$0x0] =	vst.add.f32.msk $0xffff, v3  }
0xfa: {  	v3 =	vld [tilespmem:s7+$0x18450];
	_ =	sdelay $0x1  }
0xfb: {  	s8 =	sor.u32 $0x420, s24  }
0xfc: {  	[tilespmem:s8+$0x0] =	vst.add.f32.msk $0xffff, v4  }
0xfd: {  	s28 =	sor.u32 $0x450, s7;
	v4 =	vld [tilespmem:s24+$0x18430]  }
0xfe: {  	[tilespmem:s28+$0x0] =	vst.add.f32.msk $0xffff, v3  }
0xff: {  	v3 =	vld [tilespmem:s7+$0x18460];
	_ =	sdelay $0x1  }
0x100: {  	s8 =	sor.u32 $0x430, s24  }
0x101: {  	[tilespmem:s8+$0x0] =	vst.add.f32.msk $0xffff, v4  }
0x102: {  	s5 =	sor.u32 $0x460, s7;
	v4 =	vld [tilespmem:s24+$0x18440]  }
0x103: {  	[tilespmem:s5+$0x0] =	vst.add.f32.msk $0xffff, v3  }
0x104: {  	v3 =	vld [tilespmem:s7+$0x18470];
	_ =	sdelay $0x1  }
0x105: {  	s17 =	sor.u32 $0x440, s24  }
0x106: {  	[tilespmem:s17+$0x0] =	vst.add.f32.msk $0xffff, v4  }
0x107: {  	s10 =	sadd.s32 $0xC00, s2;
	s11 =	sor.u32 $0x470, s7;
	v4 =	vld [tilespmem:s24+$0x18450]  }
0x108: {  	s12 =	sor.u32 s9, s10;
	[tilespmem:s11+$0x0] =	vst.add.f32.msk $0xffff, v3  }
0x109: {  	v3 =	vld [tilespmem:s12+$0x18400]  }
0x10a: {  	v5 =	vld [tilespmem:s12+$0x18410]  }
0x10b: {  	v6 =	vld [tilespmem:s12+$0x18420]  }
0x10c: {  	v7 =	vld [tilespmem:s12+$0x18430]  }
0x10d: {  	v8 =	vld [tilespmem:s12+$0x18440]  }
0x10e: {  	v9 =	vld [tilespmem:s12+$0x18450]  }
0x10f: {  	v10 =	vld [tilespmem:s12+$0x18460]  }
0x110: {  	v11 =	vld [tilespmem:s12+$0x18470]  }
0x111: {  	[tilespmem:s12+$0x400] =	vst.add.f32.msk $0xffff, v3  }
0x112: {  	[tilespmem:s12+$0x410] =	vst.add.f32.msk $0xffff, v5  }
0x113: {  	[tilespmem:s12+$0x420] =	vst.add.f32.msk $0xffff, v6  }
0x114: {  	[tilespmem:s12+$0x430] =	vst.add.f32.msk $0xffff, v7  }
0x115: {  	[tilespmem:s12+$0x440] =	vst.add.f32.msk $0xffff, v8  }
0x116: {  	[tilespmem:s12+$0x450] =	vst.add.f32.msk $0xffff, v9  }
0x117: {  	s14 =	sadd.s32 $0x1000, s2;
	[tilespmem:s12+$0x460] =	vst.add.f32.msk $0xffff, v10  }
0x118: {  	s15 =	sor.u32 s9, s14;
	[tilespmem:s12+$0x470] =	vst.add.f32.msk $0xffff, v11  }
0x119: {  	v3 =	vld [tilespmem:s15+$0x18400];
	_ =	sdelay $0x1  }
0x11a: {  	s19 =	sor.u32 $0x450, s24  }
0x11b: {  	[tilespmem:s19+$0x0] =	vst.add.f32.msk $0xffff, v4  }
0x11c: {  	s16 =	sor.u32 $0x400, s15;
	v4 =	vld [tilespmem:s24+$0x18460]  }
0x11d: {  	[tilespmem:s16+$0x0] =	vst.add.f32.msk $0xffff, v3  }
0x11e: {  	v3 =	vld [tilespmem:s15+$0x18410];
	_ =	sdelay $0x1  }
0x11f: {  	s21 =	sor.u32 $0x460, s24  }
0x120: {  	[tilespmem:s21+$0x0] =	vst.add.f32.msk $0xffff, v4  }
0x121: {  	s18 =	sor.u32 $0x410, s15;
	v4 =	vld [tilespmem:s24+$0x18470]  }
0x122: {  	[tilespmem:s18+$0x0] =	vst.add.f32.msk $0xffff, v3  }
0x123: {  	v3 =	vld [tilespmem:s15+$0x18420];
	_ =	sdelay $0x1  }
0x124: {  	s4 =	sor.u32 $0x470, s24  }
0x125: {  	s1 =	sor.u32 s0, s10;
	[tilespmem:s4+$0x0] =	vst.add.f32.msk $0xffff, v4  }
0x126: {  	s20 =	sor.u32 $0x420, s15;
	v4 =	vld [tilespmem:s1+$0x18400]  }
0x127: {  	[tilespmem:s20+$0x0] =	vst.add.f32.msk $0xffff, v3  }
0x128: {  	v3 =	vld [tilespmem:s15+$0x18430]  }
0x129: {  	v5 =	vld [tilespmem:s1+$0x18410]  }
0x12a: {  	v6 =	vld [tilespmem:s1+$0x18420]  }
0x12b: {  	v7 =	vld [tilespmem:s1+$0x18430]  }
0x12c: {  	s22 =	sor.u32 $0x430, s15;
	v8 =	vld [tilespmem:s1+$0x18440]  }
0x12d: {  	[tilespmem:s22+$0x0] =	vst.add.f32.msk $0xffff, v3  }
0x12e: {  	v3 =	vld [tilespmem:s15+$0x18440]  }
0x12f: {  	v9 =	vld [tilespmem:s1+$0x18450]  }
0x130: {  	v10 =	vld [tilespmem:s1+$0x18460]  }
0x131: {  	v11 =	vld [tilespmem:s1+$0x18470]  }
0x132: {  	s23 =	sor.u32 $0x440, s15;
	[tilespmem:s1+$0x400] =	vst.add.f32.msk $0xffff, v4  }
0x133: {  	[tilespmem:s23+$0x0] =	vst.add.f32.msk $0xffff, v3  }
0x134: {  	v3 =	vld [tilespmem:s15+$0x18450]  }
0x135: {  	[tilespmem:s1+$0x410] =	vst.add.f32.msk $0xffff, v5  }
0x136: {  	[tilespmem:s1+$0x420] =	vst.add.f32.msk $0xffff, v6  }
0x137: {  	[tilespmem:s1+$0x430] =	vst.add.f32.msk $0xffff, v7  }
0x138: {  	s24 =	sor.u32 $0x450, s15;
	[tilespmem:s1+$0x440] =	vst.add.f32.msk $0xffff, v8  }
0x139: {  	[tilespmem:s24+$0x0] =	vst.add.f32.msk $0xffff, v3  }
0x13a: {  	v3 =	vld [tilespmem:s15+$0x18460]  }
0x13b: {  	[tilespmem:s1+$0x450] =	vst.add.f32.msk $0xffff, v9  }
0x13c: {  	s26 =	sadd.s32 $0x1400, s2;
	[tilespmem:s1+$0x460] =	vst.add.f32.msk $0xffff, v10  }
0x13d: {  	[tilespmem:s1+$0x470] =	vst.add.f32.msk $0xffff, v11;
	s23 =	sor.u32 s9, s26;
	s9 =	sor.u32 s0, s14  }
0x13e: {  	s25 =	sor.u32 $0x460, s15;
	v4 =	vld [tilespmem:s9+$0x18400]  }
0x13f: {  	[tilespmem:s25+$0x0] =	vst.add.f32.msk $0xffff, v3  }
0x140: {  	v3 =	vld [tilespmem:s15+$0x18470];
	_ =	sdelay $0x1  }
0x141: {  	s31 =	sor.u32 $0x400, s9  }
0x142: {  	[tilespmem:s31+$0x0] =	vst.add.f32.msk $0xffff, v4  }
0x143: {  	s28 =	sor.u32 $0x470, s15;
	v10 =	vld [tilespmem:s9+$0x18410]  }
0x144: {  	[tilespmem:s28+$0x0] =	vst.add.f32.msk $0xffff, v3  }
0x145: {  	v3 =	vld [tilespmem:s23+$0x18470]  }
0x146: {  	v9 =	vld [tilespmem:s23+$0x18400]  }
0x147: {  	v8 =	vld [tilespmem:s23+$0x18410]  }
0x148: {  	v4 =	vld [tilespmem:s23+$0x18430]  }
0x149: {  	s29 =	sor.u32 s0, s26;
	s21 =	simm.s32 $0x0;
	s11 =	sor.u32 $0x410, s9;
	v5 =	vld [tilespmem:s23+$0x18440]  }
0x14a: {  	s17 =	sor.u32 $0x420, s9;
	s16 =	sor.u32 $0x430, s9;
	s12 =	sor.u32 $0x440, s9;
	[tilespmem:s23+$0x470] =	vst.add.f32.msk $0xffff, v3  }
0x14b: {  	s10 =	sor.u32 $0x450, s9;
	s2 =	sor.u32 $0x460, s9;
	s0 =	sor.u32 $0x470, s9;
	v3 =	vld [tilespmem:s23+$0x18420]  }
.LBB2_3:
0x14c: {  	s21 =	sadd.s32 $0x2, s21;
	v6 =	vld [tilespmem:s23+$0x18450]  }
0x14d: {  	s13 =	sadd.s32 $0x100, s13;
	s1 =	sshrl.u32 s21, $0x3;
	p1 =	slt.u32 s21, $0x1E;
	v7 =	vld [tilespmem:s23+$0x18460]  }
0x14e: {  	s24 =	sand.u32 $0x300, s13;
	s26 =	smul.u32 $0x1800, s1;
	[tilespmem:s11+$0x0] =	vst.add.f32.msk $0xffff, v10  }
0x14f: {  	s25 =	sor.u32 $0x80, s24;
	v10 =	vld [tilespmem:s9+$0x18420]  }
0x150: {  	s11 =	sor.u32 s24, s26;
	s4 =	sor.u32 s26, s25;
	[tilespmem:s23+$0x400] =	vst.add.f32.msk $0xffff, v9  }
0x151: {  	s8 =	sor.u32 $0x400, s11;
	s14 =	sor.u32 $0x410, s11;
	s18 =	sor.u32 $0x420, s11;
	v9 =	vld [tilespmem:s4+$0x18400]  }
0x152: {  	s19 =	sor.u32 $0x430, s11;
	s7 =	sor.u32 $0x440, s11;
	s5 =	sor.u32 $0x450, s11;
	v11 =	vld [tilespmem:s11+$0x18400]  }
0x153: {  	s1 =	sor.u32 $0x460, s11;
	s15 =	sor.u32 $0x470, s11;
	[tilespmem:s23+$0x410] =	vst.add.f32.msk $0xffff, v8  }
0x154: {  	[tilespmem:s17+$0x0] =	vst.add.f32.msk $0xffff, v10  }
0x155: {  	s17 =	sor.u32 $0x400, s4;
	v8 =	vld [tilespmem:s9+$0x18430]  }
0x156: {  	[tilespmem:s17+$0x0] =	vst.add.f32.msk $0xffff, v9  }
0x157: {  	v9 =	vld [tilespmem:s4+$0x18410]  }
0x158: {  	[tilespmem:s8+$0x0] =	vst.add.f32.msk $0xffff, v11  }
0x159: {  	v10 =	vld [tilespmem:s11+$0x18410]  }
0x15a: {  	[tilespmem:s16+$0x0] =	vst.add.f32.msk $0xffff, v8  }
0x15b: {  	s8 =	sor.u32 $0x410, s4;
	v8 =	vld [tilespmem:s9+$0x18440]  }
0x15c: {  	[tilespmem:s8+$0x0] =	vst.add.f32.msk $0xffff, v9  }
0x15d: {  	v9 =	vld [tilespmem:s4+$0x18420]  }
0x15e: {  	[tilespmem:s14+$0x0] =	vst.add.f32.msk $0xffff, v10  }
0x15f: {  	v10 =	vld [tilespmem:s11+$0x18420]  }
0x160: {  	[tilespmem:s12+$0x0] =	vst.add.f32.msk $0xffff, v8  }
0x161: {  	s8 =	sor.u32 $0x420, s4;
	v8 =	vld [tilespmem:s9+$0x18450]  }
0x162: {  	[tilespmem:s8+$0x0] =	vst.add.f32.msk $0xffff, v9  }
0x163: {  	v9 =	vld [tilespmem:s4+$0x18430]  }
0x164: {  	[tilespmem:s18+$0x0] =	vst.add.f32.msk $0xffff, v10  }
0x165: {  	v10 =	vld [tilespmem:s11+$0x18430]  }
0x166: {  	[tilespmem:s10+$0x0] =	vst.add.f32.msk $0xffff, v8  }
0x167: {  	s8 =	sor.u32 $0x430, s4;
	v8 =	vld [tilespmem:s9+$0x18460]  }
0x168: {  	[tilespmem:s8+$0x0] =	vst.add.f32.msk $0xffff, v9  }
0x169: {  	v9 =	vld [tilespmem:s4+$0x18440]  }
0x16a: {  	[tilespmem:s19+$0x0] =	vst.add.f32.msk $0xffff, v10  }
0x16b: {  	v10 =	vld [tilespmem:s11+$0x18440]  }
0x16c: {  	[tilespmem:s2+$0x0] =	vst.add.f32.msk $0xffff, v8  }
0x16d: {  	s2 =	sor.u32 $0x440, s4;
	v8 =	vld [tilespmem:s9+$0x18470]  }
0x16e: {  	[tilespmem:s2+$0x0] =	vst.add.f32.msk $0xffff, v9  }
0x16f: {  	v11 =	vld [tilespmem:s4+$0x18450]  }
0x170: {  	[tilespmem:s7+$0x0] =	vst.add.f32.msk $0xffff, v10  }
0x171: {  	v10 =	vld [tilespmem:s11+$0x18450]  }
0x172: {  	[tilespmem:s0+$0x0] =	vst.add.f32.msk $0xffff, v8  }
0x173: {  	s0 =	sor.u32 $0x450, s4;
	v9 =	vld [tilespmem:s29+$0x18400]  }
0x174: {  	[tilespmem:s0+$0x0] =	vst.add.f32.msk $0xffff, v11  }
0x175: {  	v8 =	vld [tilespmem:s4+$0x18460]  }
0x176: {  	[tilespmem:s5+$0x0] =	vst.add.f32.msk $0xffff, v10  }
0x177: {  	v12 =	vld [tilespmem:s11+$0x18460]  }
0x178: {  	v10 =	vld [tilespmem:s29+$0x18410]  }
0x179: {  	s0 =	sor.u32 $0x460, s4;
	v11 =	vld [tilespmem:s29+$0x18420]  }
0x17a: {  	[tilespmem:s0+$0x0] =	vst.add.f32.msk $0xffff, v8  }
0x17b: {  	v13 =	vld [tilespmem:s4+$0x18470]  }
0x17c: {  	[tilespmem:s1+$0x0] =	vst.add.f32.msk $0xffff, v12  }
0x17d: {  	v14 =	vld [tilespmem:s11+$0x18470]  }
0x17e: {  	v12 =	vld [tilespmem:s29+$0x18430]  }
0x17f: {  	s0 =	sor.u32 $0x470, s4;
	v8 =	vld [tilespmem:s29+$0x18440]  }
0x180: {  	[tilespmem:s0+$0x0] =	vst.add.f32.msk $0xffff, v13  }
0x181: {  	v13 =	vld [tilespmem:s4+$0x18800]  }
0x182: {  	v15 =	vld [tilespmem:s4+$0x18810]  }
0x183: {  	v16 =	vld [tilespmem:s4+$0x18820]  }
0x184: {  	v17 =	vld [tilespmem:s4+$0x18830]  }
0x185: {  	v18 =	vld [tilespmem:s4+$0x18840]  }
0x186: {  	v19 =	vld [tilespmem:s4+$0x18850]  }
0x187: {  	v20 =	vld [tilespmem:s4+$0x18860]  }
0x188: {  	v21 =	vld [tilespmem:s4+$0x18870]  }
0x189: {  	[tilespmem:s4+$0x800] =	vst.add.f32.msk $0xffff, v13  }
0x18a: {  	[tilespmem:s4+$0x810] =	vst.add.f32.msk $0xffff, v15  }
0x18b: {  	[tilespmem:s4+$0x820] =	vst.add.f32.msk $0xffff, v16  }
0x18c: {  	[tilespmem:s4+$0x830] =	vst.add.f32.msk $0xffff, v17  }
0x18d: {  	[tilespmem:s4+$0x840] =	vst.add.f32.msk $0xffff, v18  }
0x18e: {  	[tilespmem:s4+$0x850] =	vst.add.f32.msk $0xffff, v19  }
0x18f: {  	s0 =	sadd.s32 $0x800, s26;
	[tilespmem:s4+$0x860] =	vst.add.f32.msk $0xffff, v20  }
0x190: {  	s14 =	sor.u32 s24, s0;
	s1 =	sor.u32 s25, s0;
	[tilespmem:s4+$0x870] =	vst.add.f32.msk $0xffff, v21  }
0x191: {  	s7 =	sor.u32 $0x400, s14;
	s5 =	sor.u32 $0x410, s14;
	s2 =	sor.u32 $0x420, s14;
	v13 =	vld [tilespmem:s1+$0x18400]  }
0x192: {  	s0 =	sor.u32 $0x430, s14;
	s20 =	sor.u32 $0x440, s14;
	s19 =	sor.u32 $0x450, s14;
	[tilespmem:s15+$0x0] =	vst.add.f32.msk $0xffff, v14  }
0x193: {  	s4 =	sor.u32 $0x460, s14;
	s15 =	sor.u32 $0x470, s14;
	v14 =	vld [tilespmem:s11+$0x18800]  }
0x194: {  	v15 =	vld [tilespmem:s11+$0x18810]  }
0x195: {  	s8 =	sor.u32 $0x400, s1;
	v16 =	vld [tilespmem:s11+$0x18820]  }
0x196: {  	[tilespmem:s8+$0x0] =	vst.add.f32.msk $0xffff, v13  }
0x197: {  	v13 =	vld [tilespmem:s1+$0x18410]  }
0x198: {  	v17 =	vld [tilespmem:s11+$0x18830]  }
0x199: {  	v18 =	vld [tilespmem:s11+$0x18840]  }
0x19a: {  	v19 =	vld [tilespmem:s11+$0x18850]  }
0x19b: {  	s8 =	sor.u32 $0x410, s1;
	v20 =	vld [tilespmem:s11+$0x18860]  }
0x19c: {  	[tilespmem:s8+$0x0] =	vst.add.f32.msk $0xffff, v13  }
0x19d: {  	v13 =	vld [tilespmem:s1+$0x18420]  }
0x19e: {  	v21 =	vld [tilespmem:s11+$0x18870]  }
0x19f: {  	[tilespmem:s11+$0x800] =	vst.add.f32.msk $0xffff, v14  }
0x1a0: {  	[tilespmem:s11+$0x810] =	vst.add.f32.msk $0xffff, v15  }
0x1a1: {  	s8 =	sor.u32 $0x420, s1;
	[tilespmem:s11+$0x820] =	vst.add.f32.msk $0xffff, v16  }
0x1a2: {  	[tilespmem:s8+$0x0] =	vst.add.f32.msk $0xffff, v13  }
0x1a3: {  	v13 =	vld [tilespmem:s1+$0x18430]  }
0x1a4: {  	[tilespmem:s11+$0x830] =	vst.add.f32.msk $0xffff, v17  }
0x1a5: {  	[tilespmem:s11+$0x840] =	vst.add.f32.msk $0xffff, v18  }
0x1a6: {  	[tilespmem:s11+$0x850] =	vst.add.f32.msk $0xffff, v19  }
0x1a7: {  	s8 =	sor.u32 $0x430, s1;
	[tilespmem:s11+$0x860] =	vst.add.f32.msk $0xffff, v20  }
0x1a8: {  	[tilespmem:s8+$0x0] =	vst.add.f32.msk $0xffff, v13  }
0x1a9: {  	v13 =	vld [tilespmem:s1+$0x18440]  }
0x1aa: {  	[tilespmem:s11+$0x870] =	vst.add.f32.msk $0xffff, v21  }
0x1ab: {  	v14 =	vld [tilespmem:s14+$0x18400]  }
0x1ac: {  	v15 =	vld [tilespmem:s29+$0x18450]  }
0x1ad: {  	s8 =	sor.u32 $0x440, s1;
	v16 =	vld [tilespmem:s29+$0x18460]  }
0x1ae: {  	[tilespmem:s8+$0x0] =	vst.add.f32.msk $0xffff, v13  }
0x1af: {  	v13 =	vld [tilespmem:s1+$0x18450]  }
0x1b0: {  	[tilespmem:s7+$0x0] =	vst.add.f32.msk $0xffff, v14  }
0x1b1: {  	v14 =	vld [tilespmem:s14+$0x18410]  }
0x1b2: {  	v17 =	vld [tilespmem:s29+$0x18470]  }
0x1b3: {  	s7 =	sor.u32 $0x450, s1;
	[tilespmem:s29+$0x400] =	vst.add.f32.msk $0xffff, v9  }
0x1b4: {  	[tilespmem:s7+$0x0] =	vst.add.f32.msk $0xffff, v13  }
0x1b5: {  	v9 =	vld [tilespmem:s1+$0x18460]  }
0x1b6: {  	[tilespmem:s5+$0x0] =	vst.add.f32.msk $0xffff, v14  }
0x1b7: {  	v13 =	vld [tilespmem:s14+$0x18420]  }
0x1b8: {  	[tilespmem:s29+$0x410] =	vst.add.f32.msk $0xffff, v10  }
0x1b9: {  	s5 =	sor.u32 $0x460, s1;
	[tilespmem:s29+$0x420] =	vst.add.f32.msk $0xffff, v11  }
0x1ba: {  	[tilespmem:s5+$0x0] =	vst.add.f32.msk $0xffff, v9  }
0x1bb: {  	v9 =	vld [tilespmem:s1+$0x18470]  }
0x1bc: {  	[tilespmem:s2+$0x0] =	vst.add.f32.msk $0xffff, v13  }
0x1bd: {  	v10 =	vld [tilespmem:s14+$0x18430]  }
0x1be: {  	[tilespmem:s29+$0x430] =	vst.add.f32.msk $0xffff, v12  }
0x1bf: {  	s1 =	sor.u32 $0x470, s1;
	s2 =	sadd.s32 $0xC00, s26;
	[tilespmem:s29+$0x440] =	vst.add.f32.msk $0xffff, v8  }
0x1c0: {  	s22 =	sor.u32 s24, s2;
	[tilespmem:s1+$0x0] =	vst.add.f32.msk $0xffff, v9;
	s1 =	sor.u32 s25, s2  }
0x1c1: {  	v8 =	vld [tilespmem:s1+$0x18400]  }
0x1c2: {  	v9 =	vld [tilespmem:s1+$0x18410]  }
0x1c3: {  	v11 =	vld [tilespmem:s1+$0x18420]  }
0x1c4: {  	v12 =	vld [tilespmem:s1+$0x18430]  }
0x1c5: {  	v13 =	vld [tilespmem:s1+$0x18440]  }
0x1c6: {  	v14 =	vld [tilespmem:s1+$0x18450]  }
0x1c7: {  	v18 =	vld [tilespmem:s1+$0x18460]  }
0x1c8: {  	v19 =	vld [tilespmem:s1+$0x18470]  }
0x1c9: {  	[tilespmem:s1+$0x400] =	vst.add.f32.msk $0xffff, v8  }
0x1ca: {  	[tilespmem:s1+$0x410] =	vst.add.f32.msk $0xffff, v9  }
0x1cb: {  	[tilespmem:s1+$0x420] =	vst.add.f32.msk $0xffff, v11  }
0x1cc: {  	[tilespmem:s1+$0x430] =	vst.add.f32.msk $0xffff, v12  }
0x1cd: {  	[tilespmem:s1+$0x440] =	vst.add.f32.msk $0xffff, v13  }
0x1ce: {  	[tilespmem:s1+$0x450] =	vst.add.f32.msk $0xffff, v14  }
0x1cf: {  	s2 =	sadd.s32 $0x1000, s26;
	[tilespmem:s1+$0x460] =	vst.add.f32.msk $0xffff, v18  }
0x1d0: {  	s9 =	sor.u32 s24, s2;
	[tilespmem:s1+$0x470] =	vst.add.f32.msk $0xffff, v19;
	s1 =	sor.u32 s25, s2  }
0x1d1: {  	s28 =	sor.u32 $0x400, s9;
	s11 =	sor.u32 $0x410, s9;
	s17 =	sor.u32 $0x420, s9;
	v8 =	vld [tilespmem:s1+$0x18400]  }
0x1d2: {  	s16 =	sor.u32 $0x430, s9;
	s12 =	sor.u32 $0x440, s9;
	s10 =	sor.u32 $0x450, s9;
	[tilespmem:s0+$0x0] =	vst.add.f32.msk $0xffff, v10  }
0x1d3: {  	s2 =	sor.u32 $0x460, s9;
	s0 =	sor.u32 $0x470, s9;
	v9 =	vld [tilespmem:s14+$0x18440]  }
0x1d4: {  	[tilespmem:s29+$0x450] =	vst.add.f32.msk $0xffff, v15  }
0x1d5: {  	s5 =	sor.u32 $0x400, s1;
	[tilespmem:s29+$0x460] =	vst.add.f32.msk $0xffff, v16  }
0x1d6: {  	[tilespmem:s5+$0x0] =	vst.add.f32.msk $0xffff, v8  }
0x1d7: {  	v8 =	vld [tilespmem:s1+$0x18410]  }
0x1d8: {  	[tilespmem:s20+$0x0] =	vst.add.f32.msk $0xffff, v9  }
0x1d9: {  	v9 =	vld [tilespmem:s14+$0x18450]  }
0x1da: {  	[tilespmem:s29+$0x470] =	vst.add.f32.msk $0xffff, v17  }
0x1db: {  	s5 =	sor.u32 $0x410, s1;
	[tilespmem:s23+$0x420] =	vst.add.f32.msk $0xffff, v3  }
0x1dc: {  	[tilespmem:s5+$0x0] =	vst.add.f32.msk $0xffff, v8  }
0x1dd: {  	v3 =	vld [tilespmem:s1+$0x18420]  }
0x1de: {  	[tilespmem:s19+$0x0] =	vst.add.f32.msk $0xffff, v9  }
0x1df: {  	v8 =	vld [tilespmem:s14+$0x18460]  }
0x1e0: {  	[tilespmem:s23+$0x430] =	vst.add.f32.msk $0xffff, v4  }
0x1e1: {  	s5 =	sor.u32 $0x420, s1;
	[tilespmem:s23+$0x440] =	vst.add.f32.msk $0xffff, v5  }
0x1e2: {  	[tilespmem:s5+$0x0] =	vst.add.f32.msk $0xffff, v3  }
0x1e3: {  	v3 =	vld [tilespmem:s1+$0x18430]  }
0x1e4: {  	[tilespmem:s4+$0x0] =	vst.add.f32.msk $0xffff, v8  }
0x1e5: {  	v4 =	vld [tilespmem:s14+$0x18470]  }
0x1e6: {  	[tilespmem:s23+$0x450] =	vst.add.f32.msk $0xffff, v6  }
0x1e7: {  	s4 =	sor.u32 $0x430, s1;
	[tilespmem:s23+$0x460] =	vst.add.f32.msk $0xffff, v7  }
0x1e8: {  	[tilespmem:s4+$0x0] =	vst.add.f32.msk $0xffff, v3  }
0x1e9: {  	v3 =	vld [tilespmem:s1+$0x18440]  }
0x1ea: {  	[tilespmem:s15+$0x0] =	vst.add.f32.msk $0xffff, v4  }
0x1eb: {  	v4 =	vld [tilespmem:s22+$0x18400]  }
0x1ec: {  	v5 =	vld [tilespmem:s22+$0x18410]  }
0x1ed: {  	s4 =	sor.u32 $0x440, s1;
	v6 =	vld [tilespmem:s22+$0x18420]  }
0x1ee: {  	[tilespmem:s4+$0x0] =	vst.add.f32.msk $0xffff, v3  }
0x1ef: {  	v3 =	vld [tilespmem:s1+$0x18450]  }
0x1f0: {  	v7 =	vld [tilespmem:s22+$0x18430]  }
0x1f1: {  	v8 =	vld [tilespmem:s22+$0x18440]  }
0x1f2: {  	v9 =	vld [tilespmem:s22+$0x18450]  }
0x1f3: {  	s4 =	sor.u32 $0x450, s1;
	v10 =	vld [tilespmem:s22+$0x18460]  }
0x1f4: {  	[tilespmem:s4+$0x0] =	vst.add.f32.msk $0xffff, v3  }
0x1f5: {  	v3 =	vld [tilespmem:s1+$0x18460]  }
0x1f6: {  	v11 =	vld [tilespmem:s22+$0x18470]  }
0x1f7: {  	[tilespmem:s22+$0x400] =	vst.add.f32.msk $0xffff, v4  }
0x1f8: {  	[tilespmem:s22+$0x410] =	vst.add.f32.msk $0xffff, v5  }
0x1f9: {  	s4 =	sor.u32 $0x460, s1;
	[tilespmem:s22+$0x420] =	vst.add.f32.msk $0xffff, v6  }
0x1fa: {  	[tilespmem:s4+$0x0] =	vst.add.f32.msk $0xffff, v3  }
0x1fb: {  	v3 =	vld [tilespmem:s1+$0x18470]  }
0x1fc: {  	[tilespmem:s22+$0x430] =	vst.add.f32.msk $0xffff, v7  }
0x1fd: {  	[tilespmem:s22+$0x440] =	vst.add.f32.msk $0xffff, v8  }
0x1fe: {  	[tilespmem:s22+$0x450] =	vst.add.f32.msk $0xffff, v9  }
0x1ff: {  	s4 =	sadd.s32 $0x1400, s26;
	s1 =	sor.u32 $0x470, s1;
	[tilespmem:s22+$0x460] =	vst.add.f32.msk $0xffff, v10  }
0x200: {  	s29 =	sor.u32 s24, s4;
	s23 =	sor.u32 s25, s4;
	[tilespmem:s1+$0x0] =	vst.add.f32.msk $0xffff, v3  }
0x201: {  	v3 =	vld [tilespmem:s23+$0x18470]  }
0x202: {  	[tilespmem:s22+$0x470] =	vst.add.f32.msk $0xffff, v11  }
0x203: {  	v4 =	vld [tilespmem:s9+$0x18400]  }
0x204: {  	v9 =	vld [tilespmem:s23+$0x18400]  }
0x205: {  	v8 =	vld [tilespmem:s23+$0x18410]  }
0x206: {  	[tilespmem:s23+$0x470] =	vst.add.f32.msk $0xffff, v3  }
.Ltmp2:
0x207: {  	v3 =	vld [tilespmem:s23+$0x18420];
	(pc) =	sbr.rel @p1 .LBB2_3-.Ltmp2, $4  }
0x208: {  	[tilespmem:s28+$0x0] =	vst.add.f32.msk $0xffff, v4  }
0x209: {  	v10 =	vld [tilespmem:s9+$0x18410]  }
0x20a: {  	v4 =	vld [tilespmem:s23+$0x18430]  }
0x20b: {  	v5 =	vld [tilespmem:s23+$0x18440]  }
0x20c: {  	_ =	sdelay $0x1  }
0x20d: {  	[tilespmem:s11+$0x0] =	vst.add.f32.msk $0xffff, v10  }
0x20e: {  	v6 =	vld [tilespmem:s9+$0x18420];
	_ =	sdelay $0x4  }
0x20f: {  	[tilespmem:s17+$0x0] =	vst.add.f32.msk $0xffff, v6  }
0x210: {  	v6 =	vld [tilespmem:s9+$0x18430];
	_ =	sdelay $0x4  }
0x211: {  	[tilespmem:s16+$0x0] =	vst.add.f32.msk $0xffff, v6  }
0x212: {  	v6 =	vld [tilespmem:s9+$0x18440];
	_ =	sdelay $0x4  }
0x213: {  	[tilespmem:s12+$0x0] =	vst.add.f32.msk $0xffff, v6  }
0x214: {  	v6 =	vld [tilespmem:s9+$0x18450];
	_ =	sdelay $0x3  }
0x215: {  	v7 =	vld [tilespmem:s23+$0x18450]  }
0x216: {  	[tilespmem:s10+$0x0] =	vst.add.f32.msk $0xffff, v6  }
0x217: {  	v6 =	vld [tilespmem:s9+$0x18460]  }
0x218: {  	v61 =	vld [tilespmem:s23+$0x18460]  }
0x219: {  	[tilespmem:s23+$0x400] =	vst.add.f32.msk $0xffff, v9  }
0x21a: {  	[tilespmem:s23+$0x410] =	vst.add.f32.msk $0xffff, v8  }
0x21b: {  	[tilespmem:s23+$0x420] =	vst.add.f32.msk $0xffff, v3  }
0x21c: {  	[tilespmem:s2+$0x0] =	vst.add.f32.msk $0xffff, v6  }
0x21d: {  	v6 =	vld [tilespmem:s9+$0x18470]  }
0x21e: {  	[tilespmem:s23+$0x430] =	vst.add.f32.msk $0xffff, v4  }
0x21f: {  	[tilespmem:s23+$0x440] =	vst.add.f32.msk $0xffff, v5  }
0x220: {  	[tilespmem:s23+$0x450] =	vst.add.f32.msk $0xffff, v7  }
0x221: {  	[tilespmem:s23+$0x460] =	vst.add.f32.msk $0xffff, v61  }
0x222: {  	[tilespmem:s0+$0x0] =	vst.add.f32.msk $0xffff, v6  }
0x223: {  	v6 =	vld [tilespmem:s29+$0x18400]  }
0x224: {  	v62 =	vld [tilespmem:s29+$0x18410]  }
0x225: {  	v63 =	vld [tilespmem:s29+$0x18420]  }
0x226: {  	v11 =	vld [tilespmem:s29+$0x18430]  }
0x227: {  	v12 =	vld [tilespmem:s29+$0x18440]  }
0x228: {  	v13 =	vld [tilespmem:s29+$0x18450]  }
0x229: {  	v14 =	vld [tilespmem:s29+$0x18460]  }
0x22a: {  	v15 =	vld [tilespmem:s29+$0x18470]  }
0x22b: {  	[tilespmem:s29+$0x400] =	vst.add.f32.msk $0xffff, v6  }
0x22c: {  	[tilespmem:s29+$0x410] =	vst.add.f32.msk $0xffff, v62  }
0x22d: {  	[tilespmem:s29+$0x420] =	vst.add.f32.msk $0xffff, v63  }
0x22e: {  	[tilespmem:s29+$0x430] =	vst.add.f32.msk $0xffff, v11  }
0x22f: {  	[tilespmem:s29+$0x440] =	vst.add.f32.msk $0xffff, v12  }
0x230: {  	[tilespmem:s29+$0x450] =	vst.add.f32.msk $0xffff, v13  }
0x231: {  	s10 =	rddreg [dreg:$0x3];
	[tilespmem:s29+$0x460] =	vst.add.f32.msk $0xffff, v14  }
0x232: {  	s1 =	simm.s32 $0x0;
	s11 =	simm.s32 $0x400;
	s0 =	sadd.s32 s10, s6;
	[tilespmem:s29+$0x470] =	vst.add.f32.msk $0xffff, v15  }
0x233: {  	[hbm4b:s0+s1] =	stream.linear.scatter [tilespmem:s11], [sflag:$0x5], $0x6000, $0x38;
	[tilespmem:$0x1E400] =	vst v63  }
0x234: {  	s0 =	simm.s32 @!p0 $0x8  }
0x235: {  	_ =	swait.ge @!p0 [sflag:s0], $0x6000  }
0x236: {  	s12 =	sshll.u32 s3, $0x9;
	[sflag:s0] =	ssyncset.done @!p0 $0x0  }
0x237: {  	s13 =	sand.u32 $0x3FFFFE00, s12;
	[sflag:s0] =	ssyncadd.s32 @!p0 $0xFFFFA000  }
0x238: {  	v3 =	vld [tilespmem:s13+$0x180];
	_ =	sdelay $0x4  }
0x239: {  	v4 =	vshrl.u32 v3, $0x3  }
0x23a: {  	v4 =	vmul.u32 $0x30, v4  }
0x23b: {  	v3 =	vand.u32 $0x7, v3  }
0x23c: {  	v3 =	vor.u32 v3, v4  }
0x23d: {  	v4 =	vperm.xlane v3, v0;
	_ =	sdelay $0x1  }
0x23e: {  	v4 =	vadd.s32 v1, v4;
	_ =	sdelay $0x3  }
0x23f: {  	s14 =	simm.s32 $0x0;
	s15 =	rddreg [dreg:$0x1];
	v3 =	vperm.xlane v3, v2  }
0x240: {  	[tilespmem:s30], [sflag:$0x4] =	stream.indirect_vreg.gather [hbm4b:s15+s14], $0x80, v4, vm0, $0xb8;
	[tilespmem:$0x1E400] =	vst v63  }
0x241: {  	s4 =	simm.s32 $0x12C00;
	s16 =	rddreg [dreg:$0x15];
	v3 =	vadd.s32 v1, v3  }
0x242: {  	[tilespmem:s4], [sflag:$0x4] =	stream.indirect_vreg.gather [hbm4b:s16+s14], $0x80, v4, vm0, $0xb8;
	[tilespmem:$0x1E400] =	vst v63  }
0x243: {  	s5 =	simm.s32 $0x13400;
	s17 =	rddreg [dreg:$0x16]  }
0x244: {  	[tilespmem:s5], [sflag:$0x4] =	stream.indirect_vreg.gather [hbm4b:s17+s14], $0x80, v4, vm0, $0xb8;
	[tilespmem:$0x1E400] =	vst v63  }
0x245: {  	s18 =	simm.s32 $0x13C00  }
0x246: {  	[tilespmem:s18], [sflag:$0x4] =	stream.indirect_vreg.gather [hbm4b:s15+s14], $0x80, v3, vm0, $0xb8;
	[tilespmem:$0x1E400] =	vst v63  }
0x247: {  	s19 =	simm.s32 $0x14400  }
0x248: {  	[tilespmem:s19], [sflag:$0x4] =	stream.indirect_vreg.gather [hbm4b:s16+s14], $0x80, v3, vm0, $0xb8;
	[tilespmem:$0x1E400] =	vst v63  }
0x249: {  	s20 =	simm.s32 $0x14C00  }
0x24a: {  	[tilespmem:s20], [sflag:$0x4] =	stream.indirect_vreg.gather [hbm4b:s17+s14], $0x80, v3, vm0, $0xb8;
	[tilespmem:$0x1E400] =	vst v63  }
0x24b: {  	v3 =	vld [tilespmem:s13+$0x190];
	_ =	sdelay $0x4  }
0x24c: {  	v4 =	vshrl.u32 v3, $0x3  }
0x24d: {  	v4 =	vmul.u32 $0x30, v4  }
0x24e: {  	v3 =	vand.u32 $0x7, v3  }
0x24f: {  	v3 =	vor.u32 v3, v4  }
0x250: {  	v4 =	vperm.xlane v3, v0;
	_ =	sdelay $0x1  }
0x251: {  	v4 =	vadd.s32 v1, v4;
	_ =	sdelay $0x3  }
0x252: {  	s21 =	simm.s32 $0x15400;
	v3 =	vperm.xlane v3, v2  }
0x253: {  	[tilespmem:s21], [sflag:$0x4] =	stream.indirect_vreg.gather [hbm4b:s15+s14], $0x80, v4, vm0, $0xb8;
	[tilespmem:$0x1E400] =	vst v63  }
0x254: {  	s22 =	simm.s32 $0x15C00;
	v3 =	vadd.s32 v1, v3  }
0x255: {  	[tilespmem:s22], [sflag:$0x4] =	stream.indirect_vreg.gather [hbm4b:s16+s14], $0x80, v4, vm0, $0xb8;
	[tilespmem:$0x1E400] =	vst v63  }
0x256: {  	s23 =	simm.s32 $0x16400  }
0x257: {  	[tilespmem:s23], [sflag:$0x4] =	stream.indirect_vreg.gather [hbm4b:s17+s14], $0x80, v4, vm0, $0xb8;
	[tilespmem:$0x1E400] =	vst v63  }
0x258: {  	s24 =	simm.s32 $0x16C00  }
0x259: {  	[tilespmem:s24], [sflag:$0x4] =	stream.indirect_vreg.gather [hbm4b:s15+s14], $0x80, v3, vm0, $0xb8;
	[tilespmem:$0x1E400] =	vst v63  }
0x25a: {  	s25 =	simm.s32 $0x17400;
	s28 =	simm.s32 $0x0  }
0x25b: {  	[tilespmem:s25], [sflag:$0x4] =	stream.indirect_vreg.gather [hbm4b:s16+s14], $0x80, v3, vm0, $0xb8;
	[tilespmem:$0x1E400] =	vst v63  }
0x25c: {  	s26 =	simm.s32 $0x17C00;
	s29 =	simm.s32 $0x2;
	s15 =	smul.u32 $0x1800, s28  }
0x25d: {  	[tilespmem:s26], [sflag:$0x4] =	stream.indirect_vreg.gather [hbm4b:s17+s14], $0x80, v3, vm0, $0xb8;
	[tilespmem:$0x1E400] =	vst v63  }
0x25e: {  	s24 =	sand.u32 $0x300, s14;
	_ =	swait.ge [sflag:s29], $0x6000  }
0x25f: {  	s23 =	sor.u32 $0x80, s24;
	s0 =	sadd.s32 $0x18400, s15;
	[sflag:s29] =	ssyncset.done $0x0  }
0x260: {  	s1 =	sor.u32 s23, s0;
	[sflag:s29] =	ssyncadd.s32 $0xFFFFA000  }
0x261: {  	v3 =	vld [tilespmem:s1+$0x0];
	_ =	sdelay $0x2  }
0x262: {  	s30 =	sadd.s32 $0x6400, s15;
	s0 =	sor.u32 s24, s0  }
0x263: {  	s31 =	sor.u32 s23, s30;
	v4 =	vld [tilespmem:s0+$0x0]  }
0x264: {  	[tilespmem:s31+$0x0] =	vst.add.f32.msk $0xffff, v3  }
0x265: {  	v3 =	vld [tilespmem:s1+$0x10];
	_ =	sdelay $0x1  }
0x266: {  	s2 =	sor.u32 s24, s30  }
0x267: {  	[tilespmem:s2+$0x0] =	vst.add.f32.msk $0xffff, v4  }
0x268: {  	s5 =	sor.u32 $0x10, s31;
	v4 =	vld [tilespmem:s0+$0x10]  }
0x269: {  	[tilespmem:s5+$0x0] =	vst.add.f32.msk $0xffff, v3  }
0x26a: {  	v3 =	vld [tilespmem:s1+$0x20];
	_ =	sdelay $0x1  }
0x26b: {  	s7 =	sor.u32 $0x10, s2  }
0x26c: {  	[tilespmem:s7+$0x0] =	vst.add.f32.msk $0xffff, v4  }
0x26d: {  	s6 =	sor.u32 $0x20, s31;
	v4 =	vld [tilespmem:s0+$0x20]  }
0x26e: {  	[tilespmem:s6+$0x0] =	vst.add.f32.msk $0xffff, v3  }
0x26f: {  	v3 =	vld [tilespmem:s1+$0x30];
	_ =	sdelay $0x1  }
0x270: {  	s9 =	sor.u32 $0x20, s2  }
0x271: {  	[tilespmem:s9+$0x0] =	vst.add.f32.msk $0xffff, v4  }
0x272: {  	s8 =	sor.u32 $0x30, s31;
	v4 =	vld [tilespmem:s0+$0x30]  }
0x273: {  	[tilespmem:s8+$0x0] =	vst.add.f32.msk $0xffff, v3  }
0x274: {  	v3 =	vld [tilespmem:s1+$0x40];
	_ =	sdelay $0x1  }
0x275: {  	s11 =	sor.u32 $0x30, s2  }
0x276: {  	[tilespmem:s11+$0x0] =	vst.add.f32.msk $0xffff, v4  }
0x277: {  	s10 =	sor.u32 $0x40, s31;
	v4 =	vld [tilespmem:s0+$0x40]  }
0x278: {  	[tilespmem:s10+$0x0] =	vst.add.f32.msk $0xffff, v3  }
0x279: {  	v3 =	vld [tilespmem:s1+$0x50];
	_ =	sdelay $0x1  }
0x27a: {  	s13 =	sor.u32 $0x40, s2  }
0x27b: {  	[tilespmem:s13+$0x0] =	vst.add.f32.msk $0xffff, v4  }
0x27c: {  	s12 =	sor.u32 $0x50, s31;
	v4 =	vld [tilespmem:s0+$0x50]  }
0x27d: {  	[tilespmem:s12+$0x0] =	vst.add.f32.msk $0xffff, v3  }
0x27e: {  	v3 =	vld [tilespmem:s1+$0x60];
	_ =	sdelay $0x1  }
0x27f: {  	s16 =	sor.u32 $0x50, s2  }
0x280: {  	[tilespmem:s16+$0x0] =	vst.add.f32.msk $0xffff, v4  }
0x281: {  	s14 =	sor.u32 $0x60, s31;
	v4 =	vld [tilespmem:s0+$0x60]  }
0x282: {  	[tilespmem:s14+$0x0] =	vst.add.f32.msk $0xffff, v3  }
0x283: {  	v3 =	vld [tilespmem:s1+$0x70];
	_ =	sdelay $0x1  }
0x284: {  	s17 =	sor.u32 $0x60, s2  }
0x285: {  	[tilespmem:s17+$0x0] =	vst.add.f32.msk $0xffff, v4  }
0x286: {  	s3 =	sor.u32 $0x70, s31;
	v4 =	vld [tilespmem:s0+$0x70]  }
0x287: {  	[tilespmem:s3+$0x0] =	vst.add.f32.msk $0xffff, v3  }
0x288: {  	v3 =	vld [tilespmem:s1+$0x400];
	_ =	sdelay $0x1  }
0x289: {  	s2 =	sor.u32 $0x70, s2  }
0x28a: {  	s18 =	sadd.s32 $0x6800, s15;
	[tilespmem:s2+$0x0] =	vst.add.f32.msk $0xffff, v4  }
0x28b: {  	s19 =	sor.u32 s23, s18;
	v4 =	vld [tilespmem:s0+$0x400]  }
0x28c: {  	[tilespmem:s19+$0x0] =	vst.add.f32.msk $0xffff, v3  }
0x28d: {  	v3 =	vld [tilespmem:s1+$0x410];
	_ =	sdelay $0x1  }
0x28e: {  	s21 =	sor.u32 s24, s18  }
0x28f: {  	[tilespmem:s21+$0x0] =	vst.add.f32.msk $0xffff, v4  }
0x290: {  	s20 =	sor.u32 $0x10, s19;
	v4 =	vld [tilespmem:s0+$0x410]  }
0x291: {  	[tilespmem:s20+$0x0] =	vst.add.f32.msk $0xffff, v3  }
0x292: {  	v3 =	vld [tilespmem:s1+$0x420];
	_ =	sdelay $0x1  }
0x293: {  	s25 =	sor.u32 $0x10, s21  }
0x294: {  	[tilespmem:s25+$0x0] =	vst.add.f32.msk $0xffff, v4  }
0x295: {  	s22 =	sor.u32 $0x20, s19;
	v4 =	vld [tilespmem:s0+$0x420]  }
0x296: {  	[tilespmem:s22+$0x0] =	vst.add.f32.msk $0xffff, v3  }
0x297: {  	v3 =	vld [tilespmem:s1+$0x430];
	_ =	sdelay $0x1  }
0x298: {  	s28 =	sor.u32 $0x20, s21  }
0x299: {  	[tilespmem:s28+$0x0] =	vst.add.f32.msk $0xffff, v4  }
0x29a: {  	s26 =	sor.u32 $0x30, s19;
	v4 =	vld [tilespmem:s0+$0x430]  }
0x29b: {  	[tilespmem:s26+$0x0] =	vst.add.f32.msk $0xffff, v3  }
0x29c: {  	v3 =	vld [tilespmem:s1+$0x440];
	_ =	sdelay $0x1  }
0x29d: {  	s30 =	sor.u32 $0x30, s21  }
0x29e: {  	[tilespmem:s30+$0x0] =	vst.add.f32.msk $0xffff, v4  }
0x29f: {  	s29 =	sor.u32 $0x40, s19;
	v4 =	vld [tilespmem:s0+$0x440]  }
0x2a0: {  	[tilespmem:s29+$0x0] =	vst.add.f32.msk $0xffff, v3  }
0x2a1: {  	v3 =	vld [tilespmem:s1+$0x450];
	_ =	sdelay $0x1  }
0x2a2: {  	s5 =	sor.u32 $0x40, s21  }
0x2a3: {  	[tilespmem:s5+$0x0] =	vst.add.f32.msk $0xffff, v4  }
0x2a4: {  	s31 =	sor.u32 $0x50, s19;
	v4 =	vld [tilespmem:s0+$0x450]  }
0x2a5: {  	[tilespmem:s31+$0x0] =	vst.add.f32.msk $0xffff, v3  }
0x2a6: {  	v3 =	vld [tilespmem:s1+$0x460];
	_ =	sdelay $0x1  }
0x2a7: {  	s7 =	sor.u32 $0x50, s21  }
0x2a8: {  	[tilespmem:s7+$0x0] =	vst.add.f32.msk $0xffff, v4  }
0x2a9: {  	s6 =	sor.u32 $0x60, s19;
	v4 =	vld [tilespmem:s0+$0x460]  }
0x2aa: {  	[tilespmem:s6+$0x0] =	vst.add.f32.msk $0xffff, v3  }
0x2ab: {  	v3 =	vld [tilespmem:s1+$0x470];
	_ =	sdelay $0x1  }
0x2ac: {  	s11 =	sor.u32 $0x60, s21  }
0x2ad: {  	[tilespmem:s11+$0x0] =	vst.add.f32.msk $0xffff, v4  }
0x2ae: {  	s9 =	sadd.s32 $0x18C00, s15;
	s8 =	sor.u32 $0x70, s19;
	v4 =	vld [tilespmem:s0+$0x470]  }
0x2af: {  	s10 =	sor.u32 s23, s9;
	[tilespmem:s8+$0x0] =	vst.add.f32.msk $0xffff, v3  }
0x2b0: {  	v3 =	vld [tilespmem:s10+$0x0];
	_ =	sdelay $0x1  }
0x2b1: {  	s2 =	sor.u32 $0x70, s21  }
0x2b2: {  	s12 =	sadd.s32 $0x6C00, s15;
	s3 =	sor.u32 s24, s9;
	[tilespmem:s2+$0x0] =	vst.add.f32.msk $0xffff, v4  }
0x2b3: {  	s13 =	sor.u32 s23, s12;
	v4 =	vld [tilespmem:s3+$0x0]  }
0x2b4: {  	[tilespmem:s13+$0x0] =	vst.add.f32.msk $0xffff, v3  }
0x2b5: {  	v3 =	vld [tilespmem:s10+$0x10];
	_ =	sdelay $0x1  }
0x2b6: {  	s0 =	sor.u32 s24, s12  }
0x2b7: {  	[tilespmem:s0+$0x0] =	vst.add.f32.msk $0xffff, v4  }
0x2b8: {  	s14 =	sor.u32 $0x10, s13;
	v4 =	vld [tilespmem:s3+$0x10]  }
0x2b9: {  	[tilespmem:s14+$0x0] =	vst.add.f32.msk $0xffff, v3  }
0x2ba: {  	v3 =	vld [tilespmem:s10+$0x20];
	_ =	sdelay $0x1  }
0x2bb: {  	s17 =	sor.u32 $0x10, s0  }
0x2bc: {  	[tilespmem:s17+$0x0] =	vst.add.f32.msk $0xffff, v4  }
0x2bd: {  	s16 =	sor.u32 $0x20, s13;
	v4 =	vld [tilespmem:s3+$0x20]  }
0x2be: {  	[tilespmem:s16+$0x0] =	vst.add.f32.msk $0xffff, v3  }
0x2bf: {  	v3 =	vld [tilespmem:s10+$0x30];
	_ =	sdelay $0x1  }
0x2c0: {  	s19 =	sor.u32 $0x20, s0  }
0x2c1: {  	[tilespmem:s19+$0x0] =	vst.add.f32.msk $0xffff, v4  }
0x2c2: {  	s18 =	sor.u32 $0x30, s13;
	v4 =	vld [tilespmem:s3+$0x30]  }
0x2c3: {  	[tilespmem:s18+$0x0] =	vst.add.f32.msk $0xffff, v3  }
0x2c4: {  	v3 =	vld [tilespmem:s10+$0x40];
	_ =	sdelay $0x1  }
0x2c5: {  	s21 =	sor.u32 $0x30, s0  }
0x2c6: {  	[tilespmem:s21+$0x0] =	vst.add.f32.msk $0xffff, v4  }
0x2c7: {  	s20 =	sor.u32 $0x40, s13;
	v4 =	vld [tilespmem:s3+$0x40]  }
0x2c8: {  	[tilespmem:s20+$0x0] =	vst.add.f32.msk $0xffff, v3  }
0x2c9: {  	v3 =	vld [tilespmem:s10+$0x50];
	_ =	sdelay $0x1  }
0x2ca: {  	s25 =	sor.u32 $0x40, s0  }
0x2cb: {  	[tilespmem:s25+$0x0] =	vst.add.f32.msk $0xffff, v4  }
0x2cc: {  	s22 =	sor.u32 $0x50, s13;
	v4 =	vld [tilespmem:s3+$0x50]  }
0x2cd: {  	[tilespmem:s22+$0x0] =	vst.add.f32.msk $0xffff, v3  }
0x2ce: {  	v3 =	vld [tilespmem:s10+$0x60];
	_ =	sdelay $0x1  }
0x2cf: {  	s28 =	sor.u32 $0x50, s0  }
0x2d0: {  	[tilespmem:s28+$0x0] =	vst.add.f32.msk $0xffff, v4  }
0x2d1: {  	s26 =	sor.u32 $0x60, s13;
	v4 =	vld [tilespmem:s3+$0x60]  }
0x2d2: {  	[tilespmem:s26+$0x0] =	vst.add.f32.msk $0xffff, v3  }
0x2d3: {  	v3 =	vld [tilespmem:s10+$0x70];
	_ =	sdelay $0x1  }
0x2d4: {  	s6 =	sor.u32 $0x60, s0  }
0x2d5: {  	[tilespmem:s6+$0x0] =	vst.add.f32.msk $0xffff, v4  }
0x2d6: {  	s30 =	sor.u32 $0x70, s13;
	s29 =	sadd.s32 $0x19000, s15;
	v4 =	vld [tilespmem:s3+$0x70]  }
0x2d7: {  	s31 =	sor.u32 s23, s29;
	[tilespmem:s30+$0x0] =	vst.add.f32.msk $0xffff, v3  }
0x2d8: {  	v3 =	vld [tilespmem:s31+$0x0];
	_ =	sdelay $0x1  }
0x2d9: {  	s0 =	sor.u32 $0x70, s0  }
0x2da: {  	s4 =	sor.u32 s24, s29;
	s7 =	sadd.s32 $0x7000, s15;
	[tilespmem:s0+$0x0] =	vst.add.f32.msk $0xffff, v4  }
0x2db: {  	s8 =	sor.u32 s23, s7;
	v4 =	vld [tilespmem:s4+$0x0]  }
0x2dc: {  	[tilespmem:s8+$0x0] =	vst.add.f32.msk $0xffff, v3  }
0x2dd: {  	v3 =	vld [tilespmem:s31+$0x10];
	_ =	sdelay $0x1  }
0x2de: {  	s2 =	sor.u32 s24, s7  }
0x2df: {  	[tilespmem:s2+$0x0] =	vst.add.f32.msk $0xffff, v4  }
0x2e0: {  	s9 =	sor.u32 $0x10, s8;
	v4 =	vld [tilespmem:s4+$0x10]  }
0x2e1: {  	[tilespmem:s9+$0x0] =	vst.add.f32.msk $0xffff, v3  }
0x2e2: {  	v3 =	vld [tilespmem:s31+$0x20];
	_ =	sdelay $0x1  }
0x2e3: {  	s11 =	sor.u32 $0x10, s2  }
0x2e4: {  	[tilespmem:s11+$0x0] =	vst.add.f32.msk $0xffff, v4  }
0x2e5: {  	s10 =	sor.u32 $0x20, s8;
	v4 =	vld [tilespmem:s4+$0x20]  }
0x2e6: {  	[tilespmem:s10+$0x0] =	vst.add.f32.msk $0xffff, v3  }
0x2e7: {  	v3 =	vld [tilespmem:s31+$0x30];
	_ =	sdelay $0x1  }
0x2e8: {  	s13 =	sor.u32 $0x20, s2  }
0x2e9: {  	[tilespmem:s13+$0x0] =	vst.add.f32.msk $0xffff, v4  }
0x2ea: {  	s12 =	sor.u32 $0x30, s8;
	v4 =	vld [tilespmem:s4+$0x30]  }
0x2eb: {  	[tilespmem:s12+$0x0] =	vst.add.f32.msk $0xffff, v3  }
0x2ec: {  	v3 =	vld [tilespmem:s31+$0x40];
	_ =	sdelay $0x1  }
0x2ed: {  	s16 =	sor.u32 $0x30, s2  }
0x2ee: {  	[tilespmem:s16+$0x0] =	vst.add.f32.msk $0xffff, v4  }
0x2ef: {  	s14 =	sor.u32 $0x40, s8;
	v4 =	vld [tilespmem:s4+$0x40]  }
0x2f0: {  	[tilespmem:s14+$0x0] =	vst.add.f32.msk $0xffff, v3  }
0x2f1: {  	v3 =	vld [tilespmem:s31+$0x50];
	_ =	sdelay $0x1  }
0x2f2: {  	s18 =	sor.u32 $0x40, s2  }
0x2f3: {  	[tilespmem:s18+$0x0] =	vst.add.f32.msk $0xffff, v4  }
0x2f4: {  	s17 =	sor.u32 $0x50, s8;
	v4 =	vld [tilespmem:s4+$0x50]  }
0x2f5: {  	[tilespmem:s17+$0x0] =	vst.add.f32.msk $0xffff, v3  }
0x2f6: {  	v3 =	vld [tilespmem:s31+$0x60];
	_ =	sdelay $0x1  }
0x2f7: {  	s21 =	sor.u32 $0x50, s2  }
0x2f8: {  	s20 =	simm.s32 $0x0;
	[tilespmem:s21+$0x0] =	vst.add.f32.msk $0xffff, v4  }
0x2f9: {  	s19 =	sor.u32 $0x60, s8;
	s6 =	smul.u32 $0x1800, s20;
	s20 =	simm.s32 $0x100;
	v4 =	vld [tilespmem:s4+$0x60]  }
0x2fa: {  	s21 =	sand.u32 $0x300, s20;
	[tilespmem:s19+$0x0] =	vst.add.f32.msk $0xffff, v3  }
0x2fb: {  	s1 =	sadd.s32 $0x18400, s6;
	s13 =	sor.u32 $0x80, s21;
	v3 =	vld [tilespmem:s31+$0x70]  }
0x2fc: {  	s14 =	sor.u32 s13, s1  }
0x2fd: {  	s25 =	sor.u32 $0x60, s2;
	v5 =	vld [tilespmem:s14+$0x0]  }
0x2fe: {  	s16 =	sor.u32 s21, s1;
	[tilespmem:s25+$0x0] =	vst.add.f32.msk $0xffff, v4  }
0x2ff: {  	s22 =	sor.u32 $0x70, s8;
	s9 =	sadd.s32 $0x19400, s15;
	v4 =	vld [tilespmem:s16+$0x0]  }
0x300: {  	s26 =	sadd.s32 $0x6400, s6;
	s0 =	sor.u32 s23, s9;
	[tilespmem:s22+$0x0] =	vst.add.f32.msk $0xffff, v3  }
0x301: {  	s1 =	sor.u32 s13, s26;
	v3 =	vld [tilespmem:s0+$0x0]  }
0x302: {  	[tilespmem:s1+$0x0] =	vst.add.f32.msk $0xffff, v5  }
0x303: {  	s3 =	sor.u32 s21, s26;
	v5 =	vld [tilespmem:s14+$0x10]  }
0x304: {  	s12 =	sadd.s32 $0x7400, s15;
	[tilespmem:s3+$0x0] =	vst.add.f32.msk $0xffff, v4  }
0x305: {  	s5 =	sor.u32 s23, s12;
	v4 =	vld [tilespmem:s16+$0x10]  }
0x306: {  	[tilespmem:s5+$0x0] =	vst.add.f32.msk $0xffff, v3  }
0x307: {  	s7 =	sor.u32 $0x10, s1;
	v3 =	vld [tilespmem:s0+$0x10]  }
0x308: {  	[tilespmem:s7+$0x0] =	vst.add.f32.msk $0xffff, v5  }
0x309: {  	s29 =	sor.u32 $0x10, s3;
	v5 =	vld [tilespmem:s14+$0x20]  }
0x30a: {  	[tilespmem:s29+$0x0] =	vst.add.f32.msk $0xffff, v4  }
0x30b: {  	s28 =	sor.u32 $0x10, s5;
	v4 =	vld [tilespmem:s16+$0x20]  }
0x30c: {  	[tilespmem:s28+$0x0] =	vst.add.f32.msk $0xffff, v3  }
0x30d: {  	s30 =	sor.u32 $0x20, s1;
	v3 =	vld [tilespmem:s0+$0x20]  }
0x30e: {  	[tilespmem:s30+$0x0] =	vst.add.f32.msk $0xffff, v5  }
0x30f: {  	s8 =	sor.u32 $0x20, s3;
	v5 =	vld [tilespmem:s14+$0x30]  }
0x310: {  	[tilespmem:s8+$0x0] =	vst.add.f32.msk $0xffff, v4  }
0x311: {  	s31 =	sor.u32 $0x20, s5;
	v4 =	vld [tilespmem:s16+$0x30]  }
0x312: {  	[tilespmem:s31+$0x0] =	vst.add.f32.msk $0xffff, v3  }
0x313: {  	s10 =	sor.u32 $0x30, s1;
	v3 =	vld [tilespmem:s0+$0x30]  }
0x314: {  	[tilespmem:s10+$0x0] =	vst.add.f32.msk $0xffff, v5  }
0x315: {  	s17 =	sor.u32 $0x30, s3;
	v5 =	vld [tilespmem:s14+$0x40]  }
0x316: {  	[tilespmem:s17+$0x0] =	vst.add.f32.msk $0xffff, v4  }
0x317: {  	s11 =	sor.u32 $0x30, s5;
	v4 =	vld [tilespmem:s16+$0x40]  }
0x318: {  	[tilespmem:s11+$0x0] =	vst.add.f32.msk $0xffff, v3  }
0x319: {  	s18 =	sor.u32 $0x40, s1;
	v3 =	vld [tilespmem:s0+$0x40]  }
0x31a: {  	[tilespmem:s18+$0x0] =	vst.add.f32.msk $0xffff, v5  }
0x31b: {  	s22 =	sor.u32 $0x40, s3;
	v5 =	vld [tilespmem:s14+$0x50]  }
0x31c: {  	[tilespmem:s22+$0x0] =	vst.add.f32.msk $0xffff, v4  }
0x31d: {  	s19 =	sor.u32 $0x40, s5;
	v4 =	vld [tilespmem:s16+$0x50]  }
0x31e: {  	[tilespmem:s19+$0x0] =	vst.add.f32.msk $0xffff, v3  }
0x31f: {  	s25 =	sor.u32 $0x50, s1;
	v3 =	vld [tilespmem:s0+$0x50]  }
0x320: {  	[tilespmem:s25+$0x0] =	vst.add.f32.msk $0xffff, v5  }
0x321: {  	s28 =	sor.u32 $0x50, s3;
	v5 =	vld [tilespmem:s14+$0x60]  }
0x322: {  	[tilespmem:s28+$0x0] =	vst.add.f32.msk $0xffff, v4  }
0x323: {  	s26 =	sor.u32 $0x50, s5;
	v4 =	vld [tilespmem:s16+$0x60]  }
0x324: {  	[tilespmem:s26+$0x0] =	vst.add.f32.msk $0xffff, v3  }
0x325: {  	s29 =	sor.u32 $0x60, s1;
	v3 =	vld [tilespmem:s0+$0x60]  }
0x326: {  	[tilespmem:s29+$0x0] =	vst.add.f32.msk $0xffff, v5  }
0x327: {  	s31 =	sor.u32 $0x60, s3;
	v5 =	vld [tilespmem:s14+$0x70]  }
0x328: {  	[tilespmem:s31+$0x0] =	vst.add.f32.msk $0xffff, v4  }
0x329: {  	s30 =	sor.u32 $0x60, s5;
	v4 =	vld [tilespmem:s16+$0x70]  }
0x32a: {  	[tilespmem:s30+$0x0] =	vst.add.f32.msk $0xffff, v3  }
0x32b: {  	s7 =	sor.u32 $0x70, s1;
	v3 =	vld [tilespmem:s0+$0x70]  }
0x32c: {  	[tilespmem:s7+$0x0] =	vst.add.f32.msk $0xffff, v5  }
0x32d: {  	s11 =	sor.u32 $0x70, s3;
	v5 =	vld [tilespmem:s14+$0x400]  }
0x32e: {  	[tilespmem:s11+$0x0] =	vst.add.f32.msk $0xffff, v4  }
0x32f: {  	s8 =	sor.u32 $0x70, s5;
	s10 =	sadd.s32 $0x19800, s15;
	v4 =	vld [tilespmem:s16+$0x400]  }
0x330: {  	s1 =	sor.u32 s23, s10;
	s17 =	sadd.s32 $0x6800, s6;
	[tilespmem:s8+$0x0] =	vst.add.f32.msk $0xffff, v3  }
0x331: {  	s3 =	sor.u32 s13, s17;
	v3 =	vld [tilespmem:s1+$0x0]  }
0x332: {  	[tilespmem:s3+$0x0] =	vst.add.f32.msk $0xffff, v5  }
0x333: {  	s5 =	sor.u32 s21, s17;
	v5 =	vld [tilespmem:s14+$0x410]  }
0x334: {  	s11 =	sadd.s32 $0x7800, s15;
	[tilespmem:s5+$0x0] =	vst.add.f32.msk $0xffff, v4  }
0x335: {  	s0 =	sor.u32 s23, s11;
	v4 =	vld [tilespmem:s16+$0x410]  }
0x336: {  	[tilespmem:s0+$0x0] =	vst.add.f32.msk $0xffff, v3  }
0x337: {  	s18 =	sor.u32 $0x10, s3;
	v3 =	vld [tilespmem:s1+$0x10]  }
0x338: {  	[tilespmem:s18+$0x0] =	vst.add.f32.msk $0xffff, v5  }
0x339: {  	s22 =	sor.u32 $0x10, s5;
	v5 =	vld [tilespmem:s14+$0x420]  }
0x33a: {  	[tilespmem:s22+$0x0] =	vst.add.f32.msk $0xffff, v4  }
0x33b: {  	s19 =	sor.u32 $0x10, s0;
	v4 =	vld [tilespmem:s16+$0x420]  }
0x33c: {  	[tilespmem:s19+$0x0] =	vst.add.f32.msk $0xffff, v3  }
0x33d: {  	s23 =	sor.u32 $0x20, s3;
	v3 =	vld [tilespmem:s1+$0x20]  }
0x33e: {  	[tilespmem:s23+$0x0] =	vst.add.f32.msk $0xffff, v5  }
0x33f: {  	s26 =	sor.u32 $0x20, s5;
	v5 =	vld [tilespmem:s14+$0x430]  }
0x340: {  	[tilespmem:s26+$0x0] =	vst.add.f32.msk $0xffff, v4  }
0x341: {  	s25 =	sor.u32 $0x20, s0;
	v4 =	vld [tilespmem:s16+$0x430]  }
0x342: {  	[tilespmem:s25+$0x0] =	vst.add.f32.msk $0xffff, v3  }
0x343: {  	s28 =	sor.u32 $0x30, s3;
	v3 =	vld [tilespmem:s1+$0x30]  }
0x344: {  	[tilespmem:s28+$0x0] =	vst.add.f32.msk $0xffff, v5  }
0x345: {  	s30 =	sor.u32 $0x30, s5;
	v5 =	vld [tilespmem:s14+$0x440]  }
0x346: {  	[tilespmem:s30+$0x0] =	vst.add.f32.msk $0xffff, v4  }
0x347: {  	s29 =	sor.u32 $0x30, s0;
	v4 =	vld [tilespmem:s16+$0x440]  }
0x348: {  	[tilespmem:s29+$0x0] =	vst.add.f32.msk $0xffff, v3  }
0x349: {  	s31 =	sor.u32 $0x40, s3;
	v3 =	vld [tilespmem:s1+$0x40]  }
0x34a: {  	[tilespmem:s31+$0x0] =	vst.add.f32.msk $0xffff, v5  }
0x34b: {  	s15 =	sor.u32 $0x40, s5;
	v5 =	vld [tilespmem:s14+$0x450]  }
0x34c: {  	[tilespmem:s15+$0x0] =	vst.add.f32.msk $0xffff, v4  }
0x34d: {  	s8 =	sor.u32 $0x40, s0;
	v4 =	vld [tilespmem:s16+$0x450]  }
0x34e: {  	[tilespmem:s8+$0x0] =	vst.add.f32.msk $0xffff, v3  }
0x34f: {  	v3 =	vld [tilespmem:s1+$0x50]  }
0x350: {  	v6 =	vld [tilespmem:s4+$0x70];
	s17 =	sor.u32 $0x50, s3  }
0x351: {  	s19 =	sor.u32 $0x50, s5;
	[tilespmem:s17+$0x0] =	vst.add.f32.msk $0xffff, v5  }
0x352: {  	[tilespmem:s19+$0x0] =	vst.add.f32.msk $0xffff, v4  }
0x353: {  	s18 =	sor.u32 $0x50, s0;
	v5 =	vld [tilespmem:s16+$0x460]  }
0x354: {  	[tilespmem:s18+$0x0] =	vst.add.f32.msk $0xffff, v3  }
0x355: {  	s2 =	sor.u32 $0x70, s2;
	v3 =	vld [tilespmem:s14+$0x460]  }
0x356: {  	[tilespmem:s2+$0x0] =	vst.add.f32.msk $0xffff, v6  }
0x357: {  	s25 =	sor.u32 $0x60, s5;
	v4 =	vld [tilespmem:s1+$0x60]  }
0x358: {  	s2 =	sor.u32 s24, s9;
	[tilespmem:s25+$0x0] =	vst.add.f32.msk $0xffff, v5  }
0x359: {  	s22 =	sor.u32 $0x60, s3;
	v5 =	vld [tilespmem:s2+$0x0]  }
0x35a: {  	[tilespmem:s22+$0x0] =	vst.add.f32.msk $0xffff, v3  }
0x35b: {  	s23 =	sor.u32 $0x60, s0;
	v6 =	vld [tilespmem:s14+$0x470]  }
0x35c: {  	[tilespmem:s23+$0x0] =	vst.add.f32.msk $0xffff, v4  }
0x35d: {  	s7 =	sor.u32 s24, s12;
	v4 =	vld [tilespmem:s16+$0x470]  }
0x35e: {  	[tilespmem:s7+$0x0] =	vst.add.f32.msk $0xffff, v5  }
0x35f: {  	v5 =	vld [tilespmem:s2+$0x10]  }
0x360: {  	s26 =	sor.u32 $0x70, s3;
	v3 =	vld [tilespmem:s1+$0x70]  }
0x361: {  	s28 =	sadd.s32 $0x18C00, s6;
	s5 =	sor.u32 $0x70, s5;
	[tilespmem:s26+$0x0] =	vst.add.f32.msk $0xffff, v6  }
0x362: {  	s3 =	sor.u32 s13, s28;
	[tilespmem:s5+$0x0] =	vst.add.f32.msk $0xffff, v4  }
0x363: {  	s1 =	sor.u32 s21, s28;
	v6 =	vld [tilespmem:s3+$0x0]  }
0x364: {  	v4 =	vld [tilespmem:s1+$0x0]  }
0x365: {  	s8 =	sor.u32 $0x10, s7  }
0x366: {  	s29 =	sadd.s32 $0x6C00, s6;
	[tilespmem:s8+$0x0] =	vst.add.f32.msk $0xffff, v5  }
0x367: {  	s4 =	sor.u32 s13, s29;
	v5 =	vld [tilespmem:s2+$0x20]  }
0x368: {  	s5 =	sor.u32 s21, s29;
	[tilespmem:s4+$0x0] =	vst.add.f32.msk $0xffff, v6  }
0x369: {  	[tilespmem:s5+$0x0] =	vst.add.f32.msk $0xffff, v4  }
0x36a: {  	v6 =	vld [tilespmem:s3+$0x10]  }
0x36b: {  	v4 =	vld [tilespmem:s1+$0x10]  }
0x36c: {  	s9 =	sor.u32 $0x20, s7  }
0x36d: {  	[tilespmem:s9+$0x0] =	vst.add.f32.msk $0xffff, v5  }
0x36e: {  	s30 =	sor.u32 $0x10, s4;
	v5 =	vld [tilespmem:s2+$0x30]  }
0x36f: {  	s31 =	sor.u32 $0x10, s5;
	[tilespmem:s30+$0x0] =	vst.add.f32.msk $0xffff, v6  }
0x370: {  	[tilespmem:s31+$0x0] =	vst.add.f32.msk $0xffff, v4  }
0x371: {  	v6 =	vld [tilespmem:s3+$0x20]  }
0x372: {  	v4 =	vld [tilespmem:s1+$0x20]  }
0x373: {  	s15 =	sor.u32 $0x30, s7  }
0x374: {  	[tilespmem:s15+$0x0] =	vst.add.f32.msk $0xffff, v5  }
0x375: {  	s12 =	sor.u32 $0x20, s4;
	v5 =	vld [tilespmem:s2+$0x40]  }
0x376: {  	s14 =	sor.u32 $0x20, s5;
	[tilespmem:s12+$0x0] =	vst.add.f32.msk $0xffff, v6  }
0x377: {  	[tilespmem:s14+$0x0] =	vst.add.f32.msk $0xffff, v4  }
0x378: {  	v6 =	vld [tilespmem:s3+$0x30]  }
0x379: {  	v4 =	vld [tilespmem:s1+$0x30]  }
0x37a: {  	s18 =	sor.u32 $0x40, s7  }
0x37b: {  	[tilespmem:s18+$0x0] =	vst.add.f32.msk $0xffff, v5  }
0x37c: {  	s16 =	sor.u32 $0x30, s4;
	v5 =	vld [tilespmem:s2+$0x50]  }
0x37d: {  	s17 =	sor.u32 $0x30, s5;
	[tilespmem:s16+$0x0] =	vst.add.f32.msk $0xffff, v6  }
0x37e: {  	[tilespmem:s17+$0x0] =	vst.add.f32.msk $0xffff, v4  }
0x37f: {  	v6 =	vld [tilespmem:s3+$0x40]  }
0x380: {  	v4 =	vld [tilespmem:s1+$0x40]  }
0x381: {  	s23 =	sor.u32 $0x50, s7  }
0x382: {  	[tilespmem:s23+$0x0] =	vst.add.f32.msk $0xffff, v5  }
0x383: {  	s19 =	sor.u32 $0x40, s4;
	v5 =	vld [tilespmem:s2+$0x60]  }
0x384: {  	s22 =	sor.u32 $0x40, s5;
	[tilespmem:s19+$0x0] =	vst.add.f32.msk $0xffff, v6  }
0x385: {  	[tilespmem:s22+$0x0] =	vst.add.f32.msk $0xffff, v4  }
0x386: {  	v6 =	vld [tilespmem:s3+$0x50]  }
0x387: {  	v4 =	vld [tilespmem:s1+$0x50]  }
0x388: {  	s28 =	sor.u32 $0x60, s7  }
0x389: {  	[tilespmem:s28+$0x0] =	vst.add.f32.msk $0xffff, v5  }
0x38a: {  	s25 =	sor.u32 $0x50, s4;
	v5 =	vld [tilespmem:s2+$0x70]  }
0x38b: {  	s26 =	sor.u32 $0x50, s5;
	[tilespmem:s25+$0x0] =	vst.add.f32.msk $0xffff, v6  }
0x38c: {  	[tilespmem:s26+$0x0] =	vst.add.f32.msk $0xffff, v4  }
0x38d: {  	v6 =	vld [tilespmem:s3+$0x60]  }
0x38e: {  	v4 =	vld [tilespmem:s1+$0x60]  }
0x38f: {  	s31 =	sor.u32 $0x70, s7  }
0x390: {  	s23 =	sor.u32 s24, s10;
	[tilespmem:s31+$0x0] =	vst.add.f32.msk $0xffff, v5  }
0x391: {  	s29 =	sor.u32 $0x60, s4;
	v5 =	vld [tilespmem:s23+$0x0]  }
0x392: {  	s30 =	sor.u32 $0x60, s5;
	[tilespmem:s29+$0x0] =	vst.add.f32.msk $0xffff, v6  }
0x393: {  	[tilespmem:s30+$0x0] =	vst.add.f32.msk $0xffff, v4  }
0x394: {  	v6 =	vld [tilespmem:s3+$0x70]  }
0x395: {  	v4 =	vld [tilespmem:s1+$0x70]  }
0x396: {  	s7 =	sor.u32 s24, s11  }
0x397: {  	[tilespmem:s7+$0x0] =	vst.add.f32.msk $0xffff, v5  }
0x398: {  	s4 =	sor.u32 $0x70, s4;
	v5 =	vld [tilespmem:s23+$0x10]  }
0x399: {  	s5 =	sor.u32 $0x70, s5;
	s3 =	sadd.s32 $0x19000, s6;
	[tilespmem:s4+$0x0] =	vst.add.f32.msk $0xffff, v6  }
0x39a: {  	s4 =	sor.u32 s13, s3;
	[tilespmem:s5+$0x0] =	vst.add.f32.msk $0xffff, v4  }
0x39b: {  	s9 =	sor.u32 s21, s3;
	v6 =	vld [tilespmem:s4+$0x0]  }
0x39c: {  	v4 =	vld [tilespmem:s9+$0x0]  }
0x39d: {  	s10 =	sor.u32 $0x10, s7  }
0x39e: {  	s8 =	sadd.s32 $0x7000, s6;
	[tilespmem:s10+$0x0] =	vst.add.f32.msk $0xffff, v5  }
0x39f: {  	s11 =	sor.u32 s13, s8;
	v5 =	vld [tilespmem:s23+$0x20]  }
0x3a0: {  	s2 =	sor.u32 s21, s8;
	[tilespmem:s11+$0x0] =	vst.add.f32.msk $0xffff, v6  }
0x3a1: {  	[tilespmem:s2+$0x0] =	vst.add.f32.msk $0xffff, v4  }
0x3a2: {  	v6 =	vld [tilespmem:s4+$0x10]  }
0x3a3: {  	v4 =	vld [tilespmem:s9+$0x10]  }
0x3a4: {  	s15 =	sor.u32 $0x20, s7  }
0x3a5: {  	[tilespmem:s15+$0x0] =	vst.add.f32.msk $0xffff, v5  }
0x3a6: {  	s12 =	sor.u32 $0x10, s11;
	v5 =	vld [tilespmem:s23+$0x30]  }
0x3a7: {  	s14 =	sor.u32 $0x10, s2;
	[tilespmem:s12+$0x0] =	vst.add.f32.msk $0xffff, v6  }
0x3a8: {  	[tilespmem:s14+$0x0] =	vst.add.f32.msk $0xffff, v4  }
0x3a9: {  	v6 =	vld [tilespmem:s4+$0x20]  }
0x3aa: {  	v4 =	vld [tilespmem:s9+$0x20]  }
0x3ab: {  	s18 =	sor.u32 $0x30, s7  }
0x3ac: {  	[tilespmem:s18+$0x0] =	vst.add.f32.msk $0xffff, v5  }
0x3ad: {  	s16 =	sor.u32 $0x20, s11;
	v5 =	vld [tilespmem:s23+$0x40]  }
0x3ae: {  	s17 =	sor.u32 $0x20, s2;
	[tilespmem:s16+$0x0] =	vst.add.f32.msk $0xffff, v6  }
0x3af: {  	[tilespmem:s17+$0x0] =	vst.add.f32.msk $0xffff, v4  }
0x3b0: {  	v6 =	vld [tilespmem:s4+$0x30]  }
0x3b1: {  	v4 =	vld [tilespmem:s9+$0x30]  }
0x3b2: {  	s24 =	sor.u32 $0x40, s7  }
0x3b3: {  	[tilespmem:s24+$0x0] =	vst.add.f32.msk $0xffff, v5  }
0x3b4: {  	s19 =	sor.u32 $0x30, s11;
	v5 =	vld [tilespmem:s23+$0x50]  }
0x3b5: {  	s22 =	sor.u32 $0x30, s2;
	[tilespmem:s19+$0x0] =	vst.add.f32.msk $0xffff, v6  }
0x3b6: {  	[tilespmem:s22+$0x0] =	vst.add.f32.msk $0xffff, v4  }
0x3b7: {  	v6 =	vld [tilespmem:s4+$0x40]  }
0x3b8: {  	v4 =	vld [tilespmem:s9+$0x40]  }
0x3b9: {  	s28 =	sor.u32 $0x50, s7  }
0x3ba: {  	[tilespmem:s28+$0x0] =	vst.add.f32.msk $0xffff, v5  }
0x3bb: {  	s25 =	sor.u32 $0x40, s11;
	v5 =	vld [tilespmem:s23+$0x60]  }
0x3bc: {  	s26 =	sor.u32 $0x40, s2;
	[tilespmem:s25+$0x0] =	vst.add.f32.msk $0xffff, v6  }
0x3bd: {  	[tilespmem:s26+$0x0] =	vst.add.f32.msk $0xffff, v4  }
0x3be: {  	v6 =	vld [tilespmem:s4+$0x50]  }
0x3bf: {  	v4 =	vld [tilespmem:s9+$0x50]  }
0x3c0: {  	s0 =	sor.u32 $0x70, s0  }
0x3c1: {  	[tilespmem:s0+$0x0] =	vst.add.f32.msk $0xffff, v3;
	s31 =	sor.u32 $0x60, s7  }
0x3c2: {  	s29 =	sor.u32 $0x50, s11;
	[tilespmem:s31+$0x0] =	vst.add.f32.msk $0xffff, v5  }
0x3c3: {  	s30 =	sor.u32 $0x50, s2;
	[tilespmem:s29+$0x0] =	vst.add.f32.msk $0xffff, v6  }
0x3c4: {  	[tilespmem:s30+$0x0] =	vst.add.f32.msk $0xffff, v4  }
0x3c5: {  	s0 =	sor.u32 $0x60, s2;
	v3 =	vld [tilespmem:s4+$0x60]  }
0x3c6: {  	s14 =	sor.u32 $0x70, s2;
	s24 =	simm.s32 $0x2;
	s25 =	sor.u32 $0x70, s7;
	v4 =	vld [tilespmem:s9+$0x60]  }
.LBB2_5:
0x3c7: {  	_ =	sdelay $0x2  }
0x3c8: {  	s24 =	sadd.s32 $0x2, s24;
	s1 =	sor.u32 $0x60, s11;
	v5 =	vld [tilespmem:s23+$0x70]  }
0x3c9: {  	s2 =	sshrl.u32 s24, $0x3;
	[tilespmem:s1+$0x0] =	vst.add.f32.msk $0xffff, v3  }
0x3ca: {  	s2 =	smul.u32 $0x1800, s2;
	[tilespmem:s0+$0x0] =	vst.add.f32.msk $0xffff, v4  }
0x3cb: {  	s20 =	sadd.s32 $0x100, s20;
	v3 =	vld [tilespmem:s4+$0x70]  }
0x3cc: {  	s10 =	sand.u32 $0x300, s20;
	s18 =	sadd.s32 $0x18400, s2;
	v4 =	vld [tilespmem:s9+$0x70]  }
0x3cd: {  	s4 =	sor.u32 $0x80, s10;
	s19 =	sor.u32 s10, s18;
	[tilespmem:s25+$0x0] =	vst.add.f32.msk $0xffff, v5  }
0x3ce: {  	s0 =	sor.u32 s4, s18;
	v6 =	vld [tilespmem:s19+$0x0]  }
0x3cf: {  	s3 =	sor.u32 $0x70, s11;
	v5 =	vld [tilespmem:s0+$0x0]  }
0x3d0: {  	s22 =	sadd.s32 $0x19400, s6;
	[tilespmem:s3+$0x0] =	vst.add.f32.msk $0xffff, v3  }
0x3d1: {  	s5 =	sor.u32 s13, s22;
	s23 =	sadd.s32 $0x6400, s2;
	[tilespmem:s14+$0x0] =	vst.add.f32.msk $0xffff, v4  }
0x3d2: {  	s25 =	sor.u32 s10, s23;
	v3 =	vld [tilespmem:s5+$0x0]  }
0x3d3: {  	s1 =	sor.u32 s4, s23;
	[tilespmem:s25+$0x0] =	vst.add.f32.msk $0xffff, v6  }
0x3d4: {  	[tilespmem:s1+$0x0] =	vst.add.f32.msk $0xffff, v5  }
0x3d5: {  	v5 =	vld [tilespmem:s19+$0x10]  }
0x3d6: {  	s28 =	sadd.s32 $0x7400, s6;
	v4 =	vld [tilespmem:s0+$0x10]  }
0x3d7: {  	s7 =	sor.u32 s13, s28  }
0x3d8: {  	[tilespmem:s7+$0x0] =	vst.add.f32.msk $0xffff, v3  }
0x3d9: {  	s15 =	sor.u32 $0x10, s25;
	v3 =	vld [tilespmem:s5+$0x10]  }
0x3da: {  	s29 =	sor.u32 $0x10, s1;
	[tilespmem:s15+$0x0] =	vst.add.f32.msk $0xffff, v5  }
0x3db: {  	[tilespmem:s29+$0x0] =	vst.add.f32.msk $0xffff, v4  }
0x3dc: {  	v5 =	vld [tilespmem:s19+$0x20]  }
0x3dd: {  	v4 =	vld [tilespmem:s0+$0x20]  }
0x3de: {  	s29 =	sor.u32 $0x10, s7  }
0x3df: {  	s16 =	sor.u32 s21, s28;
	[tilespmem:s29+$0x0] =	vst.add.f32.msk $0xffff, v3  }
0x3e0: {  	s30 =	sor.u32 $0x40, s16;
	s17 =	sor.u32 $0x20, s25;
	v3 =	vld [tilespmem:s5+$0x20]  }
0x3e1: {  	[dreg:$0xe] =	wrdreg s30;
	s30 =	sor.u32 $0x20, s1;
	[tilespmem:s17+$0x0] =	vst.add.f32.msk $0xffff, v5  }
0x3e2: {  	[tilespmem:s30+$0x0] =	vst.add.f32.msk $0xffff, v4  }
0x3e3: {  	v5 =	vld [tilespmem:s19+$0x30]  }
0x3e4: {  	s31 =	sor.u32 $0x50, s16;
	v4 =	vld [tilespmem:s0+$0x30]  }
0x3e5: {  	[dreg:$0xb] =	wrdreg s31;
	s31 =	sor.u32 $0x20, s7  }
0x3e6: {  	[tilespmem:s31+$0x0] =	vst.add.f32.msk $0xffff, v3  }
0x3e7: {  	s18 =	sor.u32 $0x30, s25;
	v3 =	vld [tilespmem:s5+$0x30]  }
0x3e8: {  	s17 =	sor.u32 $0x30, s1;
	[tilespmem:s18+$0x0] =	vst.add.f32.msk $0xffff, v5  }
0x3e9: {  	[tilespmem:s17+$0x0] =	vst.add.f32.msk $0xffff, v4  }
0x3ea: {  	v5 =	vld [tilespmem:s19+$0x40]  }
0x3eb: {  	s26 =	sor.u32 s21, s22;
	s22 =	sor.u32 $0x30, s16;
	v4 =	vld [tilespmem:s0+$0x40]  }
0x3ec: {  	[dreg:$0x11] =	wrdreg s22;
	s22 =	sor.u32 $0x30, s7  }
0x3ed: {  	[tilespmem:s22+$0x0] =	vst.add.f32.msk $0xffff, v3  }
0x3ee: {  	s14 =	sor.u32 $0x40, s25;
	v3 =	vld [tilespmem:s5+$0x40]  }
0x3ef: {  	s23 =	sor.u32 $0x40, s1;
	[tilespmem:s14+$0x0] =	vst.add.f32.msk $0xffff, v5  }
0x3f0: {  	[tilespmem:s23+$0x0] =	vst.add.f32.msk $0xffff, v4  }
0x3f1: {  	s8 =	sor.u32 $0x60, s25;
	v5 =	vld [tilespmem:s19+$0x50]  }
0x3f2: {  	s12 =	sor.u32 $0x70, s25;
	s3 =	sor.u32 $0x50, s25;
	s25 =	sor.u32 $0x60, s16;
	v4 =	vld [tilespmem:s0+$0x50]  }
0x3f3: {  	[dreg:$0x8] =	wrdreg s25;
	s25 =	sor.u32 $0x40, s7  }
0x3f4: {  	[tilespmem:s25+$0x0] =	vst.add.f32.msk $0xffff, v3  }
0x3f5: {  	s28 =	sor.u32 $0x70, s16;
	v3 =	vld [tilespmem:s5+$0x50]  }
0x3f6: {  	[dreg:$0x5] =	wrdreg s28;
	s28 =	sor.u32 $0x50, s1;
	[tilespmem:s3+$0x0] =	vst.add.f32.msk $0xffff, v5  }
0x3f7: {  	[tilespmem:s28+$0x0] =	vst.add.f32.msk $0xffff, v4  }
0x3f8: {  	v5 =	vld [tilespmem:s19+$0x60]  }
0x3f9: {  	v4 =	vld [tilespmem:s0+$0x60]  }
0x3fa: {  	s29 =	sor.u32 $0x50, s7  }
0x3fb: {  	[tilespmem:s29+$0x0] =	vst.add.f32.msk $0xffff, v3  }
0x3fc: {  	v3 =	vld [tilespmem:s5+$0x60]  }
0x3fd: {  	s30 =	sor.u32 $0x60, s1;
	[tilespmem:s8+$0x0] =	vst.add.f32.msk $0xffff, v5  }
0x3fe: {  	[tilespmem:s30+$0x0] =	vst.add.f32.msk $0xffff, v4  }
0x3ff: {  	v5 =	vld [tilespmem:s19+$0x70]  }
0x400: {  	v4 =	vld [tilespmem:s0+$0x70]  }
0x401: {  	s31 =	sor.u32 $0x60, s7  }
0x402: {  	[tilespmem:s31+$0x0] =	vst.add.f32.msk $0xffff, v3  }
0x403: {  	v3 =	vld [tilespmem:s5+$0x70]  }
0x404: {  	s1 =	sor.u32 $0x70, s1;
	[tilespmem:s12+$0x0] =	vst.add.f32.msk $0xffff, v5  }
0x405: {  	[tilespmem:s1+$0x0] =	vst.add.f32.msk $0xffff, v4  }
0x406: {  	v5 =	vld [tilespmem:s19+$0x400]  }
0x407: {  	v4 =	vld [tilespmem:s0+$0x400]  }
0x408: {  	s14 =	sor.u32 $0x70, s7;
	s8 =	sadd.s32 $0x19800, s6  }
0x409: {  	s15 =	sadd.s32 $0x6800, s2;
	s5 =	sor.u32 s13, s8;
	[tilespmem:s14+$0x0] =	vst.add.f32.msk $0xffff, v3  }
0x40a: {  	s17 =	sor.u32 s10, s15;
	v3 =	vld [tilespmem:s5+$0x0]  }
0x40b: {  	s18 =	sor.u32 s4, s15;
	[tilespmem:s17+$0x0] =	vst.add.f32.msk $0xffff, v5  }
0x40c: {  	[tilespmem:s18+$0x0] =	vst.add.f32.msk $0xffff, v4  }
0x40d: {  	v5 =	vld [tilespmem:s19+$0x410]  }
0x40e: {  	s22 =	sadd.s32 $0x7800, s6;
	v4 =	vld [tilespmem:s0+$0x410]  }
0x40f: {  	s7 =	sor.u32 s13, s22  }
0x410: {  	[tilespmem:s7+$0x0] =	vst.add.f32.msk $0xffff, v3  }
0x411: {  	s31 =	sor.u32 $0x10, s17;
	v3 =	vld [tilespmem:s5+$0x10]  }
0x412: {  	s25 =	sor.u32 $0x10, s18;
	[tilespmem:s31+$0x0] =	vst.add.f32.msk $0xffff, v5  }
0x413: {  	[tilespmem:s25+$0x0] =	vst.add.f32.msk $0xffff, v4  }
0x414: {  	v5 =	vld [tilespmem:s19+$0x420]  }
0x415: {  	v4 =	vld [tilespmem:s0+$0x420]  }
0x416: {  	s13 =	smov.u32 s4;
	s4 =	sor.u32 $0x10, s7  }
0x417: {  	[tilespmem:s4+$0x0] =	vst.add.f32.msk $0xffff, v3  }
0x418: {  	s28 =	sor.u32 $0x20, s17;
	v3 =	vld [tilespmem:s5+$0x20]  }
0x419: {  	s31 =	sor.u32 $0x20, s18;
	[tilespmem:s28+$0x0] =	vst.add.f32.msk $0xffff, v5  }
0x41a: {  	[tilespmem:s31+$0x0] =	vst.add.f32.msk $0xffff, v4  }
0x41b: {  	v5 =	vld [tilespmem:s19+$0x430]  }
0x41c: {  	v4 =	vld [tilespmem:s0+$0x430]  }
0x41d: {  	s31 =	sor.u32 $0x20, s7  }
0x41e: {  	[tilespmem:s31+$0x0] =	vst.add.f32.msk $0xffff, v3  }
0x41f: {  	s30 =	sor.u32 $0x30, s17;
	v3 =	vld [tilespmem:s5+$0x30]  }
0x420: {  	s31 =	sor.u32 $0x30, s18;
	[tilespmem:s30+$0x0] =	vst.add.f32.msk $0xffff, v5  }
0x421: {  	[tilespmem:s31+$0x0] =	vst.add.f32.msk $0xffff, v4  }
0x422: {  	v5 =	vld [tilespmem:s19+$0x440]  }
0x423: {  	v4 =	vld [tilespmem:s0+$0x440]  }
0x424: {  	s28 =	sor.u32 $0x30, s7  }
0x425: {  	[tilespmem:s28+$0x0] =	vst.add.f32.msk $0xffff, v3  }
0x426: {  	s29 =	sor.u32 $0x40, s17;
	v3 =	vld [tilespmem:s5+$0x40]  }
0x427: {  	s31 =	sor.u32 $0x40, s18;
	[tilespmem:s29+$0x0] =	vst.add.f32.msk $0xffff, v5  }
0x428: {  	[tilespmem:s31+$0x0] =	vst.add.f32.msk $0xffff, v4  }
0x429: {  	v5 =	vld [tilespmem:s19+$0x450]  }
0x42a: {  	v4 =	vld [tilespmem:s0+$0x450]  }
0x42b: {  	s28 =	sor.u32 $0x40, s7  }
0x42c: {  	[tilespmem:s28+$0x0] =	vst.add.f32.msk $0xffff, v3  }
0x42d: {  	s3 =	sor.u32 $0x50, s17;
	v3 =	vld [tilespmem:s5+$0x50]  }
0x42e: {  	s30 =	sor.u32 $0x50, s18;
	[tilespmem:s3+$0x0] =	vst.add.f32.msk $0xffff, v5  }
0x42f: {  	[tilespmem:s30+$0x0] =	vst.add.f32.msk $0xffff, v4  }
0x430: {  	v5 =	vld [tilespmem:s19+$0x460]  }
0x431: {  	v4 =	vld [tilespmem:s0+$0x460]  }
0x432: {  	s31 =	sor.u32 $0x50, s7  }
0x433: {  	[tilespmem:s31+$0x0] =	vst.add.f32.msk $0xffff, v3  }
0x434: {  	s23 =	sor.u32 s21, s8;
	s8 =	sor.u32 $0x60, s17;
	v3 =	vld [tilespmem:s5+$0x60]  }
0x435: {  	s4 =	sor.u32 $0x60, s18;
	[tilespmem:s8+$0x0] =	vst.add.f32.msk $0xffff, v5  }
0x436: {  	[tilespmem:s4+$0x0] =	vst.add.f32.msk $0xffff, v4  }
0x437: {  	v5 =	vld [tilespmem:s19+$0x470]  }
0x438: {  	v4 =	vld [tilespmem:s0+$0x470]  }
0x439: {  	s28 =	sor.u32 $0x60, s7;
	v6 =	vld [tilespmem:s26+$0x0]  }
0x43a: {  	[tilespmem:s28+$0x0] =	vst.add.f32.msk $0xffff, v3  }
0x43b: {  	s6 =	smov.u32 s2;
	s1 =	sor.u32 $0x70, s17;
	s14 =	sor.u32 s21, s22;
	v3 =	vld [tilespmem:s5+$0x70]  }
0x43c: {  	s21 =	smov.u32 s10;
	s29 =	sor.u32 $0x70, s18;
	s30 =	sadd.s32 $0x18C00, s6;
	[tilespmem:s1+$0x0] =	vst.add.f32.msk $0xffff, v5  }
0x43d: {  	s0 =	sor.u32 s21, s30;
	[tilespmem:s29+$0x0] =	vst.add.f32.msk $0xffff, v4  }
0x43e: {  	v4 =	vld [tilespmem:s0+$0x0]  }
0x43f: {  	[tilespmem:s16+$0x0] =	vst.add.f32.msk $0xffff, v6  }
0x440: {  	s31 =	sor.u32 $0x70, s7;
	v5 =	vld [tilespmem:s26+$0x10]  }
0x441: {  	s7 =	sadd.s32 $0x6C00, s6;
	s4 =	sor.u32 s13, s30;
	[tilespmem:s31+$0x0] =	vst.add.f32.msk $0xffff, v3  }
0x442: {  	s8 =	sor.u32 s21, s7;
	v3 =	vld [tilespmem:s4+$0x0]  }
0x443: {  	[tilespmem:s8+$0x0] =	vst.add.f32.msk $0xffff, v4  }
0x444: {  	s9 =	sor.u32 $0x10, s16;
	v4 =	vld [tilespmem:s0+$0x10]  }
0x445: {  	[tilespmem:s9+$0x0] =	vst.add.f32.msk $0xffff, v5  }
0x446: {  	s1 =	sor.u32 s13, s7;
	v5 =	vld [tilespmem:s26+$0x20]  }
0x447: {  	[tilespmem:s1+$0x0] =	vst.add.f32.msk $0xffff, v3  }
0x448: {  	s11 =	sor.u32 $0x20, s16;
	s16 =	sor.u32 $0x10, s8;
	v3 =	vld [tilespmem:s4+$0x10]  }
0x449: {  	[tilespmem:s16+$0x0] =	vst.add.f32.msk $0xffff, v4  }
0x44a: {  	v4 =	vld [tilespmem:s0+$0x20]  }
0x44b: {  	[tilespmem:s11+$0x0] =	vst.add.f32.msk $0xffff, v5  }
0x44c: {  	s29 =	sor.u32 $0x10, s1;
	v5 =	vld [tilespmem:s26+$0x30]  }
0x44d: {  	[tilespmem:s29+$0x0] =	vst.add.f32.msk $0xffff, v3  }
0x44e: {  	s18 =	sor.u32 $0x20, s8;
	v3 =	vld [tilespmem:s4+$0x20]  }
0x44f: {  	[tilespmem:s18+$0x0] =	vst.add.f32.msk $0xffff, v4  }
0x450: {  	s31 =	rddreg [dreg:$0x11];
	v4 =	vld [tilespmem:s0+$0x30]  }
0x451: {  	[tilespmem:s31+$0x0] =	vst.add.f32.msk $0xffff, v5  }
0x452: {  	s30 =	sor.u32 $0x20, s1;
	v5 =	vld [tilespmem:s26+$0x40]  }
0x453: {  	[tilespmem:s30+$0x0] =	vst.add.f32.msk $0xffff, v3  }
0x454: {  	s19 =	sor.u32 $0x30, s8;
	v3 =	vld [tilespmem:s4+$0x30]  }
0x455: {  	[tilespmem:s19+$0x0] =	vst.add.f32.msk $0xffff, v4  }
0x456: {  	s11 =	rddreg [dreg:$0xe];
	v4 =	vld [tilespmem:s0+$0x40]  }
0x457: {  	[tilespmem:s11+$0x0] =	vst.add.f32.msk $0xffff, v5  }
0x458: {  	s9 =	sor.u32 $0x30, s1;
	v5 =	vld [tilespmem:s26+$0x50]  }
0x459: {  	[tilespmem:s9+$0x0] =	vst.add.f32.msk $0xffff, v3  }
0x45a: {  	s7 =	sor.u32 $0x40, s8;
	v3 =	vld [tilespmem:s4+$0x40]  }
0x45b: {  	[tilespmem:s7+$0x0] =	vst.add.f32.msk $0xffff, v4  }
0x45c: {  	s18 =	rddreg [dreg:$0xb];
	v4 =	vld [tilespmem:s0+$0x50]  }
0x45d: {  	[tilespmem:s18+$0x0] =	vst.add.f32.msk $0xffff, v5  }
0x45e: {  	s16 =	sor.u32 $0x40, s1;
	v5 =	vld [tilespmem:s26+$0x60]  }
0x45f: {  	[tilespmem:s16+$0x0] =	vst.add.f32.msk $0xffff, v3  }
0x460: {  	s28 =	sor.u32 $0x50, s8;
	v3 =	vld [tilespmem:s4+$0x50]  }
0x461: {  	[tilespmem:s28+$0x0] =	vst.add.f32.msk $0xffff, v4  }
0x462: {  	s28 =	rddreg [dreg:$0x8];
	v4 =	vld [tilespmem:s0+$0x60]  }
0x463: {  	[tilespmem:s28+$0x0] =	vst.add.f32.msk $0xffff, v5  }
0x464: {  	s19 =	sor.u32 $0x50, s1;
	v5 =	vld [tilespmem:s26+$0x70]  }
0x465: {  	[tilespmem:s19+$0x0] =	vst.add.f32.msk $0xffff, v3  }
0x466: {  	s3 =	sor.u32 $0x60, s8;
	v3 =	vld [tilespmem:s4+$0x60]  }
0x467: {  	[tilespmem:s3+$0x0] =	vst.add.f32.msk $0xffff, v4  }
0x468: {  	s30 =	rddreg [dreg:$0x5];
	v4 =	vld [tilespmem:s0+$0x70]  }
0x469: {  	[tilespmem:s30+$0x0] =	vst.add.f32.msk $0xffff, v5  }
0x46a: {  	s29 =	sor.u32 $0x60, s1;
	v5 =	vld [tilespmem:s23+$0x0]  }
0x46b: {  	[tilespmem:s29+$0x0] =	vst.add.f32.msk $0xffff, v3  }
0x46c: {  	s5 =	sor.u32 $0x70, s8;
	s31 =	sadd.s32 $0x19000, s6;
	v3 =	vld [tilespmem:s4+$0x70]  }
0x46d: {  	s9 =	sor.u32 s21, s31;
	[tilespmem:s5+$0x0] =	vst.add.f32.msk $0xffff, v4  }
0x46e: {  	v4 =	vld [tilespmem:s9+$0x0]  }
0x46f: {  	[tilespmem:s14+$0x0] =	vst.add.f32.msk $0xffff, v5  }
0x470: {  	s1 =	sor.u32 $0x70, s1;
	v5 =	vld [tilespmem:s23+$0x10]  }
0x471: {  	s3 =	sadd.s32 $0x7000, s6;
	s4 =	sor.u32 s13, s31;
	[tilespmem:s1+$0x0] =	vst.add.f32.msk $0xffff, v3  }
0x472: {  	s5 =	sor.u32 s21, s3;
	v3 =	vld [tilespmem:s4+$0x0]  }
0x473: {  	[tilespmem:s5+$0x0] =	vst.add.f32.msk $0xffff, v4  }
0x474: {  	s17 =	sor.u32 $0x10, s14;
	v4 =	vld [tilespmem:s9+$0x10]  }
0x475: {  	[tilespmem:s17+$0x0] =	vst.add.f32.msk $0xffff, v5  }
0x476: {  	s11 =	sor.u32 s13, s3;
	v5 =	vld [tilespmem:s23+$0x20]  }
0x477: {  	[tilespmem:s11+$0x0] =	vst.add.f32.msk $0xffff, v3  }
0x478: {  	s7 =	sor.u32 $0x10, s5;
	v3 =	vld [tilespmem:s4+$0x10]  }
0x479: {  	[tilespmem:s7+$0x0] =	vst.add.f32.msk $0xffff, v4  }
0x47a: {  	s2 =	sor.u32 $0x20, s14;
	v4 =	vld [tilespmem:s9+$0x20]  }
0x47b: {  	[tilespmem:s2+$0x0] =	vst.add.f32.msk $0xffff, v5  }
0x47c: {  	s26 =	sor.u32 $0x10, s11;
	v5 =	vld [tilespmem:s23+$0x30]  }
0x47d: {  	[tilespmem:s26+$0x0] =	vst.add.f32.msk $0xffff, v3  }
0x47e: {  	s8 =	sor.u32 $0x20, s5;
	v3 =	vld [tilespmem:s4+$0x20]  }
0x47f: {  	[tilespmem:s8+$0x0] =	vst.add.f32.msk $0xffff, v4  }
0x480: {  	s22 =	sor.u32 $0x30, s14;
	v4 =	vld [tilespmem:s9+$0x30]  }
0x481: {  	[tilespmem:s22+$0x0] =	vst.add.f32.msk $0xffff, v5  }
0x482: {  	s28 =	sor.u32 $0x20, s11;
	v5 =	vld [tilespmem:s23+$0x40]  }
0x483: {  	[tilespmem:s28+$0x0] =	vst.add.f32.msk $0xffff, v3  }
0x484: {  	s16 =	sor.u32 $0x30, s5;
	v3 =	vld [tilespmem:s4+$0x30]  }
0x485: {  	[tilespmem:s16+$0x0] =	vst.add.f32.msk $0xffff, v4  }
0x486: {  	s12 =	sor.u32 $0x40, s14;
	v4 =	vld [tilespmem:s9+$0x40]  }
0x487: {  	[tilespmem:s12+$0x0] =	vst.add.f32.msk $0xffff, v5  }
0x488: {  	s29 =	sor.u32 $0x30, s11;
	v5 =	vld [tilespmem:s23+$0x50]  }
0x489: {  	[tilespmem:s29+$0x0] =	vst.add.f32.msk $0xffff, v3  }
0x48a: {  	s18 =	sor.u32 $0x40, s5;
	v3 =	vld [tilespmem:s4+$0x40]  }
0x48b: {  	[tilespmem:s18+$0x0] =	vst.add.f32.msk $0xffff, v4  }
0x48c: {  	s10 =	sor.u32 $0x50, s14;
	v4 =	vld [tilespmem:s9+$0x50]  }
0x48d: {  	[tilespmem:s10+$0x0] =	vst.add.f32.msk $0xffff, v5  }
0x48e: {  	s30 =	sor.u32 $0x40, s11;
	v5 =	vld [tilespmem:s23+$0x60]  }
0x48f: {  	[tilespmem:s30+$0x0] =	vst.add.f32.msk $0xffff, v3  }
0x490: {  	v3 =	vld [tilespmem:s4+$0x50]  }
0x491: {  	p1 =	slt.u32 s24, $0x1E;
	s19 =	sor.u32 $0x50, s5  }
.Ltmp3:
0x492: {  	[tilespmem:s19+$0x0] =	vst.add.f32.msk $0xffff, v4;
	(pc) =	sbr.rel @p1 .LBB2_5-.Ltmp3, $4  }
0x493: {  	s15 =	sor.u32 $0x60, s14;
	v4 =	vld [tilespmem:s9+$0x60]  }
0x494: {  	s31 =	sor.u32 $0x50, s11;
	[tilespmem:s15+$0x0] =	vst.add.f32.msk $0xffff, v5  }
0x495: {  	[tilespmem:s31+$0x0] =	vst.add.f32.msk $0xffff, v3  }
0x496: {  	s25 =	sor.u32 $0x70, s14;
	s0 =	sor.u32 $0x60, s5;
	s14 =	sor.u32 $0x70, s5;
	v3 =	vld [tilespmem:s4+$0x60]  }
0x497: {  	_ =	sdelay $0x1  }
0x498: {  	[tilespmem:s0+$0x0] =	vst.add.f32.msk $0xffff, v4  }
0x499: {  	s1 =	sor.u32 $0x60, s11;
	v4 =	vld [tilespmem:s9+$0x70]  }
0x49a: {  	[tilespmem:s1+$0x0] =	vst.add.f32.msk $0xffff, v3  }
0x49b: {  	v3 =	vld [tilespmem:s4+$0x70];
	_ =	sdelay $0x1  }
0x49c: {  	s12 =	sadd.s32 $0x19400, s6  }
0x49d: {  	s0 =	sor.u32 s21, s12;
	[tilespmem:s14+$0x0] =	vst.add.f32.msk $0xffff, v4  }
0x49e: {  	s15 =	sor.u32 $0x70, s11;
	v4 =	vld [tilespmem:s0+$0x0]  }
0x49f: {  	s16 =	sor.u32 s13, s12;
	[tilespmem:s15+$0x0] =	vst.add.f32.msk $0xffff, v3  }
0x4a0: {  	v3 =	vld [tilespmem:s16+$0x0]  }
0x4a1: {  	s2 =	sadd.s32 $0x7400, s6  }
0x4a2: {  	s3 =	sor.u32 s13, s2;
	s2 =	sor.u32 s21, s2  }
0x4a3: {  	[tilespmem:s2+$0x0] =	vst.add.f32.msk $0xffff, v4  }
0x4a4: {  	v4 =	vld [tilespmem:s0+$0x10]  }
0x4a5: {  	[tilespmem:s3+$0x0] =	vst.add.f32.msk $0xffff, v3  }
0x4a6: {  	v3 =	vld [tilespmem:s16+$0x10];
	_ =	sdelay $0x1  }
0x4a7: {  	s18 =	sor.u32 $0x10, s2  }
0x4a8: {  	[tilespmem:s18+$0x0] =	vst.add.f32.msk $0xffff, v4  }
0x4a9: {  	s17 =	sor.u32 $0x10, s3;
	v4 =	vld [tilespmem:s0+$0x20]  }
0x4aa: {  	[tilespmem:s17+$0x0] =	vst.add.f32.msk $0xffff, v3  }
0x4ab: {  	v3 =	vld [tilespmem:s16+$0x20];
	_ =	sdelay $0x1  }
0x4ac: {  	s20 =	sor.u32 $0x20, s2  }
0x4ad: {  	[tilespmem:s20+$0x0] =	vst.add.f32.msk $0xffff, v4  }
0x4ae: {  	s19 =	sor.u32 $0x20, s3;
	v4 =	vld [tilespmem:s0+$0x30]  }
0x4af: {  	[tilespmem:s19+$0x0] =	vst.add.f32.msk $0xffff, v3  }
0x4b0: {  	v3 =	vld [tilespmem:s16+$0x30];
	_ =	sdelay $0x1  }
0x4b1: {  	s24 =	sor.u32 $0x30, s2  }
0x4b2: {  	[tilespmem:s24+$0x0] =	vst.add.f32.msk $0xffff, v4  }
0x4b3: {  	s22 =	sor.u32 $0x30, s3;
	v4 =	vld [tilespmem:s0+$0x40]  }
0x4b4: {  	[tilespmem:s22+$0x0] =	vst.add.f32.msk $0xffff, v3  }
0x4b5: {  	v3 =	vld [tilespmem:s16+$0x40];
	_ =	sdelay $0x1  }
0x4b6: {  	s28 =	sor.u32 $0x40, s2  }
0x4b7: {  	[tilespmem:s28+$0x0] =	vst.add.f32.msk $0xffff, v4  }
0x4b8: {  	s26 =	sor.u32 $0x40, s3;
	v4 =	vld [tilespmem:s0+$0x50]  }
0x4b9: {  	[tilespmem:s26+$0x0] =	vst.add.f32.msk $0xffff, v3  }
0x4ba: {  	v3 =	vld [tilespmem:s16+$0x50];
	_ =	sdelay $0x1  }
0x4bb: {  	s30 =	sor.u32 $0x50, s2  }
0x4bc: {  	[tilespmem:s30+$0x0] =	vst.add.f32.msk $0xffff, v4  }
0x4bd: {  	s29 =	sor.u32 $0x50, s3;
	v4 =	vld [tilespmem:s0+$0x60]  }
0x4be: {  	[tilespmem:s29+$0x0] =	vst.add.f32.msk $0xffff, v3  }
0x4bf: {  	v3 =	vld [tilespmem:s16+$0x60];
	_ =	sdelay $0x1  }
0x4c0: {  	s5 =	sor.u32 $0x60, s2  }
0x4c1: {  	[tilespmem:s5+$0x0] =	vst.add.f32.msk $0xffff, v4  }
0x4c2: {  	s31 =	sor.u32 $0x60, s3;
	v4 =	vld [tilespmem:s0+$0x70]  }
0x4c3: {  	[tilespmem:s31+$0x0] =	vst.add.f32.msk $0xffff, v3  }
0x4c4: {  	v3 =	vld [tilespmem:s16+$0x70];
	_ =	sdelay $0x1  }
0x4c5: {  	s7 =	sadd.s32 $0x19800, s6;
	s2 =	sor.u32 $0x70, s2  }
0x4c6: {  	s0 =	sor.u32 s21, s7;
	[tilespmem:s2+$0x0] =	vst.add.f32.msk $0xffff, v4  }
0x4c7: {  	s8 =	sor.u32 $0x70, s3;
	v4 =	vld [tilespmem:s0+$0x0]  }
0x4c8: {  	s9 =	sor.u32 s13, s7;
	[tilespmem:s8+$0x0] =	vst.add.f32.msk $0xffff, v3  }
0x4c9: {  	v3 =	vld [tilespmem:s9+$0x0]  }
0x4ca: {  	s10 =	sadd.s32 $0x7800, s6  }
0x4cb: {  	s2 =	sor.u32 s21, s10  }
0x4cc: {  	[tilespmem:s2+$0x0] =	vst.add.f32.msk $0xffff, v4  }
0x4cd: {  	s11 =	sor.u32 s13, s10;
	v4 =	vld [tilespmem:s0+$0x10]  }
0x4ce: {  	[tilespmem:s11+$0x0] =	vst.add.f32.msk $0xffff, v3  }
0x4cf: {  	v3 =	vld [tilespmem:s9+$0x10];
	_ =	sdelay $0x1  }
0x4d0: {  	s13 =	sor.u32 $0x10, s2  }
0x4d1: {  	[tilespmem:s13+$0x0] =	vst.add.f32.msk $0xffff, v4  }
0x4d2: {  	s12 =	sor.u32 $0x10, s11;
	v4 =	vld [tilespmem:s0+$0x20]  }
0x4d3: {  	[tilespmem:s12+$0x0] =	vst.add.f32.msk $0xffff, v3  }
0x4d4: {  	v3 =	vld [tilespmem:s9+$0x20];
	_ =	sdelay $0x1  }
0x4d5: {  	s15 =	sor.u32 $0x20, s2  }
0x4d6: {  	[tilespmem:s15+$0x0] =	vst.add.f32.msk $0xffff, v4  }
0x4d7: {  	s14 =	sor.u32 $0x20, s11;
	v4 =	vld [tilespmem:s0+$0x30]  }
0x4d8: {  	[tilespmem:s14+$0x0] =	vst.add.f32.msk $0xffff, v3  }
0x4d9: {  	v3 =	vld [tilespmem:s9+$0x30];
	_ =	sdelay $0x1  }
0x4da: {  	s17 =	sor.u32 $0x30, s2  }
0x4db: {  	[tilespmem:s17+$0x0] =	vst.add.f32.msk $0xffff, v4  }
0x4dc: {  	s16 =	sor.u32 $0x30, s11;
	v4 =	vld [tilespmem:s0+$0x40]  }
0x4dd: {  	[tilespmem:s16+$0x0] =	vst.add.f32.msk $0xffff, v3  }
0x4de: {  	v3 =	vld [tilespmem:s9+$0x40];
	_ =	sdelay $0x1  }
0x4df: {  	s19 =	sor.u32 $0x40, s2  }
0x4e0: {  	[tilespmem:s19+$0x0] =	vst.add.f32.msk $0xffff, v4  }
0x4e1: {  	s18 =	sor.u32 $0x40, s11;
	v4 =	vld [tilespmem:s0+$0x50]  }
0x4e2: {  	[tilespmem:s18+$0x0] =	vst.add.f32.msk $0xffff, v3  }
0x4e3: {  	v3 =	vld [tilespmem:s9+$0x50];
	_ =	sdelay $0x1  }
0x4e4: {  	s21 =	sor.u32 $0x50, s2  }
0x4e5: {  	[tilespmem:s21+$0x0] =	vst.add.f32.msk $0xffff, v4  }
0x4e6: {  	s20 =	sor.u32 $0x50, s11;
	v4 =	vld [tilespmem:s0+$0x60]  }
0x4e7: {  	[tilespmem:s20+$0x0] =	vst.add.f32.msk $0xffff, v3  }
0x4e8: {  	v3 =	vld [tilespmem:s9+$0x60];
	_ =	sdelay $0x2  }
0x4e9: {  	v5 =	vld [tilespmem:s23+$0x70];
	s23 =	sor.u32 $0x60, s2  }
0x4ea: {  	s22 =	sor.u32 $0x60, s11;
	[tilespmem:s23+$0x0] =	vst.add.f32.msk $0xffff, v4  }
0x4eb: {  	[tilespmem:s22+$0x0] =	vst.add.f32.msk $0xffff, v3  }
0x4ec: {  	v4 =	vld [tilespmem:s0+$0x70];
	s24 =	rddreg [dreg:$0x18]  }
0x4ed: {  	v3 =	vld [tilespmem:s9+$0x70];
	s26 =	rddreg [dreg:$0x1d]  }
0x4ee: {  	s0 =	sor.u32 s24, s26  }
0x4ef: {  	s0 =	sshrl.u32 s0, $0x3  }
0x4f0: {  	s2 =	sor.u32 $0x70, s2;
	[tilespmem:s25+$0x0] =	vst.add.f32.msk $0xffff, v5;
	s0 =	smul.u32 $0x300, s0  }
0x4f1: {  	s28 =	sor.u32 $0x70, s11;
	s29 =	rddreg [dreg:$0x3];
	[tilespmem:s2+$0x0] =	vst.add.f32.msk $0xffff, v4  }
0x4f2: {  	s30 =	simm.s32 $0x0;
	s31 =	simm.s32 $0x6400;
	[tilespmem:s28+$0x0] =	vst.add.f32.msk $0xffff, v3;
	s0 =	sadd.s32 s29, s0  }
0x4f3: {  	[hbm4b:s0+s30] =	stream.linear.scatter [tilespmem:s31], [sflag:$0x6], $0x6000, $0x38;
	[tilespmem:$0x1E400] =	vst v63  }
0x4f4: {  	s0 =	simm.s32 @p0 $0x5  }
0x4f5: {  	_ =	swait.ge @p0 [sflag:s0], $0x6000  }
0x4f6: {  	[sflag:s0] =	ssyncset.done @p0 $0x0  }
0x4f7: {  	[sflag:s0] =	ssyncadd.s32 @p0 $0xFFFFA000  }
0x4f8: {  	v3 =	vld @p0 [tilespmem:$0x200];
	_ =	sdelay $0x4  }
0x4f9: {  	v4 =	vshrl.u32 @p0 v3, $0x3  }
0x4fa: {  	v4 =	vmul.u32 @p0 $0x30, v4  }
0x4fb: {  	v5 =	vlaneseq.u32 @p0;
	v3 =	vand.u32 @p0 $0x7, v3  }
0x4fc: {  	v6 =	vshrl.u32 @p0 v5, $0x3;
	v3 =	vor.u32 @p0 v3, v4;
	v4 =	vand.u32 @p0 $0x7, v5  }
0x4fd: {  	v6 =	vmul.u32 @p0 $0x8, v6;
	v7 =	vperm.xlane @p0 v3, v4;
	_ =	sdelay $0x1  }
0x4fe: {  	v7 =	vadd.s32 @p0 v6, v7;
	_ =	sdelay $0x2  }
0x4ff: {  	v5 =	vor.u32 @p0 $0x8, v5  }
0x500: {  	vm1 =	vmmov @p0 $0xffff;
	s1 =	simm.s32 @p0 $0x400;
	s0 =	simm.s32 @p0 $0x0;
	s2 =	rddreg [dreg:$0x1];
	v3 =	vperm.xlane @p0 v3, v5  }
0x501: {  	[tilespmem:s1], [sflag:$0x1] =	stream.indirect_vreg.gather @p0 [hbm4b:s2+s0], $0x80, v7, vm1, $0xb8;
	[tilespmem:$0x1E400] =	vst v63  }
0x502: {  	s3 =	rddreg [dreg:$0x15];
	v3 =	vadd.s32 @p0 v6, v3;
	s1 =	simm.s32 @p0 $0xC00  }
0x503: {  	[tilespmem:s1], [sflag:$0x1] =	stream.indirect_vreg.gather @p0 [hbm4b:s3+s0], $0x80, v7, vm1, $0xb8;
	[tilespmem:$0x1E400] =	vst v63  }
0x504: {  	s4 =	rddreg [dreg:$0x16];
	s1 =	simm.s32 @p0 $0x1400  }
0x505: {  	[tilespmem:s1], [sflag:$0x1] =	stream.indirect_vreg.gather @p0 [hbm4b:s4+s0], $0x80, v7, vm1, $0xb8;
	[tilespmem:$0x1E400] =	vst v63  }
0x506: {  	s1 =	simm.s32 @p0 $0x1C00  }
0x507: {  	[tilespmem:s1], [sflag:$0x1] =	stream.indirect_vreg.gather @p0 [hbm4b:s2+s0], $0x80, v3, vm1, $0xb8;
	[tilespmem:$0x1E400] =	vst v63  }
0x508: {  	s1 =	simm.s32 @p0 $0x2400  }
0x509: {  	[tilespmem:s1], [sflag:$0x1] =	stream.indirect_vreg.gather @p0 [hbm4b:s3+s0], $0x80, v3, vm1, $0xb8;
	[tilespmem:$0x1E400] =	vst v63  }
0x50a: {  	s1 =	simm.s32 @p0 $0x2C00  }
0x50b: {  	[tilespmem:s1], [sflag:$0x1] =	stream.indirect_vreg.gather @p0 [hbm4b:s4+s0], $0x80, v3, vm1, $0xb8;
	[tilespmem:$0x1E400] =	vst v63  }
0x50c: {  	v3 =	vld @p0 [tilespmem:$0x210];
	_ =	sdelay $0x4  }
0x50d: {  	v7 =	vshrl.u32 @p0 v3, $0x3  }
0x50e: {  	v7 =	vmul.u32 @p0 $0x30, v7  }
0x50f: {  	v3 =	vand.u32 @p0 $0x7, v3  }
0x510: {  	v3 =	vor.u32 @p0 v3, v7  }
0x511: {  	v4 =	vperm.xlane @p0 v3, v4;
	_ =	sdelay $0x1  }
0x512: {  	v4 =	vadd.s32 @p0 v6, v4;
	_ =	sdelay $0x3  }
0x513: {  	s1 =	simm.s32 @p0 $0x3400;
	v3 =	vperm.xlane @p0 v3, v5  }
0x514: {  	[tilespmem:s1], [sflag:$0x1] =	stream.indirect_vreg.gather @p0 [hbm4b:s2+s0], $0x80, v4, vm1, $0xb8;
	[tilespmem:$0x1E400] =	vst v63  }
0x515: {  	v3 =	vadd.s32 @p0 v6, v3;
	s1 =	simm.s32 @p0 $0x3C00  }
0x516: {  	[tilespmem:s1], [sflag:$0x1] =	stream.indirect_vreg.gather @p0 [hbm4b:s3+s0], $0x80, v4, vm1, $0xb8;
	[tilespmem:$0x1E400] =	vst v63  }
0x517: {  	s1 =	simm.s32 @p0 $0x4400  }
0x518: {  	[tilespmem:s1], [sflag:$0x1] =	stream.indirect_vreg.gather @p0 [hbm4b:s4+s0], $0x80, v4, vm1, $0xb8;
	[tilespmem:$0x1E400] =	vst v63  }
0x519: {  	s1 =	simm.s32 @p0 $0x4C00  }
0x51a: {  	[tilespmem:s1], [sflag:$0x1] =	stream.indirect_vreg.gather @p0 [hbm4b:s2+s0], $0x80, v3, vm1, $0xb8;
	[tilespmem:$0x1E400] =	vst v63  }
0x51b: {  	s1 =	simm.s32 @p0 $0x5400  }
0x51c: {  	[tilespmem:s1], [sflag:$0x1] =	stream.indirect_vreg.gather @p0 [hbm4b:s3+s0], $0x80, v3, vm1, $0xb8;
	[tilespmem:$0x1E400] =	vst v63  }
0x51d: {  	s2 =	simm.s32 $0x0;
	s1 =	simm.s32 @p0 $0x5C00  }
0x51e: {  	[tilespmem:s1], [sflag:$0x1] =	stream.indirect_vreg.gather @p0 [hbm4b:s4+s0], $0x80, v3, vm1, $0xb8;
	[tilespmem:$0x1E400] =	vst v63  }
0x51f: {  	s15 =	smul.u32 $0x1800, s2;
	s3 =	simm.s32 $0x0;
	s4 =	simm.s32 $0x3  }
0x520: {  	s24 =	sand.u32 $0x300, s3;
	_ =	swait.ge [sflag:s4], $0x6000  }
0x521: {  	s0 =	sadd.s32 $0x18400, s15;
	s23 =	sor.u32 $0x80, s24;
	[sflag:s4] =	ssyncset.done $0x0  }
0x522: {  	s1 =	sor.u32 s23, s0;
	[sflag:s4] =	ssyncadd.s32 $0xFFFFA000  }
0x523: {  	v3 =	vld [tilespmem:s1+$0x0];
	_ =	sdelay $0x2  }
0x524: {  	s5 =	sadd.s32 $0xC400, s15;
	s0 =	sor.u32 s24, s0  }
0x525: {  	s6 =	sor.u32 s23, s5;
	v4 =	vld [tilespmem:s0+$0x0]  }
0x526: {  	[tilespmem:s6+$0x0] =	vst.add.f32.msk $0xffff, v3  }
0x527: {  	v3 =	vld [tilespmem:s1+$0x10];
	_ =	sdelay $0x1  }
0x528: {  	s2 =	sor.u32 s24, s5  }
0x529: {  	[tilespmem:s2+$0x0] =	vst.add.f32.msk $0xffff, v4  }
0x52a: {  	s7 =	sor.u32 $0x10, s6;
	v4 =	vld [tilespmem:s0+$0x10]  }
0x52b: {  	[tilespmem:s7+$0x0] =	vst.add.f32.msk $0xffff, v3  }
0x52c: {  	v3 =	vld [tilespmem:s1+$0x20];
	_ =	sdelay $0x1  }
0x52d: {  	s9 =	sor.u32 $0x10, s2  }
0x52e: {  	[tilespmem:s9+$0x0] =	vst.add.f32.msk $0xffff, v4  }
0x52f: {  	s8 =	sor.u32 $0x20, s6;
	v4 =	vld [tilespmem:s0+$0x20]  }
0x530: {  	[tilespmem:s8+$0x0] =	vst.add.f32.msk $0xffff, v3  }
0x531: {  	v3 =	vld [tilespmem:s1+$0x30];
	_ =	sdelay $0x1  }
0x532: {  	s11 =	sor.u32 $0x20, s2  }
0x533: {  	[tilespmem:s11+$0x0] =	vst.add.f32.msk $0xffff, v4  }
0x534: {  	s10 =	sor.u32 $0x30, s6;
	v4 =	vld [tilespmem:s0+$0x30]  }
0x535: {  	[tilespmem:s10+$0x0] =	vst.add.f32.msk $0xffff, v3  }
0x536: {  	v3 =	vld [tilespmem:s1+$0x40];
	_ =	sdelay $0x1  }
0x537: {  	s13 =	sor.u32 $0x30, s2  }
0x538: {  	[tilespmem:s13+$0x0] =	vst.add.f32.msk $0xffff, v4  }
0x539: {  	s12 =	sor.u32 $0x40, s6;
	v4 =	vld [tilespmem:s0+$0x40]  }
0x53a: {  	[tilespmem:s12+$0x0] =	vst.add.f32.msk $0xffff, v3  }
0x53b: {  	v3 =	vld [tilespmem:s1+$0x50];
	_ =	sdelay $0x1  }
0x53c: {  	s16 =	sor.u32 $0x40, s2  }
0x53d: {  	[tilespmem:s16+$0x0] =	vst.add.f32.msk $0xffff, v4  }
0x53e: {  	s14 =	sor.u32 $0x50, s6;
	v4 =	vld [tilespmem:s0+$0x50]  }
0x53f: {  	[tilespmem:s14+$0x0] =	vst.add.f32.msk $0xffff, v3  }
0x540: {  	v3 =	vld [tilespmem:s1+$0x60];
	_ =	sdelay $0x1  }
0x541: {  	s18 =	sor.u32 $0x50, s2  }
0x542: {  	[tilespmem:s18+$0x0] =	vst.add.f32.msk $0xffff, v4  }
0x543: {  	s17 =	sor.u32 $0x60, s6;
	v4 =	vld [tilespmem:s0+$0x60]  }
0x544: {  	[tilespmem:s17+$0x0] =	vst.add.f32.msk $0xffff, v3  }
0x545: {  	v3 =	vld [tilespmem:s1+$0x70];
	_ =	sdelay $0x1  }
0x546: {  	s19 =	sor.u32 $0x60, s2  }
0x547: {  	[tilespmem:s19+$0x0] =	vst.add.f32.msk $0xffff, v4  }
0x548: {  	s3 =	sor.u32 $0x70, s6;
	v4 =	vld [tilespmem:s0+$0x70]  }
0x549: {  	[tilespmem:s3+$0x0] =	vst.add.f32.msk $0xffff, v3  }
0x54a: {  	v3 =	vld [tilespmem:s1+$0x400];
	_ =	sdelay $0x1  }
0x54b: {  	s2 =	sor.u32 $0x70, s2  }
0x54c: {  	s20 =	sadd.s32 $0xC800, s15;
	[tilespmem:s2+$0x0] =	vst.add.f32.msk $0xffff, v4  }
0x54d: {  	s21 =	sor.u32 s23, s20;
	v4 =	vld [tilespmem:s0+$0x400]  }
0x54e: {  	[tilespmem:s21+$0x0] =	vst.add.f32.msk $0xffff, v3  }
0x54f: {  	v3 =	vld [tilespmem:s1+$0x410];
	_ =	sdelay $0x1  }
0x550: {  	s25 =	sor.u32 s24, s20  }
0x551: {  	[tilespmem:s25+$0x0] =	vst.add.f32.msk $0xffff, v4  }
0x552: {  	s22 =	sor.u32 $0x10, s21;
	v4 =	vld [tilespmem:s0+$0x410]  }
0x553: {  	[tilespmem:s22+$0x0] =	vst.add.f32.msk $0xffff, v3  }
0x554: {  	v3 =	vld [tilespmem:s1+$0x420];
	_ =	sdelay $0x1  }
0x555: {  	s28 =	sor.u32 $0x10, s25  }
0x556: {  	[tilespmem:s28+$0x0] =	vst.add.f32.msk $0xffff, v4  }
0x557: {  	s26 =	sor.u32 $0x20, s21;
	v4 =	vld [tilespmem:s0+$0x420]  }
0x558: {  	[tilespmem:s26+$0x0] =	vst.add.f32.msk $0xffff, v3  }
0x559: {  	v3 =	vld [tilespmem:s1+$0x430];
	_ =	sdelay $0x1  }
0x55a: {  	s30 =	sor.u32 $0x20, s25  }
0x55b: {  	[tilespmem:s30+$0x0] =	vst.add.f32.msk $0xffff, v4  }
0x55c: {  	s29 =	sor.u32 $0x30, s21;
	v4 =	vld [tilespmem:s0+$0x430]  }
0x55d: {  	[tilespmem:s29+$0x0] =	vst.add.f32.msk $0xffff, v3  }
0x55e: {  	v3 =	vld [tilespmem:s1+$0x440];
	_ =	sdelay $0x1  }
0x55f: {  	s5 =	sor.u32 $0x30, s25  }
0x560: {  	[tilespmem:s5+$0x0] =	vst.add.f32.msk $0xffff, v4  }
0x561: {  	s31 =	sor.u32 $0x40, s21;
	v4 =	vld [tilespmem:s0+$0x440]  }
0x562: {  	[tilespmem:s31+$0x0] =	vst.add.f32.msk $0xffff, v3  }
0x563: {  	v3 =	vld [tilespmem:s1+$0x450];
	_ =	sdelay $0x1  }
0x564: {  	s7 =	sor.u32 $0x40, s25  }
0x565: {  	[tilespmem:s7+$0x0] =	vst.add.f32.msk $0xffff, v4  }
0x566: {  	s6 =	sor.u32 $0x50, s21;
	v4 =	vld [tilespmem:s0+$0x450]  }
0x567: {  	[tilespmem:s6+$0x0] =	vst.add.f32.msk $0xffff, v3  }
0x568: {  	v3 =	vld [tilespmem:s1+$0x460];
	_ =	sdelay $0x1  }
0x569: {  	s9 =	sor.u32 $0x50, s25  }
0x56a: {  	[tilespmem:s9+$0x0] =	vst.add.f32.msk $0xffff, v4  }
0x56b: {  	s8 =	sor.u32 $0x60, s21;
	v4 =	vld [tilespmem:s0+$0x460]  }
0x56c: {  	[tilespmem:s8+$0x0] =	vst.add.f32.msk $0xffff, v3  }
0x56d: {  	v3 =	vld [tilespmem:s1+$0x470];
	_ =	sdelay $0x1  }
0x56e: {  	s13 =	sor.u32 $0x60, s25  }
0x56f: {  	[tilespmem:s13+$0x0] =	vst.add.f32.msk $0xffff, v4  }
0x570: {  	s11 =	sadd.s32 $0x18C00, s15;
	s10 =	sor.u32 $0x70, s21;
	v4 =	vld [tilespmem:s0+$0x470]  }
0x571: {  	s12 =	sor.u32 s23, s11;
	[tilespmem:s10+$0x0] =	vst.add.f32.msk $0xffff, v3  }
0x572: {  	v3 =	vld [tilespmem:s12+$0x0];
	_ =	sdelay $0x1  }
0x573: {  	s2 =	sor.u32 $0x70, s25  }
0x574: {  	s14 =	sadd.s32 $0xCC00, s15;
	s3 =	sor.u32 s24, s11;
	[tilespmem:s2+$0x0] =	vst.add.f32.msk $0xffff, v4  }
0x575: {  	s16 =	sor.u32 s23, s14;
	v4 =	vld [tilespmem:s3+$0x0]  }
0x576: {  	[tilespmem:s16+$0x0] =	vst.add.f32.msk $0xffff, v3  }
0x577: {  	v3 =	vld [tilespmem:s12+$0x10];
	_ =	sdelay $0x1  }
0x578: {  	s0 =	sor.u32 s24, s14  }
0x579: {  	[tilespmem:s0+$0x0] =	vst.add.f32.msk $0xffff, v4  }
0x57a: {  	s17 =	sor.u32 $0x10, s16;
	v4 =	vld [tilespmem:s3+$0x10]  }
0x57b: {  	[tilespmem:s17+$0x0] =	vst.add.f32.msk $0xffff, v3  }
0x57c: {  	v3 =	vld [tilespmem:s12+$0x20];
	_ =	sdelay $0x1  }
0x57d: {  	s19 =	sor.u32 $0x10, s0  }
0x57e: {  	[tilespmem:s19+$0x0] =	vst.add.f32.msk $0xffff, v4  }
0x57f: {  	s18 =	sor.u32 $0x20, s16;
	v4 =	vld [tilespmem:s3+$0x20]  }
0x580: {  	[tilespmem:s18+$0x0] =	vst.add.f32.msk $0xffff, v3  }
0x581: {  	v3 =	vld [tilespmem:s12+$0x30];
	_ =	sdelay $0x1  }
0x582: {  	s21 =	sor.u32 $0x20, s0  }
0x583: {  	[tilespmem:s21+$0x0] =	vst.add.f32.msk $0xffff, v4  }
0x584: {  	s20 =	sor.u32 $0x30, s16;
	v4 =	vld [tilespmem:s3+$0x30]  }
0x585: {  	[tilespmem:s20+$0x0] =	vst.add.f32.msk $0xffff, v3  }
0x586: {  	v3 =	vld [tilespmem:s12+$0x40];
	_ =	sdelay $0x1  }
0x587: {  	s25 =	sor.u32 $0x30, s0  }
0x588: {  	[tilespmem:s25+$0x0] =	vst.add.f32.msk $0xffff, v4  }
0x589: {  	s22 =	sor.u32 $0x40, s16;
	v4 =	vld [tilespmem:s3+$0x40]  }
0x58a: {  	[tilespmem:s22+$0x0] =	vst.add.f32.msk $0xffff, v3  }
0x58b: {  	v3 =	vld [tilespmem:s12+$0x50];
	_ =	sdelay $0x1  }
0x58c: {  	s28 =	sor.u32 $0x40, s0  }
0x58d: {  	[tilespmem:s28+$0x0] =	vst.add.f32.msk $0xffff, v4  }
0x58e: {  	s26 =	sor.u32 $0x50, s16;
	v4 =	vld [tilespmem:s3+$0x50]  }
0x58f: {  	[tilespmem:s26+$0x0] =	vst.add.f32.msk $0xffff, v3  }
0x590: {  	v3 =	vld [tilespmem:s12+$0x60];
	_ =	sdelay $0x1  }
0x591: {  	s30 =	sor.u32 $0x50, s0  }
0x592: {  	[tilespmem:s30+$0x0] =	vst.add.f32.msk $0xffff, v4  }
0x593: {  	s29 =	sor.u32 $0x60, s16;
	v4 =	vld [tilespmem:s3+$0x60]  }
0x594: {  	[tilespmem:s29+$0x0] =	vst.add.f32.msk $0xffff, v3  }
0x595: {  	v3 =	vld [tilespmem:s12+$0x70];
	_ =	sdelay $0x1  }
0x596: {  	s6 =	sor.u32 $0x60, s0  }
0x597: {  	[tilespmem:s6+$0x0] =	vst.add.f32.msk $0xffff, v4  }
0x598: {  	s5 =	sor.u32 $0x70, s16;
	s31 =	sadd.s32 $0x19000, s15;
	v4 =	vld [tilespmem:s3+$0x70]  }
0x599: {  	[tilespmem:s5+$0x0] =	vst.add.f32.msk $0xffff, v3;
	s5 =	sor.u32 s23, s31  }
0x59a: {  	v3 =	vld [tilespmem:s5+$0x0];
	_ =	sdelay $0x1  }
0x59b: {  	s0 =	sor.u32 $0x70, s0  }
0x59c: {  	s7 =	sadd.s32 $0xD000, s15;
	s4 =	sor.u32 s24, s31;
	[tilespmem:s0+$0x0] =	vst.add.f32.msk $0xffff, v4  }
0x59d: {  	s8 =	sor.u32 s23, s7;
	v4 =	vld [tilespmem:s4+$0x0]  }
0x59e: {  	[tilespmem:s8+$0x0] =	vst.add.f32.msk $0xffff, v3  }
0x59f: {  	v3 =	vld [tilespmem:s5+$0x10];
	_ =	sdelay $0x1  }
0x5a0: {  	s2 =	sor.u32 s24, s7  }
0x5a1: {  	[tilespmem:s2+$0x0] =	vst.add.f32.msk $0xffff, v4  }
0x5a2: {  	s9 =	sor.u32 $0x10, s8;
	v4 =	vld [tilespmem:s4+$0x10]  }
0x5a3: {  	[tilespmem:s9+$0x0] =	vst.add.f32.msk $0xffff, v3  }
0x5a4: {  	v3 =	vld [tilespmem:s5+$0x20];
	_ =	sdelay $0x1  }
0x5a5: {  	s11 =	sor.u32 $0x10, s2  }
0x5a6: {  	[tilespmem:s11+$0x0] =	vst.add.f32.msk $0xffff, v4  }
0x5a7: {  	s10 =	sor.u32 $0x20, s8;
	v4 =	vld [tilespmem:s4+$0x20]  }
0x5a8: {  	[tilespmem:s10+$0x0] =	vst.add.f32.msk $0xffff, v3  }
0x5a9: {  	v3 =	vld [tilespmem:s5+$0x30];
	_ =	sdelay $0x1  }
0x5aa: {  	s13 =	sor.u32 $0x20, s2  }
0x5ab: {  	[tilespmem:s13+$0x0] =	vst.add.f32.msk $0xffff, v4  }
0x5ac: {  	s12 =	sor.u32 $0x30, s8;
	v4 =	vld [tilespmem:s4+$0x30]  }
0x5ad: {  	[tilespmem:s12+$0x0] =	vst.add.f32.msk $0xffff, v3  }
0x5ae: {  	v3 =	vld [tilespmem:s5+$0x40];
	_ =	sdelay $0x1  }
0x5af: {  	s16 =	sor.u32 $0x30, s2  }
0x5b0: {  	[tilespmem:s16+$0x0] =	vst.add.f32.msk $0xffff, v4  }
0x5b1: {  	s14 =	sor.u32 $0x40, s8;
	v4 =	vld [tilespmem:s4+$0x40]  }
0x5b2: {  	[tilespmem:s14+$0x0] =	vst.add.f32.msk $0xffff, v3  }
0x5b3: {  	v3 =	vld [tilespmem:s5+$0x50];
	_ =	sdelay $0x1  }
0x5b4: {  	s18 =	sor.u32 $0x40, s2  }
0x5b5: {  	[tilespmem:s18+$0x0] =	vst.add.f32.msk $0xffff, v4  }
0x5b6: {  	s17 =	sor.u32 $0x50, s8;
	v4 =	vld [tilespmem:s4+$0x50]  }
0x5b7: {  	[tilespmem:s17+$0x0] =	vst.add.f32.msk $0xffff, v3  }
0x5b8: {  	v3 =	vld [tilespmem:s5+$0x60];
	_ =	sdelay $0x1  }
0x5b9: {  	s21 =	sor.u32 $0x50, s2  }
0x5ba: {  	s20 =	simm.s32 $0x0;
	[tilespmem:s21+$0x0] =	vst.add.f32.msk $0xffff, v4  }
0x5bb: {  	s19 =	sor.u32 $0x60, s8;
	s6 =	smul.u32 $0x1800, s20;
	s20 =	simm.s32 $0x100;
	v4 =	vld [tilespmem:s4+$0x60]  }
0x5bc: {  	s21 =	sand.u32 $0x300, s20;
	[tilespmem:s19+$0x0] =	vst.add.f32.msk $0xffff, v3  }
0x5bd: {  	s1 =	sadd.s32 $0x18400, s6;
	s13 =	sor.u32 $0x80, s21;
	v3 =	vld [tilespmem:s5+$0x70]  }
0x5be: {  	s14 =	sor.u32 s13, s1  }
0x5bf: {  	s25 =	sor.u32 $0x60, s2;
	v5 =	vld [tilespmem:s14+$0x0]  }
0x5c0: {  	s16 =	sor.u32 s21, s1;
	[tilespmem:s25+$0x0] =	vst.add.f32.msk $0xffff, v4  }
0x5c1: {  	s22 =	sor.u32 $0x70, s8;
	s9 =	sadd.s32 $0x19400, s15;
	v4 =	vld [tilespmem:s16+$0x0]  }
0x5c2: {  	s26 =	sadd.s32 $0xC400, s6;
	s0 =	sor.u32 s23, s9;
	[tilespmem:s22+$0x0] =	vst.add.f32.msk $0xffff, v3  }
0x5c3: {  	s1 =	sor.u32 s13, s26;
	v3 =	vld [tilespmem:s0+$0x0]  }
0x5c4: {  	[tilespmem:s1+$0x0] =	vst.add.f32.msk $0xffff, v5  }
0x5c5: {  	s3 =	sor.u32 s21, s26;
	v5 =	vld [tilespmem:s14+$0x10]  }
0x5c6: {  	s12 =	sadd.s32 $0xD400, s15;
	[tilespmem:s3+$0x0] =	vst.add.f32.msk $0xffff, v4  }
0x5c7: {  	s5 =	sor.u32 s23, s12;
	v4 =	vld [tilespmem:s16+$0x10]  }
0x5c8: {  	[tilespmem:s5+$0x0] =	vst.add.f32.msk $0xffff, v3  }
0x5c9: {  	s7 =	sor.u32 $0x10, s1;
	v3 =	vld [tilespmem:s0+$0x10]  }
0x5ca: {  	[tilespmem:s7+$0x0] =	vst.add.f32.msk $0xffff, v5  }
0x5cb: {  	s29 =	sor.u32 $0x10, s3;
	v5 =	vld [tilespmem:s14+$0x20]  }
0x5cc: {  	[tilespmem:s29+$0x0] =	vst.add.f32.msk $0xffff, v4  }
0x5cd: {  	s28 =	sor.u32 $0x10, s5;
	v4 =	vld [tilespmem:s16+$0x20]  }
0x5ce: {  	[tilespmem:s28+$0x0] =	vst.add.f32.msk $0xffff, v3  }
0x5cf: {  	s30 =	sor.u32 $0x20, s1;
	v3 =	vld [tilespmem:s0+$0x20]  }
0x5d0: {  	[tilespmem:s30+$0x0] =	vst.add.f32.msk $0xffff, v5  }
0x5d1: {  	s8 =	sor.u32 $0x20, s3;
	v5 =	vld [tilespmem:s14+$0x30]  }
0x5d2: {  	[tilespmem:s8+$0x0] =	vst.add.f32.msk $0xffff, v4  }
0x5d3: {  	s31 =	sor.u32 $0x20, s5;
	v4 =	vld [tilespmem:s16+$0x30]  }
0x5d4: {  	[tilespmem:s31+$0x0] =	vst.add.f32.msk $0xffff, v3  }
0x5d5: {  	s10 =	sor.u32 $0x30, s1;
	v3 =	vld [tilespmem:s0+$0x30]  }
0x5d6: {  	[tilespmem:s10+$0x0] =	vst.add.f32.msk $0xffff, v5  }
0x5d7: {  	s17 =	sor.u32 $0x30, s3;
	v5 =	vld [tilespmem:s14+$0x40]  }
0x5d8: {  	[tilespmem:s17+$0x0] =	vst.add.f32.msk $0xffff, v4  }
0x5d9: {  	s11 =	sor.u32 $0x30, s5;
	v4 =	vld [tilespmem:s16+$0x40]  }
0x5da: {  	[tilespmem:s11+$0x0] =	vst.add.f32.msk $0xffff, v3  }
0x5db: {  	s18 =	sor.u32 $0x40, s1;
	v3 =	vld [tilespmem:s0+$0x40]  }
0x5dc: {  	[tilespmem:s18+$0x0] =	vst.add.f32.msk $0xffff, v5  }
0x5dd: {  	s22 =	sor.u32 $0x40, s3;
	v5 =	vld [tilespmem:s14+$0x50]  }
0x5de: {  	[tilespmem:s22+$0x0] =	vst.add.f32.msk $0xffff, v4  }
0x5df: {  	s19 =	sor.u32 $0x40, s5;
	v4 =	vld [tilespmem:s16+$0x50]  }
0x5e0: {  	[tilespmem:s19+$0x0] =	vst.add.f32.msk $0xffff, v3  }
0x5e1: {  	s25 =	sor.u32 $0x50, s1;
	v3 =	vld [tilespmem:s0+$0x50]  }
0x5e2: {  	[tilespmem:s25+$0x0] =	vst.add.f32.msk $0xffff, v5  }
0x5e3: {  	s28 =	sor.u32 $0x50, s3;
	v5 =	vld [tilespmem:s14+$0x60]  }
0x5e4: {  	[tilespmem:s28+$0x0] =	vst.add.f32.msk $0xffff, v4  }
0x5e5: {  	s26 =	sor.u32 $0x50, s5;
	v4 =	vld [tilespmem:s16+$0x60]  }
0x5e6: {  	[tilespmem:s26+$0x0] =	vst.add.f32.msk $0xffff, v3  }
0x5e7: {  	s29 =	sor.u32 $0x60, s1;
	v3 =	vld [tilespmem:s0+$0x60]  }
0x5e8: {  	[tilespmem:s29+$0x0] =	vst.add.f32.msk $0xffff, v5  }
0x5e9: {  	s31 =	sor.u32 $0x60, s3;
	v5 =	vld [tilespmem:s14+$0x70]  }
0x5ea: {  	[tilespmem:s31+$0x0] =	vst.add.f32.msk $0xffff, v4  }
0x5eb: {  	s30 =	sor.u32 $0x60, s5;
	v4 =	vld [tilespmem:s16+$0x70]  }
0x5ec: {  	[tilespmem:s30+$0x0] =	vst.add.f32.msk $0xffff, v3  }
0x5ed: {  	s7 =	sor.u32 $0x70, s1;
	v3 =	vld [tilespmem:s0+$0x70]  }
0x5ee: {  	[tilespmem:s7+$0x0] =	vst.add.f32.msk $0xffff, v5  }
0x5ef: {  	s11 =	sor.u32 $0x70, s3;
	v5 =	vld [tilespmem:s14+$0x400]  }
0x5f0: {  	[tilespmem:s11+$0x0] =	vst.add.f32.msk $0xffff, v4  }
0x5f1: {  	s8 =	sor.u32 $0x70, s5;
	s10 =	sadd.s32 $0x19800, s15;
	v4 =	vld [tilespmem:s16+$0x400]  }
0x5f2: {  	s1 =	sor.u32 s23, s10;
	s17 =	sadd.s32 $0xC800, s6;
	[tilespmem:s8+$0x0] =	vst.add.f32.msk $0xffff, v3  }
0x5f3: {  	s3 =	sor.u32 s13, s17;
	v3 =	vld [tilespmem:s1+$0x0]  }
0x5f4: {  	[tilespmem:s3+$0x0] =	vst.add.f32.msk $0xffff, v5  }
0x5f5: {  	s5 =	sor.u32 s21, s17;
	v5 =	vld [tilespmem:s14+$0x410]  }
0x5f6: {  	s11 =	sadd.s32 $0xD800, s15;
	[tilespmem:s5+$0x0] =	vst.add.f32.msk $0xffff, v4  }
0x5f7: {  	s0 =	sor.u32 s23, s11;
	v4 =	vld [tilespmem:s16+$0x410]  }
0x5f8: {  	[tilespmem:s0+$0x0] =	vst.add.f32.msk $0xffff, v3  }
0x5f9: {  	s18 =	sor.u32 $0x10, s3;
	v3 =	vld [tilespmem:s1+$0x10]  }
0x5fa: {  	[tilespmem:s18+$0x0] =	vst.add.f32.msk $0xffff, v5  }
0x5fb: {  	s22 =	sor.u32 $0x10, s5;
	v5 =	vld [tilespmem:s14+$0x420]  }
0x5fc: {  	[tilespmem:s22+$0x0] =	vst.add.f32.msk $0xffff, v4  }
0x5fd: {  	s19 =	sor.u32 $0x10, s0;
	v4 =	vld [tilespmem:s16+$0x420]  }
0x5fe: {  	[tilespmem:s19+$0x0] =	vst.add.f32.msk $0xffff, v3  }
0x5ff: {  	s23 =	sor.u32 $0x20, s3;
	v3 =	vld [tilespmem:s1+$0x20]  }
0x600: {  	[tilespmem:s23+$0x0] =	vst.add.f32.msk $0xffff, v5  }
0x601: {  	s26 =	sor.u32 $0x20, s5;
	v5 =	vld [tilespmem:s14+$0x430]  }
0x602: {  	[tilespmem:s26+$0x0] =	vst.add.f32.msk $0xffff, v4  }
0x603: {  	s25 =	sor.u32 $0x20, s0;
	v4 =	vld [tilespmem:s16+$0x430]  }
0x604: {  	[tilespmem:s25+$0x0] =	vst.add.f32.msk $0xffff, v3  }
0x605: {  	s28 =	sor.u32 $0x30, s3;
	v3 =	vld [tilespmem:s1+$0x30]  }
0x606: {  	[tilespmem:s28+$0x0] =	vst.add.f32.msk $0xffff, v5  }
0x607: {  	s30 =	sor.u32 $0x30, s5;
	v5 =	vld [tilespmem:s14+$0x440]  }
0x608: {  	[tilespmem:s30+$0x0] =	vst.add.f32.msk $0xffff, v4  }
0x609: {  	s29 =	sor.u32 $0x30, s0;
	v4 =	vld [tilespmem:s16+$0x440]  }
0x60a: {  	[tilespmem:s29+$0x0] =	vst.add.f32.msk $0xffff, v3  }
0x60b: {  	s31 =	sor.u32 $0x40, s3;
	v3 =	vld [tilespmem:s1+$0x40]  }
0x60c: {  	[tilespmem:s31+$0x0] =	vst.add.f32.msk $0xffff, v5  }
0x60d: {  	s15 =	sor.u32 $0x40, s5;
	v5 =	vld [tilespmem:s14+$0x450]  }
0x60e: {  	[tilespmem:s15+$0x0] =	vst.add.f32.msk $0xffff, v4  }
0x60f: {  	s8 =	sor.u32 $0x40, s0;
	v4 =	vld [tilespmem:s16+$0x450]  }
0x610: {  	[tilespmem:s8+$0x0] =	vst.add.f32.msk $0xffff, v3  }
0x611: {  	v3 =	vld [tilespmem:s1+$0x50]  }
0x612: {  	v6 =	vld [tilespmem:s4+$0x70];
	s17 =	sor.u32 $0x50, s3  }
0x613: {  	s19 =	sor.u32 $0x50, s5;
	[tilespmem:s17+$0x0] =	vst.add.f32.msk $0xffff, v5  }
0x614: {  	[tilespmem:s19+$0x0] =	vst.add.f32.msk $0xffff, v4  }
0x615: {  	s18 =	sor.u32 $0x50, s0;
	v5 =	vld [tilespmem:s16+$0x460]  }
0x616: {  	[tilespmem:s18+$0x0] =	vst.add.f32.msk $0xffff, v3  }
0x617: {  	s2 =	sor.u32 $0x70, s2;
	v3 =	vld [tilespmem:s14+$0x460]  }
0x618: {  	[tilespmem:s2+$0x0] =	vst.add.f32.msk $0xffff, v6  }
0x619: {  	s25 =	sor.u32 $0x60, s5;
	v4 =	vld [tilespmem:s1+$0x60]  }
0x61a: {  	s2 =	sor.u32 s24, s9;
	[tilespmem:s25+$0x0] =	vst.add.f32.msk $0xffff, v5  }
0x61b: {  	s22 =	sor.u32 $0x60, s3;
	v5 =	vld [tilespmem:s2+$0x0]  }
0x61c: {  	[tilespmem:s22+$0x0] =	vst.add.f32.msk $0xffff, v3  }
0x61d: {  	s23 =	sor.u32 $0x60, s0;
	v6 =	vld [tilespmem:s14+$0x470]  }
0x61e: {  	[tilespmem:s23+$0x0] =	vst.add.f32.msk $0xffff, v4  }
0x61f: {  	s7 =	sor.u32 s24, s12;
	v4 =	vld [tilespmem:s16+$0x470]  }
0x620: {  	[tilespmem:s7+$0x0] =	vst.add.f32.msk $0xffff, v5  }
0x621: {  	v5 =	vld [tilespmem:s2+$0x10]  }
0x622: {  	s26 =	sor.u32 $0x70, s3;
	v3 =	vld [tilespmem:s1+$0x70]  }
0x623: {  	s28 =	sadd.s32 $0x18C00, s6;
	s5 =	sor.u32 $0x70, s5;
	[tilespmem:s26+$0x0] =	vst.add.f32.msk $0xffff, v6  }
0x624: {  	s3 =	sor.u32 s13, s28;
	[tilespmem:s5+$0x0] =	vst.add.f32.msk $0xffff, v4  }
0x625: {  	s1 =	sor.u32 s21, s28;
	v6 =	vld [tilespmem:s3+$0x0]  }
0x626: {  	v4 =	vld [tilespmem:s1+$0x0]  }
0x627: {  	s8 =	sor.u32 $0x10, s7  }
0x628: {  	s29 =	sadd.s32 $0xCC00, s6;
	[tilespmem:s8+$0x0] =	vst.add.f32.msk $0xffff, v5  }
0x629: {  	s4 =	sor.u32 s13, s29;
	v5 =	vld [tilespmem:s2+$0x20]  }
0x62a: {  	s5 =	sor.u32 s21, s29;
	[tilespmem:s4+$0x0] =	vst.add.f32.msk $0xffff, v6  }
0x62b: {  	[tilespmem:s5+$0x0] =	vst.add.f32.msk $0xffff, v4  }
0x62c: {  	v6 =	vld [tilespmem:s3+$0x10]  }
0x62d: {  	v4 =	vld [tilespmem:s1+$0x10]  }
0x62e: {  	s9 =	sor.u32 $0x20, s7  }
0x62f: {  	[tilespmem:s9+$0x0] =	vst.add.f32.msk $0xffff, v5  }
0x630: {  	s30 =	sor.u32 $0x10, s4;
	v5 =	vld [tilespmem:s2+$0x30]  }
0x631: {  	s31 =	sor.u32 $0x10, s5;
	[tilespmem:s30+$0x0] =	vst.add.f32.msk $0xffff, v6  }
0x632: {  	[tilespmem:s31+$0x0] =	vst.add.f32.msk $0xffff, v4  }
0x633: {  	v6 =	vld [tilespmem:s3+$0x20]  }
0x634: {  	v4 =	vld [tilespmem:s1+$0x20]  }
0x635: {  	s15 =	sor.u32 $0x30, s7  }
0x636: {  	[tilespmem:s15+$0x0] =	vst.add.f32.msk $0xffff, v5  }
0x637: {  	s12 =	sor.u32 $0x20, s4;
	v5 =	vld [tilespmem:s2+$0x40]  }
0x638: {  	s14 =	sor.u32 $0x20, s5;
	[tilespmem:s12+$0x0] =	vst.add.f32.msk $0xffff, v6  }
0x639: {  	[tilespmem:s14+$0x0] =	vst.add.f32.msk $0xffff, v4  }
0x63a: {  	v6 =	vld [tilespmem:s3+$0x30]  }
0x63b: {  	v4 =	vld [tilespmem:s1+$0x30]  }
0x63c: {  	s18 =	sor.u32 $0x40, s7  }
0x63d: {  	[tilespmem:s18+$0x0] =	vst.add.f32.msk $0xffff, v5  }
0x63e: {  	s16 =	sor.u32 $0x30, s4;
	v5 =	vld [tilespmem:s2+$0x50]  }
0x63f: {  	s17 =	sor.u32 $0x30, s5;
	[tilespmem:s16+$0x0] =	vst.add.f32.msk $0xffff, v6  }
0x640: {  	[tilespmem:s17+$0x0] =	vst.add.f32.msk $0xffff, v4  }
0x641: {  	v6 =	vld [tilespmem:s3+$0x40]  }
0x642: {  	v4 =	vld [tilespmem:s1+$0x40]  }
0x643: {  	s23 =	sor.u32 $0x50, s7  }
0x644: {  	[tilespmem:s23+$0x0] =	vst.add.f32.msk $0xffff, v5  }
0x645: {  	s19 =	sor.u32 $0x40, s4;
	v5 =	vld [tilespmem:s2+$0x60]  }
0x646: {  	s22 =	sor.u32 $0x40, s5;
	[tilespmem:s19+$0x0] =	vst.add.f32.msk $0xffff, v6  }
0x647: {  	[tilespmem:s22+$0x0] =	vst.add.f32.msk $0xffff, v4  }
0x648: {  	v6 =	vld [tilespmem:s3+$0x50]  }
0x649: {  	v4 =	vld [tilespmem:s1+$0x50]  }
0x64a: {  	s28 =	sor.u32 $0x60, s7  }
0x64b: {  	[tilespmem:s28+$0x0] =	vst.add.f32.msk $0xffff, v5  }
0x64c: {  	s25 =	sor.u32 $0x50, s4;
	v5 =	vld [tilespmem:s2+$0x70]  }
0x64d: {  	s26 =	sor.u32 $0x50, s5;
	[tilespmem:s25+$0x0] =	vst.add.f32.msk $0xffff, v6  }
0x64e: {  	[tilespmem:s26+$0x0] =	vst.add.f32.msk $0xffff, v4  }
0x64f: {  	v6 =	vld [tilespmem:s3+$0x60]  }
0x650: {  	v4 =	vld [tilespmem:s1+$0x60]  }
0x651: {  	s31 =	sor.u32 $0x70, s7  }
0x652: {  	s23 =	sor.u32 s24, s10;
	[tilespmem:s31+$0x0] =	vst.add.f32.msk $0xffff, v5  }
0x653: {  	s29 =	sor.u32 $0x60, s4;
	v5 =	vld [tilespmem:s23+$0x0]  }
0x654: {  	s30 =	sor.u32 $0x60, s5;
	[tilespmem:s29+$0x0] =	vst.add.f32.msk $0xffff, v6  }
0x655: {  	[tilespmem:s30+$0x0] =	vst.add.f32.msk $0xffff, v4  }
0x656: {  	v6 =	vld [tilespmem:s3+$0x70]  }
0x657: {  	v4 =	vld [tilespmem:s1+$0x70]  }
0x658: {  	s7 =	sor.u32 s24, s11  }
0x659: {  	[tilespmem:s7+$0x0] =	vst.add.f32.msk $0xffff, v5  }
0x65a: {  	s4 =	sor.u32 $0x70, s4;
	v5 =	vld [tilespmem:s23+$0x10]  }
0x65b: {  	s5 =	sor.u32 $0x70, s5;
	s3 =	sadd.s32 $0x19000, s6;
	[tilespmem:s4+$0x0] =	vst.add.f32.msk $0xffff, v6  }
0x65c: {  	s4 =	sor.u32 s13, s3;
	[tilespmem:s5+$0x0] =	vst.add.f32.msk $0xffff, v4  }
0x65d: {  	s9 =	sor.u32 s21, s3;
	v6 =	vld [tilespmem:s4+$0x0]  }
0x65e: {  	v4 =	vld [tilespmem:s9+$0x0]  }
0x65f: {  	s10 =	sor.u32 $0x10, s7  }
0x660: {  	s8 =	sadd.s32 $0xD000, s6;
	[tilespmem:s10+$0x0] =	vst.add.f32.msk $0xffff, v5  }
0x661: {  	s11 =	sor.u32 s13, s8;
	v5 =	vld [tilespmem:s23+$0x20]  }
0x662: {  	s2 =	sor.u32 s21, s8;
	[tilespmem:s11+$0x0] =	vst.add.f32.msk $0xffff, v6  }
0x663: {  	[tilespmem:s2+$0x0] =	vst.add.f32.msk $0xffff, v4  }
0x664: {  	v6 =	vld [tilespmem:s4+$0x10]  }
0x665: {  	v4 =	vld [tilespmem:s9+$0x10]  }
0x666: {  	s15 =	sor.u32 $0x20, s7  }
0x667: {  	[tilespmem:s15+$0x0] =	vst.add.f32.msk $0xffff, v5  }
0x668: {  	s12 =	sor.u32 $0x10, s11;
	v5 =	vld [tilespmem:s23+$0x30]  }
0x669: {  	s14 =	sor.u32 $0x10, s2;
	[tilespmem:s12+$0x0] =	vst.add.f32.msk $0xffff, v6  }
0x66a: {  	[tilespmem:s14+$0x0] =	vst.add.f32.msk $0xffff, v4  }
0x66b: {  	v6 =	vld [tilespmem:s4+$0x20]  }
0x66c: {  	v4 =	vld [tilespmem:s9+$0x20]  }
0x66d: {  	s18 =	sor.u32 $0x30, s7  }
0x66e: {  	[tilespmem:s18+$0x0] =	vst.add.f32.msk $0xffff, v5  }
0x66f: {  	s16 =	sor.u32 $0x20, s11;
	v5 =	vld [tilespmem:s23+$0x40]  }
0x670: {  	s17 =	sor.u32 $0x20, s2;
	[tilespmem:s16+$0x0] =	vst.add.f32.msk $0xffff, v6  }
0x671: {  	[tilespmem:s17+$0x0] =	vst.add.f32.msk $0xffff, v4  }
0x672: {  	v6 =	vld [tilespmem:s4+$0x30]  }
0x673: {  	v4 =	vld [tilespmem:s9+$0x30]  }
0x674: {  	s24 =	sor.u32 $0x40, s7  }
0x675: {  	[tilespmem:s24+$0x0] =	vst.add.f32.msk $0xffff, v5  }
0x676: {  	s19 =	sor.u32 $0x30, s11;
	v5 =	vld [tilespmem:s23+$0x50]  }
0x677: {  	s22 =	sor.u32 $0x30, s2;
	[tilespmem:s19+$0x0] =	vst.add.f32.msk $0xffff, v6  }
0x678: {  	[tilespmem:s22+$0x0] =	vst.add.f32.msk $0xffff, v4  }
0x679: {  	v6 =	vld [tilespmem:s4+$0x40]  }
0x67a: {  	v4 =	vld [tilespmem:s9+$0x40]  }
0x67b: {  	s28 =	sor.u32 $0x50, s7  }
0x67c: {  	[tilespmem:s28+$0x0] =	vst.add.f32.msk $0xffff, v5  }
0x67d: {  	s25 =	sor.u32 $0x40, s11;
	v5 =	vld [tilespmem:s23+$0x60]  }
0x67e: {  	s26 =	sor.u32 $0x40, s2;
	[tilespmem:s25+$0x0] =	vst.add.f32.msk $0xffff, v6  }
0x67f: {  	[tilespmem:s26+$0x0] =	vst.add.f32.msk $0xffff, v4  }
0x680: {  	v6 =	vld [tilespmem:s4+$0x50]  }
0x681: {  	v4 =	vld [tilespmem:s9+$0x50]  }
0x682: {  	s0 =	sor.u32 $0x70, s0  }
0x683: {  	[tilespmem:s0+$0x0] =	vst.add.f32.msk $0xffff, v3;
	s31 =	sor.u32 $0x60, s7  }
0x684: {  	s29 =	sor.u32 $0x50, s11;
	[tilespmem:s31+$0x0] =	vst.add.f32.msk $0xffff, v5  }
0x685: {  	s30 =	sor.u32 $0x50, s2;
	[tilespmem:s29+$0x0] =	vst.add.f32.msk $0xffff, v6  }
0x686: {  	[tilespmem:s30+$0x0] =	vst.add.f32.msk $0xffff, v4  }
0x687: {  	s0 =	sor.u32 $0x60, s2;
	v3 =	vld [tilespmem:s4+$0x60]  }
0x688: {  	s14 =	sor.u32 $0x70, s2;
	s24 =	simm.s32 $0x2;
	s25 =	sor.u32 $0x70, s7;
	v4 =	vld [tilespmem:s9+$0x60]  }
.LBB2_7:
0x689: {  	_ =	sdelay $0x2  }
0x68a: {  	s24 =	sadd.s32 $0x2, s24;
	s1 =	sor.u32 $0x60, s11;
	v5 =	vld [tilespmem:s23+$0x70]  }
0x68b: {  	s2 =	sshrl.u32 s24, $0x3;
	[tilespmem:s1+$0x0] =	vst.add.f32.msk $0xffff, v3  }
0x68c: {  	s2 =	smul.u32 $0x1800, s2;
	[tilespmem:s0+$0x0] =	vst.add.f32.msk $0xffff, v4  }
0x68d: {  	s20 =	sadd.s32 $0x100, s20;
	v3 =	vld [tilespmem:s4+$0x70]  }
0x68e: {  	s10 =	sand.u32 $0x300, s20;
	s18 =	sadd.s32 $0x18400, s2;
	v4 =	vld [tilespmem:s9+$0x70]  }
0x68f: {  	s4 =	sor.u32 $0x80, s10;
	s19 =	sor.u32 s10, s18;
	[tilespmem:s25+$0x0] =	vst.add.f32.msk $0xffff, v5  }
0x690: {  	s0 =	sor.u32 s4, s18;
	v6 =	vld [tilespmem:s19+$0x0]  }
0x691: {  	s3 =	sor.u32 $0x70, s11;
	v5 =	vld [tilespmem:s0+$0x0]  }
0x692: {  	s22 =	sadd.s32 $0x19400, s6;
	[tilespmem:s3+$0x0] =	vst.add.f32.msk $0xffff, v3  }
0x693: {  	s5 =	sor.u32 s13, s22;
	s23 =	sadd.s32 $0xC400, s2;
	[tilespmem:s14+$0x0] =	vst.add.f32.msk $0xffff, v4  }
0x694: {  	s25 =	sor.u32 s10, s23;
	v3 =	vld [tilespmem:s5+$0x0]  }
0x695: {  	s1 =	sor.u32 s4, s23;
	[tilespmem:s25+$0x0] =	vst.add.f32.msk $0xffff, v6  }
0x696: {  	[tilespmem:s1+$0x0] =	vst.add.f32.msk $0xffff, v5  }
0x697: {  	v5 =	vld [tilespmem:s19+$0x10]  }
0x698: {  	s28 =	sadd.s32 $0xD400, s6;
	v4 =	vld [tilespmem:s0+$0x10]  }
0x699: {  	s7 =	sor.u32 s13, s28  }
0x69a: {  	[tilespmem:s7+$0x0] =	vst.add.f32.msk $0xffff, v3  }
0x69b: {  	s15 =	sor.u32 $0x10, s25;
	v3 =	vld [tilespmem:s5+$0x10]  }
0x69c: {  	s29 =	sor.u32 $0x10, s1;
	[tilespmem:s15+$0x0] =	vst.add.f32.msk $0xffff, v5  }
0x69d: {  	[tilespmem:s29+$0x0] =	vst.add.f32.msk $0xffff, v4  }
0x69e: {  	v5 =	vld [tilespmem:s19+$0x20]  }
0x69f: {  	v4 =	vld [tilespmem:s0+$0x20]  }
0x6a0: {  	s29 =	sor.u32 $0x10, s7  }
0x6a1: {  	s16 =	sor.u32 s21, s28;
	[tilespmem:s29+$0x0] =	vst.add.f32.msk $0xffff, v3  }
0x6a2: {  	s30 =	sor.u32 $0x40, s16;
	s17 =	sor.u32 $0x20, s25;
	v3 =	vld [tilespmem:s5+$0x20]  }
0x6a3: {  	[dreg:$0xf] =	wrdreg s30;
	s30 =	sor.u32 $0x20, s1;
	[tilespmem:s17+$0x0] =	vst.add.f32.msk $0xffff, v5  }
0x6a4: {  	[tilespmem:s30+$0x0] =	vst.add.f32.msk $0xffff, v4  }
0x6a5: {  	v5 =	vld [tilespmem:s19+$0x30]  }
0x6a6: {  	s31 =	sor.u32 $0x50, s16;
	v4 =	vld [tilespmem:s0+$0x30]  }
0x6a7: {  	[dreg:$0xc] =	wrdreg s31;
	s31 =	sor.u32 $0x20, s7  }
0x6a8: {  	[tilespmem:s31+$0x0] =	vst.add.f32.msk $0xffff, v3  }
0x6a9: {  	s18 =	sor.u32 $0x30, s25;
	v3 =	vld [tilespmem:s5+$0x30]  }
0x6aa: {  	s17 =	sor.u32 $0x30, s1;
	[tilespmem:s18+$0x0] =	vst.add.f32.msk $0xffff, v5  }
0x6ab: {  	[tilespmem:s17+$0x0] =	vst.add.f32.msk $0xffff, v4  }
0x6ac: {  	v5 =	vld [tilespmem:s19+$0x40]  }
0x6ad: {  	s26 =	sor.u32 s21, s22;
	s22 =	sor.u32 $0x30, s16;
	v4 =	vld [tilespmem:s0+$0x40]  }
0x6ae: {  	[dreg:$0x12] =	wrdreg s22;
	s22 =	sor.u32 $0x30, s7  }
0x6af: {  	[tilespmem:s22+$0x0] =	vst.add.f32.msk $0xffff, v3  }
0x6b0: {  	s14 =	sor.u32 $0x40, s25;
	v3 =	vld [tilespmem:s5+$0x40]  }
0x6b1: {  	s23 =	sor.u32 $0x40, s1;
	[tilespmem:s14+$0x0] =	vst.add.f32.msk $0xffff, v5  }
0x6b2: {  	[tilespmem:s23+$0x0] =	vst.add.f32.msk $0xffff, v4  }
0x6b3: {  	s8 =	sor.u32 $0x60, s25;
	v5 =	vld [tilespmem:s19+$0x50]  }
0x6b4: {  	s12 =	sor.u32 $0x70, s25;
	s3 =	sor.u32 $0x50, s25;
	s25 =	sor.u32 $0x60, s16;
	v4 =	vld [tilespmem:s0+$0x50]  }
0x6b5: {  	[dreg:$0x9] =	wrdreg s25;
	s25 =	sor.u32 $0x40, s7  }
0x6b6: {  	[tilespmem:s25+$0x0] =	vst.add.f32.msk $0xffff, v3  }
0x6b7: {  	s28 =	sor.u32 $0x70, s16;
	v3 =	vld [tilespmem:s5+$0x50]  }
0x6b8: {  	[dreg:$0x6] =	wrdreg s28;
	s28 =	sor.u32 $0x50, s1;
	[tilespmem:s3+$0x0] =	vst.add.f32.msk $0xffff, v5  }
0x6b9: {  	[tilespmem:s28+$0x0] =	vst.add.f32.msk $0xffff, v4  }
0x6ba: {  	v5 =	vld [tilespmem:s19+$0x60]  }
0x6bb: {  	v4 =	vld [tilespmem:s0+$0x60]  }
0x6bc: {  	s29 =	sor.u32 $0x50, s7  }
0x6bd: {  	[tilespmem:s29+$0x0] =	vst.add.f32.msk $0xffff, v3  }
0x6be: {  	v3 =	vld [tilespmem:s5+$0x60]  }
0x6bf: {  	s30 =	sor.u32 $0x60, s1;
	[tilespmem:s8+$0x0] =	vst.add.f32.msk $0xffff, v5  }
0x6c0: {  	[tilespmem:s30+$0x0] =	vst.add.f32.msk $0xffff, v4  }
0x6c1: {  	v5 =	vld [tilespmem:s19+$0x70]  }
0x6c2: {  	v4 =	vld [tilespmem:s0+$0x70]  }
0x6c3: {  	s31 =	sor.u32 $0x60, s7  }
0x6c4: {  	[tilespmem:s31+$0x0] =	vst.add.f32.msk $0xffff, v3  }
0x6c5: {  	v3 =	vld [tilespmem:s5+$0x70]  }
0x6c6: {  	s1 =	sor.u32 $0x70, s1;
	[tilespmem:s12+$0x0] =	vst.add.f32.msk $0xffff, v5  }
0x6c7: {  	[tilespmem:s1+$0x0] =	vst.add.f32.msk $0xffff, v4  }
0x6c8: {  	v5 =	vld [tilespmem:s19+$0x400]  }
0x6c9: {  	v4 =	vld [tilespmem:s0+$0x400]  }
0x6ca: {  	s14 =	sor.u32 $0x70, s7;
	s8 =	sadd.s32 $0x19800, s6  }
0x6cb: {  	s15 =	sadd.s32 $0xC800, s2;
	s5 =	sor.u32 s13, s8;
	[tilespmem:s14+$0x0] =	vst.add.f32.msk $0xffff, v3  }
0x6cc: {  	s17 =	sor.u32 s10, s15;
	v3 =	vld [tilespmem:s5+$0x0]  }
0x6cd: {  	s18 =	sor.u32 s4, s15;
	[tilespmem:s17+$0x0] =	vst.add.f32.msk $0xffff, v5  }
0x6ce: {  	[tilespmem:s18+$0x0] =	vst.add.f32.msk $0xffff, v4  }
0x6cf: {  	v5 =	vld [tilespmem:s19+$0x410]  }
0x6d0: {  	s22 =	sadd.s32 $0xD800, s6;
	v4 =	vld [tilespmem:s0+$0x410]  }
0x6d1: {  	s7 =	sor.u32 s13, s22  }
0x6d2: {  	[tilespmem:s7+$0x0] =	vst.add.f32.msk $0xffff, v3  }
0x6d3: {  	s31 =	sor.u32 $0x10, s17;
	v3 =	vld [tilespmem:s5+$0x10]  }
0x6d4: {  	s25 =	sor.u32 $0x10, s18;
	[tilespmem:s31+$0x0] =	vst.add.f32.msk $0xffff, v5  }
0x6d5: {  	[tilespmem:s25+$0x0] =	vst.add.f32.msk $0xffff, v4  }
0x6d6: {  	v5 =	vld [tilespmem:s19+$0x420]  }
0x6d7: {  	v4 =	vld [tilespmem:s0+$0x420]  }
0x6d8: {  	s13 =	smov.u32 s4;
	s4 =	sor.u32 $0x10, s7  }
0x6d9: {  	[tilespmem:s4+$0x0] =	vst.add.f32.msk $0xffff, v3  }
0x6da: {  	s28 =	sor.u32 $0x20, s17;
	v3 =	vld [tilespmem:s5+$0x20]  }
0x6db: {  	s31 =	sor.u32 $0x20, s18;
	[tilespmem:s28+$0x0] =	vst.add.f32.msk $0xffff, v5  }
0x6dc: {  	[tilespmem:s31+$0x0] =	vst.add.f32.msk $0xffff, v4  }
0x6dd: {  	v5 =	vld [tilespmem:s19+$0x430]  }
0x6de: {  	v4 =	vld [tilespmem:s0+$0x430]  }
0x6df: {  	s31 =	sor.u32 $0x20, s7  }
0x6e0: {  	[tilespmem:s31+$0x0] =	vst.add.f32.msk $0xffff, v3  }
0x6e1: {  	s30 =	sor.u32 $0x30, s17;
	v3 =	vld [tilespmem:s5+$0x30]  }
0x6e2: {  	s31 =	sor.u32 $0x30, s18;
	[tilespmem:s30+$0x0] =	vst.add.f32.msk $0xffff, v5  }
0x6e3: {  	[tilespmem:s31+$0x0] =	vst.add.f32.msk $0xffff, v4  }
0x6e4: {  	v5 =	vld [tilespmem:s19+$0x440]  }
0x6e5: {  	v4 =	vld [tilespmem:s0+$0x440]  }
0x6e6: {  	s28 =	sor.u32 $0x30, s7  }
0x6e7: {  	[tilespmem:s28+$0x0] =	vst.add.f32.msk $0xffff, v3  }
0x6e8: {  	s29 =	sor.u32 $0x40, s17;
	v3 =	vld [tilespmem:s5+$0x40]  }
0x6e9: {  	s31 =	sor.u32 $0x40, s18;
	[tilespmem:s29+$0x0] =	vst.add.f32.msk $0xffff, v5  }
0x6ea: {  	[tilespmem:s31+$0x0] =	vst.add.f32.msk $0xffff, v4  }
0x6eb: {  	v5 =	vld [tilespmem:s19+$0x450]  }
0x6ec: {  	v4 =	vld [tilespmem:s0+$0x450]  }
0x6ed: {  	s28 =	sor.u32 $0x40, s7  }
0x6ee: {  	[tilespmem:s28+$0x0] =	vst.add.f32.msk $0xffff, v3  }
0x6ef: {  	s3 =	sor.u32 $0x50, s17;
	v3 =	vld [tilespmem:s5+$0x50]  }
0x6f0: {  	s30 =	sor.u32 $0x50, s18;
	[tilespmem:s3+$0x0] =	vst.add.f32.msk $0xffff, v5  }
0x6f1: {  	[tilespmem:s30+$0x0] =	vst.add.f32.msk $0xffff, v4  }
0x6f2: {  	v5 =	vld [tilespmem:s19+$0x460]  }
0x6f3: {  	v4 =	vld [tilespmem:s0+$0x460]  }
0x6f4: {  	s31 =	sor.u32 $0x50, s7  }
0x6f5: {  	[tilespmem:s31+$0x0] =	vst.add.f32.msk $0xffff, v3  }
0x6f6: {  	s23 =	sor.u32 s21, s8;
	s8 =	sor.u32 $0x60, s17;
	v3 =	vld [tilespmem:s5+$0x60]  }
0x6f7: {  	s4 =	sor.u32 $0x60, s18;
	[tilespmem:s8+$0x0] =	vst.add.f32.msk $0xffff, v5  }
0x6f8: {  	[tilespmem:s4+$0x0] =	vst.add.f32.msk $0xffff, v4  }
0x6f9: {  	v5 =	vld [tilespmem:s19+$0x470]  }
0x6fa: {  	v4 =	vld [tilespmem:s0+$0x470]  }
0x6fb: {  	s28 =	sor.u32 $0x60, s7;
	v6 =	vld [tilespmem:s26+$0x0]  }
0x6fc: {  	[tilespmem:s28+$0x0] =	vst.add.f32.msk $0xffff, v3  }
0x6fd: {  	s6 =	smov.u32 s2;
	s1 =	sor.u32 $0x70, s17;
	s14 =	sor.u32 s21, s22;
	v3 =	vld [tilespmem:s5+$0x70]  }
0x6fe: {  	s21 =	smov.u32 s10;
	s29 =	sor.u32 $0x70, s18;
	s30 =	sadd.s32 $0x18C00, s6;
	[tilespmem:s1+$0x0] =	vst.add.f32.msk $0xffff, v5  }
0x6ff: {  	s0 =	sor.u32 s21, s30;
	[tilespmem:s29+$0x0] =	vst.add.f32.msk $0xffff, v4  }
0x700: {  	v4 =	vld [tilespmem:s0+$0x0]  }
0x701: {  	[tilespmem:s16+$0x0] =	vst.add.f32.msk $0xffff, v6  }
0x702: {  	s31 =	sor.u32 $0x70, s7;
	v5 =	vld [tilespmem:s26+$0x10]  }
0x703: {  	s7 =	sadd.s32 $0xCC00, s6;
	s4 =	sor.u32 s13, s30;
	[tilespmem:s31+$0x0] =	vst.add.f32.msk $0xffff, v3  }
0x704: {  	s8 =	sor.u32 s21, s7;
	v3 =	vld [tilespmem:s4+$0x0]  }
0x705: {  	[tilespmem:s8+$0x0] =	vst.add.f32.msk $0xffff, v4  }
0x706: {  	s9 =	sor.u32 $0x10, s16;
	v4 =	vld [tilespmem:s0+$0x10]  }
0x707: {  	[tilespmem:s9+$0x0] =	vst.add.f32.msk $0xffff, v5  }
0x708: {  	s1 =	sor.u32 s13, s7;
	v5 =	vld [tilespmem:s26+$0x20]  }
0x709: {  	[tilespmem:s1+$0x0] =	vst.add.f32.msk $0xffff, v3  }
0x70a: {  	s11 =	sor.u32 $0x20, s16;
	s16 =	sor.u32 $0x10, s8;
	v3 =	vld [tilespmem:s4+$0x10]  }
0x70b: {  	[tilespmem:s16+$0x0] =	vst.add.f32.msk $0xffff, v4  }
0x70c: {  	v4 =	vld [tilespmem:s0+$0x20]  }
0x70d: {  	[tilespmem:s11+$0x0] =	vst.add.f32.msk $0xffff, v5  }
0x70e: {  	s29 =	sor.u32 $0x10, s1;
	v5 =	vld [tilespmem:s26+$0x30]  }
0x70f: {  	[tilespmem:s29+$0x0] =	vst.add.f32.msk $0xffff, v3  }
0x710: {  	s18 =	sor.u32 $0x20, s8;
	v3 =	vld [tilespmem:s4+$0x20]  }
0x711: {  	[tilespmem:s18+$0x0] =	vst.add.f32.msk $0xffff, v4  }
0x712: {  	s31 =	rddreg [dreg:$0x12];
	v4 =	vld [tilespmem:s0+$0x30]  }
0x713: {  	[tilespmem:s31+$0x0] =	vst.add.f32.msk $0xffff, v5  }
0x714: {  	s30 =	sor.u32 $0x20, s1;
	v5 =	vld [tilespmem:s26+$0x40]  }
0x715: {  	[tilespmem:s30+$0x0] =	vst.add.f32.msk $0xffff, v3  }
0x716: {  	s19 =	sor.u32 $0x30, s8;
	v3 =	vld [tilespmem:s4+$0x30]  }
0x717: {  	[tilespmem:s19+$0x0] =	vst.add.f32.msk $0xffff, v4  }
0x718: {  	s11 =	rddreg [dreg:$0xf];
	v4 =	vld [tilespmem:s0+$0x40]  }
0x719: {  	[tilespmem:s11+$0x0] =	vst.add.f32.msk $0xffff, v5  }
0x71a: {  	s9 =	sor.u32 $0x30, s1;
	v5 =	vld [tilespmem:s26+$0x50]  }
0x71b: {  	[tilespmem:s9+$0x0] =	vst.add.f32.msk $0xffff, v3  }
0x71c: {  	s7 =	sor.u32 $0x40, s8;
	v3 =	vld [tilespmem:s4+$0x40]  }
0x71d: {  	[tilespmem:s7+$0x0] =	vst.add.f32.msk $0xffff, v4  }
0x71e: {  	s18 =	rddreg [dreg:$0xc];
	v4 =	vld [tilespmem:s0+$0x50]  }
0x71f: {  	[tilespmem:s18+$0x0] =	vst.add.f32.msk $0xffff, v5  }
0x720: {  	s16 =	sor.u32 $0x40, s1;
	v5 =	vld [tilespmem:s26+$0x60]  }
0x721: {  	[tilespmem:s16+$0x0] =	vst.add.f32.msk $0xffff, v3  }
0x722: {  	s28 =	sor.u32 $0x50, s8;
	v3 =	vld [tilespmem:s4+$0x50]  }
0x723: {  	[tilespmem:s28+$0x0] =	vst.add.f32.msk $0xffff, v4  }
0x724: {  	s28 =	rddreg [dreg:$0x9];
	v4 =	vld [tilespmem:s0+$0x60]  }
0x725: {  	[tilespmem:s28+$0x0] =	vst.add.f32.msk $0xffff, v5  }
0x726: {  	s19 =	sor.u32 $0x50, s1;
	v5 =	vld [tilespmem:s26+$0x70]  }
0x727: {  	[tilespmem:s19+$0x0] =	vst.add.f32.msk $0xffff, v3  }
0x728: {  	s3 =	sor.u32 $0x60, s8;
	v3 =	vld [tilespmem:s4+$0x60]  }
0x729: {  	[tilespmem:s3+$0x0] =	vst.add.f32.msk $0xffff, v4  }
0x72a: {  	s30 =	rddreg [dreg:$0x6];
	v4 =	vld [tilespmem:s0+$0x70]  }
0x72b: {  	[tilespmem:s30+$0x0] =	vst.add.f32.msk $0xffff, v5  }
0x72c: {  	s29 =	sor.u32 $0x60, s1;
	v5 =	vld [tilespmem:s23+$0x0]  }
0x72d: {  	[tilespmem:s29+$0x0] =	vst.add.f32.msk $0xffff, v3  }
0x72e: {  	s5 =	sor.u32 $0x70, s8;
	s31 =	sadd.s32 $0x19000, s6;
	v3 =	vld [tilespmem:s4+$0x70]  }
0x72f: {  	s9 =	sor.u32 s21, s31;
	[tilespmem:s5+$0x0] =	vst.add.f32.msk $0xffff, v4  }
0x730: {  	v4 =	vld [tilespmem:s9+$0x0]  }
0x731: {  	[tilespmem:s14+$0x0] =	vst.add.f32.msk $0xffff, v5  }
0x732: {  	s1 =	sor.u32 $0x70, s1;
	v5 =	vld [tilespmem:s23+$0x10]  }
0x733: {  	s3 =	sadd.s32 $0xD000, s6;
	s4 =	sor.u32 s13, s31;
	[tilespmem:s1+$0x0] =	vst.add.f32.msk $0xffff, v3  }
0x734: {  	s5 =	sor.u32 s21, s3;
	v3 =	vld [tilespmem:s4+$0x0]  }
0x735: {  	[tilespmem:s5+$0x0] =	vst.add.f32.msk $0xffff, v4  }
0x736: {  	s17 =	sor.u32 $0x10, s14;
	v4 =	vld [tilespmem:s9+$0x10]  }
0x737: {  	[tilespmem:s17+$0x0] =	vst.add.f32.msk $0xffff, v5  }
0x738: {  	s11 =	sor.u32 s13, s3;
	v5 =	vld [tilespmem:s23+$0x20]  }
0x739: {  	[tilespmem:s11+$0x0] =	vst.add.f32.msk $0xffff, v3  }
0x73a: {  	s7 =	sor.u32 $0x10, s5;
	v3 =	vld [tilespmem:s4+$0x10]  }
0x73b: {  	[tilespmem:s7+$0x0] =	vst.add.f32.msk $0xffff, v4  }
0x73c: {  	s2 =	sor.u32 $0x20, s14;
	v4 =	vld [tilespmem:s9+$0x20]  }
0x73d: {  	[tilespmem:s2+$0x0] =	vst.add.f32.msk $0xffff, v5  }
0x73e: {  	s26 =	sor.u32 $0x10, s11;
	v5 =	vld [tilespmem:s23+$0x30]  }
0x73f: {  	[tilespmem:s26+$0x0] =	vst.add.f32.msk $0xffff, v3  }
0x740: {  	s8 =	sor.u32 $0x20, s5;
	v3 =	vld [tilespmem:s4+$0x20]  }
0x741: {  	[tilespmem:s8+$0x0] =	vst.add.f32.msk $0xffff, v4  }
0x742: {  	s22 =	sor.u32 $0x30, s14;
	v4 =	vld [tilespmem:s9+$0x30]  }
0x743: {  	[tilespmem:s22+$0x0] =	vst.add.f32.msk $0xffff, v5  }
0x744: {  	s28 =	sor.u32 $0x20, s11;
	v5 =	vld [tilespmem:s23+$0x40]  }
0x745: {  	[tilespmem:s28+$0x0] =	vst.add.f32.msk $0xffff, v3  }
0x746: {  	s16 =	sor.u32 $0x30, s5;
	v3 =	vld [tilespmem:s4+$0x30]  }
0x747: {  	[tilespmem:s16+$0x0] =	vst.add.f32.msk $0xffff, v4  }
0x748: {  	s12 =	sor.u32 $0x40, s14;
	v4 =	vld [tilespmem:s9+$0x40]  }
0x749: {  	[tilespmem:s12+$0x0] =	vst.add.f32.msk $0xffff, v5  }
0x74a: {  	s29 =	sor.u32 $0x30, s11;
	v5 =	vld [tilespmem:s23+$0x50]  }
0x74b: {  	[tilespmem:s29+$0x0] =	vst.add.f32.msk $0xffff, v3  }
0x74c: {  	s18 =	sor.u32 $0x40, s5;
	v3 =	vld [tilespmem:s4+$0x40]  }
0x74d: {  	[tilespmem:s18+$0x0] =	vst.add.f32.msk $0xffff, v4  }
0x74e: {  	s10 =	sor.u32 $0x50, s14;
	v4 =	vld [tilespmem:s9+$0x50]  }
0x74f: {  	[tilespmem:s10+$0x0] =	vst.add.f32.msk $0xffff, v5  }
0x750: {  	s30 =	sor.u32 $0x40, s11;
	v5 =	vld [tilespmem:s23+$0x60]  }
0x751: {  	[tilespmem:s30+$0x0] =	vst.add.f32.msk $0xffff, v3  }
0x752: {  	v3 =	vld [tilespmem:s4+$0x50]  }
0x753: {  	p1 =	slt.u32 s24, $0x1E;
	s19 =	sor.u32 $0x50, s5  }
.Ltmp4:
0x754: {  	[tilespmem:s19+$0x0] =	vst.add.f32.msk $0xffff, v4;
	(pc) =	sbr.rel @p1 .LBB2_7-.Ltmp4, $4  }
0x755: {  	s15 =	sor.u32 $0x60, s14;
	v4 =	vld [tilespmem:s9+$0x60]  }
0x756: {  	s31 =	sor.u32 $0x50, s11;
	[tilespmem:s15+$0x0] =	vst.add.f32.msk $0xffff, v5  }
0x757: {  	[tilespmem:s31+$0x0] =	vst.add.f32.msk $0xffff, v3  }
0x758: {  	s25 =	sor.u32 $0x70, s14;
	s0 =	sor.u32 $0x60, s5;
	s14 =	sor.u32 $0x70, s5;
	v3 =	vld [tilespmem:s4+$0x60]  }
0x759: {  	_ =	sdelay $0x1  }
0x75a: {  	[tilespmem:s0+$0x0] =	vst.add.f32.msk $0xffff, v4  }
0x75b: {  	s1 =	sor.u32 $0x60, s11;
	v4 =	vld [tilespmem:s9+$0x70]  }
0x75c: {  	[tilespmem:s1+$0x0] =	vst.add.f32.msk $0xffff, v3  }
0x75d: {  	v3 =	vld [tilespmem:s4+$0x70];
	_ =	sdelay $0x1  }
0x75e: {  	s12 =	sadd.s32 $0x19400, s6  }
0x75f: {  	s0 =	sor.u32 s21, s12;
	[tilespmem:s14+$0x0] =	vst.add.f32.msk $0xffff, v4  }
0x760: {  	s15 =	sor.u32 $0x70, s11;
	v4 =	vld [tilespmem:s0+$0x0]  }
0x761: {  	s16 =	sor.u32 s13, s12;
	[tilespmem:s15+$0x0] =	vst.add.f32.msk $0xffff, v3  }
0x762: {  	v3 =	vld [tilespmem:s16+$0x0]  }
0x763: {  	s2 =	sadd.s32 $0xD400, s6  }
0x764: {  	s3 =	sor.u32 s13, s2;
	s2 =	sor.u32 s21, s2  }
0x765: {  	[tilespmem:s2+$0x0] =	vst.add.f32.msk $0xffff, v4  }
0x766: {  	v4 =	vld [tilespmem:s0+$0x10]  }
0x767: {  	[tilespmem:s3+$0x0] =	vst.add.f32.msk $0xffff, v3  }
0x768: {  	v3 =	vld [tilespmem:s16+$0x10];
	_ =	sdelay $0x1  }
0x769: {  	s18 =	sor.u32 $0x10, s2  }
0x76a: {  	[tilespmem:s18+$0x0] =	vst.add.f32.msk $0xffff, v4  }
0x76b: {  	s17 =	sor.u32 $0x10, s3;
	v4 =	vld [tilespmem:s0+$0x20]  }
0x76c: {  	[tilespmem:s17+$0x0] =	vst.add.f32.msk $0xffff, v3  }
0x76d: {  	v3 =	vld [tilespmem:s16+$0x20];
	_ =	sdelay $0x1  }
0x76e: {  	s20 =	sor.u32 $0x20, s2  }
0x76f: {  	[tilespmem:s20+$0x0] =	vst.add.f32.msk $0xffff, v4  }
0x770: {  	s19 =	sor.u32 $0x20, s3;
	v4 =	vld [tilespmem:s0+$0x30]  }
0x771: {  	[tilespmem:s19+$0x0] =	vst.add.f32.msk $0xffff, v3  }
0x772: {  	v3 =	vld [tilespmem:s16+$0x30];
	_ =	sdelay $0x1  }
0x773: {  	s24 =	sor.u32 $0x30, s2  }
0x774: {  	[tilespmem:s24+$0x0] =	vst.add.f32.msk $0xffff, v4  }
0x775: {  	s22 =	sor.u32 $0x30, s3;
	v4 =	vld [tilespmem:s0+$0x40]  }
0x776: {  	[tilespmem:s22+$0x0] =	vst.add.f32.msk $0xffff, v3  }
0x777: {  	v3 =	vld [tilespmem:s16+$0x40];
	_ =	sdelay $0x1  }
0x778: {  	s28 =	sor.u32 $0x40, s2  }
0x779: {  	[tilespmem:s28+$0x0] =	vst.add.f32.msk $0xffff, v4  }
0x77a: {  	s26 =	sor.u32 $0x40, s3;
	v4 =	vld [tilespmem:s0+$0x50]  }
0x77b: {  	[tilespmem:s26+$0x0] =	vst.add.f32.msk $0xffff, v3  }
0x77c: {  	v3 =	vld [tilespmem:s16+$0x50];
	_ =	sdelay $0x1  }
0x77d: {  	s30 =	sor.u32 $0x50, s2  }
0x77e: {  	[tilespmem:s30+$0x0] =	vst.add.f32.msk $0xffff, v4  }
0x77f: {  	s29 =	sor.u32 $0x50, s3;
	v4 =	vld [tilespmem:s0+$0x60]  }
0x780: {  	[tilespmem:s29+$0x0] =	vst.add.f32.msk $0xffff, v3  }
0x781: {  	v3 =	vld [tilespmem:s16+$0x60];
	_ =	sdelay $0x1  }
0x782: {  	s5 =	sor.u32 $0x60, s2  }
0x783: {  	[tilespmem:s5+$0x0] =	vst.add.f32.msk $0xffff, v4  }
0x784: {  	s31 =	sor.u32 $0x60, s3;
	v4 =	vld [tilespmem:s0+$0x70]  }
0x785: {  	[tilespmem:s31+$0x0] =	vst.add.f32.msk $0xffff, v3  }
0x786: {  	v3 =	vld [tilespmem:s16+$0x70];
	_ =	sdelay $0x1  }
0x787: {  	s7 =	sadd.s32 $0x19800, s6;
	s2 =	sor.u32 $0x70, s2  }
0x788: {  	s0 =	sor.u32 s21, s7;
	[tilespmem:s2+$0x0] =	vst.add.f32.msk $0xffff, v4  }
0x789: {  	s8 =	sor.u32 $0x70, s3;
	v4 =	vld [tilespmem:s0+$0x0]  }
0x78a: {  	s9 =	sor.u32 s13, s7;
	[tilespmem:s8+$0x0] =	vst.add.f32.msk $0xffff, v3  }
0x78b: {  	v3 =	vld [tilespmem:s9+$0x0]  }
0x78c: {  	s10 =	sadd.s32 $0xD800, s6  }
0x78d: {  	s2 =	sor.u32 s21, s10  }
0x78e: {  	[tilespmem:s2+$0x0] =	vst.add.f32.msk $0xffff, v4  }
0x78f: {  	s11 =	sor.u32 s13, s10;
	v4 =	vld [tilespmem:s0+$0x10]  }
0x790: {  	[tilespmem:s11+$0x0] =	vst.add.f32.msk $0xffff, v3  }
0x791: {  	v3 =	vld [tilespmem:s9+$0x10];
	_ =	sdelay $0x1  }
0x792: {  	s13 =	sor.u32 $0x10, s2  }
0x793: {  	[tilespmem:s13+$0x0] =	vst.add.f32.msk $0xffff, v4  }
0x794: {  	s12 =	sor.u32 $0x10, s11;
	v4 =	vld [tilespmem:s0+$0x20]  }
0x795: {  	[tilespmem:s12+$0x0] =	vst.add.f32.msk $0xffff, v3  }
0x796: {  	v3 =	vld [tilespmem:s9+$0x20];
	_ =	sdelay $0x1  }
0x797: {  	s15 =	sor.u32 $0x20, s2  }
0x798: {  	[tilespmem:s15+$0x0] =	vst.add.f32.msk $0xffff, v4  }
0x799: {  	s14 =	sor.u32 $0x20, s11;
	v4 =	vld [tilespmem:s0+$0x30]  }
0x79a: {  	[tilespmem:s14+$0x0] =	vst.add.f32.msk $0xffff, v3  }
0x79b: {  	v3 =	vld [tilespmem:s9+$0x30];
	_ =	sdelay $0x1  }
0x79c: {  	s17 =	sor.u32 $0x30, s2  }
0x79d: {  	[tilespmem:s17+$0x0] =	vst.add.f32.msk $0xffff, v4  }
0x79e: {  	s16 =	sor.u32 $0x30, s11;
	v4 =	vld [tilespmem:s0+$0x40]  }
0x79f: {  	[tilespmem:s16+$0x0] =	vst.add.f32.msk $0xffff, v3  }
0x7a0: {  	v3 =	vld [tilespmem:s9+$0x40];
	_ =	sdelay $0x1  }
0x7a1: {  	s19 =	sor.u32 $0x40, s2  }
0x7a2: {  	[tilespmem:s19+$0x0] =	vst.add.f32.msk $0xffff, v4  }
0x7a3: {  	s18 =	sor.u32 $0x40, s11;
	v4 =	vld [tilespmem:s0+$0x50]  }
0x7a4: {  	[tilespmem:s18+$0x0] =	vst.add.f32.msk $0xffff, v3  }
0x7a5: {  	v3 =	vld [tilespmem:s9+$0x50];
	_ =	sdelay $0x1  }
0x7a6: {  	s21 =	sor.u32 $0x50, s2  }
0x7a7: {  	[tilespmem:s21+$0x0] =	vst.add.f32.msk $0xffff, v4  }
0x7a8: {  	s20 =	sor.u32 $0x50, s11;
	v4 =	vld [tilespmem:s0+$0x60]  }
0x7a9: {  	[tilespmem:s20+$0x0] =	vst.add.f32.msk $0xffff, v3  }
0x7aa: {  	v3 =	vld [tilespmem:s9+$0x60];
	_ =	sdelay $0x2  }
0x7ab: {  	v5 =	vld [tilespmem:s23+$0x70];
	s23 =	sor.u32 $0x60, s2  }
0x7ac: {  	s22 =	sor.u32 $0x60, s11;
	[tilespmem:s23+$0x0] =	vst.add.f32.msk $0xffff, v4  }
0x7ad: {  	[tilespmem:s22+$0x0] =	vst.add.f32.msk $0xffff, v3  }
0x7ae: {  	v4 =	vld [tilespmem:s0+$0x70];
	s24 =	rddreg [dreg:$0x19]  }
0x7af: {  	v3 =	vld [tilespmem:s9+$0x70];
	s26 =	rddreg [dreg:$0x1d]  }
0x7b0: {  	s0 =	sor.u32 s24, s26  }
0x7b1: {  	s0 =	sshrl.u32 s0, $0x3  }
0x7b2: {  	s2 =	sor.u32 $0x70, s2;
	[tilespmem:s25+$0x0] =	vst.add.f32.msk $0xffff, v5;
	s0 =	smul.u32 $0x300, s0  }
0x7b3: {  	s28 =	sor.u32 $0x70, s11;
	s29 =	rddreg [dreg:$0x3];
	[tilespmem:s2+$0x0] =	vst.add.f32.msk $0xffff, v4  }
0x7b4: {  	s30 =	simm.s32 $0x0;
	s31 =	simm.s32 $0xC400;
	[tilespmem:s28+$0x0] =	vst.add.f32.msk $0xffff, v3;
	s0 =	sadd.s32 s29, s0  }
0x7b5: {  	[hbm4b:s0+s30] =	stream.linear.scatter [tilespmem:s31], [sflag:$0x7], $0x6000, $0x38;
	[tilespmem:$0x1E400] =	vst v63  }
0x7b6: {  	s0 =	simm.s32 @p0 $0x6  }
0x7b7: {  	_ =	swait.ge @p0 [sflag:s0], $0x6000  }
0x7b8: {  	[sflag:s0] =	ssyncset.done @p0 $0x0  }
0x7b9: {  	[sflag:s0] =	ssyncadd.s32 @p0 $0xFFFFA000  }
0x7ba: {  	v3 =	vld @p0 [tilespmem:$0x280];
	_ =	sdelay $0x4  }
0x7bb: {  	v4 =	vshrl.u32 @p0 v3, $0x3  }
0x7bc: {  	v4 =	vmul.u32 @p0 $0x30, v4  }
0x7bd: {  	v5 =	vlaneseq.u32 @p0;
	v3 =	vand.u32 @p0 $0x7, v3  }
0x7be: {  	v6 =	vshrl.u32 @p0 v5, $0x3;
	v3 =	vor.u32 @p0 v3, v4;
	v4 =	vand.u32 @p0 $0x7, v5  }
0x7bf: {  	v6 =	vmul.u32 @p0 $0x8, v6;
	v7 =	vperm.xlane @p0 v3, v4;
	_ =	sdelay $0x1  }
0x7c0: {  	v7 =	vadd.s32 @p0 v6, v7;
	_ =	sdelay $0x2  }
0x7c1: {  	v5 =	vor.u32 @p0 $0x8, v5  }
0x7c2: {  	s1 =	simm.s32 @p0 $0x6400;
	s0 =	simm.s32 @p0 $0x0;
	s2 =	rddreg [dreg:$0x1];
	v3 =	vperm.xlane @p0 v3, v5  }
0x7c3: {  	[tilespmem:s1], [sflag:$0x2] =	stream.indirect_vreg.gather @p0 [hbm4b:s2+s0], $0x80, v7, vm1, $0xb8;
	[tilespmem:$0x1E400] =	vst v63  }
0x7c4: {  	s3 =	rddreg [dreg:$0x15];
	v3 =	vadd.s32 @p0 v6, v3;
	s1 =	simm.s32 @p0 $0x6C00  }
0x7c5: {  	[tilespmem:s1], [sflag:$0x2] =	stream.indirect_vreg.gather @p0 [hbm4b:s3+s0], $0x80, v7, vm1, $0xb8;
	[tilespmem:$0x1E400] =	vst v63  }
0x7c6: {  	s4 =	rddreg [dreg:$0x16];
	s1 =	simm.s32 @p0 $0x7400  }
0x7c7: {  	[tilespmem:s1], [sflag:$0x2] =	stream.indirect_vreg.gather @p0 [hbm4b:s4+s0], $0x80, v7, vm1, $0xb8;
	[tilespmem:$0x1E400] =	vst v63  }
0x7c8: {  	s1 =	simm.s32 @p0 $0x7C00  }
0x7c9: {  	[tilespmem:s1], [sflag:$0x2] =	stream.indirect_vreg.gather @p0 [hbm4b:s2+s0], $0x80, v3, vm1, $0xb8;
	[tilespmem:$0x1E400] =	vst v63  }
0x7ca: {  	s1 =	simm.s32 @p0 $0x8400  }
0x7cb: {  	[tilespmem:s1], [sflag:$0x2] =	stream.indirect_vreg.gather @p0 [hbm4b:s3+s0], $0x80, v3, vm1, $0xb8;
	[tilespmem:$0x1E400] =	vst v63  }
0x7cc: {  	s1 =	simm.s32 @p0 $0x8C00  }
0x7cd: {  	[tilespmem:s1], [sflag:$0x2] =	stream.indirect_vreg.gather @p0 [hbm4b:s4+s0], $0x80, v3, vm1, $0xb8;
	[tilespmem:$0x1E400] =	vst v63  }
0x7ce: {  	v3 =	vld @p0 [tilespmem:$0x290];
	_ =	sdelay $0x4  }
0x7cf: {  	v7 =	vshrl.u32 @p0 v3, $0x3  }
0x7d0: {  	v7 =	vmul.u32 @p0 $0x30, v7  }
0x7d1: {  	v3 =	vand.u32 @p0 $0x7, v3  }
0x7d2: {  	v3 =	vor.u32 @p0 v3, v7  }
0x7d3: {  	v4 =	vperm.xlane @p0 v3, v4;
	_ =	sdelay $0x1  }
0x7d4: {  	v4 =	vadd.s32 @p0 v6, v4;
	_ =	sdelay $0x3  }
0x7d5: {  	s1 =	simm.s32 @p0 $0x9400;
	v3 =	vperm.xlane @p0 v3, v5  }
0x7d6: {  	[tilespmem:s1], [sflag:$0x2] =	stream.indirect_vreg.gather @p0 [hbm4b:s2+s0], $0x80, v4, vm1, $0xb8;
	[tilespmem:$0x1E400] =	vst v63  }
0x7d7: {  	v3 =	vadd.s32 @p0 v6, v3;
	s1 =	simm.s32 @p0 $0x9C00  }
0x7d8: {  	[tilespmem:s1], [sflag:$0x2] =	stream.indirect_vreg.gather @p0 [hbm4b:s3+s0], $0x80, v4, vm1, $0xb8;
	[tilespmem:$0x1E400] =	vst v63  }
0x7d9: {  	s1 =	simm.s32 @p0 $0xA400  }
0x7da: {  	[tilespmem:s1], [sflag:$0x2] =	stream.indirect_vreg.gather @p0 [hbm4b:s4+s0], $0x80, v4, vm1, $0xb8;
	[tilespmem:$0x1E400] =	vst v63  }
0x7db: {  	s1 =	simm.s32 @p0 $0xAC00  }
0x7dc: {  	[tilespmem:s1], [sflag:$0x2] =	stream.indirect_vreg.gather @p0 [hbm4b:s2+s0], $0x80, v3, vm1, $0xb8;
	[tilespmem:$0x1E400] =	vst v63  }
0x7dd: {  	s1 =	simm.s32 @p0 $0xB400  }
0x7de: {  	[tilespmem:s1], [sflag:$0x2] =	stream.indirect_vreg.gather @p0 [hbm4b:s3+s0], $0x80, v3, vm1, $0xb8;
	[tilespmem:$0x1E400] =	vst v63  }
0x7df: {  	s2 =	simm.s32 $0x0;
	s1 =	simm.s32 @p0 $0xBC00  }
0x7e0: {  	[tilespmem:s1], [sflag:$0x2] =	stream.indirect_vreg.gather @p0 [hbm4b:s4+s0], $0x80, v3, vm1, $0xb8;
	[tilespmem:$0x1E400] =	vst v63  }
0x7e1: {  	s15 =	smul.u32 $0x1800, s2;
	s3 =	simm.s32 $0x0;
	s4 =	simm.s32 $0x4  }
0x7e2: {  	s24 =	sand.u32 $0x300, s3;
	_ =	swait.ge [sflag:s4], $0x6000  }
0x7e3: {  	s0 =	sadd.s32 $0x18400, s15;
	s23 =	sor.u32 $0x80, s24;
	[sflag:s4] =	ssyncset.done $0x0  }
0x7e4: {  	s1 =	sor.u32 s23, s0;
	[sflag:s4] =	ssyncadd.s32 $0xFFFFA000  }
0x7e5: {  	v3 =	vld [tilespmem:s1+$0x0];
	_ =	sdelay $0x2  }
0x7e6: {  	s5 =	sadd.s32 $0x12400, s15;
	s0 =	sor.u32 s24, s0  }
0x7e7: {  	s6 =	sor.u32 s23, s5;
	v4 =	vld [tilespmem:s0+$0x0]  }
0x7e8: {  	[tilespmem:s6+$0x0] =	vst.add.f32.msk $0xffff, v3  }
0x7e9: {  	v3 =	vld [tilespmem:s1+$0x10];
	_ =	sdelay $0x1  }
0x7ea: {  	s2 =	sor.u32 s24, s5  }
0x7eb: {  	[tilespmem:s2+$0x0] =	vst.add.f32.msk $0xffff, v4  }
0x7ec: {  	s7 =	sor.u32 $0x10, s6;
	v4 =	vld [tilespmem:s0+$0x10]  }
0x7ed: {  	[tilespmem:s7+$0x0] =	vst.add.f32.msk $0xffff, v3  }
0x7ee: {  	v3 =	vld [tilespmem:s1+$0x20];
	_ =	sdelay $0x1  }
0x7ef: {  	s9 =	sor.u32 $0x10, s2  }
0x7f0: {  	[tilespmem:s9+$0x0] =	vst.add.f32.msk $0xffff, v4  }
0x7f1: {  	s8 =	sor.u32 $0x20, s6;
	v4 =	vld [tilespmem:s0+$0x20]  }
0x7f2: {  	[tilespmem:s8+$0x0] =	vst.add.f32.msk $0xffff, v3  }
0x7f3: {  	v3 =	vld [tilespmem:s1+$0x30];
	_ =	sdelay $0x1  }
0x7f4: {  	s11 =	sor.u32 $0x20, s2  }
0x7f5: {  	[tilespmem:s11+$0x0] =	vst.add.f32.msk $0xffff, v4  }
0x7f6: {  	s10 =	sor.u32 $0x30, s6;
	v4 =	vld [tilespmem:s0+$0x30]  }
0x7f7: {  	[tilespmem:s10+$0x0] =	vst.add.f32.msk $0xffff, v3  }
0x7f8: {  	v3 =	vld [tilespmem:s1+$0x40];
	_ =	sdelay $0x1  }
0x7f9: {  	s13 =	sor.u32 $0x30, s2  }
0x7fa: {  	[tilespmem:s13+$0x0] =	vst.add.f32.msk $0xffff, v4  }
0x7fb: {  	s12 =	sor.u32 $0x40, s6;
	v4 =	vld [tilespmem:s0+$0x40]  }
0x7fc: {  	[tilespmem:s12+$0x0] =	vst.add.f32.msk $0xffff, v3  }
0x7fd: {  	v3 =	vld [tilespmem:s1+$0x50];
	_ =	sdelay $0x1  }
0x7fe: {  	s16 =	sor.u32 $0x40, s2  }
0x7ff: {  	[tilespmem:s16+$0x0] =	vst.add.f32.msk $0xffff, v4  }
0x800: {  	s14 =	sor.u32 $0x50, s6;
	v4 =	vld [tilespmem:s0+$0x50]  }
0x801: {  	[tilespmem:s14+$0x0] =	vst.add.f32.msk $0xffff, v3  }
0x802: {  	v3 =	vld [tilespmem:s1+$0x60];
	_ =	sdelay $0x1  }
0x803: {  	s18 =	sor.u32 $0x50, s2  }
0x804: {  	[tilespmem:s18+$0x0] =	vst.add.f32.msk $0xffff, v4  }
0x805: {  	s17 =	sor.u32 $0x60, s6;
	v4 =	vld [tilespmem:s0+$0x60]  }
0x806: {  	[tilespmem:s17+$0x0] =	vst.add.f32.msk $0xffff, v3  }
0x807: {  	v3 =	vld [tilespmem:s1+$0x70];
	_ =	sdelay $0x1  }
0x808: {  	s19 =	sor.u32 $0x60, s2  }
0x809: {  	[tilespmem:s19+$0x0] =	vst.add.f32.msk $0xffff, v4  }
0x80a: {  	s3 =	sor.u32 $0x70, s6;
	v4 =	vld [tilespmem:s0+$0x70]  }
0x80b: {  	[tilespmem:s3+$0x0] =	vst.add.f32.msk $0xffff, v3  }
0x80c: {  	v3 =	vld [tilespmem:s1+$0x400];
	_ =	sdelay $0x1  }
0x80d: {  	s2 =	sor.u32 $0x70, s2  }
0x80e: {  	s20 =	sadd.s32 $0x12800, s15;
	[tilespmem:s2+$0x0] =	vst.add.f32.msk $0xffff, v4  }
0x80f: {  	s21 =	sor.u32 s23, s20;
	v4 =	vld [tilespmem:s0+$0x400]  }
0x810: {  	[tilespmem:s21+$0x0] =	vst.add.f32.msk $0xffff, v3  }
0x811: {  	v3 =	vld [tilespmem:s1+$0x410];
	_ =	sdelay $0x1  }
0x812: {  	s25 =	sor.u32 s24, s20  }
0x813: {  	[tilespmem:s25+$0x0] =	vst.add.f32.msk $0xffff, v4  }
0x814: {  	s22 =	sor.u32 $0x10, s21;
	v4 =	vld [tilespmem:s0+$0x410]  }
0x815: {  	[tilespmem:s22+$0x0] =	vst.add.f32.msk $0xffff, v3  }
0x816: {  	v3 =	vld [tilespmem:s1+$0x420];
	_ =	sdelay $0x1  }
0x817: {  	s28 =	sor.u32 $0x10, s25  }
0x818: {  	[tilespmem:s28+$0x0] =	vst.add.f32.msk $0xffff, v4  }
0x819: {  	s26 =	sor.u32 $0x20, s21;
	v4 =	vld [tilespmem:s0+$0x420]  }
0x81a: {  	[tilespmem:s26+$0x0] =	vst.add.f32.msk $0xffff, v3  }
0x81b: {  	v3 =	vld [tilespmem:s1+$0x430];
	_ =	sdelay $0x1  }
0x81c: {  	s30 =	sor.u32 $0x20, s25  }
0x81d: {  	[tilespmem:s30+$0x0] =	vst.add.f32.msk $0xffff, v4  }
0x81e: {  	s29 =	sor.u32 $0x30, s21;
	v4 =	vld [tilespmem:s0+$0x430]  }
0x81f: {  	[tilespmem:s29+$0x0] =	vst.add.f32.msk $0xffff, v3  }
0x820: {  	v3 =	vld [tilespmem:s1+$0x440];
	_ =	sdelay $0x1  }
0x821: {  	s5 =	sor.u32 $0x30, s25  }
0x822: {  	[tilespmem:s5+$0x0] =	vst.add.f32.msk $0xffff, v4  }
0x823: {  	s31 =	sor.u32 $0x40, s21;
	v4 =	vld [tilespmem:s0+$0x440]  }
0x824: {  	[tilespmem:s31+$0x0] =	vst.add.f32.msk $0xffff, v3  }
0x825: {  	v3 =	vld [tilespmem:s1+$0x450];
	_ =	sdelay $0x1  }
0x826: {  	s7 =	sor.u32 $0x40, s25  }
0x827: {  	[tilespmem:s7+$0x0] =	vst.add.f32.msk $0xffff, v4  }
0x828: {  	s6 =	sor.u32 $0x50, s21;
	v4 =	vld [tilespmem:s0+$0x450]  }
0x829: {  	[tilespmem:s6+$0x0] =	vst.add.f32.msk $0xffff, v3  }
0x82a: {  	v3 =	vld [tilespmem:s1+$0x460];
	_ =	sdelay $0x1  }
0x82b: {  	s9 =	sor.u32 $0x50, s25  }
0x82c: {  	[tilespmem:s9+$0x0] =	vst.add.f32.msk $0xffff, v4  }
0x82d: {  	s8 =	sor.u32 $0x60, s21;
	v4 =	vld [tilespmem:s0+$0x460]  }
0x82e: {  	[tilespmem:s8+$0x0] =	vst.add.f32.msk $0xffff, v3  }
0x82f: {  	v3 =	vld [tilespmem:s1+$0x470];
	_ =	sdelay $0x1  }
0x830: {  	s13 =	sor.u32 $0x60, s25  }
0x831: {  	[tilespmem:s13+$0x0] =	vst.add.f32.msk $0xffff, v4  }
0x832: {  	s11 =	sadd.s32 $0x18C00, s15;
	s10 =	sor.u32 $0x70, s21;
	v4 =	vld [tilespmem:s0+$0x470]  }
0x833: {  	s12 =	sor.u32 s23, s11;
	[tilespmem:s10+$0x0] =	vst.add.f32.msk $0xffff, v3  }
0x834: {  	v3 =	vld [tilespmem:s12+$0x0];
	_ =	sdelay $0x1  }
0x835: {  	s2 =	sor.u32 $0x70, s25  }
0x836: {  	s14 =	sadd.s32 $0x12C00, s15;
	s3 =	sor.u32 s24, s11;
	[tilespmem:s2+$0x0] =	vst.add.f32.msk $0xffff, v4  }
0x837: {  	s16 =	sor.u32 s23, s14;
	v4 =	vld [tilespmem:s3+$0x0]  }
0x838: {  	[tilespmem:s16+$0x0] =	vst.add.f32.msk $0xffff, v3  }
0x839: {  	v3 =	vld [tilespmem:s12+$0x10];
	_ =	sdelay $0x1  }
0x83a: {  	s0 =	sor.u32 s24, s14  }
0x83b: {  	[tilespmem:s0+$0x0] =	vst.add.f32.msk $0xffff, v4  }
0x83c: {  	s17 =	sor.u32 $0x10, s16;
	v4 =	vld [tilespmem:s3+$0x10]  }
0x83d: {  	[tilespmem:s17+$0x0] =	vst.add.f32.msk $0xffff, v3  }
0x83e: {  	v3 =	vld [tilespmem:s12+$0x20];
	_ =	sdelay $0x1  }
0x83f: {  	s19 =	sor.u32 $0x10, s0  }
0x840: {  	[tilespmem:s19+$0x0] =	vst.add.f32.msk $0xffff, v4  }
0x841: {  	s18 =	sor.u32 $0x20, s16;
	v4 =	vld [tilespmem:s3+$0x20]  }
0x842: {  	[tilespmem:s18+$0x0] =	vst.add.f32.msk $0xffff, v3  }
0x843: {  	v3 =	vld [tilespmem:s12+$0x30];
	_ =	sdelay $0x1  }
0x844: {  	s21 =	sor.u32 $0x20, s0  }
0x845: {  	[tilespmem:s21+$0x0] =	vst.add.f32.msk $0xffff, v4  }
0x846: {  	s20 =	sor.u32 $0x30, s16;
	v4 =	vld [tilespmem:s3+$0x30]  }
0x847: {  	[tilespmem:s20+$0x0] =	vst.add.f32.msk $0xffff, v3  }
0x848: {  	v3 =	vld [tilespmem:s12+$0x40];
	_ =	sdelay $0x1  }
0x849: {  	s25 =	sor.u32 $0x30, s0  }
0x84a: {  	[tilespmem:s25+$0x0] =	vst.add.f32.msk $0xffff, v4  }
0x84b: {  	s22 =	sor.u32 $0x40, s16;
	v4 =	vld [tilespmem:s3+$0x40]  }
0x84c: {  	[tilespmem:s22+$0x0] =	vst.add.f32.msk $0xffff, v3  }
0x84d: {  	v3 =	vld [tilespmem:s12+$0x50];
	_ =	sdelay $0x1  }
0x84e: {  	s28 =	sor.u32 $0x40, s0  }
0x84f: {  	[tilespmem:s28+$0x0] =	vst.add.f32.msk $0xffff, v4  }
0x850: {  	s26 =	sor.u32 $0x50, s16;
	v4 =	vld [tilespmem:s3+$0x50]  }
0x851: {  	[tilespmem:s26+$0x0] =	vst.add.f32.msk $0xffff, v3  }
0x852: {  	v3 =	vld [tilespmem:s12+$0x60];
	_ =	sdelay $0x1  }
0x853: {  	s30 =	sor.u32 $0x50, s0  }
0x854: {  	[tilespmem:s30+$0x0] =	vst.add.f32.msk $0xffff, v4  }
0x855: {  	s29 =	sor.u32 $0x60, s16;
	v4 =	vld [tilespmem:s3+$0x60]  }
0x856: {  	[tilespmem:s29+$0x0] =	vst.add.f32.msk $0xffff, v3  }
0x857: {  	v3 =	vld [tilespmem:s12+$0x70];
	_ =	sdelay $0x1  }
0x858: {  	s6 =	sor.u32 $0x60, s0  }
0x859: {  	[tilespmem:s6+$0x0] =	vst.add.f32.msk $0xffff, v4  }
0x85a: {  	s5 =	sor.u32 $0x70, s16;
	s31 =	sadd.s32 $0x19000, s15;
	v4 =	vld [tilespmem:s3+$0x70]  }
0x85b: {  	[tilespmem:s5+$0x0] =	vst.add.f32.msk $0xffff, v3;
	s5 =	sor.u32 s23, s31  }
0x85c: {  	v3 =	vld [tilespmem:s5+$0x0];
	_ =	sdelay $0x1  }
0x85d: {  	s0 =	sor.u32 $0x70, s0  }
0x85e: {  	s7 =	sadd.s32 $0x13000, s15;
	s4 =	sor.u32 s24, s31;
	[tilespmem:s0+$0x0] =	vst.add.f32.msk $0xffff, v4  }
0x85f: {  	s8 =	sor.u32 s23, s7;
	v4 =	vld [tilespmem:s4+$0x0]  }
0x860: {  	[tilespmem:s8+$0x0] =	vst.add.f32.msk $0xffff, v3  }
0x861: {  	v3 =	vld [tilespmem:s5+$0x10];
	_ =	sdelay $0x1  }
0x862: {  	s2 =	sor.u32 s24, s7  }
0x863: {  	[tilespmem:s2+$0x0] =	vst.add.f32.msk $0xffff, v4  }
0x864: {  	s9 =	sor.u32 $0x10, s8;
	v4 =	vld [tilespmem:s4+$0x10]  }
0x865: {  	[tilespmem:s9+$0x0] =	vst.add.f32.msk $0xffff, v3  }
0x866: {  	v3 =	vld [tilespmem:s5+$0x20];
	_ =	sdelay $0x1  }
0x867: {  	s11 =	sor.u32 $0x10, s2  }
0x868: {  	[tilespmem:s11+$0x0] =	vst.add.f32.msk $0xffff, v4  }
0x869: {  	s10 =	sor.u32 $0x20, s8;
	v4 =	vld [tilespmem:s4+$0x20]  }
0x86a: {  	[tilespmem:s10+$0x0] =	vst.add.f32.msk $0xffff, v3  }
0x86b: {  	v3 =	vld [tilespmem:s5+$0x30];
	_ =	sdelay $0x1  }
0x86c: {  	s13 =	sor.u32 $0x20, s2  }
0x86d: {  	[tilespmem:s13+$0x0] =	vst.add.f32.msk $0xffff, v4  }
0x86e: {  	s12 =	sor.u32 $0x30, s8;
	v4 =	vld [tilespmem:s4+$0x30]  }
0x86f: {  	[tilespmem:s12+$0x0] =	vst.add.f32.msk $0xffff, v3  }
0x870: {  	v3 =	vld [tilespmem:s5+$0x40];
	_ =	sdelay $0x1  }
0x871: {  	s16 =	sor.u32 $0x30, s2  }
0x872: {  	[tilespmem:s16+$0x0] =	vst.add.f32.msk $0xffff, v4  }
0x873: {  	s14 =	sor.u32 $0x40, s8;
	v4 =	vld [tilespmem:s4+$0x40]  }
0x874: {  	[tilespmem:s14+$0x0] =	vst.add.f32.msk $0xffff, v3  }
0x875: {  	v3 =	vld [tilespmem:s5+$0x50];
	_ =	sdelay $0x1  }
0x876: {  	s18 =	sor.u32 $0x40, s2  }
0x877: {  	[tilespmem:s18+$0x0] =	vst.add.f32.msk $0xffff, v4  }
0x878: {  	s17 =	sor.u32 $0x50, s8;
	v4 =	vld [tilespmem:s4+$0x50]  }
0x879: {  	[tilespmem:s17+$0x0] =	vst.add.f32.msk $0xffff, v3  }
0x87a: {  	v3 =	vld [tilespmem:s5+$0x60];
	_ =	sdelay $0x1  }
0x87b: {  	s21 =	sor.u32 $0x50, s2  }
0x87c: {  	s20 =	simm.s32 $0x0;
	[tilespmem:s21+$0x0] =	vst.add.f32.msk $0xffff, v4  }
0x87d: {  	s19 =	sor.u32 $0x60, s8;
	s6 =	smul.u32 $0x1800, s20;
	s20 =	simm.s32 $0x100;
	v4 =	vld [tilespmem:s4+$0x60]  }
0x87e: {  	s21 =	sand.u32 $0x300, s20;
	[tilespmem:s19+$0x0] =	vst.add.f32.msk $0xffff, v3  }
0x87f: {  	s1 =	sadd.s32 $0x18400, s6;
	s13 =	sor.u32 $0x80, s21;
	v3 =	vld [tilespmem:s5+$0x70]  }
0x880: {  	s14 =	sor.u32 s13, s1  }
0x881: {  	s25 =	sor.u32 $0x60, s2;
	v5 =	vld [tilespmem:s14+$0x0]  }
0x882: {  	s16 =	sor.u32 s21, s1;
	[tilespmem:s25+$0x0] =	vst.add.f32.msk $0xffff, v4  }
0x883: {  	s22 =	sor.u32 $0x70, s8;
	s9 =	sadd.s32 $0x19400, s15;
	v4 =	vld [tilespmem:s16+$0x0]  }
0x884: {  	s26 =	sadd.s32 $0x12400, s6;
	s0 =	sor.u32 s23, s9;
	[tilespmem:s22+$0x0] =	vst.add.f32.msk $0xffff, v3  }
0x885: {  	s1 =	sor.u32 s13, s26;
	v3 =	vld [tilespmem:s0+$0x0]  }
0x886: {  	[tilespmem:s1+$0x0] =	vst.add.f32.msk $0xffff, v5  }
0x887: {  	s3 =	sor.u32 s21, s26;
	v5 =	vld [tilespmem:s14+$0x10]  }
0x888: {  	s12 =	sadd.s32 $0x13400, s15;
	[tilespmem:s3+$0x0] =	vst.add.f32.msk $0xffff, v4  }
0x889: {  	s5 =	sor.u32 s23, s12;
	v4 =	vld [tilespmem:s16+$0x10]  }
0x88a: {  	[tilespmem:s5+$0x0] =	vst.add.f32.msk $0xffff, v3  }
0x88b: {  	s7 =	sor.u32 $0x10, s1;
	v3 =	vld [tilespmem:s0+$0x10]  }
0x88c: {  	[tilespmem:s7+$0x0] =	vst.add.f32.msk $0xffff, v5  }
0x88d: {  	s29 =	sor.u32 $0x10, s3;
	v5 =	vld [tilespmem:s14+$0x20]  }
0x88e: {  	[tilespmem:s29+$0x0] =	vst.add.f32.msk $0xffff, v4  }
0x88f: {  	s28 =	sor.u32 $0x10, s5;
	v4 =	vld [tilespmem:s16+$0x20]  }
0x890: {  	[tilespmem:s28+$0x0] =	vst.add.f32.msk $0xffff, v3  }
0x891: {  	s30 =	sor.u32 $0x20, s1;
	v3 =	vld [tilespmem:s0+$0x20]  }
0x892: {  	[tilespmem:s30+$0x0] =	vst.add.f32.msk $0xffff, v5  }
0x893: {  	s8 =	sor.u32 $0x20, s3;
	v5 =	vld [tilespmem:s14+$0x30]  }
0x894: {  	[tilespmem:s8+$0x0] =	vst.add.f32.msk $0xffff, v4  }
0x895: {  	s31 =	sor.u32 $0x20, s5;
	v4 =	vld [tilespmem:s16+$0x30]  }
0x896: {  	[tilespmem:s31+$0x0] =	vst.add.f32.msk $0xffff, v3  }
0x897: {  	s10 =	sor.u32 $0x30, s1;
	v3 =	vld [tilespmem:s0+$0x30]  }
0x898: {  	[tilespmem:s10+$0x0] =	vst.add.f32.msk $0xffff, v5  }
0x899: {  	s17 =	sor.u32 $0x30, s3;
	v5 =	vld [tilespmem:s14+$0x40]  }
0x89a: {  	[tilespmem:s17+$0x0] =	vst.add.f32.msk $0xffff, v4  }
0x89b: {  	s11 =	sor.u32 $0x30, s5;
	v4 =	vld [tilespmem:s16+$0x40]  }
0x89c: {  	[tilespmem:s11+$0x0] =	vst.add.f32.msk $0xffff, v3  }
0x89d: {  	s18 =	sor.u32 $0x40, s1;
	v3 =	vld [tilespmem:s0+$0x40]  }
0x89e: {  	[tilespmem:s18+$0x0] =	vst.add.f32.msk $0xffff, v5  }
0x89f: {  	s22 =	sor.u32 $0x40, s3;
	v5 =	vld [tilespmem:s14+$0x50]  }
0x8a0: {  	[tilespmem:s22+$0x0] =	vst.add.f32.msk $0xffff, v4  }
0x8a1: {  	s19 =	sor.u32 $0x40, s5;
	v4 =	vld [tilespmem:s16+$0x50]  }
0x8a2: {  	[tilespmem:s19+$0x0] =	vst.add.f32.msk $0xffff, v3  }
0x8a3: {  	s25 =	sor.u32 $0x50, s1;
	v3 =	vld [tilespmem:s0+$0x50]  }
0x8a4: {  	[tilespmem:s25+$0x0] =	vst.add.f32.msk $0xffff, v5  }
0x8a5: {  	s28 =	sor.u32 $0x50, s3;
	v5 =	vld [tilespmem:s14+$0x60]  }
0x8a6: {  	[tilespmem:s28+$0x0] =	vst.add.f32.msk $0xffff, v4  }
0x8a7: {  	s26 =	sor.u32 $0x50, s5;
	v4 =	vld [tilespmem:s16+$0x60]  }
0x8a8: {  	[tilespmem:s26+$0x0] =	vst.add.f32.msk $0xffff, v3  }
0x8a9: {  	s29 =	sor.u32 $0x60, s1;
	v3 =	vld [tilespmem:s0+$0x60]  }
0x8aa: {  	[tilespmem:s29+$0x0] =	vst.add.f32.msk $0xffff, v5  }
0x8ab: {  	s31 =	sor.u32 $0x60, s3;
	v5 =	vld [tilespmem:s14+$0x70]  }
0x8ac: {  	[tilespmem:s31+$0x0] =	vst.add.f32.msk $0xffff, v4  }
0x8ad: {  	s30 =	sor.u32 $0x60, s5;
	v4 =	vld [tilespmem:s16+$0x70]  }
0x8ae: {  	[tilespmem:s30+$0x0] =	vst.add.f32.msk $0xffff, v3  }
0x8af: {  	s7 =	sor.u32 $0x70, s1;
	v3 =	vld [tilespmem:s0+$0x70]  }
0x8b0: {  	[tilespmem:s7+$0x0] =	vst.add.f32.msk $0xffff, v5  }
0x8b1: {  	s11 =	sor.u32 $0x70, s3;
	v5 =	vld [tilespmem:s14+$0x400]  }
0x8b2: {  	[tilespmem:s11+$0x0] =	vst.add.f32.msk $0xffff, v4  }
0x8b3: {  	s8 =	sor.u32 $0x70, s5;
	s10 =	sadd.s32 $0x19800, s15;
	v4 =	vld [tilespmem:s16+$0x400]  }
0x8b4: {  	s1 =	sor.u32 s23, s10;
	s17 =	sadd.s32 $0x12800, s6;
	[tilespmem:s8+$0x0] =	vst.add.f32.msk $0xffff, v3  }
0x8b5: {  	s3 =	sor.u32 s13, s17;
	v3 =	vld [tilespmem:s1+$0x0]  }
0x8b6: {  	[tilespmem:s3+$0x0] =	vst.add.f32.msk $0xffff, v5  }
0x8b7: {  	s5 =	sor.u32 s21, s17;
	v5 =	vld [tilespmem:s14+$0x410]  }
0x8b8: {  	s11 =	sadd.s32 $0x13800, s15;
	[tilespmem:s5+$0x0] =	vst.add.f32.msk $0xffff, v4  }
0x8b9: {  	s0 =	sor.u32 s23, s11;
	v4 =	vld [tilespmem:s16+$0x410]  }
0x8ba: {  	[tilespmem:s0+$0x0] =	vst.add.f32.msk $0xffff, v3  }
0x8bb: {  	s18 =	sor.u32 $0x10, s3;
	v3 =	vld [tilespmem:s1+$0x10]  }
0x8bc: {  	[tilespmem:s18+$0x0] =	vst.add.f32.msk $0xffff, v5  }
0x8bd: {  	s22 =	sor.u32 $0x10, s5;
	v5 =	vld [tilespmem:s14+$0x420]  }
0x8be: {  	[tilespmem:s22+$0x0] =	vst.add.f32.msk $0xffff, v4  }
0x8bf: {  	s19 =	sor.u32 $0x10, s0;
	v4 =	vld [tilespmem:s16+$0x420]  }
0x8c0: {  	[tilespmem:s19+$0x0] =	vst.add.f32.msk $0xffff, v3  }
0x8c1: {  	s23 =	sor.u32 $0x20, s3;
	v3 =	vld [tilespmem:s1+$0x20]  }
0x8c2: {  	[tilespmem:s23+$0x0] =	vst.add.f32.msk $0xffff, v5  }
0x8c3: {  	s26 =	sor.u32 $0x20, s5;
	v5 =	vld [tilespmem:s14+$0x430]  }
0x8c4: {  	[tilespmem:s26+$0x0] =	vst.add.f32.msk $0xffff, v4  }
0x8c5: {  	s25 =	sor.u32 $0x20, s0;
	v4 =	vld [tilespmem:s16+$0x430]  }
0x8c6: {  	[tilespmem:s25+$0x0] =	vst.add.f32.msk $0xffff, v3  }
0x8c7: {  	s28 =	sor.u32 $0x30, s3;
	v3 =	vld [tilespmem:s1+$0x30]  }
0x8c8: {  	[tilespmem:s28+$0x0] =	vst.add.f32.msk $0xffff, v5  }
0x8c9: {  	s30 =	sor.u32 $0x30, s5;
	v5 =	vld [tilespmem:s14+$0x440]  }
0x8ca: {  	[tilespmem:s30+$0x0] =	vst.add.f32.msk $0xffff, v4  }
0x8cb: {  	s29 =	sor.u32 $0x30, s0;
	v4 =	vld [tilespmem:s16+$0x440]  }
0x8cc: {  	[tilespmem:s29+$0x0] =	vst.add.f32.msk $0xffff, v3  }
0x8cd: {  	s31 =	sor.u32 $0x40, s3;
	v3 =	vld [tilespmem:s1+$0x40]  }
0x8ce: {  	[tilespmem:s31+$0x0] =	vst.add.f32.msk $0xffff, v5  }
0x8cf: {  	s15 =	sor.u32 $0x40, s5;
	v5 =	vld [tilespmem:s14+$0x450]  }
0x8d0: {  	[tilespmem:s15+$0x0] =	vst.add.f32.msk $0xffff, v4  }
0x8d1: {  	s8 =	sor.u32 $0x40, s0;
	v4 =	vld [tilespmem:s16+$0x450]  }
0x8d2: {  	[tilespmem:s8+$0x0] =	vst.add.f32.msk $0xffff, v3  }
0x8d3: {  	v3 =	vld [tilespmem:s1+$0x50]  }
0x8d4: {  	v6 =	vld [tilespmem:s4+$0x70];
	s17 =	sor.u32 $0x50, s3  }
0x8d5: {  	s19 =	sor.u32 $0x50, s5;
	[tilespmem:s17+$0x0] =	vst.add.f32.msk $0xffff, v5  }
0x8d6: {  	[tilespmem:s19+$0x0] =	vst.add.f32.msk $0xffff, v4  }
0x8d7: {  	s18 =	sor.u32 $0x50, s0;
	v5 =	vld [tilespmem:s16+$0x460]  }
0x8d8: {  	[tilespmem:s18+$0x0] =	vst.add.f32.msk $0xffff, v3  }
0x8d9: {  	s2 =	sor.u32 $0x70, s2;
	v3 =	vld [tilespmem:s14+$0x460]  }
0x8da: {  	[tilespmem:s2+$0x0] =	vst.add.f32.msk $0xffff, v6  }
0x8db: {  	s25 =	sor.u32 $0x60, s5;
	v4 =	vld [tilespmem:s1+$0x60]  }
0x8dc: {  	s2 =	sor.u32 s24, s9;
	[tilespmem:s25+$0x0] =	vst.add.f32.msk $0xffff, v5  }
0x8dd: {  	s22 =	sor.u32 $0x60, s3;
	v5 =	vld [tilespmem:s2+$0x0]  }
0x8de: {  	[tilespmem:s22+$0x0] =	vst.add.f32.msk $0xffff, v3  }
0x8df: {  	s23 =	sor.u32 $0x60, s0;
	v6 =	vld [tilespmem:s14+$0x470]  }
0x8e0: {  	[tilespmem:s23+$0x0] =	vst.add.f32.msk $0xffff, v4  }
0x8e1: {  	s7 =	sor.u32 s24, s12;
	v4 =	vld [tilespmem:s16+$0x470]  }
0x8e2: {  	[tilespmem:s7+$0x0] =	vst.add.f32.msk $0xffff, v5  }
0x8e3: {  	v5 =	vld [tilespmem:s2+$0x10]  }
0x8e4: {  	s26 =	sor.u32 $0x70, s3;
	v3 =	vld [tilespmem:s1+$0x70]  }
0x8e5: {  	s28 =	sadd.s32 $0x18C00, s6;
	s5 =	sor.u32 $0x70, s5;
	[tilespmem:s26+$0x0] =	vst.add.f32.msk $0xffff, v6  }
0x8e6: {  	s3 =	sor.u32 s13, s28;
	[tilespmem:s5+$0x0] =	vst.add.f32.msk $0xffff, v4  }
0x8e7: {  	s1 =	sor.u32 s21, s28;
	v6 =	vld [tilespmem:s3+$0x0]  }
0x8e8: {  	v4 =	vld [tilespmem:s1+$0x0]  }
0x8e9: {  	s8 =	sor.u32 $0x10, s7  }
0x8ea: {  	s29 =	sadd.s32 $0x12C00, s6;
	[tilespmem:s8+$0x0] =	vst.add.f32.msk $0xffff, v5  }
0x8eb: {  	s4 =	sor.u32 s13, s29;
	v5 =	vld [tilespmem:s2+$0x20]  }
0x8ec: {  	s5 =	sor.u32 s21, s29;
	[tilespmem:s4+$0x0] =	vst.add.f32.msk $0xffff, v6  }
0x8ed: {  	[tilespmem:s5+$0x0] =	vst.add.f32.msk $0xffff, v4  }
0x8ee: {  	v6 =	vld [tilespmem:s3+$0x10]  }
0x8ef: {  	v4 =	vld [tilespmem:s1+$0x10]  }
0x8f0: {  	s9 =	sor.u32 $0x20, s7  }
0x8f1: {  	[tilespmem:s9+$0x0] =	vst.add.f32.msk $0xffff, v5  }
0x8f2: {  	s30 =	sor.u32 $0x10, s4;
	v5 =	vld [tilespmem:s2+$0x30]  }
0x8f3: {  	s31 =	sor.u32 $0x10, s5;
	[tilespmem:s30+$0x0] =	vst.add.f32.msk $0xffff, v6  }
0x8f4: {  	[tilespmem:s31+$0x0] =	vst.add.f32.msk $0xffff, v4  }
0x8f5: {  	v6 =	vld [tilespmem:s3+$0x20]  }
0x8f6: {  	v4 =	vld [tilespmem:s1+$0x20]  }
0x8f7: {  	s15 =	sor.u32 $0x30, s7  }
0x8f8: {  	[tilespmem:s15+$0x0] =	vst.add.f32.msk $0xffff, v5  }
0x8f9: {  	s12 =	sor.u32 $0x20, s4;
	v5 =	vld [tilespmem:s2+$0x40]  }
0x8fa: {  	s14 =	sor.u32 $0x20, s5;
	[tilespmem:s12+$0x0] =	vst.add.f32.msk $0xffff, v6  }
0x8fb: {  	[tilespmem:s14+$0x0] =	vst.add.f32.msk $0xffff, v4  }
0x8fc: {  	v6 =	vld [tilespmem:s3+$0x30]  }
0x8fd: {  	v4 =	vld [tilespmem:s1+$0x30]  }
0x8fe: {  	s18 =	sor.u32 $0x40, s7  }
0x8ff: {  	[tilespmem:s18+$0x0] =	vst.add.f32.msk $0xffff, v5  }
0x900: {  	s16 =	sor.u32 $0x30, s4;
	v5 =	vld [tilespmem:s2+$0x50]  }
0x901: {  	s17 =	sor.u32 $0x30, s5;
	[tilespmem:s16+$0x0] =	vst.add.f32.msk $0xffff, v6  }
0x902: {  	[tilespmem:s17+$0x0] =	vst.add.f32.msk $0xffff, v4  }
0x903: {  	v6 =	vld [tilespmem:s3+$0x40]  }
0x904: {  	v4 =	vld [tilespmem:s1+$0x40]  }
0x905: {  	s23 =	sor.u32 $0x50, s7  }
0x906: {  	[tilespmem:s23+$0x0] =	vst.add.f32.msk $0xffff, v5  }
0x907: {  	s19 =	sor.u32 $0x40, s4;
	v5 =	vld [tilespmem:s2+$0x60]  }
0x908: {  	s22 =	sor.u32 $0x40, s5;
	[tilespmem:s19+$0x0] =	vst.add.f32.msk $0xffff, v6  }
0x909: {  	[tilespmem:s22+$0x0] =	vst.add.f32.msk $0xffff, v4  }
0x90a: {  	v6 =	vld [tilespmem:s3+$0x50]  }
0x90b: {  	v4 =	vld [tilespmem:s1+$0x50]  }
0x90c: {  	s28 =	sor.u32 $0x60, s7  }
0x90d: {  	[tilespmem:s28+$0x0] =	vst.add.f32.msk $0xffff, v5  }
0x90e: {  	s25 =	sor.u32 $0x50, s4;
	v5 =	vld [tilespmem:s2+$0x70]  }
0x90f: {  	s26 =	sor.u32 $0x50, s5;
	[tilespmem:s25+$0x0] =	vst.add.f32.msk $0xffff, v6  }
0x910: {  	[tilespmem:s26+$0x0] =	vst.add.f32.msk $0xffff, v4  }
0x911: {  	v6 =	vld [tilespmem:s3+$0x60]  }
0x912: {  	v4 =	vld [tilespmem:s1+$0x60]  }
0x913: {  	s31 =	sor.u32 $0x70, s7  }
0x914: {  	s23 =	sor.u32 s24, s10;
	[tilespmem:s31+$0x0] =	vst.add.f32.msk $0xffff, v5  }
0x915: {  	s29 =	sor.u32 $0x60, s4;
	v5 =	vld [tilespmem:s23+$0x0]  }
0x916: {  	s30 =	sor.u32 $0x60, s5;
	[tilespmem:s29+$0x0] =	vst.add.f32.msk $0xffff, v6  }
0x917: {  	[tilespmem:s30+$0x0] =	vst.add.f32.msk $0xffff, v4  }
0x918: {  	v6 =	vld [tilespmem:s3+$0x70]  }
0x919: {  	v4 =	vld [tilespmem:s1+$0x70]  }
0x91a: {  	s7 =	sor.u32 s24, s11  }
0x91b: {  	[tilespmem:s7+$0x0] =	vst.add.f32.msk $0xffff, v5  }
0x91c: {  	s4 =	sor.u32 $0x70, s4;
	v5 =	vld [tilespmem:s23+$0x10]  }
0x91d: {  	s5 =	sor.u32 $0x70, s5;
	s3 =	sadd.s32 $0x19000, s6;
	[tilespmem:s4+$0x0] =	vst.add.f32.msk $0xffff, v6  }
0x91e: {  	s4 =	sor.u32 s13, s3;
	[tilespmem:s5+$0x0] =	vst.add.f32.msk $0xffff, v4  }
0x91f: {  	s9 =	sor.u32 s21, s3;
	v6 =	vld [tilespmem:s4+$0x0]  }
0x920: {  	v4 =	vld [tilespmem:s9+$0x0]  }
0x921: {  	s10 =	sor.u32 $0x10, s7  }
0x922: {  	s8 =	sadd.s32 $0x13000, s6;
	[tilespmem:s10+$0x0] =	vst.add.f32.msk $0xffff, v5  }
0x923: {  	s11 =	sor.u32 s13, s8;
	v5 =	vld [tilespmem:s23+$0x20]  }
0x924: {  	s2 =	sor.u32 s21, s8;
	[tilespmem:s11+$0x0] =	vst.add.f32.msk $0xffff, v6  }
0x925: {  	[tilespmem:s2+$0x0] =	vst.add.f32.msk $0xffff, v4  }
0x926: {  	v6 =	vld [tilespmem:s4+$0x10]  }
0x927: {  	v4 =	vld [tilespmem:s9+$0x10]  }
0x928: {  	s15 =	sor.u32 $0x20, s7  }
0x929: {  	[tilespmem:s15+$0x0] =	vst.add.f32.msk $0xffff, v5  }
0x92a: {  	s12 =	sor.u32 $0x10, s11;
	v5 =	vld [tilespmem:s23+$0x30]  }
0x92b: {  	s14 =	sor.u32 $0x10, s2;
	[tilespmem:s12+$0x0] =	vst.add.f32.msk $0xffff, v6  }
0x92c: {  	[tilespmem:s14+$0x0] =	vst.add.f32.msk $0xffff, v4  }
0x92d: {  	v6 =	vld [tilespmem:s4+$0x20]  }
0x92e: {  	v4 =	vld [tilespmem:s9+$0x20]  }
0x92f: {  	s18 =	sor.u32 $0x30, s7  }
0x930: {  	[tilespmem:s18+$0x0] =	vst.add.f32.msk $0xffff, v5  }
0x931: {  	s16 =	sor.u32 $0x20, s11;
	v5 =	vld [tilespmem:s23+$0x40]  }
0x932: {  	s17 =	sor.u32 $0x20, s2;
	[tilespmem:s16+$0x0] =	vst.add.f32.msk $0xffff, v6  }
0x933: {  	[tilespmem:s17+$0x0] =	vst.add.f32.msk $0xffff, v4  }
0x934: {  	v6 =	vld [tilespmem:s4+$0x30]  }
0x935: {  	v4 =	vld [tilespmem:s9+$0x30]  }
0x936: {  	s24 =	sor.u32 $0x40, s7  }
0x937: {  	[tilespmem:s24+$0x0] =	vst.add.f32.msk $0xffff, v5  }
0x938: {  	s19 =	sor.u32 $0x30, s11;
	v5 =	vld [tilespmem:s23+$0x50]  }
0x939: {  	s22 =	sor.u32 $0x30, s2;
	[tilespmem:s19+$0x0] =	vst.add.f32.msk $0xffff, v6  }
0x93a: {  	[tilespmem:s22+$0x0] =	vst.add.f32.msk $0xffff, v4  }
0x93b: {  	v6 =	vld [tilespmem:s4+$0x40]  }
0x93c: {  	v4 =	vld [tilespmem:s9+$0x40]  }
0x93d: {  	s28 =	sor.u32 $0x50, s7  }
0x93e: {  	[tilespmem:s28+$0x0] =	vst.add.f32.msk $0xffff, v5  }
0x93f: {  	s25 =	sor.u32 $0x40, s11;
	v5 =	vld [tilespmem:s23+$0x60]  }
0x940: {  	s26 =	sor.u32 $0x40, s2;
	[tilespmem:s25+$0x0] =	vst.add.f32.msk $0xffff, v6  }
0x941: {  	[tilespmem:s26+$0x0] =	vst.add.f32.msk $0xffff, v4  }
0x942: {  	v6 =	vld [tilespmem:s4+$0x50]  }
0x943: {  	v4 =	vld [tilespmem:s9+$0x50]  }
0x944: {  	s0 =	sor.u32 $0x70, s0  }
0x945: {  	[tilespmem:s0+$0x0] =	vst.add.f32.msk $0xffff, v3;
	s31 =	sor.u32 $0x60, s7  }
0x946: {  	s29 =	sor.u32 $0x50, s11;
	[tilespmem:s31+$0x0] =	vst.add.f32.msk $0xffff, v5  }
0x947: {  	s30 =	sor.u32 $0x50, s2;
	[tilespmem:s29+$0x0] =	vst.add.f32.msk $0xffff, v6  }
0x948: {  	[tilespmem:s30+$0x0] =	vst.add.f32.msk $0xffff, v4  }
0x949: {  	s0 =	sor.u32 $0x60, s2;
	v3 =	vld [tilespmem:s4+$0x60]  }
0x94a: {  	s14 =	sor.u32 $0x70, s2;
	s24 =	simm.s32 $0x2;
	s25 =	sor.u32 $0x70, s7;
	v4 =	vld [tilespmem:s9+$0x60]  }
.LBB2_9:
0x94b: {  	_ =	sdelay $0x2  }
0x94c: {  	s24 =	sadd.s32 $0x2, s24;
	s1 =	sor.u32 $0x60, s11;
	v5 =	vld [tilespmem:s23+$0x70]  }
0x94d: {  	s2 =	sshrl.u32 s24, $0x3;
	[tilespmem:s1+$0x0] =	vst.add.f32.msk $0xffff, v3  }
0x94e: {  	s2 =	smul.u32 $0x1800, s2;
	[tilespmem:s0+$0x0] =	vst.add.f32.msk $0xffff, v4  }
0x94f: {  	s20 =	sadd.s32 $0x100, s20;
	v3 =	vld [tilespmem:s4+$0x70]  }
0x950: {  	s10 =	sand.u32 $0x300, s20;
	s18 =	sadd.s32 $0x18400, s2;
	v4 =	vld [tilespmem:s9+$0x70]  }
0x951: {  	s4 =	sor.u32 $0x80, s10;
	s19 =	sor.u32 s10, s18;
	[tilespmem:s25+$0x0] =	vst.add.f32.msk $0xffff, v5  }
0x952: {  	s0 =	sor.u32 s4, s18;
	v6 =	vld [tilespmem:s19+$0x0]  }
0x953: {  	s3 =	sor.u32 $0x70, s11;
	v5 =	vld [tilespmem:s0+$0x0]  }
0x954: {  	s22 =	sadd.s32 $0x19400, s6;
	[tilespmem:s3+$0x0] =	vst.add.f32.msk $0xffff, v3  }
0x955: {  	s5 =	sor.u32 s13, s22;
	s23 =	sadd.s32 $0x12400, s2;
	[tilespmem:s14+$0x0] =	vst.add.f32.msk $0xffff, v4  }
0x956: {  	s25 =	sor.u32 s10, s23;
	v3 =	vld [tilespmem:s5+$0x0]  }
0x957: {  	s1 =	sor.u32 s4, s23;
	[tilespmem:s25+$0x0] =	vst.add.f32.msk $0xffff, v6  }
0x958: {  	[tilespmem:s1+$0x0] =	vst.add.f32.msk $0xffff, v5  }
0x959: {  	v5 =	vld [tilespmem:s19+$0x10]  }
0x95a: {  	s28 =	sadd.s32 $0x13400, s6;
	v4 =	vld [tilespmem:s0+$0x10]  }
0x95b: {  	s7 =	sor.u32 s13, s28  }
0x95c: {  	[tilespmem:s7+$0x0] =	vst.add.f32.msk $0xffff, v3  }
0x95d: {  	s15 =	sor.u32 $0x10, s25;
	v3 =	vld [tilespmem:s5+$0x10]  }
0x95e: {  	s29 =	sor.u32 $0x10, s1;
	[tilespmem:s15+$0x0] =	vst.add.f32.msk $0xffff, v5  }
0x95f: {  	[tilespmem:s29+$0x0] =	vst.add.f32.msk $0xffff, v4  }
0x960: {  	v5 =	vld [tilespmem:s19+$0x20]  }
0x961: {  	v4 =	vld [tilespmem:s0+$0x20]  }
0x962: {  	s29 =	sor.u32 $0x10, s7  }
0x963: {  	s16 =	sor.u32 s21, s28;
	[tilespmem:s29+$0x0] =	vst.add.f32.msk $0xffff, v3  }
0x964: {  	s30 =	sor.u32 $0x40, s16;
	s17 =	sor.u32 $0x20, s25;
	v3 =	vld [tilespmem:s5+$0x20]  }
0x965: {  	[dreg:$0x10] =	wrdreg s30;
	s30 =	sor.u32 $0x20, s1;
	[tilespmem:s17+$0x0] =	vst.add.f32.msk $0xffff, v5  }
0x966: {  	[tilespmem:s30+$0x0] =	vst.add.f32.msk $0xffff, v4  }
0x967: {  	v5 =	vld [tilespmem:s19+$0x30]  }
0x968: {  	s31 =	sor.u32 $0x50, s16;
	v4 =	vld [tilespmem:s0+$0x30]  }
0x969: {  	[dreg:$0xd] =	wrdreg s31;
	s31 =	sor.u32 $0x20, s7  }
0x96a: {  	[tilespmem:s31+$0x0] =	vst.add.f32.msk $0xffff, v3  }
0x96b: {  	s18 =	sor.u32 $0x30, s25;
	v3 =	vld [tilespmem:s5+$0x30]  }
0x96c: {  	s17 =	sor.u32 $0x30, s1;
	[tilespmem:s18+$0x0] =	vst.add.f32.msk $0xffff, v5  }
0x96d: {  	[tilespmem:s17+$0x0] =	vst.add.f32.msk $0xffff, v4  }
0x96e: {  	v5 =	vld [tilespmem:s19+$0x40]  }
0x96f: {  	s26 =	sor.u32 s21, s22;
	s22 =	sor.u32 $0x30, s16;
	v4 =	vld [tilespmem:s0+$0x40]  }
0x970: {  	[dreg:$0x13] =	wrdreg s22;
	s22 =	sor.u32 $0x30, s7  }
0x971: {  	[tilespmem:s22+$0x0] =	vst.add.f32.msk $0xffff, v3  }
0x972: {  	s14 =	sor.u32 $0x40, s25;
	v3 =	vld [tilespmem:s5+$0x40]  }
0x973: {  	s23 =	sor.u32 $0x40, s1;
	[tilespmem:s14+$0x0] =	vst.add.f32.msk $0xffff, v5  }
0x974: {  	[tilespmem:s23+$0x0] =	vst.add.f32.msk $0xffff, v4  }
0x975: {  	s8 =	sor.u32 $0x60, s25;
	v5 =	vld [tilespmem:s19+$0x50]  }
0x976: {  	s12 =	sor.u32 $0x70, s25;
	s3 =	sor.u32 $0x50, s25;
	s25 =	sor.u32 $0x60, s16;
	v4 =	vld [tilespmem:s0+$0x50]  }
0x977: {  	[dreg:$0xa] =	wrdreg s25;
	s25 =	sor.u32 $0x40, s7  }
0x978: {  	[tilespmem:s25+$0x0] =	vst.add.f32.msk $0xffff, v3  }
0x979: {  	s28 =	sor.u32 $0x70, s16;
	v3 =	vld [tilespmem:s5+$0x50]  }
0x97a: {  	[dreg:$0x7] =	wrdreg s28;
	s28 =	sor.u32 $0x50, s1;
	[tilespmem:s3+$0x0] =	vst.add.f32.msk $0xffff, v5  }
0x97b: {  	[tilespmem:s28+$0x0] =	vst.add.f32.msk $0xffff, v4  }
0x97c: {  	v5 =	vld [tilespmem:s19+$0x60]  }
0x97d: {  	v4 =	vld [tilespmem:s0+$0x60]  }
0x97e: {  	s29 =	sor.u32 $0x50, s7  }
0x97f: {  	[tilespmem:s29+$0x0] =	vst.add.f32.msk $0xffff, v3  }
0x980: {  	v3 =	vld [tilespmem:s5+$0x60]  }
0x981: {  	s30 =	sor.u32 $0x60, s1;
	[tilespmem:s8+$0x0] =	vst.add.f32.msk $0xffff, v5  }
0x982: {  	[tilespmem:s30+$0x0] =	vst.add.f32.msk $0xffff, v4  }
0x983: {  	v5 =	vld [tilespmem:s19+$0x70]  }
0x984: {  	v4 =	vld [tilespmem:s0+$0x70]  }
0x985: {  	s31 =	sor.u32 $0x60, s7  }
0x986: {  	[tilespmem:s31+$0x0] =	vst.add.f32.msk $0xffff, v3  }
0x987: {  	v3 =	vld [tilespmem:s5+$0x70]  }
0x988: {  	s1 =	sor.u32 $0x70, s1;
	[tilespmem:s12+$0x0] =	vst.add.f32.msk $0xffff, v5  }
0x989: {  	[tilespmem:s1+$0x0] =	vst.add.f32.msk $0xffff, v4  }
0x98a: {  	v5 =	vld [tilespmem:s19+$0x400]  }
0x98b: {  	v4 =	vld [tilespmem:s0+$0x400]  }
0x98c: {  	s14 =	sor.u32 $0x70, s7;
	s8 =	sadd.s32 $0x19800, s6  }
0x98d: {  	s15 =	sadd.s32 $0x12800, s2;
	s5 =	sor.u32 s13, s8;
	[tilespmem:s14+$0x0] =	vst.add.f32.msk $0xffff, v3  }
0x98e: {  	s17 =	sor.u32 s10, s15;
	v3 =	vld [tilespmem:s5+$0x0]  }
0x98f: {  	s18 =	sor.u32 s4, s15;
	[tilespmem:s17+$0x0] =	vst.add.f32.msk $0xffff, v5  }
0x990: {  	[tilespmem:s18+$0x0] =	vst.add.f32.msk $0xffff, v4  }
0x991: {  	v5 =	vld [tilespmem:s19+$0x410]  }
0x992: {  	s22 =	sadd.s32 $0x13800, s6;
	v4 =	vld [tilespmem:s0+$0x410]  }
0x993: {  	s7 =	sor.u32 s13, s22  }
0x994: {  	[tilespmem:s7+$0x0] =	vst.add.f32.msk $0xffff, v3  }
0x995: {  	s31 =	sor.u32 $0x10, s17;
	v3 =	vld [tilespmem:s5+$0x10]  }
0x996: {  	s25 =	sor.u32 $0x10, s18;
	[tilespmem:s31+$0x0] =	vst.add.f32.msk $0xffff, v5  }
0x997: {  	[tilespmem:s25+$0x0] =	vst.add.f32.msk $0xffff, v4  }
0x998: {  	v5 =	vld [tilespmem:s19+$0x420]  }
0x999: {  	v4 =	vld [tilespmem:s0+$0x420]  }
0x99a: {  	s13 =	smov.u32 s4;
	s4 =	sor.u32 $0x10, s7  }
0x99b: {  	[tilespmem:s4+$0x0] =	vst.add.f32.msk $0xffff, v3  }
0x99c: {  	s28 =	sor.u32 $0x20, s17;
	v3 =	vld [tilespmem:s5+$0x20]  }
0x99d: {  	s31 =	sor.u32 $0x20, s18;
	[tilespmem:s28+$0x0] =	vst.add.f32.msk $0xffff, v5  }
0x99e: {  	[tilespmem:s31+$0x0] =	vst.add.f32.msk $0xffff, v4  }
0x99f: {  	v5 =	vld [tilespmem:s19+$0x430]  }
0x9a0: {  	v4 =	vld [tilespmem:s0+$0x430]  }
0x9a1: {  	s31 =	sor.u32 $0x20, s7  }
0x9a2: {  	[tilespmem:s31+$0x0] =	vst.add.f32.msk $0xffff, v3  }
0x9a3: {  	s30 =	sor.u32 $0x30, s17;
	v3 =	vld [tilespmem:s5+$0x30]  }
0x9a4: {  	s31 =	sor.u32 $0x30, s18;
	[tilespmem:s30+$0x0] =	vst.add.f32.msk $0xffff, v5  }
0x9a5: {  	[tilespmem:s31+$0x0] =	vst.add.f32.msk $0xffff, v4  }
0x9a6: {  	v5 =	vld [tilespmem:s19+$0x440]  }
0x9a7: {  	v4 =	vld [tilespmem:s0+$0x440]  }
0x9a8: {  	s28 =	sor.u32 $0x30, s7  }
0x9a9: {  	[tilespmem:s28+$0x0] =	vst.add.f32.msk $0xffff, v3  }
0x9aa: {  	s29 =	sor.u32 $0x40, s17;
	v3 =	vld [tilespmem:s5+$0x40]  }
0x9ab: {  	s31 =	sor.u32 $0x40, s18;
	[tilespmem:s29+$0x0] =	vst.add.f32.msk $0xffff, v5  }
0x9ac: {  	[tilespmem:s31+$0x0] =	vst.add.f32.msk $0xffff, v4  }
0x9ad: {  	v5 =	vld [tilespmem:s19+$0x450]  }
0x9ae: {  	v4 =	vld [tilespmem:s0+$0x450]  }
0x9af: {  	s28 =	sor.u32 $0x40, s7  }
0x9b0: {  	[tilespmem:s28+$0x0] =	vst.add.f32.msk $0xffff, v3  }
0x9b1: {  	s3 =	sor.u32 $0x50, s17;
	v3 =	vld [tilespmem:s5+$0x50]  }
0x9b2: {  	s30 =	sor.u32 $0x50, s18;
	[tilespmem:s3+$0x0] =	vst.add.f32.msk $0xffff, v5  }
0x9b3: {  	[tilespmem:s30+$0x0] =	vst.add.f32.msk $0xffff, v4  }
0x9b4: {  	v5 =	vld [tilespmem:s19+$0x460]  }
0x9b5: {  	v4 =	vld [tilespmem:s0+$0x460]  }
0x9b6: {  	s31 =	sor.u32 $0x50, s7  }
0x9b7: {  	[tilespmem:s31+$0x0] =	vst.add.f32.msk $0xffff, v3  }
0x9b8: {  	s23 =	sor.u32 s21, s8;
	s8 =	sor.u32 $0x60, s17;
	v3 =	vld [tilespmem:s5+$0x60]  }
0x9b9: {  	s4 =	sor.u32 $0x60, s18;
	[tilespmem:s8+$0x0] =	vst.add.f32.msk $0xffff, v5  }
0x9ba: {  	[tilespmem:s4+$0x0] =	vst.add.f32.msk $0xffff, v4  }
0x9bb: {  	v5 =	vld [tilespmem:s19+$0x470]  }
0x9bc: {  	v4 =	vld [tilespmem:s0+$0x470]  }
0x9bd: {  	s28 =	sor.u32 $0x60, s7;
	v6 =	vld [tilespmem:s26+$0x0]  }
0x9be: {  	[tilespmem:s28+$0x0] =	vst.add.f32.msk $0xffff, v3  }
0x9bf: {  	s6 =	smov.u32 s2;
	s1 =	sor.u32 $0x70, s17;
	s14 =	sor.u32 s21, s22;
	v3 =	vld [tilespmem:s5+$0x70]  }
0x9c0: {  	s21 =	smov.u32 s10;
	s29 =	sor.u32 $0x70, s18;
	s30 =	sadd.s32 $0x18C00, s6;
	[tilespmem:s1+$0x0] =	vst.add.f32.msk $0xffff, v5  }
0x9c1: {  	s0 =	sor.u32 s21, s30;
	[tilespmem:s29+$0x0] =	vst.add.f32.msk $0xffff, v4  }
0x9c2: {  	v4 =	vld [tilespmem:s0+$0x0]  }
0x9c3: {  	[tilespmem:s16+$0x0] =	vst.add.f32.msk $0xffff, v6  }
0x9c4: {  	s31 =	sor.u32 $0x70, s7;
	v5 =	vld [tilespmem:s26+$0x10]  }
0x9c5: {  	s7 =	sadd.s32 $0x12C00, s6;
	s4 =	sor.u32 s13, s30;
	[tilespmem:s31+$0x0] =	vst.add.f32.msk $0xffff, v3  }
0x9c6: {  	s8 =	sor.u32 s21, s7;
	v3 =	vld [tilespmem:s4+$0x0]  }
0x9c7: {  	[tilespmem:s8+$0x0] =	vst.add.f32.msk $0xffff, v4  }
0x9c8: {  	s9 =	sor.u32 $0x10, s16;
	v4 =	vld [tilespmem:s0+$0x10]  }
0x9c9: {  	[tilespmem:s9+$0x0] =	vst.add.f32.msk $0xffff, v5  }
0x9ca: {  	s1 =	sor.u32 s13, s7;
	v5 =	vld [tilespmem:s26+$0x20]  }
0x9cb: {  	[tilespmem:s1+$0x0] =	vst.add.f32.msk $0xffff, v3  }
0x9cc: {  	s11 =	sor.u32 $0x20, s16;
	s16 =	sor.u32 $0x10, s8;
	v3 =	vld [tilespmem:s4+$0x10]  }
0x9cd: {  	[tilespmem:s16+$0x0] =	vst.add.f32.msk $0xffff, v4  }
0x9ce: {  	v4 =	vld [tilespmem:s0+$0x20]  }
0x9cf: {  	[tilespmem:s11+$0x0] =	vst.add.f32.msk $0xffff, v5  }
0x9d0: {  	s29 =	sor.u32 $0x10, s1;
	v5 =	vld [tilespmem:s26+$0x30]  }
0x9d1: {  	[tilespmem:s29+$0x0] =	vst.add.f32.msk $0xffff, v3  }
0x9d2: {  	s18 =	sor.u32 $0x20, s8;
	v3 =	vld [tilespmem:s4+$0x20]  }
0x9d3: {  	[tilespmem:s18+$0x0] =	vst.add.f32.msk $0xffff, v4  }
0x9d4: {  	s31 =	rddreg [dreg:$0x13];
	v4 =	vld [tilespmem:s0+$0x30]  }
0x9d5: {  	[tilespmem:s31+$0x0] =	vst.add.f32.msk $0xffff, v5  }
0x9d6: {  	s30 =	sor.u32 $0x20, s1;
	v5 =	vld [tilespmem:s26+$0x40]  }
0x9d7: {  	[tilespmem:s30+$0x0] =	vst.add.f32.msk $0xffff, v3  }
0x9d8: {  	s19 =	sor.u32 $0x30, s8;
	v3 =	vld [tilespmem:s4+$0x30]  }
0x9d9: {  	[tilespmem:s19+$0x0] =	vst.add.f32.msk $0xffff, v4  }
0x9da: {  	s11 =	rddreg [dreg:$0x10];
	v4 =	vld [tilespmem:s0+$0x40]  }
0x9db: {  	[tilespmem:s11+$0x0] =	vst.add.f32.msk $0xffff, v5  }
0x9dc: {  	s9 =	sor.u32 $0x30, s1;
	v5 =	vld [tilespmem:s26+$0x50]  }
0x9dd: {  	[tilespmem:s9+$0x0] =	vst.add.f32.msk $0xffff, v3  }
0x9de: {  	s7 =	sor.u32 $0x40, s8;
	v3 =	vld [tilespmem:s4+$0x40]  }
0x9df: {  	[tilespmem:s7+$0x0] =	vst.add.f32.msk $0xffff, v4  }
0x9e0: {  	s18 =	rddreg [dreg:$0xd];
	v4 =	vld [tilespmem:s0+$0x50]  }
0x9e1: {  	[tilespmem:s18+$0x0] =	vst.add.f32.msk $0xffff, v5  }
0x9e2: {  	s16 =	sor.u32 $0x40, s1;
	v5 =	vld [tilespmem:s26+$0x60]  }
0x9e3: {  	[tilespmem:s16+$0x0] =	vst.add.f32.msk $0xffff, v3  }
0x9e4: {  	s28 =	sor.u32 $0x50, s8;
	v3 =	vld [tilespmem:s4+$0x50]  }
0x9e5: {  	[tilespmem:s28+$0x0] =	vst.add.f32.msk $0xffff, v4  }
0x9e6: {  	s28 =	rddreg [dreg:$0xa];
	v4 =	vld [tilespmem:s0+$0x60]  }
0x9e7: {  	[tilespmem:s28+$0x0] =	vst.add.f32.msk $0xffff, v5  }
0x9e8: {  	s19 =	sor.u32 $0x50, s1;
	v5 =	vld [tilespmem:s26+$0x70]  }
0x9e9: {  	[tilespmem:s19+$0x0] =	vst.add.f32.msk $0xffff, v3  }
0x9ea: {  	s3 =	sor.u32 $0x60, s8;
	v3 =	vld [tilespmem:s4+$0x60]  }
0x9eb: {  	[tilespmem:s3+$0x0] =	vst.add.f32.msk $0xffff, v4  }
0x9ec: {  	s30 =	rddreg [dreg:$0x7];
	v4 =	vld [tilespmem:s0+$0x70]  }
0x9ed: {  	[tilespmem:s30+$0x0] =	vst.add.f32.msk $0xffff, v5  }
0x9ee: {  	s29 =	sor.u32 $0x60, s1;
	v5 =	vld [tilespmem:s23+$0x0]  }
0x9ef: {  	[tilespmem:s29+$0x0] =	vst.add.f32.msk $0xffff, v3  }
0x9f0: {  	s5 =	sor.u32 $0x70, s8;
	s31 =	sadd.s32 $0x19000, s6;
	v3 =	vld [tilespmem:s4+$0x70]  }
0x9f1: {  	s9 =	sor.u32 s21, s31;
	[tilespmem:s5+$0x0] =	vst.add.f32.msk $0xffff, v4  }
0x9f2: {  	v4 =	vld [tilespmem:s9+$0x0]  }
0x9f3: {  	[tilespmem:s14+$0x0] =	vst.add.f32.msk $0xffff, v5  }
0x9f4: {  	s1 =	sor.u32 $0x70, s1;
	v5 =	vld [tilespmem:s23+$0x10]  }
0x9f5: {  	s3 =	sadd.s32 $0x13000, s6;
	s4 =	sor.u32 s13, s31;
	[tilespmem:s1+$0x0] =	vst.add.f32.msk $0xffff, v3  }
0x9f6: {  	s5 =	sor.u32 s21, s3;
	v3 =	vld [tilespmem:s4+$0x0]  }
0x9f7: {  	[tilespmem:s5+$0x0] =	vst.add.f32.msk $0xffff, v4  }
0x9f8: {  	s17 =	sor.u32 $0x10, s14;
	v4 =	vld [tilespmem:s9+$0x10]  }
0x9f9: {  	[tilespmem:s17+$0x0] =	vst.add.f32.msk $0xffff, v5  }
0x9fa: {  	s11 =	sor.u32 s13, s3;
	v5 =	vld [tilespmem:s23+$0x20]  }
0x9fb: {  	[tilespmem:s11+$0x0] =	vst.add.f32.msk $0xffff, v3  }
0x9fc: {  	s7 =	sor.u32 $0x10, s5;
	v3 =	vld [tilespmem:s4+$0x10]  }
0x9fd: {  	[tilespmem:s7+$0x0] =	vst.add.f32.msk $0xffff, v4  }
0x9fe: {  	s2 =	sor.u32 $0x20, s14;
	v4 =	vld [tilespmem:s9+$0x20]  }
0x9ff: {  	[tilespmem:s2+$0x0] =	vst.add.f32.msk $0xffff, v5  }
0xa00: {  	s26 =	sor.u32 $0x10, s11;
	v5 =	vld [tilespmem:s23+$0x30]  }
0xa01: {  	[tilespmem:s26+$0x0] =	vst.add.f32.msk $0xffff, v3  }
0xa02: {  	s8 =	sor.u32 $0x20, s5;
	v3 =	vld [tilespmem:s4+$0x20]  }
0xa03: {  	[tilespmem:s8+$0x0] =	vst.add.f32.msk $0xffff, v4  }
0xa04: {  	s22 =	sor.u32 $0x30, s14;
	v4 =	vld [tilespmem:s9+$0x30]  }
0xa05: {  	[tilespmem:s22+$0x0] =	vst.add.f32.msk $0xffff, v5  }
0xa06: {  	s28 =	sor.u32 $0x20, s11;
	v5 =	vld [tilespmem:s23+$0x40]  }
0xa07: {  	[tilespmem:s28+$0x0] =	vst.add.f32.msk $0xffff, v3  }
0xa08: {  	s16 =	sor.u32 $0x30, s5;
	v3 =	vld [tilespmem:s4+$0x30]  }
0xa09: {  	[tilespmem:s16+$0x0] =	vst.add.f32.msk $0xffff, v4  }
0xa0a: {  	s12 =	sor.u32 $0x40, s14;
	v4 =	vld [tilespmem:s9+$0x40]  }
0xa0b: {  	[tilespmem:s12+$0x0] =	vst.add.f32.msk $0xffff, v5  }
0xa0c: {  	s29 =	sor.u32 $0x30, s11;
	v5 =	vld [tilespmem:s23+$0x50]  }
0xa0d: {  	[tilespmem:s29+$0x0] =	vst.add.f32.msk $0xffff, v3  }
0xa0e: {  	s18 =	sor.u32 $0x40, s5;
	v3 =	vld [tilespmem:s4+$0x40]  }
0xa0f: {  	[tilespmem:s18+$0x0] =	vst.add.f32.msk $0xffff, v4  }
0xa10: {  	s10 =	sor.u32 $0x50, s14;
	v4 =	vld [tilespmem:s9+$0x50]  }
0xa11: {  	[tilespmem:s10+$0x0] =	vst.add.f32.msk $0xffff, v5  }
0xa12: {  	s30 =	sor.u32 $0x40, s11;
	v5 =	vld [tilespmem:s23+$0x60]  }
0xa13: {  	[tilespmem:s30+$0x0] =	vst.add.f32.msk $0xffff, v3  }
0xa14: {  	v3 =	vld [tilespmem:s4+$0x50]  }
0xa15: {  	p1 =	slt.u32 s24, $0x1E;
	s19 =	sor.u32 $0x50, s5  }
.Ltmp5:
0xa16: {  	[tilespmem:s19+$0x0] =	vst.add.f32.msk $0xffff, v4;
	(pc) =	sbr.rel @p1 .LBB2_9-.Ltmp5, $4  }
0xa17: {  	s15 =	sor.u32 $0x60, s14;
	v4 =	vld [tilespmem:s9+$0x60]  }
0xa18: {  	s31 =	sor.u32 $0x50, s11;
	[tilespmem:s15+$0x0] =	vst.add.f32.msk $0xffff, v5  }
0xa19: {  	[tilespmem:s31+$0x0] =	vst.add.f32.msk $0xffff, v3  }
0xa1a: {  	s25 =	sor.u32 $0x70, s14;
	s0 =	sor.u32 $0x60, s5;
	s14 =	sor.u32 $0x70, s5;
	v3 =	vld [tilespmem:s4+$0x60]  }
0xa1b: {  	_ =	sdelay $0x1  }
0xa1c: {  	[tilespmem:s0+$0x0] =	vst.add.f32.msk $0xffff, v4  }
0xa1d: {  	s1 =	sor.u32 $0x60, s11;
	v4 =	vld [tilespmem:s9+$0x70]  }
0xa1e: {  	[tilespmem:s1+$0x0] =	vst.add.f32.msk $0xffff, v3  }
0xa1f: {  	v3 =	vld [tilespmem:s4+$0x70];
	_ =	sdelay $0x1  }
0xa20: {  	s10 =	sadd.s32 $0x19400, s6  }
0xa21: {  	s0 =	sor.u32 s21, s10;
	[tilespmem:s14+$0x0] =	vst.add.f32.msk $0xffff, v4  }
0xa22: {  	s12 =	sor.u32 $0x70, s11;
	v4 =	vld [tilespmem:s0+$0x0]  }
0xa23: {  	s15 =	sor.u32 s13, s10;
	[tilespmem:s12+$0x0] =	vst.add.f32.msk $0xffff, v3  }
0xa24: {  	v3 =	vld [tilespmem:s15+$0x0]  }
0xa25: {  	s2 =	sadd.s32 $0x13400, s6  }
0xa26: {  	s3 =	sor.u32 s13, s2;
	s2 =	sor.u32 s21, s2  }
0xa27: {  	[tilespmem:s2+$0x0] =	vst.add.f32.msk $0xffff, v4  }
0xa28: {  	v4 =	vld [tilespmem:s0+$0x10]  }
0xa29: {  	[tilespmem:s3+$0x0] =	vst.add.f32.msk $0xffff, v3  }
0xa2a: {  	v3 =	vld [tilespmem:s15+$0x10];
	_ =	sdelay $0x1  }
0xa2b: {  	s17 =	sor.u32 $0x10, s2  }
0xa2c: {  	[tilespmem:s17+$0x0] =	vst.add.f32.msk $0xffff, v4  }
0xa2d: {  	s16 =	sor.u32 $0x10, s3;
	v4 =	vld [tilespmem:s0+$0x20]  }
0xa2e: {  	[tilespmem:s16+$0x0] =	vst.add.f32.msk $0xffff, v3  }
0xa2f: {  	v3 =	vld [tilespmem:s15+$0x20];
	_ =	sdelay $0x1  }
0xa30: {  	s19 =	sor.u32 $0x20, s2  }
0xa31: {  	[tilespmem:s19+$0x0] =	vst.add.f32.msk $0xffff, v4  }
0xa32: {  	s18 =	sor.u32 $0x20, s3;
	v4 =	vld [tilespmem:s0+$0x30]  }
0xa33: {  	[tilespmem:s18+$0x0] =	vst.add.f32.msk $0xffff, v3  }
0xa34: {  	v3 =	vld [tilespmem:s15+$0x30];
	_ =	sdelay $0x1  }
0xa35: {  	s22 =	sor.u32 $0x30, s2  }
0xa36: {  	[tilespmem:s22+$0x0] =	vst.add.f32.msk $0xffff, v4  }
0xa37: {  	s20 =	sor.u32 $0x30, s3;
	v4 =	vld [tilespmem:s0+$0x40]  }
0xa38: {  	[tilespmem:s20+$0x0] =	vst.add.f32.msk $0xffff, v3  }
0xa39: {  	v3 =	vld [tilespmem:s15+$0x40];
	_ =	sdelay $0x1  }
0xa3a: {  	s26 =	sor.u32 $0x40, s2  }
0xa3b: {  	[tilespmem:s26+$0x0] =	vst.add.f32.msk $0xffff, v4  }
0xa3c: {  	s24 =	sor.u32 $0x40, s3;
	v4 =	vld [tilespmem:s0+$0x50]  }
0xa3d: {  	[tilespmem:s24+$0x0] =	vst.add.f32.msk $0xffff, v3  }
0xa3e: {  	v3 =	vld [tilespmem:s15+$0x50];
	_ =	sdelay $0x1  }
0xa3f: {  	s29 =	sor.u32 $0x50, s2  }
0xa40: {  	[tilespmem:s29+$0x0] =	vst.add.f32.msk $0xffff, v4  }
0xa41: {  	s28 =	sor.u32 $0x50, s3;
	v4 =	vld [tilespmem:s0+$0x60]  }
0xa42: {  	[tilespmem:s28+$0x0] =	vst.add.f32.msk $0xffff, v3  }
0xa43: {  	v3 =	vld [tilespmem:s15+$0x60];
	_ =	sdelay $0x1  }
0xa44: {  	s5 =	sor.u32 $0x60, s2  }
0xa45: {  	[tilespmem:s5+$0x0] =	vst.add.f32.msk $0xffff, v4  }
0xa46: {  	s31 =	sor.u32 $0x60, s3;
	v4 =	vld [tilespmem:s0+$0x70]  }
0xa47: {  	[tilespmem:s31+$0x0] =	vst.add.f32.msk $0xffff, v3  }
0xa48: {  	v3 =	vld [tilespmem:s15+$0x70];
	_ =	sdelay $0x1  }
0xa49: {  	s7 =	sadd.s32 $0x19800, s6;
	s2 =	sor.u32 $0x70, s2  }
0xa4a: {  	s0 =	sor.u32 s21, s7;
	[tilespmem:s2+$0x0] =	vst.add.f32.msk $0xffff, v4  }
0xa4b: {  	s8 =	sor.u32 $0x70, s3;
	v4 =	vld [tilespmem:s0+$0x0]  }
0xa4c: {  	s9 =	sor.u32 s13, s7;
	[tilespmem:s8+$0x0] =	vst.add.f32.msk $0xffff, v3  }
0xa4d: {  	v3 =	vld [tilespmem:s9+$0x0]  }
0xa4e: {  	s10 =	sadd.s32 $0x13800, s6  }
0xa4f: {  	s2 =	sor.u32 s21, s10  }
0xa50: {  	[tilespmem:s2+$0x0] =	vst.add.f32.msk $0xffff, v4  }
0xa51: {  	s11 =	sor.u32 s13, s10;
	v4 =	vld [tilespmem:s0+$0x10]  }
0xa52: {  	[tilespmem:s11+$0x0] =	vst.add.f32.msk $0xffff, v3  }
0xa53: {  	v3 =	vld [tilespmem:s9+$0x10];
	_ =	sdelay $0x1  }
0xa54: {  	s13 =	sor.u32 $0x10, s2  }
0xa55: {  	[tilespmem:s13+$0x0] =	vst.add.f32.msk $0xffff, v4  }
0xa56: {  	s12 =	sor.u32 $0x10, s11;
	v4 =	vld [tilespmem:s0+$0x20]  }
0xa57: {  	[tilespmem:s12+$0x0] =	vst.add.f32.msk $0xffff, v3  }
0xa58: {  	v3 =	vld [tilespmem:s9+$0x20];
	_ =	sdelay $0x1  }
0xa59: {  	s15 =	sor.u32 $0x20, s2  }
0xa5a: {  	[tilespmem:s15+$0x0] =	vst.add.f32.msk $0xffff, v4  }
0xa5b: {  	s14 =	sor.u32 $0x20, s11;
	v4 =	vld [tilespmem:s0+$0x30]  }
0xa5c: {  	[tilespmem:s14+$0x0] =	vst.add.f32.msk $0xffff, v3  }
0xa5d: {  	v3 =	vld [tilespmem:s9+$0x30];
	_ =	sdelay $0x1  }
0xa5e: {  	s17 =	sor.u32 $0x30, s2  }
0xa5f: {  	[tilespmem:s17+$0x0] =	vst.add.f32.msk $0xffff, v4  }
0xa60: {  	s16 =	sor.u32 $0x30, s11;
	v4 =	vld [tilespmem:s0+$0x40]  }
0xa61: {  	[tilespmem:s16+$0x0] =	vst.add.f32.msk $0xffff, v3  }
0xa62: {  	v3 =	vld [tilespmem:s9+$0x40];
	_ =	sdelay $0x1  }
0xa63: {  	s19 =	sor.u32 $0x40, s2  }
0xa64: {  	[tilespmem:s19+$0x0] =	vst.add.f32.msk $0xffff, v4  }
0xa65: {  	s18 =	sor.u32 $0x40, s11;
	v4 =	vld [tilespmem:s0+$0x50]  }
0xa66: {  	[tilespmem:s18+$0x0] =	vst.add.f32.msk $0xffff, v3  }
0xa67: {  	v3 =	vld [tilespmem:s9+$0x50];
	_ =	sdelay $0x1  }
0xa68: {  	s21 =	sor.u32 $0x50, s2  }
0xa69: {  	[tilespmem:s21+$0x0] =	vst.add.f32.msk $0xffff, v4  }
0xa6a: {  	s20 =	sor.u32 $0x50, s11;
	v4 =	vld [tilespmem:s0+$0x60]  }
0xa6b: {  	[tilespmem:s20+$0x0] =	vst.add.f32.msk $0xffff, v3  }
0xa6c: {  	v3 =	vld [tilespmem:s9+$0x60];
	_ =	sdelay $0x2  }
0xa6d: {  	v5 =	vld [tilespmem:s23+$0x70];
	s23 =	sor.u32 $0x60, s2  }
0xa6e: {  	s22 =	sor.u32 $0x60, s11;
	[tilespmem:s23+$0x0] =	vst.add.f32.msk $0xffff, v4  }
0xa6f: {  	[tilespmem:s22+$0x0] =	vst.add.f32.msk $0xffff, v3  }
0xa70: {  	v4 =	vld [tilespmem:s0+$0x70];
	s24 =	rddreg [dreg:$0x1a]  }
0xa71: {  	v3 =	vld [tilespmem:s9+$0x70];
	s26 =	rddreg [dreg:$0x1d]  }
0xa72: {  	s0 =	sor.u32 s24, s26  }
.Ltmp6:
0xa73: {  	s0 =	sshrl.u32 s0, $0x3;
	(pc) =	sbr.rel @!p0 .LBB2_12-.Ltmp6, $4  }
0xa74: {  	s2 =	sor.u32 $0x70, s2;
	[tilespmem:s25+$0x0] =	vst.add.f32.msk $0xffff, v5;
	s0 =	smul.u32 $0x300, s0  }
0xa75: {  	s29 =	rddreg [dreg:$0x3];
	s28 =	sor.u32 $0x70, s11;
	[tilespmem:s2+$0x0] =	vst.add.f32.msk $0xffff, v4  }
0xa76: {  	s30 =	simm.s32 $0x12400;
	s31 =	simm.s32 $0x0;
	[tilespmem:s28+$0x0] =	vst.add.f32.msk $0xffff, v3;
	s0 =	sadd.s32 s29, s0  }
0xa77: {  	[hbm4b:s0+s31] =	stream.linear.scatter [tilespmem:s30], [sflag:$0x8], $0x6000, $0x38;
	[tilespmem:$0x1E400] =	vst v63  }
.Ltmp7:
0xa78: {  	(pc) =	sbr.rel .LBB2_2-.Ltmp7, $4  }
0xa79: {  	s0 =	simm.s32 $0x7  }
0xa7a: {  	_ =	swait.ge [sflag:s0], $0x6000  }
0xa7b: {  	s3 =	simm.s32 $0x1;
	p0 =	por $0x0, $0x0;
	[sflag:s0] =	ssyncset.done $0x0  }
0xa7c: {  	s1 =	simm.s32 $0x300;
	[sflag:s0] =	ssyncadd.s32 $0xFFFFA000;
	s0 =	simm.s32 $0x310  }
.LBB2_13:
0xa7d: {  	_ =	sfence.sel $0x180000  }
0xa7e: {  	[bflag:$0x0] =	sbarrier.arrive $0xFFFF  }
0xa7f: {  	_ =	strace $0x90000047  }
0xa80: {  	s0 =	stileid.u32;
	[bflag:$0x2] =	sbarrier.arrive $0xFFFF  }
0xa81: {  	p0 =	sne.s32 s0, $0x0;
	s0 =	rddreg [dreg:$0x4]  }
0xa82: {  	s0 =	sadd.s32 @!p0 $0x100000, s0  }
0xa83: {  	[sflag:s0] =	ssyncadd.tile.s32 @!p0 $0x1;
	_ =	shalt  }
.Lfunc_end2:
_tile_overlayer_lowered:
.L_overlay_start_2:
0xa84: {  	(tag) =	ssettag $0x2  }
0xa85: {  	s0 =	rddreg [dreg:$0x0];
	s2 =	stileid.u32  }
0xa86: {  	s1 =	rddreg [dreg:$0x1];
	p0 =	sne.s32 s2, $0x0  }
0xa87: {  	s3 =	rddreg [dreg:$0x2];
	[bflag:$0x3] =	sbarrier.arrive $0xFFFF;
	s2 =	simm.s32 @!p0 $0x1C09  }
0xa88: {  	[timem:s3], [sflag:s2] =	dma.local @!p0 [hbm:s0], s1  }
0xa89: {  	s0 =	simm.s32 @!p0 $0x9  }
0xa8a: {  	_ =	swait.ge @!p0 [sflag:s0], s1  }
0xa8b: {  	s1 =	ssub.s32 @!p0 $0x0, s1;
	[sflag:s0] =	ssyncset.done @!p0 $0x0  }
0xa8c: {  	[sflag:s0] =	ssyncadd.s32 @!p0 s1  }
0xa8d: {  	[bflag:$0x3] =	sbarrier.arrive $0xFFFF  }
0xa8e: {  	_ =	shalt  }

</sc_bundles>
